<compile_context>
chip_gen: v7x
topology: tpu7x:2x2x1
jax: 0.10.2.dev20260603
libtpu: 0.0.44.dev20260713+nightly
codegen_flags: <defaults>
</compile_context>

<pallas_src>
import jax
import jax.numpy as jnp
from jax import lax
from jax.experimental import pallas as pl
from jax.experimental.pallas import tpu as pltpu
from jax.experimental.pallas import tpu_sc as plsc

DIM = 32
SUB = 8
BATCH = 16384
NC, NS, L = 2, 16, 16
NW = NC * NS
BPW = BATCH // NW
CH = 16
NCH = BPW // CH


def _sc_body(aidx_hbm, bidx_hbm, a_hbm, b_hbm, out_hbm,
             aidx_v, bidx_v, abuf, bbuf, abuf1, bbuf1, out_v, sema, semb):
    wid = lax.axis_index("s") * NC + lax.axis_index("c")
    base = wid * BPW

    pltpu.sync_copy(aidx_hbm.at[pl.ds(base, BPW)], aidx_v)
    pltpu.sync_copy(bidx_hbm.at[pl.ds(base, BPW)], bidx_v)

    iota = lax.iota(jnp.int32, L)

    def half(m, h, abuf, bbuf):
        coff = pl.multiple_of((2 * m + h) * CH, CH)
        copies = []
        raws = []
        for g in range(CH // L):
            sl = pl.ds(coff + g * L, L)
            raws.append((aidx_v[sl], bidx_v[sl]))
        for g, (araw, braw) in enumerate(raws):
            for j in range(L):
                i = g * L + j
                ta = lax.shift_right_logical(araw[j], 3)
                tb = lax.shift_right_logical(braw[j], 3)
                copies.append(
                    pltpu.async_copy(a_hbm.at[ta], abuf.at[i], sema))
                copies.append(
                    pltpu.async_copy(b_hbm.at[tb], bbuf.at[i], semb))
        return coff, copies, raws

    def drain_compute(coff, copies, raws, abuf, bbuf):
        for c in copies:
            c.wait()
        for g, (araw, braw) in enumerate(raws):
            acc = jnp.zeros((L,), jnp.float32)
            for j in range(L):
                i = g * L + j
                sa = lax.bitwise_and(araw[j], 7)
                sb = lax.bitwise_and(braw[j], 7)
                p = (abuf[i, sa, pl.ds(0, L)] * bbuf[i, sb, pl.ds(0, L)]
                     + abuf[i, sa, pl.ds(L, L)] * bbuf[i, sb, pl.ds(L, L)])
                acc = jnp.where(iota == j, jnp.sum(p), acc)
            out_v[pl.ds(coff + g * L, L)] = acc

    def chunk_pair(m, carry):
        st0 = half(m, 0, abuf, bbuf)
        st1 = half(m, 1, abuf1, bbuf1)
        drain_compute(*st0, abuf, bbuf)
        drain_compute(*st1, abuf1, bbuf1)
        return carry

    lax.fori_loop(0, NCH // 2, chunk_pair, 0)

    pltpu.sync_copy(out_v, out_hbm.at[pl.ds(base, BPW)])


def kernel(aIdx, bIdx, A, B):
    num = A.shape[0]
    k = pl.kernel(
        _sc_body,
        out_type=jax.ShapeDtypeStruct((BATCH,), jnp.float32),
        mesh=plsc.VectorSubcoreMesh(core_axis_name="c", subcore_axis_name="s"),
        compiler_params=pltpu.CompilerParams(needs_layout_passes=False),
        scratch_types=[
            pltpu.VMEM((BPW,), jnp.int32),
            pltpu.VMEM((BPW,), jnp.int32),
            pltpu.VMEM((CH, SUB, DIM), jnp.float32),
            pltpu.VMEM((CH, SUB, DIM), jnp.float32),
            pltpu.VMEM((CH, SUB, DIM), jnp.float32),
            pltpu.VMEM((CH, SUB, DIM), jnp.float32),
            pltpu.VMEM((BPW,), jnp.float32),
            pltpu.SemaphoreType.DMA,
            pltpu.SemaphoreType.DMA,
        ],
    )
    a3 = A.reshape(num // SUB, SUB, DIM)
    b3 = B.reshape(num // SUB, SUB, DIM)
    return k(aIdx.astype(jnp.int32), bIdx.astype(jnp.int32), a3, b3)

# --- scband reference (transcript-rebuilt; emitter-appended) ---
"""Pipeline reference for scband-matrix-factorization-23055384445163 (READ-ONLY COPY).

The authoritative reference and input builder live on the scoring server;
editing this copy changes nothing except your own understanding.
"""

import jax, jax.numpy as jnp
import numpy as np

NUM = 1000000
DIM = 32
BATCH = 16384

def setup_inputs(seed: int = 0) -> dict:
    key = jax.random.key(seed)
    k1, k2, k3, k4 = jax.random.split(key, 4)
    aIdx = jax.random.randint(k1, (BATCH,), 0, NUM, dtype=jnp.int64 if jax.config.jax_enable_x64 else jnp.int32)
    bIdx = jax.random.randint(k2, (BATCH,), 0, NUM, dtype=jnp.int64 if jax.config.jax_enable_x64 else jnp.int32)
    A = jax.random.normal(k3, (NUM, DIM), dtype=jnp.float32)
    B = jax.random.normal(k4, (NUM, DIM), dtype=jnp.float32)
    return {"aIdx": aIdx, "bIdx": bIdx, "A": A, "B": B}

def reference(aIdx, bIdx, A, B):
    # MatrixFactorization.forward: (A(aIdx) * B(bIdx)).sum(dim=1)
    a_emb = jnp.take(A, aIdx, axis=0)
    b_emb = jnp.take(B, bIdx, axis=0)
    return (a_emb * b_emb).sum(axis=1)

if __name__ == "__main__":
    import jax
    _d = setup_inputs()
    print(jax.jit(kernel)(*tuple(_d.values())))

</pallas_src>

<mosaic_0001>
#map = affine_map<(d0, d1) -> (0)>
#map1 = affine_map<(d0, d1) -> (0, 0, 0)>
module attributes {stable_mosaic.version = 14 : i64} {
  func.func @_sc_body(%arg0: i32, %arg1: i32, %arg2: memref<16384xi32, #tpu.memory_space<hbm>>, %arg3: memref<16384xi32, #tpu.memory_space<hbm>>, %arg4: memref<125000x8x32xf32, #tpu.memory_space<hbm>>, %arg5: memref<125000x8x32xf32, #tpu.memory_space<hbm>>, %arg6: memref<16384xf32, #tpu.memory_space<hbm>>, %arg7: memref<512xi32, #tpu.memory_space<vmem>>, %arg8: memref<512xi32, #tpu.memory_space<vmem>>, %arg9: memref<16x8x32xf32, #tpu.memory_space<vmem>>, %arg10: memref<16x8x32xf32, #tpu.memory_space<vmem>>, %arg11: memref<16x8x32xf32, #tpu.memory_space<vmem>>, %arg12: memref<16x8x32xf32, #tpu.memory_space<vmem>>, %arg13: memref<512xf32, #tpu.memory_space<vmem>>, %arg14: memref<!tpu.dma_semaphore, #tpu.memory_space<semaphore_mem>>, %arg15: memref<!tpu.dma_semaphore, #tpu.memory_space<semaphore_mem>>) attributes {dimension_semantics = [#tpu.dimension_semantics<core_parallel>, #tpu.dimension_semantics<subcore_parallel>], iteration_bounds = array<i64: 2, 16>, scalar_prefetch = 0 : i64, scratch_operands = 9 : i64, tpu.core_type = #tpu.core_type<sc_vector_subcore>, window_params = [{transform_indices = #map}, {transform_indices = #map}, {transform_indices = #map1}, {transform_indices = #map1}, {transform_indices = #map}]} {
    %mul3A = arith.constant 2 : i32
    %mul3A_0 = arith.muli %arg1, %mul3A : i32
    %add3A = arith.addi %mul3A_0, %arg0 : i32
    %mul3A_1 = arith.constant 512 : i32
    %mul3A_2 = arith.muli %add3A, %mul3A_1 : i32
    "tpu.region"() ({
      %run_scoped3A = tpu.sem_alloc : memref<!tpu.dma_semaphore, #tpu.memory_space<semaphore_mem>>
      %dma_start3A = tpu.memref_slice %arg2[%mul3A_2] : memref<16384xi32, #tpu.memory_space<hbm>> -> memref<512xi32, #tpu.memory_space<hbm>>
      %dma_start3A_8 = tpu.memref_slice %arg2[%mul3A_2] : memref<16384xi32, #tpu.memory_space<hbm>> -> memref<512xi32, #tpu.memory_space<hbm>>
      tpu.enqueue_dma source(%dma_start3A_8 : memref<512xi32, #tpu.memory_space<hbm>>) target(%arg7 : memref<512xi32, #tpu.memory_space<vmem>>) target_semaphore(%run_scoped3A : memref<!tpu.dma_semaphore, #tpu.memory_space<semaphore_mem>>)
      %dma_wait3A = tpu.memref_slice %arg2[%mul3A_2] : memref<16384xi32, #tpu.memory_space<hbm>> -> memref<512xi32, #tpu.memory_space<hbm>>
      %dma_wait3A_9 = tpu.memref_slice %arg2[%mul3A_2] : memref<16384xi32, #tpu.memory_space<hbm>> -> memref<512xi32, #tpu.memory_space<hbm>>
      tpu.wait_dma2 semaphore(%run_scoped3A : memref<!tpu.dma_semaphore, #tpu.memory_space<semaphore_mem>>) src(%dma_wait3A_9 : memref<512xi32, #tpu.memory_space<hbm>>) dst(%arg7 : memref<512xi32, #tpu.memory_space<vmem>>)
      tpu.yield
    }) : () -> ()
    "tpu.region"() ({
      %run_scoped3A = tpu.sem_alloc : memref<!tpu.dma_semaphore, #tpu.memory_space<semaphore_mem>>
      %dma_start3A = tpu.memref_slice %arg3[%mul3A_2] : memref<16384xi32, #tpu.memory_space<hbm>> -> memref<512xi32, #tpu.memory_space<hbm>>
      %dma_start3A_8 = tpu.memref_slice %arg3[%mul3A_2] : memref<16384xi32, #tpu.memory_space<hbm>> -> memref<512xi32, #tpu.memory_space<hbm>>
      tpu.enqueue_dma source(%dma_start3A_8 : memref<512xi32, #tpu.memory_space<hbm>>) target(%arg8 : memref<512xi32, #tpu.memory_space<vmem>>) target_semaphore(%run_scoped3A : memref<!tpu.dma_semaphore, #tpu.memory_space<semaphore_mem>>)
      %dma_wait3A = tpu.memref_slice %arg3[%mul3A_2] : memref<16384xi32, #tpu.memory_space<hbm>> -> memref<512xi32, #tpu.memory_space<hbm>>
      %dma_wait3A_9 = tpu.memref_slice %arg3[%mul3A_2] : memref<16384xi32, #tpu.memory_space<hbm>> -> memref<512xi32, #tpu.memory_space<hbm>>
      tpu.wait_dma2 semaphore(%run_scoped3A : memref<!tpu.dma_semaphore, #tpu.memory_space<semaphore_mem>>) src(%dma_wait3A_9 : memref<512xi32, #tpu.memory_space<hbm>>) dst(%arg8 : memref<512xi32, #tpu.memory_space<vmem>>)
      tpu.yield
    }) : () -> ()
    %iota3A = tpu.iota {dimensions = array<i32: 0>} : vector<16xi32>
    %scan3A = arith.constant 0 : i32
    %scan3A_3 = arith.constant 0 : i32
    %scan3A_4 = arith.constant 16 : i32
    %scan3A_5 = arith.addi %scan3A_3, %scan3A_4 : i32
    %scan3A_6 = arith.constant 1 : i32
    scf.for %scan3A_8 = %scan3A_3 to %scan3A_5 step %scan3A_6  : i32 {
      %mul3A_9 = arith.constant 2 : i32
      %mul3A_10 = arith.muli %mul3A_9, %scan3A_8 : i32
      %add3A_11 = arith.constant 0 : i32
      %add3A_12 = arith.addi %mul3A_10, %add3A_11 : i32
      %mul3A_13 = arith.constant 16 : i32
      %mul3A_14 = arith.muli %add3A_12, %mul3A_13 : i32
      %multiple_of3A = tpu.assume_multiple %mul3A_14, 16 : i32
      %add3A_15 = arith.constant 0 : i32
      %add3A_16 = arith.addi %multiple_of3A, %add3A_15 : i32
      %get3A = arith.index_cast %add3A_16 : i32 to index
      %get3A_17 = tpu.vector_load %arg7[%get3A] {strides = array<i32>} : memref<512xi32, #tpu.memory_space<vmem>>, vector<16xi32>,
      %get3A_18 = arith.index_cast %add3A_16 : i32 to index
      %get3A_19 = tpu.vector_load %arg8[%get3A_18] {strides = array<i32>} : memref<512xi32, #tpu.memory_space<vmem>>, vector<16xi32>,
      %slice3A = vector.extract_strided_slice %get3A_17 {offsets = [0], sizes = [1], strides = [1]} : vector<16xi32> to vector<1xi32>
      %squeeze3A = vector.extract %slice3A[0] : i32 from vector<1xi32>
      %shift_right_logical3A = arith.constant 3 : i32
      %shift_right_logical3A_20 = arith.shrui %squeeze3A, %shift_right_logical3A : i32
      %slice3A_21 = vector.extract_strided_slice %get3A_19 {offsets = [0], sizes = [1], strides = [1]} : vector<16xi32> to vector<1xi32>
      %squeeze3A_22 = vector.extract %slice3A_21[0] : i32 from vector<1xi32>
      %shift_right_logical3A_23 = arith.constant 3 : i32
      %shift_right_logical3A_24 = arith.shrui %squeeze3A_22, %shift_right_logical3A_23 : i32
      %dma_start3A = arith.constant 0 : i32
      %dma_start3A_25 = arith.constant 0 : i32
      %dma_start3A_26 = arith.constant 0 : i32
      %dma_start3A_27 = tpu.memref_slice %arg9[%dma_start3A, %dma_start3A_25, %dma_start3A_26] : memref<16x8x32xf32, #tpu.memory_space<vmem>> -> memref<1x8x32xf32, #tpu.memory_space<vmem>>
      %dma_start3A_28 = tpu.memref_squeeze %dma_start3A_27 : memref<1x8x32xf32, #tpu.memory_space<vmem>> -> memref<8x32xf32, #tpu.memory_space<vmem>>
      %dma_start3A_29 = arith.constant 0 : i32
      %dma_start3A_30 = arith.constant 0 : i32
      %dma_start3A_31 = tpu.memref_slice %arg4[%shift_right_logical3A_20, %dma_start3A_29, %dma_start3A_30] : memref<125000x8x32xf32, #tpu.memory_space<hbm>> -> memref<1x8x32xf32, #tpu.memory_space<hbm>>
      %dma_start3A_32 = tpu.memref_squeeze %dma_start3A_31 : memref<1x8x32xf32, #tpu.memory_space<hbm>> -> memref<8x32xf32, #tpu.memory_space<hbm>>
      %dma_start3A_33 = arith.constant 0 : i32
      %dma_start3A_34 = arith.constant 0 : i32
      %dma_start3A_35 = tpu.memref_slice %arg9[%dma_start3A, %dma_start3A_33, %dma_start3A_34] : memref<16x8x32xf32, #tpu.memory_space<vmem>> -> memref<1x8x32xf32, #tpu.memory_space<vmem>>
      %dma_start3A_36 = tpu.memref_squeeze %dma_start3A_35 : memref<1x8x32xf32, #tpu.memory_space<vmem>> -> memref<8x32xf32, #tpu.memory_space<vmem>>
      %dma_start3A_37 = arith.constant 0 : i32
      %dma_start3A_38 = arith.constant 0 : i32
      %dma_start3A_39 = tpu.memref_slice %arg4[%shift_right_logical3A_20, %dma_start3A_37, %dma_start3A_38] : memref<125000x8x32xf32, #tpu.memory_space<hbm>> -> memref<1x8x32xf32, #tpu.memory_space<hbm>>
      %dma_start3A_40 = tpu.memref_squeeze %dma_start3A_39 : memref<1x8x32xf32, #tpu.memory_space<hbm>> -> memref<8x32xf32, #tpu.memory_space<hbm>>
      tpu.enqueue_dma source(%dma_start3A_40 : memref<8x32xf32, #tpu.memory_space<hbm>>) target(%dma_start3A_36 : memref<8x32xf32, #tpu.memory_space<vmem>>) target_semaphore(%arg14 : memref<!tpu.dma_semaphore, #tpu.memory_space<semaphore_mem>>)
      %dma_start3A_41 = arith.constant 0 : i32
      %dma_start3A_42 = arith.constant 0 : i32
      %dma_start3A_43 = arith.constant 0 : i32
      %dma_start3A_44 = tpu.memref_slice %arg10[%dma_start3A_41, %dma_start3A_42, %dma_start3A_43] : memref<16x8x32xf32, #tpu.memory_space<vmem>> -> memref<1x8x32xf32, #tpu.memory_space<vmem>>
      %dma_start3A_45 = tpu.memref_squeeze %dma_start3A_44 : memref<1x8x32xf32, #tpu.memory_space<vmem>> -> memref<8x32xf32, #tpu.memory_space<vmem>>
      %dma_start3A_46 = arith.constant 0 : i32
      %dma_start3A_47 = arith.constant 0 : i32
      %dma_start3A_48 = tpu.memref_slice %arg5[%shift_right_logical3A_24, %dma_start3A_46, %dma_start3A_47] : memref<125000x8x32xf32, #tpu.memory_space<hbm>> -> memref<1x8x32xf32, #tpu.memory_space<hbm>>
      %dma_start3A_49 = tpu.memref_squeeze %dma_start3A_48 : memref<1x8x32xf32, #tpu.memory_space<hbm>> -> memref<8x32xf32, #tpu.memory_space<hbm>>
      %dma_start3A_50 = arith.constant 0 : i32
      %dma_start3A_51 = arith.constant 0 : i32
      %dma_start3A_52 = tpu.memref_slice %arg10[%dma_start3A_41, %dma_start3A_50, %dma_start3A_51] : memref<16x8x32xf32, #tpu.memory_space<vmem>> -> memref<1x8x32xf32, #tpu.memory_space<vmem>>
      %dma_start3A_53 = tpu.memref_squeeze %dma_start3A_52 : memref<1x8x32xf32, #tpu.memory_space<vmem>> -> memref<8x32xf32, #tpu.memory_space<vmem>>
      %dma_start3A_54 = arith.constant 0 : i32
      %dma_start3A_55 = arith.constant 0 : i32
      %dma_start3A_56 = tpu.memref_slice %arg5[%shift_right_logical3A_24, %dma_start3A_54, %dma_start3A_55] : memref<125000x8x32xf32, #tpu.memory_space<hbm>> -> memref<1x8x32xf32, #tpu.memory_space<hbm>>
      %dma_start3A_57 = tpu.memref_squeeze %dma_start3A_56 : memref<1x8x32xf32, #tpu.memory_space<hbm>> -> memref<8x32xf32, #tpu.memory_space<hbm>>
      tpu.enqueue_dma source(%dma_start3A_57 : memref<8x32xf32, #tpu.memory_space<hbm>>) target(%dma_start3A_53 : memref<8x32xf32, #tpu.memory_space<vmem>>) target_semaphore(%arg15 : memref<!tpu.dma_semaphore, #tpu.memory_space<semaphore_mem>>)
      %slice3A_58 = vector.extract_strided_slice %get3A_17 {offsets = [1], sizes = [1], strides = [1]} : vector<16xi32> to vector<1xi32>
      %squeeze3A_59 = vector.extract %slice3A_58[0] : i32 from vector<1xi32>
      %shift_right_logical3A_60 = arith.constant 3 : i32
      %shift_right_logical3A_61 = arith.shrui %squeeze3A_59, %shift_right_logical3A_60 : i32
      %slice3A_62 = vector.extract_strided_slice %get3A_19 {offsets = [1], sizes = [1], strides = [1]} : vector<16xi32> to vector<1xi32>
      %squeeze3A_63 = vector.extract %slice3A_62[0] : i32 from vector<1xi32>
      %shift_right_logical3A_64 = arith.constant 3 : i32
      %shift_right_logical3A_65 = arith.shrui %squeeze3A_63, %shift_right_logical3A_64 : i32
      %dma_start3A_66 = arith.constant 1 : i32
      %dma_start3A_67 = arith.constant 0 : i32
      %dma_start3A_68 = arith.constant 0 : i32
      %dma_start3A_69 = tpu.memref_slice %arg9[%dma_start3A_66, %dma_start3A_67, %dma_start3A_68] : memref<16x8x32xf32, #tpu.memory_space<vmem>> -> memref<1x8x32xf32, #tpu.memory_space<vmem>>
      %dma_start3A_70 = tpu.memref_squeeze %dma_start3A_69 : memref<1x8x32xf32, #tpu.memory_space<vmem>> -> memref<8x32xf32, #tpu.memory_space<vmem>>
      %dma_start3A_71 = arith.constant 0 : i32
      %dma_start3A_72 = arith.constant 0 : i32
      %dma_start3A_73 = tpu.memref_slice %arg4[%shift_right_logical3A_61, %dma_start3A_71, %dma_start3A_72] : memref<125000x8x32xf32, #tpu.memory_space<hbm>> -> memref<1x8x32xf32, #tpu.memory_space<hbm>>
      %dma_start3A_74 = tpu.memref_squeeze %dma_start3A_73 : memref<1x8x32xf32, #tpu.memory_space<hbm>> -> memref<8x32xf32, #tpu.memory_space<hbm>>
      %dma_start3A_75 = arith.constant 0 : i32
      %dma_start3A_76 = arith.constant 0 : i32
      %dma_start3A_77 = tpu.memref_slice %arg9[%dma_start3A_66, %dma_start3A_75, %dma_start3A_76] : memref<16x8x32xf32, #tpu.memory_space<vmem>> -> memref<1x8x32xf32, #tpu.memory_space<vmem>>
      %dma_start3A_78 = tpu.memref_squeeze %dma_start3A_77 : memref<1x8x32xf32, #tpu.memory_space<vmem>> -> memref<8x32xf32, #tpu.memory_space<vmem>>
      %dma_start3A_79 = arith.constant 0 : i32
      %dma_start3A_80 = arith.constant 0 : i32
      %dma_start3A_81 = tpu.memref_slice %arg4[%shift_right_logical3A_61, %dma_start3A_79, %dma_start3A_80] : memref<125000x8x32xf32, #tpu.memory_space<hbm>> -> memref<1x8x32xf32, #tpu.memory_space<hbm>>
      %dma_start3A_82 = tpu.memref_squeeze %dma_start3A_81 : memref<1x8x32xf32, #tpu.memory_space<hbm>> -> memref<8x32xf32, #tpu.memory_space<hbm>>
      tpu.enqueue_dma source(%dma_start3A_82 : memref<8x32xf32, #tpu.memory_space<hbm>>) target(%dma_start3A_78 : memref<8x32xf32, #tpu.memory_space<vmem>>) target_semaphore(%arg14 : memref<!tpu.dma_semaphore, #tpu.memory_space<semaphore_mem>>)
      %dma_start3A_83 = arith.constant 1 : i32
      %dma_start3A_84 = arith.constant 0 : i32
      %dma_start3A_85 = arith.constant 0 : i32
      %dma_start3A_86 = tpu.memref_slice %arg10[%dma_start3A_83, %dma_start3A_84, %dma_start3A_85] : memref<16x8x32xf32, #tpu.memory_space<vmem>> -> memref<1x8x32xf32, #tpu.memory_space<vmem>>
      %dma_start3A_87 = tpu.memref_squeeze %dma_start3A_86 : memref<1x8x32xf32, #tpu.memory_space<vmem>> -> memref<8x32xf32, #tpu.memory_space<vmem>>
      %dma_start3A_88 = arith.constant 0 : i32
      %dma_start3A_89 = arith.constant 0 : i32
      %dma_start3A_90 = tpu.memref_slice %arg5[%shift_right_logical3A_65, %dma_start3A_88, %dma_start3A_89] : memref<125000x8x32xf32, #tpu.memory_space<hbm>> -> memref<1x8x32xf32, #tpu.memory_space<hbm>>
      %dma_start3A_91 = tpu.memref_squeeze %dma_start3A_90 : memref<1x8x32xf32, #tpu.memory_space<hbm>> -> memref<8x32xf32, #tpu.memory_space<hbm>>
      %dma_start3A_92 = arith.constant 0 : i32
      %dma_start3A_93 = arith.constant 0 : i32
      %dma_start3A_94 = tpu.memref_slice %arg10[%dma_start3A_83, %dma_start3A_92, %dma_start3A_93] : memref<16x8x32xf32, #tpu.memory_space<vmem>> -> memref<1x8x32xf32, #tpu.memory_space<vmem>>
      %dma_start3A_95 = tpu.memref_squeeze %dma_start3A_94 : memref<1x8x32xf32, #tpu.memory_space<vmem>> -> memref<8x32xf32, #tpu.memory_space<vmem>>
      %dma_start3A_96 = arith.constant 0 : i32
      %dma_start3A_97 = arith.constant 0 : i32
      %dma_start3A_98 = tpu.memref_slice %arg5[%shift_right_logical3A_65, %dma_start3A_96, %dma_start3A_97] : memref<125000x8x32xf32, #tpu.memory_space<hbm>> -> memref<1x8x32xf32, #tpu.memory_space<hbm>>
      %dma_start3A_99 = tpu.memref_squeeze %dma_start3A_98 : memref<1x8x32xf32, #tpu.memory_space<hbm>> -> memref<8x32xf32, #tpu.memory_space<hbm>>
      tpu.enqueue_dma source(%dma_start3A_99 : memref<8x32xf32, #tpu.memory_space<hbm>>) target(%dma_start3A_95 : memref<8x32xf32, #tpu.memory_space<vmem>>) target_semaphore(%arg15 : memref<!tpu.dma_semaphore, #tpu.memory_space<semaphore_mem>>)
      %slice3A_100 = vector.extract_strided_slice %get3A_17 {offsets = [2], sizes = [1], strides = [1]} : vector<16xi32> to vector<1xi32>
      %squeeze3A_101 = vector.extract %slice3A_100[0] : i32 from vector<1xi32>
      %shift_right_logical3A_102 = arith.constant 3 : i32
      %shift_right_logical3A_103 = arith.shrui %squeeze3A_101, %shift_right_logical3A_102 : i32
      %slice3A_104 = vector.extract_strided_slice %get3A_19 {offsets = [2], sizes = [1], strides = [1]} : vector<16xi32> to vector<1xi32>
      %squeeze3A_105 = vector.extract %slice3A_104[0] : i32 from vector<1xi32>
      %shift_right_logical3A_106 = arith.constant 3 : i32
      %shift_right_logical3A_107 = arith.shrui %squeeze3A_105, %shift_right_logical3A_106 : i32
      %dma_start3A_108 = arith.constant 2 : i32
      %dma_start3A_109 = arith.constant 0 : i32
      %dma_start3A_110 = arith.constant 0 : i32
      %dma_start3A_111 = tpu.memref_slice %arg9[%dma_start3A_108, %dma_start3A_109, %dma_start3A_110] : memref<16x8x32xf32, #tpu.memory_space<vmem>> -> memref<1x8x32xf32, #tpu.memory_space<vmem>>
      %dma_start3A_112 = tpu.memref_squeeze %dma_start3A_111 : memref<1x8x32xf32, #tpu.memory_space<vmem>> -> memref<8x32xf32, #tpu.memory_space<vmem>>
      %dma_start3A_113 = arith.constant 0 : i32
      %dma_start3A_114 = arith.constant 0 : i32
      %dma_start3A_115 = tpu.memref_slice %arg4[%shift_right_logical3A_103, %dma_start3A_113, %dma_start3A_114] : memref<125000x8x32xf32, #tpu.memory_space<hbm>> -> memref<1x8x32xf32, #tpu.memory_space<hbm>>
      %dma_start3A_116 = tpu.memref_squeeze %dma_start3A_115 : memref<1x8x32xf32, #tpu.memory_space<hbm>> -> memref<8x32xf32, #tpu.memory_space<hbm>>
      %dma_start3A_117 = arith.constant 0 : i32
      %dma_start3A_118 = arith.constant 0 : i32
      %dma_start3A_119 = tpu.memref_slice %arg9[%dma_start3A_108, %dma_start3A_117, %dma_start3A_118] : memref<16x8x32xf32, #tpu.memory_space<vmem>> -> memref<1x8x32xf32, #tpu.memory_space<vmem>>
      %dma_start3A_120 = tpu.memref_squeeze %dma_start3A_119 : memref<1x8x32xf32, #tpu.memory_space<vmem>> -> memref<8x32xf32, #tpu.memory_space<vmem>>
      %dma_start3A_121 = arith.constant 0 : i32
      %dma_start3A_122 = arith.constant 0 : i32
      %dma_start3A_123 = tpu.memref_slice %arg4[%shift_right_logical3A_103, %dma_start3A_121, %dma_start3A_122] : memref<125000x8x32xf32, #tpu.memory_space<hbm>> -> memref<1x8x32xf32, #tpu.memory_space<hbm>>
      %dma_start3A_124 = tpu.memref_squeeze %dma_start3A_123 : memref<1x8x32xf32, #tpu.memory_space<hbm>> -> memref<8x32xf32, #tpu.memory_space<hbm>>
      tpu.enqueue_dma source(%dma_start3A_124 : memref<8x32xf32, #tpu.memory_space<hbm>>) target(%dma_start3A_120 : memref<8x32xf32, #tpu.memory_space<vmem>>) target_semaphore(%arg14 : memref<!tpu.dma_semaphore, #tpu.memory_space<semaphore_mem>>)
      %dma_start3A_125 = arith.constant 2 : i32
      %dma_start3A_126 = arith.constant 0 : i32
      %dma_start3A_127 = arith.constant 0 : i32
      %dma_start3A_128 = tpu.memref_slice %arg10[%dma_start3A_125, %dma_start3A_126, %dma_start3A_127] : memref<16x8x32xf32, #tpu.memory_space<vmem>> -> memref<1x8x32xf32, #tpu.memory_space<vmem>>
      %dma_start3A_129 = tpu.memref_squeeze %dma_start3A_128 : memref<1x8x32xf32, #tpu.memory_space<vmem>> -> memref<8x32xf32, #tpu.memory_space<vmem>>
      %dma_start3A_130 = arith.constant 0 : i32
      %dma_start3A_131 = arith.constant 0 : i32
      %dma_start3A_132 = tpu.memref_slice %arg5[%shift_right_logical3A_107, %dma_start3A_130, %dma_start3A_131] : memref<125000x8x32xf32, #tpu.memory_space<hbm>> -> memref<1x8x32xf32, #tpu.memory_space<hbm>>
      %dma_start3A_133 = tpu.memref_squeeze %dma_start3A_132 : memref<1x8x32xf32, #tpu.memory_space<hbm>> -> memref<8x32xf32, #tpu.memory_space<hbm>>
      %dma_start3A_134 = arith.constant 0 : i32
      %dma_start3A_135 = arith.constant 0 : i32
      %dma_start3A_136 = tpu.memref_slice %arg10[%dma_start3A_125, %dma_start3A_134, %dma_start3A_135] : memref<16x8x32xf32, #tpu.memory_space<vmem>> -> memref<1x8x32xf32, #tpu.memory_space<vmem>>
      %dma_start3A_137 = tpu.memref_squeeze %dma_start3A_136 : memref<1x8x32xf32, #tpu.memory_space<vmem>> -> memref<8x32xf32, #tpu.memory_space<vmem>>
      %dma_start3A_138 = arith.constant 0 : i32
      %dma_start3A_139 = arith.constant 0 : i32
      %dma_start3A_140 = tpu.memref_slice %arg5[%shift_right_logical3A_107, %dma_start3A_138, %dma_start3A_139] : memref<125000x8x32xf32, #tpu.memory_space<hbm>> -> memref<1x8x32xf32, #tpu.memory_space<hbm>>
      %dma_start3A_141 = tpu.memref_squeeze %dma_start3A_140 : memref<1x8x32xf32, #tpu.memory_space<hbm>> -> memref<8x32xf32, #tpu.memory_space<hbm>>
      tpu.enqueue_dma source(%dma_start3A_141 : memref<8x32xf32, #tpu.memory_space<hbm>>) target(%dma_start3A_137 : memref<8x32xf32, #tpu.memory_space<vmem>>) target_semaphore(%arg15 : memref<!tpu.dma_semaphore, #tpu.memory_space<semaphore_mem>>)
      %slice3A_142 = vector.extract_strided_slice %get3A_17 {offsets = [3], sizes = [1], strides = [1]} : vector<16xi32> to vector<1xi32>
      %squeeze3A_143 = vector.extract %slice3A_142[0] : i32 from vector<1xi32>
      %shift_right_logical3A_144 = arith.constant 3 : i32
      %shift_right_logical3A_145 = arith.shrui %squeeze3A_143, %shift_right_logical3A_144 : i32
      %slice3A_146 = vector.extract_strided_slice %get3A_19 {offsets = [3], sizes = [1], strides = [1]} : vector<16xi32> to vector<1xi32>
      %squeeze3A_147 = vector.extract %slice3A_146[0] : i32 from vector<1xi32>
      %shift_right_logical3A_148 = arith.constant 3 : i32
      %shift_right_logical3A_149 = arith.shrui %squeeze3A_147, %shift_right_logical3A_148 : i32
      %dma_start3A_150 = arith.constant 3 : i32
      %dma_start3A_151 = arith.constant 0 : i32
      %dma_start3A_152 = arith.constant 0 : i32
      %dma_start3A_153 = tpu.memref_slice %arg9[%dma_start3A_150, %dma_start3A_151, %dma_start3A_152] : memref<16x8x32xf32, #tpu.memory_space<vmem>> -> memref<1x8x32xf32, #tpu.memory_space<vmem>>
      %dma_start3A_154 = tpu.memref_squeeze %dma_start3A_153 : memref<1x8x32xf32, #tpu.memory_space<vmem>> -> memref<8x32xf32, #tpu.memory_space<vmem>>
      %dma_start3A_155 = arith.constant 0 : i32
      %dma_start3A_156 = arith.constant 0 : i32
      %dma_start3A_157 = tpu.memref_slice %arg4[%shift_right_logical3A_145, %dma_start3A_155, %dma_start3A_156] : memref<125000x8x32xf32, #tpu.memory_space<hbm>> -> memref<1x8x32xf32, #tpu.memory_space<hbm>>
      %dma_start3A_158 = tpu.memref_squeeze %dma_start3A_157 : memref<1x8x32xf32, #tpu.memory_space<hbm>> -> memref<8x32xf32, #tpu.memory_space<hbm>>
      %dma_start3A_159 = arith.constant 0 : i32
      %dma_start3A_160 = arith.constant 0 : i32
      %dma_start3A_161 = tpu.memref_slice %arg9[%dma_start3A_150, %dma_start3A_159, %dma_start3A_160] : memref<16x8x32xf32, #tpu.memory_space<vmem>> -> memref<1x8x32xf32, #tpu.memory_space<vmem>>
      %dma_start3A_162 = tpu.memref_squeeze %dma_start3A_161 : memref<1x8x32xf32, #tpu.memory_space<vmem>> -> memref<8x32xf32, #tpu.memory_space<vmem>>
      %dma_start3A_163 = arith.constant 0 : i32
      %dma_start3A_164 = arith.constant 0 : i32
      %dma_start3A_165 = tpu.memref_slice %arg4[%shift_right_logical3A_145, %dma_start3A_163, %dma_start3A_164] : memref<125000x8x32xf32, #tpu.memory_space<hbm>> -> memref<1x8x32xf32, #tpu.memory_space<hbm>>
      %dma_start3A_166 = tpu.memref_squeeze %dma_start3A_165 : memref<1x8x32xf32, #tpu.memory_space<hbm>> -> memref<8x32xf32, #tpu.memory_space<hbm>>
      tpu.enqueue_dma source(%dma_start3A_166 : memref<8x32xf32, #tpu.memory_space<hbm>>) target(%dma_start3A_162 : memref<8x32xf32, #tpu.memory_space<vmem>>) target_semaphore(%arg14 : memref<!tpu.dma_semaphore, #tpu.memory_space<semaphore_mem>>)
      %dma_start3A_167 = arith.constant 3 : i32
      %dma_start3A_168 = arith.constant 0 : i32
      %dma_start3A_169 = arith.constant 0 : i32
      %dma_start3A_170 = tpu.memref_slice %arg10[%dma_start3A_167, %dma_start3A_168, %dma_start3A_169] : memref<16x8x32xf32, #tpu.memory_space<vmem>> -> memref<1x8x32xf32, #tpu.memory_space<vmem>>
      %dma_start3A_171 = tpu.memref_squeeze %dma_start3A_170 : memref<1x8x32xf32, #tpu.memory_space<vmem>> -> memref<8x32xf32, #tpu.memory_space<vmem>>
      %dma_start3A_172 = arith.constant 0 : i32
      %dma_start3A_173 = arith.constant 0 : i32
      %dma_start3A_174 = tpu.memref_slice %arg5[%shift_right_logical3A_149, %dma_start3A_172, %dma_start3A_173] : memref<125000x8x32xf32, #tpu.memory_space<hbm>> -> memref<1x8x32xf32, #tpu.memory_space<hbm>>
      %dma_start3A_175 = tpu.memref_squeeze %dma_start3A_174 : memref<1x8x32xf32, #tpu.memory_space<hbm>> -> memref<8x32xf32, #tpu.memory_space<hbm>>
      %dma_start3A_176 = arith.constant 0 : i32
      %dma_start3A_177 = arith.constant 0 : i32
      %dma_start3A_178 = tpu.memref_slice %arg10[%dma_start3A_167, %dma_start3A_176, %dma_start3A_177] : memref<16x8x32xf32, #tpu.memory_space<vmem>> -> memref<1x8x32xf32, #tpu.memory_space<vmem>>
      %dma_start3A_179 = tpu.memref_squeeze %dma_start3A_178 : memref<1x8x32xf32, #tpu.memory_space<vmem>> -> memref<8x32xf32, #tpu.memory_space<vmem>>
      %dma_start3A_180 = arith.constant 0 : i32
      %dma_start3A_181 = arith.constant 0 : i32
      %dma_start3A_182 = tpu.memref_slice %arg5[%shift_right_logical3A_149, %dma_start3A_180, %dma_start3A_181] : memref<125000x8x32xf32, #tpu.memory_space<hbm>> -> memref<1x8x32xf32, #tpu.memory_space<hbm>>
      %dma_start3A_183 = tpu.memref_squeeze %dma_start3A_182 : memref<1x8x32xf32, #tpu.memory_space<hbm>> -> memref<8x32xf32, #tpu.memory_space<hbm>>
      tpu.enqueue_dma source(%dma_start3A_183 : memref<8x32xf32, #tpu.memory_space<hbm>>) target(%dma_start3A_179 : memref<8x32xf32, #tpu.memory_space<vmem>>) target_semaphore(%arg15 : memref<!tpu.dma_semaphore, #tpu.memory_space<semaphore_mem>>)
      %slice3A_184 = vector.extract_strided_slice %get3A_17 {offsets = [4], sizes = [1], strides = [1]} : vector<16xi32> to vector<1xi32>
      %squeeze3A_185 = vector.extract %slice3A_184[0] : i32 from vector<1xi32>
      %shift_right_logical3A_186 = arith.constant 3 : i32
      %shift_right_logical3A_187 = arith.shrui %squeeze3A_185, %shift_right_logical3A_186 : i32
      %slice3A_188 = vector.extract_strided_slice %get3A_19 {offsets = [4], sizes = [1], strides = [1]} : vector<16xi32> to vector<1xi32>
      %squeeze3A_189 = vector.extract %slice3A_188[0] : i32 from vector<1xi32>
      %shift_right_logical3A_190 = arith.constant 3 : i32
      %shift_right_logical3A_191 = arith.shrui %squeeze3A_189, %shift_right_logical3A_190 : i32
      %dma_start3A_192 = arith.constant 4 : i32
      %dma_start3A_193 = arith.constant 0 : i32
      %dma_start3A_194 = arith.constant 0 : i32
      %dma_start3A_195 = tpu.memref_slice %arg9[%dma_start3A_192, %dma_start3A_193, %dma_start3A_194] : memref<16x8x32xf32, #tpu.memory_space<vmem>> -> memref<1x8x32xf32, #tpu.memory_space<vmem>>
      %dma_start3A_196 = tpu.memref_squeeze %dma_start3A_195 : memref<1x8x32xf32, #tpu.memory_space<vmem>> -> memref<8x32xf32, #tpu.memory_space<vmem>>
      %dma_start3A_197 = arith.constant 0 : i32
      %dma_start3A_198 = arith.constant 0 : i32
      %dma_start3A_199 = tpu.memref_slice %arg4[%shift_right_logical3A_187, %dma_start3A_197, %dma_start3A_198] : memref<125000x8x32xf32, #tpu.memory_space<hbm>> -> memref<1x8x32xf32, #tpu.memory_space<hbm>>
      %dma_start3A_200 = tpu.memref_squeeze %dma_start3A_199 : memref<1x8x32xf32, #tpu.memory_space<hbm>> -> memref<8x32xf32, #tpu.memory_space<hbm>>
      %dma_start3A_201 = arith.constant 0 : i32
      %dma_start3A_202 = arith.constant 0 : i32
      %dma_start3A_203 = tpu.memref_slice %arg9[%dma_start3A_192, %dma_start3A_201, %dma_start3A_202] : memref<16x8x32xf32, #tpu.memory_space<vmem>> -> memref<1x8x32xf32, #tpu.memory_space<vmem>>
      %dma_start3A_204 = tpu.memref_squeeze %dma_start3A_203 : memref<1x8x32xf32, #tpu.memory_space<vmem>> -> memref<8x32xf32, #tpu.memory_space<vmem>>
      %dma_start3A_205 = arith.constant 0 : i32
      %dma_start3A_206 = arith.constant 0 : i32
      %dma_start3A_207 = tpu.memref_slice %arg4[%shift_right_logical3A_187, %dma_start3A_205, %dma_start3A_206] : memref<125000x8x32xf32, #tpu.memory_space<hbm>> -> memref<1x8x32xf32, #tpu.memory_space<hbm>>
      %dma_start3A_208 = tpu.memref_squeeze %dma_start3A_207 : memref<1x8x32xf32, #tpu.memory_space<hbm>> -> memref<8x32xf32, #tpu.memory_space<hbm>>
      tpu.enqueue_dma source(%dma_start3A_208 : memref<8x32xf32, #tpu.memory_space<hbm>>) target(%dma_start3A_204 : memref<8x32xf32, #tpu.memory_space<vmem>>) target_semaphore(%arg14 : memref<!tpu.dma_semaphore, #tpu.memory_space<semaphore_mem>>)
      %dma_start3A_209 = arith.constant 4 : i32
      %dma_start3A_210 = arith.constant 0 : i32
      %dma_start3A_211 = arith.constant 0 : i32
      %dma_start3A_212 = tpu.memref_slice %arg10[%dma_start3A_209, %dma_start3A_210, %dma_start3A_211] : memref<16x8x32xf32, #tpu.memory_space<vmem>> -> memref<1x8x32xf32, #tpu.memory_space<vmem>>
      %dma_start3A_213 = tpu.memref_squeeze %dma_start3A_212 : memref<1x8x32xf32, #tpu.memory_space<vmem>> -> memref<8x32xf32, #tpu.memory_space<vmem>>
      %dma_start3A_214 = arith.constant 0 : i32
      %dma_start3A_215 = arith.constant 0 : i32
      %dma_start3A_216 = tpu.memref_slice %arg5[%shift_right_logical3A_191, %dma_start3A_214, %dma_start3A_215] : memref<125000x8x32xf32, #tpu.memory_space<hbm>> -> memref<1x8x32xf32, #tpu.memory_space<hbm>>
      %dma_start3A_217 = tpu.memref_squeeze %dma_start3A_216 : memref<1x8x32xf32, #tpu.memory_space<hbm>> -> memref<8x32xf32, #tpu.memory_space<hbm>>
      %dma_start3A_218 = arith.constant 0 : i32
      %dma_start3A_219 = arith.constant 0 : i32
      %dma_start3A_220 = tpu.memref_slice %arg10[%dma_start3A_209, %dma_start3A_218, %dma_start3A_219] : memref<16x8x32xf32, #tpu.memory_space<vmem>> -> memref<1x8x32xf32, #tpu.memory_space<vmem>>
      %dma_start3A_221 = tpu.memref_squeeze %dma_start3A_220 : memref<1x8x32xf32, #tpu.memory_space<vmem>> -> memref<8x32xf32, #tpu.memory_space<vmem>>
      %dma_start3A_222 = arith.constant 0 : i32
      %dma_start3A_223 = arith.constant 0 : i32
      %dma_start3A_224 = tpu.memref_slice %arg5[%shift_right_logical3A_191, %dma_start3A_222, %dma_start3A_223] : memref<125000x8x32xf32, #tpu.memory_space<hbm>> -> memref<1x8x32xf32, #tpu.memory_space<hbm>>
      %dma_start3A_225 = tpu.memref_squeeze %dma_start3A_224 : memref<1x8x32xf32, #tpu.memory_space<hbm>> -> memref<8x32xf32, #tpu.memory_space<hbm>>
      tpu.enqueue_dma source(%dma_start3A_225 : memref<8x32xf32, #tpu.memory_space<hbm>>) target(%dma_start3A_221 : memref<8x32xf32, #tpu.memory_space<vmem>>) target_semaphore(%arg15 : memref<!tpu.dma_semaphore, #tpu.memory_space<semaphore_mem>>)
      %slice3A_226 = vector.extract_strided_slice %get3A_17 {offsets = [5], sizes = [1], strides = [1]} : vector<16xi32> to vector<1xi32>
      %squeeze3A_227 = vector.extract %slice3A_226[0] : i32 from vector<1xi32>
      %shift_right_logical3A_228 = arith.constant 3 : i32
      %shift_right_logical3A_229 = arith.shrui %squeeze3A_227, %shift_right_logical3A_228 : i32
      %slice3A_230 = vector.extract_strided_slice %get3A_19 {offsets = [5], sizes = [1], strides = [1]} : vector<16xi32> to vector<1xi32>
      %squeeze3A_231 = vector.extract %slice3A_230[0] : i32 from vector<1xi32>
      %shift_right_logical3A_232 = arith.constant 3 : i32
      %shift_right_logical3A_233 = arith.shrui %squeeze3A_231, %shift_right_logical3A_232 : i32
      %dma_start3A_234 = arith.constant 5 : i32
      %dma_start3A_235 = arith.constant 0 : i32
      %dma_start3A_236 = arith.constant 0 : i32
      %dma_start3A_237 = tpu.memref_slice %arg9[%dma_start3A_234, %dma_start3A_235, %dma_start3A_236] : memref<16x8x32xf32, #tpu.memory_space<vmem>> -> memref<1x8x32xf32, #tpu.memory_space<vmem>>
      %dma_start3A_238 = tpu.memref_squeeze %dma_start3A_237 : memref<1x8x32xf32, #tpu.memory_space<vmem>> -> memref<8x32xf32, #tpu.memory_space<vmem>>
      %dma_start3A_239 = arith.constant 0 : i32
      %dma_start3A_240 = arith.constant 0 : i32
      %dma_start3A_241 = tpu.memref_slice %arg4[%shift_right_logical3A_229, %dma_start3A_239, %dma_start3A_240] : memref<125000x8x32xf32, #tpu.memory_space<hbm>> -> memref<1x8x32xf32, #tpu.memory_space<hbm>>
      %dma_start3A_242 = tpu.memref_squeeze %dma_start3A_241 : memref<1x8x32xf32, #tpu.memory_space<hbm>> -> memref<8x32xf32, #tpu.memory_space<hbm>>
      %dma_start3A_243 = arith.constant 0 : i32
      %dma_start3A_244 = arith.constant 0 : i32
      %dma_start3A_245 = tpu.memref_slice %arg9[%dma_start3A_234, %dma_start3A_243, %dma_start3A_244] : memref<16x8x32xf32, #tpu.memory_space<vmem>> -> memref<1x8x32xf32, #tpu.memory_space<vmem>>
      %dma_start3A_246 = tpu.memref_squeeze %dma_start3A_245 : memref<1x8x32xf32, #tpu.memory_space<vmem>> -> memref<8x32xf32, #tpu.memory_space<vmem>>
      %dma_start3A_247 = arith.constant 0 : i32
      %dma_start3A_248 = arith.constant 0 : i32
      %dma_start3A_249 = tpu.memref_slice %arg4[%shift_right_logical3A_229, %dma_start3A_247, %dma_start3A_248] : memref<125000x8x32xf32, #tpu.memory_space<hbm>> -> memref<1x8x32xf32, #tpu.memory_space<hbm>>
      %dma_start3A_250 = tpu.memref_squeeze %dma_start3A_249 : memref<1x8x32xf32, #tpu.memory_space<hbm>> -> memref<8x32xf32, #tpu.memory_space<hbm>>
      tpu.enqueue_dma source(%dma_start3A_250 : memref<8x32xf32, #tpu.memory_space<hbm>>) target(%dma_start3A_246 : memref<8x32xf32, #tpu.memory_space<vmem>>) target_semaphore(%arg14 : memref<!tpu.dma_semaphore, #tpu.memory_space<semaphore_mem>>)
      %dma_start3A_251 = arith.constant 5 : i32
      %dma_start3A_252 = arith.constant 0 : i32
      %dma_start3A_253 = arith.constant 0 : i32
      %dma_start3A_254 = tpu.memref_slice %arg10[%dma_start3A_251, %dma_start3A_252, %dma_start3A_253] : memref<16x8x32xf32, #tpu.memory_space<vmem>> -> memref<1x8x32xf32, #tpu.memory_space<vmem>>
      %dma_start3A_255 = tpu.memref_squeeze %dma_start3A_254 : memref<1x8x32xf32, #tpu.memory_space<vmem>> -> memref<8x32xf32, #tpu.memory_space<vmem>>
      %dma_start3A_256 = arith.constant 0 : i32
      %dma_start3A_257 = arith.constant 0 : i32
      %dma_start3A_258 = tpu.memref_slice %arg5[%shift_right_logical3A_233, %dma_start3A_256, %dma_start3A_257] : memref<125000x8x32xf32, #tpu.memory_space<hbm>> -> memref<1x8x32xf32, #tpu.memory_space<hbm>>
      %dma_start3A_259 = tpu.memref_squeeze %dma_start3A_258 : memref<1x8x32xf32, #tpu.memory_space<hbm>> -> memref<8x32xf32, #tpu.memory_space<hbm>>
      %dma_start3A_260 = arith.constant 0 : i32
      %dma_start3A_261 = arith.constant 0 : i32
      %dma_start3A_262 = tpu.memref_slice %arg10[%dma_start3A_251, %dma_start3A_260, %dma_start3A_261] : memref<16x8x32xf32, #tpu.memory_space<vmem>> -> memref<1x8x32xf32, #tpu.memory_space<vmem>>
      %dma_start3A_263 = tpu.memref_squeeze %dma_start3A_262 : memref<1x8x32xf32, #tpu.memory_space<vmem>> -> memref<8x32xf32, #tpu.memory_space<vmem>>
      %dma_start3A_264 = arith.constant 0 : i32
      %dma_start3A_265 = arith.constant 0 : i32
      %dma_start3A_266 = tpu.memref_slice %arg5[%shift_right_logical3A_233, %dma_start3A_264, %dma_start3A_265] : memref<125000x8x32xf32, #tpu.memory_space<hbm>> -> memref<1x8x32xf32, #tpu.memory_space<hbm>>
      %dma_start3A_267 = tpu.memref_squeeze %dma_start3A_266 : memref<1x8x32xf32, #tpu.memory_space<hbm>> -> memref<8x32xf32, #tpu.memory_space<hbm>>
      tpu.enqueue_dma source(%dma_start3A_267 : memref<8x32xf32, #tpu.memory_space<hbm>>) target(%dma_start3A_263 : memref<8x32xf32, #tpu.memory_space<vmem>>) target_semaphore(%arg15 : memref<!tpu.dma_semaphore, #tpu.memory_space<semaphore_mem>>)
      %slice3A_268 = vector.extract_strided_slice %get3A_17 {offsets = [6], sizes = [1], strides = [1]} : vector<16xi32> to vector<1xi32>
      %squeeze3A_269 = vector.extract %slice3A_268[0] : i32 from vector<1xi32>
      %shift_right_logical3A_270 = arith.constant 3 : i32
      %shift_right_logical3A_271 = arith.shrui %squeeze3A_269, %shift_right_logical3A_270 : i32
      %slice3A_272 = vector.extract_strided_slice %get3A_19 {offsets = [6], sizes = [1], strides = [1]} : vector<16xi32> to vector<1xi32>
      %squeeze3A_273 = vector.extract %slice3A_272[0] : i32 from vector<1xi32>
      %shift_right_logical3A_274 = arith.constant 3 : i32
      %shift_right_logical3A_275 = arith.shrui %squeeze3A_273, %shift_right_logical3A_274 : i32
      %dma_start3A_276 = arith.constant 6 : i32
      %dma_start3A_277 = arith.constant 0 : i32
      %dma_start3A_278 = arith.constant 0 : i32
      %dma_start3A_279 = tpu.memref_slice %arg9[%dma_start3A_276, %dma_start3A_277, %dma_start3A_278] : memref<16x8x32xf32, #tpu.memory_space<vmem>> -> memref<1x8x32xf32, #tpu.memory_space<vmem>>
      %dma_start3A_280 = tpu.memref_squeeze %dma_start3A_279 : memref<1x8x32xf32, #tpu.memory_space<vmem>> -> memref<8x32xf32, #tpu.memory_space<vmem>>
      %dma_start3A_281 = arith.constant 0 : i32
      %dma_start3A_282 = arith.constant 0 : i32
      %dma_start3A_283 = tpu.memref_slice %arg4[%shift_right_logical3A_271, %dma_start3A_281, %dma_start3A_282] : memref<125000x8x32xf32, #tpu.memory_space<hbm>> -> memref<1x8x32xf32, #tpu.memory_space<hbm>>
      %dma_start3A_284 = tpu.memref_squeeze %dma_start3A_283 : memref<1x8x32xf32, #tpu.memory_space<hbm>> -> memref<8x32xf32, #tpu.memory_space<hbm>>
      %dma_start3A_285 = arith.constant 0 : i32
      %dma_start3A_286 = arith.constant 0 : i32
      %dma_start3A_287 = tpu.memref_slice %arg9[%dma_start3A_276, %dma_start3A_285, %dma_start3A_286] : memref<16x8x32xf32, #tpu.memory_space<vmem>> -> memref<1x8x32xf32, #tpu.memory_space<vmem>>
      %dma_start3A_288 = tpu.memref_squeeze %dma_start3A_287 : memref<1x8x32xf32, #tpu.memory_space<vmem>> -> memref<8x32xf32, #tpu.memory_space<vmem>>
      %dma_start3A_289 = arith.constant 0 : i32
      %dma_start3A_290 = arith.constant 0 : i32
      %dma_start3A_291 = tpu.memref_slice %arg4[%shift_right_logical3A_271, %dma_start3A_289, %dma_start3A_290] : memref<125000x8x32xf32, #tpu.memory_space<hbm>> -> memref<1x8x32xf32, #tpu.memory_space<hbm>>
      %dma_start3A_292 = tpu.memref_squeeze %dma_start3A_291 : memref<1x8x32xf32, #tpu.memory_space<hbm>> -> memref<8x32xf32, #tpu.memory_space<hbm>>
      tpu.enqueue_dma source(%dma_start3A_292 : memref<8x32xf32, #tpu.memory_space<hbm>>) target(%dma_start3A_288 : memref<8x32xf32, #tpu.memory_space<vmem>>) target_semaphore(%arg14 : memref<!tpu.dma_semaphore, #tpu.memory_space<semaphore_mem>>)
      %dma_start3A_293 = arith.constant 6 : i32
      %dma_start3A_294 = arith.constant 0 : i32
      %dma_start3A_295 = arith.constant 0 : i32
      %dma_start3A_296 = tpu.memref_slice %arg10[%dma_start3A_293, %dma_start3A_294, %dma_start3A_295] : memref<16x8x32xf32, #tpu.memory_space<vmem>> -> memref<1x8x32xf32, #tpu.memory_space<vmem>>
      %dma_start3A_297 = tpu.memref_squeeze %dma_start3A_296 : memref<1x8x32xf32, #tpu.memory_space<vmem>> -> memref<8x32xf32, #tpu.memory_space<vmem>>
      %dma_start3A_298 = arith.constant 0 : i32
      %dma_start3A_299 = arith.constant 0 : i32
      %dma_start3A_300 = tpu.memref_slice %arg5[%shift_right_logical3A_275, %dma_start3A_298, %dma_start3A_299] : memref<125000x8x32xf32, #tpu.memory_space<hbm>> -> memref<1x8x32xf32, #tpu.memory_space<hbm>>
      %dma_start3A_301 = tpu.memref_squeeze %dma_start3A_300 : memref<1x8x32xf32, #tpu.memory_space<hbm>> -> memref<8x32xf32, #tpu.memory_space<hbm>>
      %dma_start3A_302 = arith.constant 0 : i32
      %dma_start3A_303 = arith.constant 0 : i32
      %dma_start3A_304 = tpu.memref_slice %arg10[%dma_start3A_293, %dma_start3A_302, %dma_start3A_303] : memref<16x8x32xf32, #tpu.memory_space<vmem>> -> memref<1x8x32xf32, #tpu.memory_space<vmem>>
      %dma_start3A_305 = tpu.memref_squeeze %dma_start3A_304 : memref<1x8x32xf32, #tpu.memory_space<vmem>> -> memref<8x32xf32, #tpu.memory_space<vmem>>
      %dma_start3A_306 = arith.constant 0 : i32
      %dma_start3A_307 = arith.constant 0 : i32
      %dma_start3A_308 = tpu.memref_slice %arg5[%shift_right_logical3A_275, %dma_start3A_306, %dma_start3A_307] : memref<125000x8x32xf32, #tpu.memory_space<hbm>> -> memref<1x8x32xf32, #tpu.memory_space<hbm>>
      %dma_start3A_309 = tpu.memref_squeeze %dma_start3A_308 : memref<1x8x32xf32, #tpu.memory_space<hbm>> -> memref<8x32xf32, #tpu.memory_space<hbm>>
      tpu.enqueue_dma source(%dma_start3A_309 : memref<8x32xf32, #tpu.memory_space<hbm>>) target(%dma_start3A_305 : memref<8x32xf32, #tpu.memory_space<vmem>>) target_semaphore(%arg15 : memref<!tpu.dma_semaphore, #tpu.memory_space<semaphore_mem>>)
      %slice3A_310 = vector.extract_strided_slice %get3A_17 {offsets = [7], sizes = [1], strides = [1]} : vector<16xi32> to vector<1xi32>
      %squeeze3A_311 = vector.extract %slice3A_310[0] : i32 from vector<1xi32>
      %shift_right_logical3A_312 = arith.constant 3 : i32
      %shift_right_logical3A_313 = arith.shrui %squeeze3A_311, %shift_right_logical3A_312 : i32
      %slice3A_314 = vector.extract_strided_slice %get3A_19 {offsets = [7], sizes = [1], strides = [1]} : vector<16xi32> to vector<1xi32>
      %squeeze3A_315 = vector.extract %slice3A_314[0] : i32 from vector<1xi32>
      %shift_right_logical3A_316 = arith.constant 3 : i32
      %shift_right_logical3A_317 = arith.shrui %squeeze3A_315, %shift_right_logical3A_316 : i32
      %dma_start3A_318 = arith.constant 7 : i32
      %dma_start3A_319 = arith.constant 0 : i32
      %dma_start3A_320 = arith.constant 0 : i32
      %dma_start3A_321 = tpu.memref_slice %arg9[%dma_start3A_318, %dma_start3A_319, %dma_start3A_320] : memref<16x8x32xf32, #tpu.memory_space<vmem>> -> memref<1x8x32xf32, #tpu.memory_space<vmem>>
      %dma_start3A_322 = tpu.memref_squeeze %dma_start3A_321 : memref<1x8x32xf32, #tpu.memory_space<vmem>> -> memref<8x32xf32, #tpu.memory_space<vmem>>
      %dma_start3A_323 = arith.constant 0 : i32
      %dma_start3A_324 = arith.constant 0 : i32
      %dma_start3A_325 = tpu.memref_slice %arg4[%shift_right_logical3A_313, %dma_start3A_323, %dma_start3A_324] : memref<125000x8x32xf32, #tpu.memory_space<hbm>> -> memref<1x8x32xf32, #tpu.memory_space<hbm>>
      %dma_start3A_326 = tpu.memref_squeeze %dma_start3A_325 : memref<1x8x32xf32, #tpu.memory_space<hbm>> -> memref<8x32xf32, #tpu.memory_space<hbm>>
      %dma_start3A_327 = arith.constant 0 : i32
      %dma_start3A_328 = arith.constant 0 : i32
      %dma_start3A_329 = tpu.memref_slice %arg9[%dma_start3A_318, %dma_start3A_327, %dma_start3A_328] : memref<16x8x32xf32, #tpu.memory_space<vmem>> -> memref<1x8x32xf32, #tpu.memory_space<vmem>>
      %dma_start3A_330 = tpu.memref_squeeze %dma_start3A_329 : memref<1x8x32xf32, #tpu.memory_space<vmem>> -> memref<8x32xf32, #tpu.memory_space<vmem>>
      %dma_start3A_331 = arith.constant 0 : i32
      %dma_start3A_332 = arith.constant 0 : i32
      %dma_start3A_333 = tpu.memref_slice %arg4[%shift_right_logical3A_313, %dma_start3A_331, %dma_start3A_332] : memref<125000x8x32xf32, #tpu.memory_space<hbm>> -> memref<1x8x32xf32, #tpu.memory_space<hbm>>
      %dma_start3A_334 = tpu.memref_squeeze %dma_start3A_333 : memref<1x8x32xf32, #tpu.memory_space<hbm>> -> memref<8x32xf32, #tpu.memory_space<hbm>>
      tpu.enqueue_dma source(%dma_start3A_334 : memref<8x32xf32, #tpu.memory_space<hbm>>) target(%dma_start3A_330 : memref<8x32xf32, #tpu.memory_space<vmem>>) target_semaphore(%arg14 : memref<!tpu.dma_semaphore, #tpu.memory_space<semaphore_mem>>)
      %dma_start3A_335 = arith.constant 7 : i32
      %dma_start3A_336 = arith.constant 0 : i32
      %dma_start3A_337 = arith.constant 0 : i32
      %dma_start3A_338 = tpu.memref_slice %arg10[%dma_start3A_335, %dma_start3A_336, %dma_start3A_337] : memref<16x8x32xf32, #tpu.memory_space<vmem>> -> memref<1x8x32xf32, #tpu.memory_space<vmem>>
      %dma_start3A_339 = tpu.memref_squeeze %dma_start3A_338 : memref<1x8x32xf32, #tpu.memory_space<vmem>> -> memref<8x32xf32, #tpu.memory_space<vmem>>
      %dma_start3A_340 = arith.constant 0 : i32
      %dma_start3A_341 = arith.constant 0 : i32
      %dma_start3A_342 = tpu.memref_slice %arg5[%shift_right_logical3A_317, %dma_start3A_340, %dma_start3A_341] : memref<125000x8x32xf32, #tpu.memory_space<hbm>> -> memref<1x8x32xf32, #tpu.memory_space<hbm>>
      %dma_start3A_343 = tpu.memref_squeeze %dma_start3A_342 : memref<1x8x32xf32, #tpu.memory_space<hbm>> -> memref<8x32xf32, #tpu.memory_space<hbm>>
      %dma_start3A_344 = arith.constant 0 : i32
      %dma_start3A_345 = arith.constant 0 : i32
      %dma_start3A_346 = tpu.memref_slice %arg10[%dma_start3A_335, %dma_start3A_344, %dma_start3A_345] : memref<16x8x32xf32, #tpu.memory_space<vmem>> -> memref<1x8x32xf32, #tpu.memory_space<vmem>>
      %dma_start3A_347 = tpu.memref_squeeze %dma_start3A_346 : memref<1x8x32xf32, #tpu.memory_space<vmem>> -> memref<8x32xf32, #tpu.memory_space<vmem>>
      %dma_start3A_348 = arith.constant 0 : i32
      %dma_start3A_349 = arith.constant 0 : i32
      %dma_start3A_350 = tpu.memref_slice %arg5[%shift_right_logical3A_317, %dma_start3A_348, %dma_start3A_349] : memref<125000x8x32xf32, #tpu.memory_space<hbm>> -> memref<1x8x32xf32, #tpu.memory_space<hbm>>
      %dma_start3A_351 = tpu.memref_squeeze %dma_start3A_350 : memref<1x8x32xf32, #tpu.memory_space<hbm>> -> memref<8x32xf32, #tpu.memory_space<hbm>>
      tpu.enqueue_dma source(%dma_start3A_351 : memref<8x32xf32, #tpu.memory_space<hbm>>) target(%dma_start3A_347 : memref<8x32xf32, #tpu.memory_space<vmem>>) target_semaphore(%arg15 : memref<!tpu.dma_semaphore, #tpu.memory_space<semaphore_mem>>)
      %slice3A_352 = vector.extract_strided_slice %get3A_17 {offsets = [8], sizes = [1], strides = [1]} : vector<16xi32> to vector<1xi32>
      %squeeze3A_353 = vector.extract %slice3A_352[0] : i32 from vector<1xi32>
      %shift_right_logical3A_354 = arith.constant 3 : i32
      %shift_right_logical3A_355 = arith.shrui %squeeze3A_353, %shift_right_logical3A_354 : i32
      %slice3A_356 = vector.extract_strided_slice %get3A_19 {offsets = [8], sizes = [1], strides = [1]} : vector<16xi32> to vector<1xi32>
      %squeeze3A_357 = vector.extract %slice3A_356[0] : i32 from vector<1xi32>
      %shift_right_logical3A_358 = arith.constant 3 : i32
      %shift_right_logical3A_359 = arith.shrui %squeeze3A_357, %shift_right_logical3A_358 : i32
      %dma_start3A_360 = arith.constant 8 : i32
      %dma_start3A_361 = arith.constant 0 : i32
      %dma_start3A_362 = arith.constant 0 : i32
      %dma_start3A_363 = tpu.memref_slice %arg9[%dma_start3A_360, %dma_start3A_361, %dma_start3A_362] : memref<16x8x32xf32, #tpu.memory_space<vmem>> -> memref<1x8x32xf32, #tpu.memory_space<vmem>>
      %dma_start3A_364 = tpu.memref_squeeze %dma_start3A_363 : memref<1x8x32xf32, #tpu.memory_space<vmem>> -> memref<8x32xf32, #tpu.memory_space<vmem>>
      %dma_start3A_365 = arith.constant 0 : i32
      %dma_start3A_366 = arith.constant 0 : i32
      %dma_start3A_367 = tpu.memref_slice %arg4[%shift_right_logical3A_355, %dma_start3A_365, %dma_start3A_366] : memref<125000x8x32xf32, #tpu.memory_space<hbm>> -> memref<1x8x32xf32, #tpu.memory_space<hbm>>
      %dma_start3A_368 = tpu.memref_squeeze %dma_start3A_367 : memref<1x8x32xf32, #tpu.memory_space<hbm>> -> memref<8x32xf32, #tpu.memory_space<hbm>>
      %dma_start3A_369 = arith.constant 0 : i32
      %dma_start3A_370 = arith.constant 0 : i32
      %dma_start3A_371 = tpu.memref_slice %arg9[%dma_start3A_360, %dma_start3A_369, %dma_start3A_370] : memref<16x8x32xf32, #tpu.memory_space<vmem>> -> memref<1x8x32xf32, #tpu.memory_space<vmem>>
      %dma_start3A_372 = tpu.memref_squeeze %dma_start3A_371 : memref<1x8x32xf32, #tpu.memory_space<vmem>> -> memref<8x32xf32, #tpu.memory_space<vmem>>
      %dma_start3A_373 = arith.constant 0 : i32
      %dma_start3A_374 = arith.constant 0 : i32
      %dma_start3A_375 = tpu.memref_slice %arg4[%shift_right_logical3A_355, %dma_start3A_373, %dma_start3A_374] : memref<125000x8x32xf32, #tpu.memory_space<hbm>> -> memref<1x8x32xf32, #tpu.memory_space<hbm>>
      %dma_start3A_376 = tpu.memref_squeeze %dma_start3A_375 : memref<1x8x32xf32, #tpu.memory_space<hbm>> -> memref<8x32xf32, #tpu.memory_space<hbm>>
      tpu.enqueue_dma source(%dma_start3A_376 : memref<8x32xf32, #tpu.memory_space<hbm>>) target(%dma_start3A_372 : memref<8x32xf32, #tpu.memory_space<vmem>>) target_semaphore(%arg14 : memref<!tpu.dma_semaphore, #tpu.memory_space<semaphore_mem>>)
      %dma_start3A_377 = arith.constant 8 : i32
      %dma_start3A_378 = arith.constant 0 : i32
      %dma_start3A_379 = arith.constant 0 : i32
      %dma_start3A_380 = tpu.memref_slice %arg10[%dma_start3A_377, %dma_start3A_378, %dma_start3A_379] : memref<16x8x32xf32, #tpu.memory_space<vmem>> -> memref<1x8x32xf32, #tpu.memory_space<vmem>>
      %dma_start3A_381 = tpu.memref_squeeze %dma_start3A_380 : memref<1x8x32xf32, #tpu.memory_space<vmem>> -> memref<8x32xf32, #tpu.memory_space<vmem>>
      %dma_start3A_382 = arith.constant 0 : i32
      %dma_start3A_383 = arith.constant 0 : i32
      %dma_start3A_384 = tpu.memref_slice %arg5[%shift_right_logical3A_359, %dma_start3A_382, %dma_start3A_383] : memref<125000x8x32xf32, #tpu.memory_space<hbm>> -> memref<1x8x32xf32, #tpu.memory_space<hbm>>
      %dma_start3A_385 = tpu.memref_squeeze %dma_start3A_384 : memref<1x8x32xf32, #tpu.memory_space<hbm>> -> memref<8x32xf32, #tpu.memory_space<hbm>>
      %dma_start3A_386 = arith.constant 0 : i32
      %dma_start3A_387 = arith.constant 0 : i32
      %dma_start3A_388 = tpu.memref_slice %arg10[%dma_start3A_377, %dma_start3A_386, %dma_start3A_387] : memref<16x8x32xf32, #tpu.memory_space<vmem>> -> memref<1x8x32xf32, #tpu.memory_space<vmem>>
      %dma_start3A_389 = tpu.memref_squeeze %dma_start3A_388 : memref<1x8x32xf32, #tpu.memory_space<vmem>> -> memref<8x32xf32, #tpu.memory_space<vmem>>
      %dma_start3A_390 = arith.constant 0 : i32
      %dma_start3A_391 = arith.constant 0 : i32
      %dma_start3A_392 = tpu.memref_slice %arg5[%shift_right_logical3A_359, %dma_start3A_390, %dma_start3A_391] : memref<125000x8x32xf32, #tpu.memory_space<hbm>> -> memref<1x8x32xf32, #tpu.memory_space<hbm>>
      %dma_start3A_393 = tpu.memref_squeeze %dma_start3A_392 : memref<1x8x32xf32, #tpu.memory_space<hbm>> -> memref<8x32xf32, #tpu.memory_space<hbm>>
      tpu.enqueue_dma source(%dma_start3A_393 : memref<8x32xf32, #tpu.memory_space<hbm>>) target(%dma_start3A_389 : memref<8x32xf32, #tpu.memory_space<vmem>>) target_semaphore(%arg15 : memref<!tpu.dma_semaphore, #tpu.memory_space<semaphore_mem>>)
      %slice3A_394 = vector.extract_strided_slice %get3A_17 {offsets = [9], sizes = [1], strides = [1]} : vector<16xi32> to vector<1xi32>
      %squeeze3A_395 = vector.extract %slice3A_394[0] : i32 from vector<1xi32>
      %shift_right_logical3A_396 = arith.constant 3 : i32
      %shift_right_logical3A_397 = arith.shrui %squeeze3A_395, %shift_right_logical3A_396 : i32
      %slice3A_398 = vector.extract_strided_slice %get3A_19 {offsets = [9], sizes = [1], strides = [1]} : vector<16xi32> to vector<1xi32>
      %squeeze3A_399 = vector.extract %slice3A_398[0] : i32 from vector<1xi32>
      %shift_right_logical3A_400 = arith.constant 3 : i32
      %shift_right_logical3A_401 = arith.shrui %squeeze3A_399, %shift_right_logical3A_400 : i32
      %dma_start3A_402 = arith.constant 9 : i32
      %dma_start3A_403 = arith.constant 0 : i32
      %dma_start3A_404 = arith.constant 0 : i32
      %dma_start3A_405 = tpu.memref_slice %arg9[%dma_start3A_402, %dma_start3A_403, %dma_start3A_404] : memref<16x8x32xf32, #tpu.memory_space<vmem>> -> memref<1x8x32xf32, #tpu.memory_space<vmem>>
      %dma_start3A_406 = tpu.memref_squeeze %dma_start3A_405 : memref<1x8x32xf32, #tpu.memory_space<vmem>> -> memref<8x32xf32, #tpu.memory_space<vmem>>
      %dma_start3A_407 = arith.constant 0 : i32
      %dma_start3A_408 = arith.constant 0 : i32
      %dma_start3A_409 = tpu.memref_slice %arg4[%shift_right_logical3A_397, %dma_start3A_407, %dma_start3A_408] : memref<125000x8x32xf32, #tpu.memory_space<hbm>> -> memref<1x8x32xf32, #tpu.memory_space<hbm>>
      %dma_start3A_410 = tpu.memref_squeeze %dma_start3A_409 : memref<1x8x32xf32, #tpu.memory_space<hbm>> -> memref<8x32xf32, #tpu.memory_space<hbm>>
      %dma_start3A_411 = arith.constant 0 : i32
      %dma_start3A_412 = arith.constant 0 : i32
      %dma_start3A_413 = tpu.memref_slice %arg9[%dma_start3A_402, %dma_start3A_411, %dma_start3A_412] : memref<16x8x32xf32, #tpu.memory_space<vmem>> -> memref<1x8x32xf32, #tpu.memory_space<vmem>>
      %dma_start3A_414 = tpu.memref_squeeze %dma_start3A_413 : memref<1x8x32xf32, #tpu.memory_space<vmem>> -> memref<8x32xf32, #tpu.memory_space<vmem>>
      %dma_start3A_415 = arith.constant 0 : i32
      %dma_start3A_416 = arith.constant 0 : i32
      %dma_start3A_417 = tpu.memref_slice %arg4[%shift_right_logical3A_397, %dma_start3A_415, %dma_start3A_416] : memref<125000x8x32xf32, #tpu.memory_space<hbm>> -> memref<1x8x32xf32, #tpu.memory_space<hbm>>
      %dma_start3A_418 = tpu.memref_squeeze %dma_start3A_417 : memref<1x8x32xf32, #tpu.memory_space<hbm>> -> memref<8x32xf32, #tpu.memory_space<hbm>>
      tpu.enqueue_dma source(%dma_start3A_418 : memref<8x32xf32, #tpu.memory_space<hbm>>) target(%dma_start3A_414 : memref<8x32xf32, #tpu.memory_space<vmem>>) target_semaphore(%arg14 : memref<!tpu.dma_semaphore, #tpu.memory_space<semaphore_mem>>)
      %dma_start3A_419 = arith.constant 9 : i32
      %dma_start3A_420 = arith.constant 0 : i32
      %dma_start3A_421 = arith.constant 0 : i32
      %dma_start3A_422 = tpu.memref_slice %arg10[%dma_start3A_419, %dma_start3A_420, %dma_start3A_421] : memref<16x8x32xf32, #tpu.memory_space<vmem>> -> memref<1x8x32xf32, #tpu.memory_space<vmem>>
      %dma_start3A_423 = tpu.memref_squeeze %dma_start3A_422 : memref<1x8x32xf32, #tpu.memory_space<vmem>> -> memref<8x32xf32, #tpu.memory_space<vmem>>
      %dma_start3A_424 = arith.constant 0 : i32
      %dma_start3A_425 = arith.constant 0 : i32
      %dma_start3A_426 = tpu.memref_slice %arg5[%shift_right_logical3A_401, %dma_start3A_424, %dma_start3A_425] : memref<125000x8x32xf32, #tpu.memory_space<hbm>> -> memref<1x8x32xf32, #tpu.memory_space<hbm>>
      %dma_start3A_427 = tpu.memref_squeeze %dma_start3A_426 : memref<1x8x32xf32, #tpu.memory_space<hbm>> -> memref<8x32xf32, #tpu.memory_space<hbm>>
      %dma_start3A_428 = arith.constant 0 : i32
      %dma_start3A_429 = arith.constant 0 : i32
      %dma_start3A_430 = tpu.memref_slice %arg10[%dma_start3A_419, %dma_start3A_428, %dma_start3A_429] : memref<16x8x32xf32, #tpu.memory_space<vmem>> -> memref<1x8x32xf32, #tpu.memory_space<vmem>>
      %dma_start3A_431 = tpu.memref_squeeze %dma_start3A_430 : memref<1x8x32xf32, #tpu.memory_space<vmem>> -> memref<8x32xf32, #tpu.memory_space<vmem>>
      %dma_start3A_432 = arith.constant 0 : i32
      %dma_start3A_433 = arith.constant 0 : i32
      %dma_start3A_434 = tpu.memref_slice %arg5[%shift_right_logical3A_401, %dma_start3A_432, %dma_start3A_433] : memref<125000x8x32xf32, #tpu.memory_space<hbm>> -> memref<1x8x32xf32, #tpu.memory_space<hbm>>
      %dma_start3A_435 = tpu.memref_squeeze %dma_start3A_434 : memref<1x8x32xf32, #tpu.memory_space<hbm>> -> memref<8x32xf32, #tpu.memory_space<hbm>>
      tpu.enqueue_dma source(%dma_start3A_435 : memref<8x32xf32, #tpu.memory_space<hbm>>) target(%dma_start3A_431 : memref<8x32xf32, #tpu.memory_space<vmem>>) target_semaphore(%arg15 : memref<!tpu.dma_semaphore, #tpu.memory_space<semaphore_mem>>)
      %slice3A_436 = vector.extract_strided_slice %get3A_17 {offsets = [10], sizes = [1], strides = [1]} : vector<16xi32> to vector<1xi32>
      %squeeze3A_437 = vector.extract %slice3A_436[0] : i32 from vector<1xi32>
      %shift_right_logical3A_438 = arith.constant 3 : i32
      %shift_right_logical3A_439 = arith.shrui %squeeze3A_437, %shift_right_logical3A_438 : i32
      %slice3A_440 = vector.extract_strided_slice %get3A_19 {offsets = [10], sizes = [1], strides = [1]} : vector<16xi32> to vector<1xi32>
      %squeeze3A_441 = vector.extract %slice3A_440[0] : i32 from vector<1xi32>
      %shift_right_logical3A_442 = arith.constant 3 : i32
      %shift_right_logical3A_443 = arith.shrui %squeeze3A_441, %shift_right_logical3A_442 : i32
      %dma_start3A_444 = arith.constant 10 : i32
      %dma_start3A_445 = arith.constant 0 : i32
      %dma_start3A_446 = arith.constant 0 : i32
      %dma_start3A_447 = tpu.memref_slice %arg9[%dma_start3A_444, %dma_start3A_445, %dma_start3A_446] : memref<16x8x32xf32, #tpu.memory_space<vmem>> -> memref<1x8x32xf32, #tpu.memory_space<vmem>>
      %dma_start3A_448 = tpu.memref_squeeze %dma_start3A_447 : memref<1x8x32xf32, #tpu.memory_space<vmem>> -> memref<8x32xf32, #tpu.memory_space<vmem>>
      %dma_start3A_449 = arith.constant 0 : i32
      %dma_start3A_450 = arith.constant 0 : i32
      %dma_start3A_451 = tpu.memref_slice %arg4[%shift_right_logical3A_439, %dma_start3A_449, %dma_start3A_450] : memref<125000x8x32xf32, #tpu.memory_space<hbm>> -> memref<1x8x32xf32, #tpu.memory_space<hbm>>
      %dma_start3A_452 = tpu.memref_squeeze %dma_start3A_451 : memref<1x8x32xf32, #tpu.memory_space<hbm>> -> memref<8x32xf32, #tpu.memory_space<hbm>>
      %dma_start3A_453 = arith.constant 0 : i32
      %dma_start3A_454 = arith.constant 0 : i32
      %dma_start3A_455 = tpu.memref_slice %arg9[%dma_start3A_444, %dma_start3A_453, %dma_start3A_454] : memref<16x8x32xf32, #tpu.memory_space<vmem>> -> memref<1x8x32xf32, #tpu.memory_space<vmem>>
      %dma_start3A_456 = tpu.memref_squeeze %dma_start3A_455 : memref<1x8x32xf32, #tpu.memory_space<vmem>> -> memref<8x32xf32, #tpu.memory_space<vmem>>
      %dma_start3A_457 = arith.constant 0 : i32
      %dma_start3A_458 = arith.constant 0 : i32
      %dma_start3A_459 = tpu.memref_slice %arg4[%shift_right_logical3A_439, %dma_start3A_457, %dma_start3A_458] : memref<125000x8x32xf32, #tpu.memory_space<hbm>> -> memref<1x8x32xf32, #tpu.memory_space<hbm>>
      %dma_start3A_460 = tpu.memref_squeeze %dma_start3A_459 : memref<1x8x32xf32, #tpu.memory_space<hbm>> -> memref<8x32xf32, #tpu.memory_space<hbm>>
      tpu.enqueue_dma source(%dma_start3A_460 : memref<8x32xf32, #tpu.memory_space<hbm>>) target(%dma_start3A_456 : memref<8x32xf32, #tpu.memory_space<vmem>>) target_semaphore(%arg14 : memref<!tpu.dma_semaphore, #tpu.memory_space<semaphore_mem>>)
      %dma_start3A_461 = arith.constant 10 : i32
      %dma_start3A_462 = arith.constant 0 : i32
      %dma_start3A_463 = arith.constant 0 : i32
      %dma_start3A_464 = tpu.memref_slice %arg10[%dma_start3A_461, %dma_start3A_462, %dma_start3A_463] : memref<16x8x32xf32, #tpu.memory_space<vmem>> -> memref<1x8x32xf32, #tpu.memory_space<vmem>>
      %dma_start3A_465 = tpu.memref_squeeze %dma_start3A_464 : memref<1x8x32xf32, #tpu.memory_space<vmem>> -> memref<8x32xf32, #tpu.memory_space<vmem>>
      %dma_start3A_466 = arith.constant 0 : i32
      %dma_start3A_467 = arith.constant 0 : i32
      %dma_start3A_468 = tpu.memref_slice %arg5[%shift_right_logical3A_443, %dma_start3A_466, %dma_start3A_467] : memref<125000x8x32xf32, #tpu.memory_space<hbm>> -> memref<1x8x32xf32, #tpu.memory_space<hbm>>
      %dma_start3A_469 = tpu.memref_squeeze %dma_start3A_468 : memref<1x8x32xf32, #tpu.memory_space<hbm>> -> memref<8x32xf32, #tpu.memory_space<hbm>>
      %dma_start3A_470 = arith.constant 0 : i32
      %dma_start3A_471 = arith.constant 0 : i32
      %dma_start3A_472 = tpu.memref_slice %arg10[%dma_start3A_461, %dma_start3A_470, %dma_start3A_471] : memref<16x8x32xf32, #tpu.memory_space<vmem>> -> memref<1x8x32xf32, #tpu.memory_space<vmem>>
      %dma_start3A_473 = tpu.memref_squeeze %dma_start3A_472 : memref<1x8x32xf32, #tpu.memory_space<vmem>> -> memref<8x32xf32, #tpu.memory_space<vmem>>
      %dma_start3A_474 = arith.constant 0 : i32
      %dma_start3A_475 = arith.constant 0 : i32
      %dma_start3A_476 = tpu.memref_slice %arg5[%shift_right_logical3A_443, %dma_start3A_474, %dma_start3A_475] : memref<125000x8x32xf32, #tpu.memory_space<hbm>> -> memref<1x8x32xf32, #tpu.memory_space<hbm>>
      %dma_start3A_477 = tpu.memref_squeeze %dma_start3A_476 : memref<1x8x32xf32, #tpu.memory_space<hbm>> -> memref<8x32xf32, #tpu.memory_space<hbm>>
      tpu.enqueue_dma source(%dma_start3A_477 : memref<8x32xf32, #tpu.memory_space<hbm>>) target(%dma_start3A_473 : memref<8x32xf32, #tpu.memory_space<vmem>>) target_semaphore(%arg15 : memref<!tpu.dma_semaphore, #tpu.memory_space<semaphore_mem>>)
      %slice3A_478 = vector.extract_strided_slice %get3A_17 {offsets = [11], sizes = [1], strides = [1]} : vector<16xi32> to vector<1xi32>
      %squeeze3A_479 = vector.extract %slice3A_478[0] : i32 from vector<1xi32>
      %shift_right_logical3A_480 = arith.constant 3 : i32
      %shift_right_logical3A_481 = arith.shrui %squeeze3A_479, %shift_right_logical3A_480 : i32
      %slice3A_482 = vector.extract_strided_slice %get3A_19 {offsets = [11], sizes = [1], strides = [1]} : vector<16xi32> to vector<1xi32>
      %squeeze3A_483 = vector.extract %slice3A_482[0] : i32 from vector<1xi32>
      %shift_right_logical3A_484 = arith.constant 3 : i32
      %shift_right_logical3A_485 = arith.shrui %squeeze3A_483, %shift_right_logical3A_484 : i32
      %dma_start3A_486 = arith.constant 11 : i32
      %dma_start3A_487 = arith.constant 0 : i32
      %dma_start3A_488 = arith.constant 0 : i32
      %dma_start3A_489 = tpu.memref_slice %arg9[%dma_start3A_486, %dma_start3A_487, %dma_start3A_488] : memref<16x8x32xf32, #tpu.memory_space<vmem>> -> memref<1x8x32xf32, #tpu.memory_space<vmem>>
      %dma_start3A_490 = tpu.memref_squeeze %dma_start3A_489 : memref<1x8x32xf32, #tpu.memory_space<vmem>> -> memref<8x32xf32, #tpu.memory_space<vmem>>
      %dma_start3A_491 = arith.constant 0 : i32
      %dma_start3A_492 = arith.constant 0 : i32
      %dma_start3A_493 = tpu.memref_slice %arg4[%shift_right_logical3A_481, %dma_start3A_491, %dma_start3A_492] : memref<125000x8x32xf32, #tpu.memory_space<hbm>> -> memref<1x8x32xf32, #tpu.memory_space<hbm>>
      %dma_start3A_494 = tpu.memref_squeeze %dma_start3A_493 : memref<1x8x32xf32, #tpu.memory_space<hbm>> -> memref<8x32xf32, #tpu.memory_space<hbm>>
      %dma_start3A_495 = arith.constant 0 : i32
      %dma_start3A_496 = arith.constant 0 : i32
      %dma_start3A_497 = tpu.memref_slice %arg9[%dma_start3A_486, %dma_start3A_495, %dma_start3A_496] : memref<16x8x32xf32, #tpu.memory_space<vmem>> -> memref<1x8x32xf32, #tpu.memory_space<vmem>>
      %dma_start3A_498 = tpu.memref_squeeze %dma_start3A_497 : memref<1x8x32xf32, #tpu.memory_space<vmem>> -> memref<8x32xf32, #tpu.memory_space<vmem>>
      %dma_start3A_499 = arith.constant 0 : i32
      %dma_start3A_500 = arith.constant 0 : i32
      %dma_start3A_501 = tpu.memref_slice %arg4[%shift_right_logical3A_481, %dma_start3A_499, %dma_start3A_500] : memref<125000x8x32xf32, #tpu.memory_space<hbm>> -> memref<1x8x32xf32, #tpu.memory_space<hbm>>
      %dma_start3A_502 = tpu.memref_squeeze %dma_start3A_501 : memref<1x8x32xf32, #tpu.memory_space<hbm>> -> memref<8x32xf32, #tpu.memory_space<hbm>>
      tpu.enqueue_dma source(%dma_start3A_502 : memref<8x32xf32, #tpu.memory_space<hbm>>) target(%dma_start3A_498 : memref<8x32xf32, #tpu.memory_space<vmem>>) target_semaphore(%arg14 : memref<!tpu.dma_semaphore, #tpu.memory_space<semaphore_mem>>)
      %dma_start3A_503 = arith.constant 11 : i32
      %dma_start3A_504 = arith.constant 0 : i32
      %dma_start3A_505 = arith.constant 0 : i32
      %dma_start3A_506 = tpu.memref_slice %arg10[%dma_start3A_503, %dma_start3A_504, %dma_start3A_505] : memref<16x8x32xf32, #tpu.memory_space<vmem>> -> memref<1x8x32xf32, #tpu.memory_space<vmem>>
      %dma_start3A_507 = tpu.memref_squeeze %dma_start3A_506 : memref<1x8x32xf32, #tpu.memory_space<vmem>> -> memref<8x32xf32, #tpu.memory_space<vmem>>
      %dma_start3A_508 = arith.constant 0 : i32
      %dma_start3A_509 = arith.constant 0 : i32
      %dma_start3A_510 = tpu.memref_slice %arg5[%shift_right_logical3A_485, %dma_start3A_508, %dma_start3A_509] : memref<125000x8x32xf32, #tpu.memory_space<hbm>> -> memref<1x8x32xf32, #tpu.memory_space<hbm>>
      %dma_start3A_511 = tpu.memref_squeeze %dma_start3A_510 : memref<1x8x32xf32, #tpu.memory_space<hbm>> -> memref<8x32xf32, #tpu.memory_space<hbm>>
      %dma_start3A_512 = arith.constant 0 : i32
      %dma_start3A_513 = arith.constant 0 : i32
      %dma_start3A_514 = tpu.memref_slice %arg10[%dma_start3A_503, %dma_start3A_512, %dma_start3A_513] : memref<16x8x32xf32, #tpu.memory_space<vmem>> -> memref<1x8x32xf32, #tpu.memory_space<vmem>>
      %dma_start3A_515 = tpu.memref_squeeze %dma_start3A_514 : memref<1x8x32xf32, #tpu.memory_space<vmem>> -> memref<8x32xf32, #tpu.memory_space<vmem>>
      %dma_start3A_516 = arith.constant 0 : i32
      %dma_start3A_517 = arith.constant 0 : i32
      %dma_start3A_518 = tpu.memref_slice %arg5[%shift_right_logical3A_485, %dma_start3A_516, %dma_start3A_517] : memref<125000x8x32xf32, #tpu.memory_space<hbm>> -> memref<1x8x32xf32, #tpu.memory_space<hbm>>
      %dma_start3A_519 = tpu.memref_squeeze %dma_start3A_518 : memref<1x8x32xf32, #tpu.memory_space<hbm>> -> memref<8x32xf32, #tpu.memory_space<hbm>>
      tpu.enqueue_dma source(%dma_start3A_519 : memref<8x32xf32, #tpu.memory_space<hbm>>) target(%dma_start3A_515 : memref<8x32xf32, #tpu.memory_space<vmem>>) target_semaphore(%arg15 : memref<!tpu.dma_semaphore, #tpu.memory_space<semaphore_mem>>)
      %slice3A_520 = vector.extract_strided_slice %get3A_17 {offsets = [12], sizes = [1], strides = [1]} : vector<16xi32> to vector<1xi32>
      %squeeze3A_521 = vector.extract %slice3A_520[0] : i32 from vector<1xi32>
      %shift_right_logical3A_522 = arith.constant 3 : i32
      %shift_right_logical3A_523 = arith.shrui %squeeze3A_521, %shift_right_logical3A_522 : i32
      %slice3A_524 = vector.extract_strided_slice %get3A_19 {offsets = [12], sizes = [1], strides = [1]} : vector<16xi32> to vector<1xi32>
      %squeeze3A_525 = vector.extract %slice3A_524[0] : i32 from vector<1xi32>
      %shift_right_logical3A_526 = arith.constant 3 : i32
      %shift_right_logical3A_527 = arith.shrui %squeeze3A_525, %shift_right_logical3A_526 : i32
      %dma_start3A_528 = arith.constant 12 : i32
      %dma_start3A_529 = arith.constant 0 : i32
      %dma_start3A_530 = arith.constant 0 : i32
      %dma_start3A_531 = tpu.memref_slice %arg9[%dma_start3A_528, %dma_start3A_529, %dma_start3A_530] : memref<16x8x32xf32, #tpu.memory_space<vmem>> -> memref<1x8x32xf32, #tpu.memory_space<vmem>>
      %dma_start3A_532 = tpu.memref_squeeze %dma_start3A_531 : memref<1x8x32xf32, #tpu.memory_space<vmem>> -> memref<8x32xf32, #tpu.memory_space<vmem>>
      %dma_start3A_533 = arith.constant 0 : i32
      %dma_start3A_534 = arith.constant 0 : i32
      %dma_start3A_535 = tpu.memref_slice %arg4[%shift_right_logical3A_523, %dma_start3A_533, %dma_start3A_534] : memref<125000x8x32xf32, #tpu.memory_space<hbm>> -> memref<1x8x32xf32, #tpu.memory_space<hbm>>
      %dma_start3A_536 = tpu.memref_squeeze %dma_start3A_535 : memref<1x8x32xf32, #tpu.memory_space<hbm>> -> memref<8x32xf32, #tpu.memory_space<hbm>>
      %dma_start3A_537 = arith.constant 0 : i32
      %dma_start3A_538 = arith.constant 0 : i32
      %dma_start3A_539 = tpu.memref_slice %arg9[%dma_start3A_528, %dma_start3A_537, %dma_start3A_538] : memref<16x8x32xf32, #tpu.memory_space<vmem>> -> memref<1x8x32xf32, #tpu.memory_space<vmem>>
      %dma_start3A_540 = tpu.memref_squeeze %dma_start3A_539 : memref<1x8x32xf32, #tpu.memory_space<vmem>> -> memref<8x32xf32, #tpu.memory_space<vmem>>
      %dma_start3A_541 = arith.constant 0 : i32
      %dma_start3A_542 = arith.constant 0 : i32
      %dma_start3A_543 = tpu.memref_slice %arg4[%shift_right_logical3A_523, %dma_start3A_541, %dma_start3A_542] : memref<125000x8x32xf32, #tpu.memory_space<hbm>> -> memref<1x8x32xf32, #tpu.memory_space<hbm>>
      %dma_start3A_544 = tpu.memref_squeeze %dma_start3A_543 : memref<1x8x32xf32, #tpu.memory_space<hbm>> -> memref<8x32xf32, #tpu.memory_space<hbm>>
      tpu.enqueue_dma source(%dma_start3A_544 : memref<8x32xf32, #tpu.memory_space<hbm>>) target(%dma_start3A_540 : memref<8x32xf32, #tpu.memory_space<vmem>>) target_semaphore(%arg14 : memref<!tpu.dma_semaphore, #tpu.memory_space<semaphore_mem>>)
      %dma_start3A_545 = arith.constant 12 : i32
      %dma_start3A_546 = arith.constant 0 : i32
      %dma_start3A_547 = arith.constant 0 : i32
      %dma_start3A_548 = tpu.memref_slice %arg10[%dma_start3A_545, %dma_start3A_546, %dma_start3A_547] : memref<16x8x32xf32, #tpu.memory_space<vmem>> -> memref<1x8x32xf32, #tpu.memory_space<vmem>>
      %dma_start3A_549 = tpu.memref_squeeze %dma_start3A_548 : memref<1x8x32xf32, #tpu.memory_space<vmem>> -> memref<8x32xf32, #tpu.memory_space<vmem>>
      %dma_start3A_550 = arith.constant 0 : i32
      %dma_start3A_551 = arith.constant 0 : i32
      %dma_start3A_552 = tpu.memref_slice %arg5[%shift_right_logical3A_527, %dma_start3A_550, %dma_start3A_551] : memref<125000x8x32xf32, #tpu.memory_space<hbm>> -> memref<1x8x32xf32, #tpu.memory_space<hbm>>
      %dma_start3A_553 = tpu.memref_squeeze %dma_start3A_552 : memref<1x8x32xf32, #tpu.memory_space<hbm>> -> memref<8x32xf32, #tpu.memory_space<hbm>>
      %dma_start3A_554 = arith.constant 0 : i32
      %dma_start3A_555 = arith.constant 0 : i32
      %dma_start3A_556 = tpu.memref_slice %arg10[%dma_start3A_545, %dma_start3A_554, %dma_start3A_555] : memref<16x8x32xf32, #tpu.memory_space<vmem>> -> memref<1x8x32xf32, #tpu.memory_space<vmem>>
      %dma_start3A_557 = tpu.memref_squeeze %dma_start3A_556 : memref<1x8x32xf32, #tpu.memory_space<vmem>> -> memref<8x32xf32, #tpu.memory_space<vmem>>
      %dma_start3A_558 = arith.constant 0 : i32
      %dma_start3A_559 = arith.constant 0 : i32
      %dma_start3A_560 = tpu.memref_slice %arg5[%shift_right_logical3A_527, %dma_start3A_558, %dma_start3A_559] : memref<125000x8x32xf32, #tpu.memory_space<hbm>> -> memref<1x8x32xf32, #tpu.memory_space<hbm>>
      %dma_start3A_561 = tpu.memref_squeeze %dma_start3A_560 : memref<1x8x32xf32, #tpu.memory_space<hbm>> -> memref<8x32xf32, #tpu.memory_space<hbm>>
      tpu.enqueue_dma source(%dma_start3A_561 : memref<8x32xf32, #tpu.memory_space<hbm>>) target(%dma_start3A_557 : memref<8x32xf32, #tpu.memory_space<vmem>>) target_semaphore(%arg15 : memref<!tpu.dma_semaphore, #tpu.memory_space<semaphore_mem>>)
      %slice3A_562 = vector.extract_strided_slice %get3A_17 {offsets = [13], sizes = [1], strides = [1]} : vector<16xi32> to vector<1xi32>
      %squeeze3A_563 = vector.extract %slice3A_562[0] : i32 from vector<1xi32>
      %shift_right_logical3A_564 = arith.constant 3 : i32
      %shift_right_logical3A_565 = arith.shrui %squeeze3A_563, %shift_right_logical3A_564 : i32
      %slice3A_566 = vector.extract_strided_slice %get3A_19 {offsets = [13], sizes = [1], strides = [1]} : vector<16xi32> to vector<1xi32>
      %squeeze3A_567 = vector.extract %slice3A_566[0] : i32 from vector<1xi32>
      %shift_right_logical3A_568 = arith.constant 3 : i32
      %shift_right_logical3A_569 = arith.shrui %squeeze3A_567, %shift_right_logical3A_568 : i32
      %dma_start3A_570 = arith.constant 13 : i32
      %dma_start3A_571 = arith.constant 0 : i32
      %dma_start3A_572 = arith.constant 0 : i32
      %dma_start3A_573 = tpu.memref_slice %arg9[%dma_start3A_570, %dma_start3A_571, %dma_start3A_572] : memref<16x8x32xf32, #tpu.memory_space<vmem>> -> memref<1x8x32xf32, #tpu.memory_space<vmem>>
      %dma_start3A_574 = tpu.memref_squeeze %dma_start3A_573 : memref<1x8x32xf32, #tpu.memory_space<vmem>> -> memref<8x32xf32, #tpu.memory_space<vmem>>
      %dma_start3A_575 = arith.constant 0 : i32
      %dma_start3A_576 = arith.constant 0 : i32
      %dma_start3A_577 = tpu.memref_slice %arg4[%shift_right_logical3A_565, %dma_start3A_575, %dma_start3A_576] : memref<125000x8x32xf32, #tpu.memory_space<hbm>> -> memref<1x8x32xf32, #tpu.memory_space<hbm>>
      %dma_start3A_578 = tpu.memref_squeeze %dma_start3A_577 : memref<1x8x32xf32, #tpu.memory_space<hbm>> -> memref<8x32xf32, #tpu.memory_space<hbm>>
      %dma_start3A_579 = arith.constant 0 : i32
      %dma_start3A_580 = arith.constant 0 : i32
      %dma_start3A_581 = tpu.memref_slice %arg9[%dma_start3A_570, %dma_start3A_579, %dma_start3A_580] : memref<16x8x32xf32, #tpu.memory_space<vmem>> -> memref<1x8x32xf32, #tpu.memory_space<vmem>>
      %dma_start3A_582 = tpu.memref_squeeze %dma_start3A_581 : memref<1x8x32xf32, #tpu.memory_space<vmem>> -> memref<8x32xf32, #tpu.memory_space<vmem>>
      %dma_start3A_583 = arith.constant 0 : i32
      %dma_start3A_584 = arith.constant 0 : i32
      %dma_start3A_585 = tpu.memref_slice %arg4[%shift_right_logical3A_565, %dma_start3A_583, %dma_start3A_584] : memref<125000x8x32xf32, #tpu.memory_space<hbm>> -> memref<1x8x32xf32, #tpu.memory_space<hbm>>
      %dma_start3A_586 = tpu.memref_squeeze %dma_start3A_585 : memref<1x8x32xf32, #tpu.memory_space<hbm>> -> memref<8x32xf32, #tpu.memory_space<hbm>>
      tpu.enqueue_dma source(%dma_start3A_586 : memref<8x32xf32, #tpu.memory_space<hbm>>) target(%dma_start3A_582 : memref<8x32xf32, #tpu.memory_space<vmem>>) target_semaphore(%arg14 : memref<!tpu.dma_semaphore, #tpu.memory_space<semaphore_mem>>)
      %dma_start3A_587 = arith.constant 13 : i32
      %dma_start3A_588 = arith.constant 0 : i32
      %dma_start3A_589 = arith.constant 0 : i32
      %dma_start3A_590 = tpu.memref_slice %arg10[%dma_start3A_587, %dma_start3A_588, %dma_start3A_589] : memref<16x8x32xf32, #tpu.memory_space<vmem>> -> memref<1x8x32xf32, #tpu.memory_space<vmem>>
      %dma_start3A_591 = tpu.memref_squeeze %dma_start3A_590 : memref<1x8x32xf32, #tpu.memory_space<vmem>> -> memref<8x32xf32, #tpu.memory_space<vmem>>
      %dma_start3A_592 = arith.constant 0 : i32
      %dma_start3A_593 = arith.constant 0 : i32
      %dma_start3A_594 = tpu.memref_slice %arg5[%shift_right_logical3A_569, %dma_start3A_592, %dma_start3A_593] : memref<125000x8x32xf32, #tpu.memory_space<hbm>> -> memref<1x8x32xf32, #tpu.memory_space<hbm>>
      %dma_start3A_595 = tpu.memref_squeeze %dma_start3A_594 : memref<1x8x32xf32, #tpu.memory_space<hbm>> -> memref<8x32xf32, #tpu.memory_space<hbm>>
      %dma_start3A_596 = arith.constant 0 : i32
      %dma_start3A_597 = arith.constant 0 : i32
      %dma_start3A_598 = tpu.memref_slice %arg10[%dma_start3A_587, %dma_start3A_596, %dma_start3A_597] : memref<16x8x32xf32, #tpu.memory_space<vmem>> -> memref<1x8x32xf32, #tpu.memory_space<vmem>>
      %dma_start3A_599 = tpu.memref_squeeze %dma_start3A_598 : memref<1x8x32xf32, #tpu.memory_space<vmem>> -> memref<8x32xf32, #tpu.memory_space<vmem>>
      %dma_start3A_600 = arith.constant 0 : i32
      %dma_start3A_601 = arith.constant 0 : i32
      %dma_start3A_602 = tpu.memref_slice %arg5[%shift_right_logical3A_569, %dma_start3A_600, %dma_start3A_601] : memref<125000x8x32xf32, #tpu.memory_space<hbm>> -> memref<1x8x32xf32, #tpu.memory_space<hbm>>
      %dma_start3A_603 = tpu.memref_squeeze %dma_start3A_602 : memref<1x8x32xf32, #tpu.memory_space<hbm>> -> memref<8x32xf32, #tpu.memory_space<hbm>>
      tpu.enqueue_dma source(%dma_start3A_603 : memref<8x32xf32, #tpu.memory_space<hbm>>) target(%dma_start3A_599 : memref<8x32xf32, #tpu.memory_space<vmem>>) target_semaphore(%arg15 : memref<!tpu.dma_semaphore, #tpu.memory_space<semaphore_mem>>)
      %slice3A_604 = vector.extract_strided_slice %get3A_17 {offsets = [14], sizes = [1], strides = [1]} : vector<16xi32> to vector<1xi32>
      %squeeze3A_605 = vector.extract %slice3A_604[0] : i32 from vector<1xi32>
      %shift_right_logical3A_606 = arith.constant 3 : i32
      %shift_right_logical3A_607 = arith.shrui %squeeze3A_605, %shift_right_logical3A_606 : i32
      %slice3A_608 = vector.extract_strided_slice %get3A_19 {offsets = [14], sizes = [1], strides = [1]} : vector<16xi32> to vector<1xi32>
      %squeeze3A_609 = vector.extract %slice3A_608[0] : i32 from vector<1xi32>
      %shift_right_logical3A_610 = arith.constant 3 : i32
      %shift_right_logical3A_611 = arith.shrui %squeeze3A_609, %shift_right_logical3A_610 : i32
      %dma_start3A_612 = arith.constant 14 : i32
      %dma_start3A_613 = arith.constant 0 : i32
      %dma_start3A_614 = arith.constant 0 : i32
      %dma_start3A_615 = tpu.memref_slice %arg9[%dma_start3A_612, %dma_start3A_613, %dma_start3A_614] : memref<16x8x32xf32, #tpu.memory_space<vmem>> -> memref<1x8x32xf32, #tpu.memory_space<vmem>>
      %dma_start3A_616 = tpu.memref_squeeze %dma_start3A_615 : memref<1x8x32xf32, #tpu.memory_space<vmem>> -> memref<8x32xf32, #tpu.memory_space<vmem>>
      %dma_start3A_617 = arith.constant 0 : i32
      %dma_start3A_618 = arith.constant 0 : i32
      %dma_start3A_619 = tpu.memref_slice %arg4[%shift_right_logical3A_607, %dma_start3A_617, %dma_start3A_618] : memref<125000x8x32xf32, #tpu.memory_space<hbm>> -> memref<1x8x32xf32, #tpu.memory_space<hbm>>
      %dma_start3A_620 = tpu.memref_squeeze %dma_start3A_619 : memref<1x8x32xf32, #tpu.memory_space<hbm>> -> memref<8x32xf32, #tpu.memory_space<hbm>>
      %dma_start3A_621 = arith.constant 0 : i32
      %dma_start3A_622 = arith.constant 0 : i32
      %dma_start3A_623 = tpu.memref_slice %arg9[%dma_start3A_612, %dma_start3A_621, %dma_start3A_622] : memref<16x8x32xf32, #tpu.memory_space<vmem>> -> memref<1x8x32xf32, #tpu.memory_space<vmem>>
      %dma_start3A_624 = tpu.memref_squeeze %dma_start3A_623 : memref<1x8x32xf32, #tpu.memory_space<vmem>> -> memref<8x32xf32, #tpu.memory_space<vmem>>
      %dma_start3A_625 = arith.constant 0 : i32
      %dma_start3A_626 = arith.constant 0 : i32
      %dma_start3A_627 = tpu.memref_slice %arg4[%shift_right_logical3A_607, %dma_start3A_625, %dma_start3A_626] : memref<125000x8x32xf32, #tpu.memory_space<hbm>> -> memref<1x8x32xf32, #tpu.memory_space<hbm>>
      %dma_start3A_628 = tpu.memref_squeeze %dma_start3A_627 : memref<1x8x32xf32, #tpu.memory_space<hbm>> -> memref<8x32xf32, #tpu.memory_space<hbm>>
      tpu.enqueue_dma source(%dma_start3A_628 : memref<8x32xf32, #tpu.memory_space<hbm>>) target(%dma_start3A_624 : memref<8x32xf32, #tpu.memory_space<vmem>>) target_semaphore(%arg14 : memref<!tpu.dma_semaphore, #tpu.memory_space<semaphore_mem>>)
      %dma_start3A_629 = arith.constant 14 : i32
      %dma_start3A_630 = arith.constant 0 : i32
      %dma_start3A_631 = arith.constant 0 : i32
      %dma_start3A_632 = tpu.memref_slice %arg10[%dma_start3A_629, %dma_start3A_630, %dma_start3A_631] : memref<16x8x32xf32, #tpu.memory_space<vmem>> -> memref<1x8x32xf32, #tpu.memory_space<vmem>>
      %dma_start3A_633 = tpu.memref_squeeze %dma_start3A_632 : memref<1x8x32xf32, #tpu.memory_space<vmem>> -> memref<8x32xf32, #tpu.memory_space<vmem>>
      %dma_start3A_634 = arith.constant 0 : i32
      %dma_start3A_635 = arith.constant 0 : i32
      %dma_start3A_636 = tpu.memref_slice %arg5[%shift_right_logical3A_611, %dma_start3A_634, %dma_start3A_635] : memref<125000x8x32xf32, #tpu.memory_space<hbm>> -> memref<1x8x32xf32, #tpu.memory_space<hbm>>
      %dma_start3A_637 = tpu.memref_squeeze %dma_start3A_636 : memref<1x8x32xf32, #tpu.memory_space<hbm>> -> memref<8x32xf32, #tpu.memory_space<hbm>>
      %dma_start3A_638 = arith.constant 0 : i32
      %dma_start3A_639 = arith.constant 0 : i32
      %dma_start3A_640 = tpu.memref_slice %arg10[%dma_start3A_629, %dma_start3A_638, %dma_start3A_639] : memref<16x8x32xf32, #tpu.memory_space<vmem>> -> memref<1x8x32xf32, #tpu.memory_space<vmem>>
      %dma_start3A_641 = tpu.memref_squeeze %dma_start3A_640 : memref<1x8x32xf32, #tpu.memory_space<vmem>> -> memref<8x32xf32, #tpu.memory_space<vmem>>
      %dma_start3A_642 = arith.constant 0 : i32
      %dma_start3A_643 = arith.constant 0 : i32
      %dma_start3A_644 = tpu.memref_slice %arg5[%shift_right_logical3A_611, %dma_start3A_642, %dma_start3A_643] : memref<125000x8x32xf32, #tpu.memory_space<hbm>> -> memref<1x8x32xf32, #tpu.memory_space<hbm>>
      %dma_start3A_645 = tpu.memref_squeeze %dma_start3A_644 : memref<1x8x32xf32, #tpu.memory_space<hbm>> -> memref<8x32xf32, #tpu.memory_space<hbm>>
      tpu.enqueue_dma source(%dma_start3A_645 : memref<8x32xf32, #tpu.memory_space<hbm>>) target(%dma_start3A_641 : memref<8x32xf32, #tpu.memory_space<vmem>>) target_semaphore(%arg15 : memref<!tpu.dma_semaphore, #tpu.memory_space<semaphore_mem>>)
      %slice3A_646 = vector.extract_strided_slice %get3A_17 {offsets = [15], sizes = [1], strides = [1]} : vector<16xi32> to vector<1xi32>
      %squeeze3A_647 = vector.extract %slice3A_646[0] : i32 from vector<1xi32>
      %shift_right_logical3A_648 = arith.constant 3 : i32
      %shift_right_logical3A_649 = arith.shrui %squeeze3A_647, %shift_right_logical3A_648 : i32
      %slice3A_650 = vector.extract_strided_slice %get3A_19 {offsets = [15], sizes = [1], strides = [1]} : vector<16xi32> to vector<1xi32>
      %squeeze3A_651 = vector.extract %slice3A_650[0] : i32 from vector<1xi32>
      %shift_right_logical3A_652 = arith.constant 3 : i32
      %shift_right_logical3A_653 = arith.shrui %squeeze3A_651, %shift_right_logical3A_652 : i32
      %dma_start3A_654 = arith.constant 15 : i32
      %dma_start3A_655 = arith.constant 0 : i32
      %dma_start3A_656 = arith.constant 0 : i32
      %dma_start3A_657 = tpu.memref_slice %arg9[%dma_start3A_654, %dma_start3A_655, %dma_start3A_656] : memref<16x8x32xf32, #tpu.memory_space<vmem>> -> memref<1x8x32xf32, #tpu.memory_space<vmem>>
      %dma_start3A_658 = tpu.memref_squeeze %dma_start3A_657 : memref<1x8x32xf32, #tpu.memory_space<vmem>> -> memref<8x32xf32, #tpu.memory_space<vmem>>
      %dma_start3A_659 = arith.constant 0 : i32
      %dma_start3A_660 = arith.constant 0 : i32
      %dma_start3A_661 = tpu.memref_slice %arg4[%shift_right_logical3A_649, %dma_start3A_659, %dma_start3A_660] : memref<125000x8x32xf32, #tpu.memory_space<hbm>> -> memref<1x8x32xf32, #tpu.memory_space<hbm>>
      %dma_start3A_662 = tpu.memref_squeeze %dma_start3A_661 : memref<1x8x32xf32, #tpu.memory_space<hbm>> -> memref<8x32xf32, #tpu.memory_space<hbm>>
      %dma_start3A_663 = arith.constant 0 : i32
      %dma_start3A_664 = arith.constant 0 : i32
      %dma_start3A_665 = tpu.memref_slice %arg9[%dma_start3A_654, %dma_start3A_663, %dma_start3A_664] : memref<16x8x32xf32, #tpu.memory_space<vmem>> -> memref<1x8x32xf32, #tpu.memory_space<vmem>>
      %dma_start3A_666 = tpu.memref_squeeze %dma_start3A_665 : memref<1x8x32xf32, #tpu.memory_space<vmem>> -> memref<8x32xf32, #tpu.memory_space<vmem>>
      %dma_start3A_667 = arith.constant 0 : i32
      %dma_start3A_668 = arith.constant 0 : i32
      %dma_start3A_669 = tpu.memref_slice %arg4[%shift_right_logical3A_649, %dma_start3A_667, %dma_start3A_668] : memref<125000x8x32xf32, #tpu.memory_space<hbm>> -> memref<1x8x32xf32, #tpu.memory_space<hbm>>
      %dma_start3A_670 = tpu.memref_squeeze %dma_start3A_669 : memref<1x8x32xf32, #tpu.memory_space<hbm>> -> memref<8x32xf32, #tpu.memory_space<hbm>>
      tpu.enqueue_dma source(%dma_start3A_670 : memref<8x32xf32, #tpu.memory_space<hbm>>) target(%dma_start3A_666 : memref<8x32xf32, #tpu.memory_space<vmem>>) target_semaphore(%arg14 : memref<!tpu.dma_semaphore, #tpu.memory_space<semaphore_mem>>)
      %dma_start3A_671 = arith.constant 15 : i32
      %dma_start3A_672 = arith.constant 0 : i32
      %dma_start3A_673 = arith.constant 0 : i32
      %dma_start3A_674 = tpu.memref_slice %arg10[%dma_start3A_671, %dma_start3A_672, %dma_start3A_673] : memref<16x8x32xf32, #tpu.memory_space<vmem>> -> memref<1x8x32xf32, #tpu.memory_space<vmem>>
      %dma_start3A_675 = tpu.memref_squeeze %dma_start3A_674 : memref<1x8x32xf32, #tpu.memory_space<vmem>> -> memref<8x32xf32, #tpu.memory_space<vmem>>
      %dma_start3A_676 = arith.constant 0 : i32
      %dma_start3A_677 = arith.constant 0 : i32
      %dma_start3A_678 = tpu.memref_slice %arg5[%shift_right_logical3A_653, %dma_start3A_676, %dma_start3A_677] : memref<125000x8x32xf32, #tpu.memory_space<hbm>> -> memref<1x8x32xf32, #tpu.memory_space<hbm>>
      %dma_start3A_679 = tpu.memref_squeeze %dma_start3A_678 : memref<1x8x32xf32, #tpu.memory_space<hbm>> -> memref<8x32xf32, #tpu.memory_space<hbm>>
      %dma_start3A_680 = arith.constant 0 : i32
      %dma_start3A_681 = arith.constant 0 : i32
      %dma_start3A_682 = tpu.memref_slice %arg10[%dma_start3A_671, %dma_start3A_680, %dma_start3A_681] : memref<16x8x32xf32, #tpu.memory_space<vmem>> -> memref<1x8x32xf32, #tpu.memory_space<vmem>>
      %dma_start3A_683 = tpu.memref_squeeze %dma_start3A_682 : memref<1x8x32xf32, #tpu.memory_space<vmem>> -> memref<8x32xf32, #tpu.memory_space<vmem>>
      %dma_start3A_684 = arith.constant 0 : i32
      %dma_start3A_685 = arith.constant 0 : i32
      %dma_start3A_686 = tpu.memref_slice %arg5[%shift_right_logical3A_653, %dma_start3A_684, %dma_start3A_685] : memref<125000x8x32xf32, #tpu.memory_space<hbm>> -> memref<1x8x32xf32, #tpu.memory_space<hbm>>
      %dma_start3A_687 = tpu.memref_squeeze %dma_start3A_686 : memref<1x8x32xf32, #tpu.memory_space<hbm>> -> memref<8x32xf32, #tpu.memory_space<hbm>>
      tpu.enqueue_dma source(%dma_start3A_687 : memref<8x32xf32, #tpu.memory_space<hbm>>) target(%dma_start3A_683 : memref<8x32xf32, #tpu.memory_space<vmem>>) target_semaphore(%arg15 : memref<!tpu.dma_semaphore, #tpu.memory_space<semaphore_mem>>)
      %mul3A_688 = arith.constant 2 : i32
      %mul3A_689 = arith.muli %mul3A_688, %scan3A_8 : i32
      %add3A_690 = arith.constant 1 : i32
      %add3A_691 = arith.addi %mul3A_689, %add3A_690 : i32
      %mul3A_692 = arith.constant 16 : i32
      %mul3A_693 = arith.muli %add3A_691, %mul3A_692 : i32
      %multiple_of3A_694 = tpu.assume_multiple %mul3A_693, 16 : i32
      %add3A_695 = arith.constant 0 : i32
      %add3A_696 = arith.addi %multiple_of3A_694, %add3A_695 : i32
      %get3A_697 = arith.index_cast %add3A_696 : i32 to index
      %get3A_698 = tpu.vector_load %arg7[%get3A_697] {strides = array<i32>} : memref<512xi32, #tpu.memory_space<vmem>>, vector<16xi32>,
      %get3A_699 = arith.index_cast %add3A_696 : i32 to index
      %get3A_700 = tpu.vector_load %arg8[%get3A_699] {strides = array<i32>} : memref<512xi32, #tpu.memory_space<vmem>>, vector<16xi32>,
      %slice3A_701 = vector.extract_strided_slice %get3A_698 {offsets = [0], sizes = [1], strides = [1]} : vector<16xi32> to vector<1xi32>
      %squeeze3A_702 = vector.extract %slice3A_701[0] : i32 from vector<1xi32>
      %shift_right_logical3A_703 = arith.constant 3 : i32
      %shift_right_logical3A_704 = arith.shrui %squeeze3A_702, %shift_right_logical3A_703 : i32
      %slice3A_705 = vector.extract_strided_slice %get3A_700 {offsets = [0], sizes = [1], strides = [1]} : vector<16xi32> to vector<1xi32>
      %squeeze3A_706 = vector.extract %slice3A_705[0] : i32 from vector<1xi32>
      %shift_right_logical3A_707 = arith.constant 3 : i32
      %shift_right_logical3A_708 = arith.shrui %squeeze3A_706, %shift_right_logical3A_707 : i32
      %dma_start3A_709 = arith.constant 0 : i32
      %dma_start3A_710 = arith.constant 0 : i32
      %dma_start3A_711 = arith.constant 0 : i32
      %dma_start3A_712 = tpu.memref_slice %arg11[%dma_start3A_709, %dma_start3A_710, %dma_start3A_711] : memref<16x8x32xf32, #tpu.memory_space<vmem>> -> memref<1x8x32xf32, #tpu.memory_space<vmem>>
      %dma_start3A_713 = tpu.memref_squeeze %dma_start3A_712 : memref<1x8x32xf32, #tpu.memory_space<vmem>> -> memref<8x32xf32, #tpu.memory_space<vmem>>
      %dma_start3A_714 = arith.constant 0 : i32
      %dma_start3A_715 = arith.constant 0 : i32
      %dma_start3A_716 = tpu.memref_slice %arg4[%shift_right_logical3A_704, %dma_start3A_714, %dma_start3A_715] : memref<125000x8x32xf32, #tpu.memory_space<hbm>> -> memref<1x8x32xf32, #tpu.memory_space<hbm>>
      %dma_start3A_717 = tpu.memref_squeeze %dma_start3A_716 : memref<1x8x32xf32, #tpu.memory_space<hbm>> -> memref<8x32xf32, #tpu.memory_space<hbm>>
      %dma_start3A_718 = arith.constant 0 : i32
      %dma_start3A_719 = arith.constant 0 : i32
      %dma_start3A_720 = tpu.memref_slice %arg11[%dma_start3A_709, %dma_start3A_718, %dma_start3A_719] : memref<16x8x32xf32, #tpu.memory_space<vmem>> -> memref<1x8x32xf32, #tpu.memory_space<vmem>>
      %dma_start3A_721 = tpu.memref_squeeze %dma_start3A_720 : memref<1x8x32xf32, #tpu.memory_space<vmem>> -> memref<8x32xf32, #tpu.memory_space<vmem>>
      %dma_start3A_722 = arith.constant 0 : i32
      %dma_start3A_723 = arith.constant 0 : i32
      %dma_start3A_724 = tpu.memref_slice %arg4[%shift_right_logical3A_704, %dma_start3A_722, %dma_start3A_723] : memref<125000x8x32xf32, #tpu.memory_space<hbm>> -> memref<1x8x32xf32, #tpu.memory_space<hbm>>
      %dma_start3A_725 = tpu.memref_squeeze %dma_start3A_724 : memref<1x8x32xf32, #tpu.memory_space<hbm>> -> memref<8x32xf32, #tpu.memory_space<hbm>>
      tpu.enqueue_dma source(%dma_start3A_725 : memref<8x32xf32, #tpu.memory_space<hbm>>) target(%dma_start3A_721 : memref<8x32xf32, #tpu.memory_space<vmem>>) target_semaphore(%arg14 : memref<!tpu.dma_semaphore, #tpu.memory_space<semaphore_mem>>)
      %dma_start3A_726 = arith.constant 0 : i32
      %dma_start3A_727 = arith.constant 0 : i32
      %dma_start3A_728 = arith.constant 0 : i32
      %dma_start3A_729 = tpu.memref_slice %arg12[%dma_start3A_726, %dma_start3A_727, %dma_start3A_728] : memref<16x8x32xf32, #tpu.memory_space<vmem>> -> memref<1x8x32xf32, #tpu.memory_space<vmem>>
      %dma_start3A_730 = tpu.memref_squeeze %dma_start3A_729 : memref<1x8x32xf32, #tpu.memory_space<vmem>> -> memref<8x32xf32, #tpu.memory_space<vmem>>
      %dma_start3A_731 = arith.constant 0 : i32
      %dma_start3A_732 = arith.constant 0 : i32
      %dma_start3A_733 = tpu.memref_slice %arg5[%shift_right_logical3A_708, %dma_start3A_731, %dma_start3A_732] : memref<125000x8x32xf32, #tpu.memory_space<hbm>> -> memref<1x8x32xf32, #tpu.memory_space<hbm>>
      %dma_start3A_734 = tpu.memref_squeeze %dma_start3A_733 : memref<1x8x32xf32, #tpu.memory_space<hbm>> -> memref<8x32xf32, #tpu.memory_space<hbm>>
      %dma_start3A_735 = arith.constant 0 : i32
      %dma_start3A_736 = arith.constant 0 : i32
      %dma_start3A_737 = tpu.memref_slice %arg12[%dma_start3A_726, %dma_start3A_735, %dma_start3A_736] : memref<16x8x32xf32, #tpu.memory_space<vmem>> -> memref<1x8x32xf32, #tpu.memory_space<vmem>>
      %dma_start3A_738 = tpu.memref_squeeze %dma_start3A_737 : memref<1x8x32xf32, #tpu.memory_space<vmem>> -> memref<8x32xf32, #tpu.memory_space<vmem>>
      %dma_start3A_739 = arith.constant 0 : i32
      %dma_start3A_740 = arith.constant 0 : i32
      %dma_start3A_741 = tpu.memref_slice %arg5[%shift_right_logical3A_708, %dma_start3A_739, %dma_start3A_740] : memref<125000x8x32xf32, #tpu.memory_space<hbm>> -> memref<1x8x32xf32, #tpu.memory_space<hbm>>
      %dma_start3A_742 = tpu.memref_squeeze %dma_start3A_741 : memref<1x8x32xf32, #tpu.memory_space<hbm>> -> memref<8x32xf32, #tpu.memory_space<hbm>>
      tpu.enqueue_dma source(%dma_start3A_742 : memref<8x32xf32, #tpu.memory_space<hbm>>) target(%dma_start3A_738 : memref<8x32xf32, #tpu.memory_space<vmem>>) target_semaphore(%arg15 : memref<!tpu.dma_semaphore, #tpu.memory_space<semaphore_mem>>)
      %slice3A_743 = vector.extract_strided_slice %get3A_698 {offsets = [1], sizes = [1], strides = [1]} : vector<16xi32> to vector<1xi32>
      %squeeze3A_744 = vector.extract %slice3A_743[0] : i32 from vector<1xi32>
      %shift_right_logical3A_745 = arith.constant 3 : i32
      %shift_right_logical3A_746 = arith.shrui %squeeze3A_744, %shift_right_logical3A_745 : i32
      %slice3A_747 = vector.extract_strided_slice %get3A_700 {offsets = [1], sizes = [1], strides = [1]} : vector<16xi32> to vector<1xi32>
      %squeeze3A_748 = vector.extract %slice3A_747[0] : i32 from vector<1xi32>
      %shift_right_logical3A_749 = arith.constant 3 : i32
      %shift_right_logical3A_750 = arith.shrui %squeeze3A_748, %shift_right_logical3A_749 : i32
      %dma_start3A_751 = arith.constant 1 : i32
      %dma_start3A_752 = arith.constant 0 : i32
      %dma_start3A_753 = arith.constant 0 : i32
      %dma_start3A_754 = tpu.memref_slice %arg11[%dma_start3A_751, %dma_start3A_752, %dma_start3A_753] : memref<16x8x32xf32, #tpu.memory_space<vmem>> -> memref<1x8x32xf32, #tpu.memory_space<vmem>>
      %dma_start3A_755 = tpu.memref_squeeze %dma_start3A_754 : memref<1x8x32xf32, #tpu.memory_space<vmem>> -> memref<8x32xf32, #tpu.memory_space<vmem>>
      %dma_start3A_756 = arith.constant 0 : i32
      %dma_start3A_757 = arith.constant 0 : i32
      %dma_start3A_758 = tpu.memref_slice %arg4[%shift_right_logical3A_746, %dma_start3A_756, %dma_start3A_757] : memref<125000x8x32xf32, #tpu.memory_space<hbm>> -> memref<1x8x32xf32, #tpu.memory_space<hbm>>
      %dma_start3A_759 = tpu.memref_squeeze %dma_start3A_758 : memref<1x8x32xf32, #tpu.memory_space<hbm>> -> memref<8x32xf32, #tpu.memory_space<hbm>>
      %dma_start3A_760 = arith.constant 0 : i32
      %dma_start3A_761 = arith.constant 0 : i32
      %dma_start3A_762 = tpu.memref_slice %arg11[%dma_start3A_751, %dma_start3A_760, %dma_start3A_761] : memref<16x8x32xf32, #tpu.memory_space<vmem>> -> memref<1x8x32xf32, #tpu.memory_space<vmem>>
      %dma_start3A_763 = tpu.memref_squeeze %dma_start3A_762 : memref<1x8x32xf32, #tpu.memory_space<vmem>> -> memref<8x32xf32, #tpu.memory_space<vmem>>
      %dma_start3A_764 = arith.constant 0 : i32
      %dma_start3A_765 = arith.constant 0 : i32
      %dma_start3A_766 = tpu.memref_slice %arg4[%shift_right_logical3A_746, %dma_start3A_764, %dma_start3A_765] : memref<125000x8x32xf32, #tpu.memory_space<hbm>> -> memref<1x8x32xf32, #tpu.memory_space<hbm>>
      %dma_start3A_767 = tpu.memref_squeeze %dma_start3A_766 : memref<1x8x32xf32, #tpu.memory_space<hbm>> -> memref<8x32xf32, #tpu.memory_space<hbm>>
      tpu.enqueue_dma source(%dma_start3A_767 : memref<8x32xf32, #tpu.memory_space<hbm>>) target(%dma_start3A_763 : memref<8x32xf32, #tpu.memory_space<vmem>>) target_semaphore(%arg14 : memref<!tpu.dma_semaphore, #tpu.memory_space<semaphore_mem>>)
      %dma_start3A_768 = arith.constant 1 : i32
      %dma_start3A_769 = arith.constant 0 : i32
      %dma_start3A_770 = arith.constant 0 : i32
      %dma_start3A_771 = tpu.memref_slice %arg12[%dma_start3A_768, %dma_start3A_769, %dma_start3A_770] : memref<16x8x32xf32, #tpu.memory_space<vmem>> -> memref<1x8x32xf32, #tpu.memory_space<vmem>>
      %dma_start3A_772 = tpu.memref_squeeze %dma_start3A_771 : memref<1x8x32xf32, #tpu.memory_space<vmem>> -> memref<8x32xf32, #tpu.memory_space<vmem>>
      %dma_start3A_773 = arith.constant 0 : i32
      %dma_start3A_774 = arith.constant 0 : i32
      %dma_start3A_775 = tpu.memref_slice %arg5[%shift_right_logical3A_750, %dma_start3A_773, %dma_start3A_774] : memref<125000x8x32xf32, #tpu.memory_space<hbm>> -> memref<1x8x32xf32, #tpu.memory_space<hbm>>
      %dma_start3A_776 = tpu.memref_squeeze %dma_start3A_775 : memref<1x8x32xf32, #tpu.memory_space<hbm>> -> memref<8x32xf32, #tpu.memory_space<hbm>>
      %dma_start3A_777 = arith.constant 0 : i32
      %dma_start3A_778 = arith.constant 0 : i32
      %dma_start3A_779 = tpu.memref_slice %arg12[%dma_start3A_768, %dma_start3A_777, %dma_start3A_778] : memref<16x8x32xf32, #tpu.memory_space<vmem>> -> memref<1x8x32xf32, #tpu.memory_space<vmem>>
      %dma_start3A_780 = tpu.memref_squeeze %dma_start3A_779 : memref<1x8x32xf32, #tpu.memory_space<vmem>> -> memref<8x32xf32, #tpu.memory_space<vmem>>
      %dma_start3A_781 = arith.constant 0 : i32
      %dma_start3A_782 = arith.constant 0 : i32
      %dma_start3A_783 = tpu.memref_slice %arg5[%shift_right_logical3A_750, %dma_start3A_781, %dma_start3A_782] : memref<125000x8x32xf32, #tpu.memory_space<hbm>> -> memref<1x8x32xf32, #tpu.memory_space<hbm>>
      %dma_start3A_784 = tpu.memref_squeeze %dma_start3A_783 : memref<1x8x32xf32, #tpu.memory_space<hbm>> -> memref<8x32xf32, #tpu.memory_space<hbm>>
      tpu.enqueue_dma source(%dma_start3A_784 : memref<8x32xf32, #tpu.memory_space<hbm>>) target(%dma_start3A_780 : memref<8x32xf32, #tpu.memory_space<vmem>>) target_semaphore(%arg15 : memref<!tpu.dma_semaphore, #tpu.memory_space<semaphore_mem>>)
      %slice3A_785 = vector.extract_strided_slice %get3A_698 {offsets = [2], sizes = [1], strides = [1]} : vector<16xi32> to vector<1xi32>
      %squeeze3A_786 = vector.extract %slice3A_785[0] : i32 from vector<1xi32>
      %shift_right_logical3A_787 = arith.constant 3 : i32
      %shift_right_logical3A_788 = arith.shrui %squeeze3A_786, %shift_right_logical3A_787 : i32
      %slice3A_789 = vector.extract_strided_slice %get3A_700 {offsets = [2], sizes = [1], strides = [1]} : vector<16xi32> to vector<1xi32>
      %squeeze3A_790 = vector.extract %slice3A_789[0] : i32 from vector<1xi32>
      %shift_right_logical3A_791 = arith.constant 3 : i32
      %shift_right_logical3A_792 = arith.shrui %squeeze3A_790, %shift_right_logical3A_791 : i32
      %dma_start3A_793 = arith.constant 2 : i32
      %dma_start3A_794 = arith.constant 0 : i32
      %dma_start3A_795 = arith.constant 0 : i32
      %dma_start3A_796 = tpu.memref_slice %arg11[%dma_start3A_793, %dma_start3A_794, %dma_start3A_795] : memref<16x8x32xf32, #tpu.memory_space<vmem>> -> memref<1x8x32xf32, #tpu.memory_space<vmem>>
      %dma_start3A_797 = tpu.memref_squeeze %dma_start3A_796 : memref<1x8x32xf32, #tpu.memory_space<vmem>> -> memref<8x32xf32, #tpu.memory_space<vmem>>
      %dma_start3A_798 = arith.constant 0 : i32
      %dma_start3A_799 = arith.constant 0 : i32
      %dma_start3A_800 = tpu.memref_slice %arg4[%shift_right_logical3A_788, %dma_start3A_798, %dma_start3A_799] : memref<125000x8x32xf32, #tpu.memory_space<hbm>> -> memref<1x8x32xf32, #tpu.memory_space<hbm>>
      %dma_start3A_801 = tpu.memref_squeeze %dma_start3A_800 : memref<1x8x32xf32, #tpu.memory_space<hbm>> -> memref<8x32xf32, #tpu.memory_space<hbm>>
      %dma_start3A_802 = arith.constant 0 : i32
      %dma_start3A_803 = arith.constant 0 : i32
      %dma_start3A_804 = tpu.memref_slice %arg11[%dma_start3A_793, %dma_start3A_802, %dma_start3A_803] : memref<16x8x32xf32, #tpu.memory_space<vmem>> -> memref<1x8x32xf32, #tpu.memory_space<vmem>>
      %dma_start3A_805 = tpu.memref_squeeze %dma_start3A_804 : memref<1x8x32xf32, #tpu.memory_space<vmem>> -> memref<8x32xf32, #tpu.memory_space<vmem>>
      %dma_start3A_806 = arith.constant 0 : i32
      %dma_start3A_807 = arith.constant 0 : i32
      %dma_start3A_808 = tpu.memref_slice %arg4[%shift_right_logical3A_788, %dma_start3A_806, %dma_start3A_807] : memref<125000x8x32xf32, #tpu.memory_space<hbm>> -> memref<1x8x32xf32, #tpu.memory_space<hbm>>
      %dma_start3A_809 = tpu.memref_squeeze %dma_start3A_808 : memref<1x8x32xf32, #tpu.memory_space<hbm>> -> memref<8x32xf32, #tpu.memory_space<hbm>>
      tpu.enqueue_dma source(%dma_start3A_809 : memref<8x32xf32, #tpu.memory_space<hbm>>) target(%dma_start3A_805 : memref<8x32xf32, #tpu.memory_space<vmem>>) target_semaphore(%arg14 : memref<!tpu.dma_semaphore, #tpu.memory_space<semaphore_mem>>)
      %dma_start3A_810 = arith.constant 2 : i32
      %dma_start3A_811 = arith.constant 0 : i32
      %dma_start3A_812 = arith.constant 0 : i32
      %dma_start3A_813 = tpu.memref_slice %arg12[%dma_start3A_810, %dma_start3A_811, %dma_start3A_812] : memref<16x8x32xf32, #tpu.memory_space<vmem>> -> memref<1x8x32xf32, #tpu.memory_space<vmem>>
      %dma_start3A_814 = tpu.memref_squeeze %dma_start3A_813 : memref<1x8x32xf32, #tpu.memory_space<vmem>> -> memref<8x32xf32, #tpu.memory_space<vmem>>
      %dma_start3A_815 = arith.constant 0 : i32
      %dma_start3A_816 = arith.constant 0 : i32
      %dma_start3A_817 = tpu.memref_slice %arg5[%shift_right_logical3A_792, %dma_start3A_815, %dma_start3A_816] : memref<125000x8x32xf32, #tpu.memory_space<hbm>> -> memref<1x8x32xf32, #tpu.memory_space<hbm>>
      %dma_start3A_818 = tpu.memref_squeeze %dma_start3A_817 : memref<1x8x32xf32, #tpu.memory_space<hbm>> -> memref<8x32xf32, #tpu.memory_space<hbm>>
      %dma_start3A_819 = arith.constant 0 : i32
      %dma_start3A_820 = arith.constant 0 : i32
      %dma_start3A_821 = tpu.memref_slice %arg12[%dma_start3A_810, %dma_start3A_819, %dma_start3A_820] : memref<16x8x32xf32, #tpu.memory_space<vmem>> -> memref<1x8x32xf32, #tpu.memory_space<vmem>>
      %dma_start3A_822 = tpu.memref_squeeze %dma_start3A_821 : memref<1x8x32xf32, #tpu.memory_space<vmem>> -> memref<8x32xf32, #tpu.memory_space<vmem>>
      %dma_start3A_823 = arith.constant 0 : i32
      %dma_start3A_824 = arith.constant 0 : i32
      %dma_start3A_825 = tpu.memref_slice %arg5[%shift_right_logical3A_792, %dma_start3A_823, %dma_start3A_824] : memref<125000x8x32xf32, #tpu.memory_space<hbm>> -> memref<1x8x32xf32, #tpu.memory_space<hbm>>
      %dma_start3A_826 = tpu.memref_squeeze %dma_start3A_825 : memref<1x8x32xf32, #tpu.memory_space<hbm>> -> memref<8x32xf32, #tpu.memory_space<hbm>>
      tpu.enqueue_dma source(%dma_start3A_826 : memref<8x32xf32, #tpu.memory_space<hbm>>) target(%dma_start3A_822 : memref<8x32xf32, #tpu.memory_space<vmem>>) target_semaphore(%arg15 : memref<!tpu.dma_semaphore, #tpu.memory_space<semaphore_mem>>)
      %slice3A_827 = vector.extract_strided_slice %get3A_698 {offsets = [3], sizes = [1], strides = [1]} : vector<16xi32> to vector<1xi32>
      %squeeze3A_828 = vector.extract %slice3A_827[0] : i32 from vector<1xi32>
      %shift_right_logical3A_829 = arith.constant 3 : i32
      %shift_right_logical3A_830 = arith.shrui %squeeze3A_828, %shift_right_logical3A_829 : i32
      %slice3A_831 = vector.extract_strided_slice %get3A_700 {offsets = [3], sizes = [1], strides = [1]} : vector<16xi32> to vector<1xi32>
      %squeeze3A_832 = vector.extract %slice3A_831[0] : i32 from vector<1xi32>
      %shift_right_logical3A_833 = arith.constant 3 : i32
      %shift_right_logical3A_834 = arith.shrui %squeeze3A_832, %shift_right_logical3A_833 : i32
      %dma_start3A_835 = arith.constant 3 : i32
      %dma_start3A_836 = arith.constant 0 : i32
      %dma_start3A_837 = arith.constant 0 : i32
      %dma_start3A_838 = tpu.memref_slice %arg11[%dma_start3A_835, %dma_start3A_836, %dma_start3A_837] : memref<16x8x32xf32, #tpu.memory_space<vmem>> -> memref<1x8x32xf32, #tpu.memory_space<vmem>>
      %dma_start3A_839 = tpu.memref_squeeze %dma_start3A_838 : memref<1x8x32xf32, #tpu.memory_space<vmem>> -> memref<8x32xf32, #tpu.memory_space<vmem>>
      %dma_start3A_840 = arith.constant 0 : i32
      %dma_start3A_841 = arith.constant 0 : i32
      %dma_start3A_842 = tpu.memref_slice %arg4[%shift_right_logical3A_830, %dma_start3A_840, %dma_start3A_841] : memref<125000x8x32xf32, #tpu.memory_space<hbm>> -> memref<1x8x32xf32, #tpu.memory_space<hbm>>
      %dma_start3A_843 = tpu.memref_squeeze %dma_start3A_842 : memref<1x8x32xf32, #tpu.memory_space<hbm>> -> memref<8x32xf32, #tpu.memory_space<hbm>>
      %dma_start3A_844 = arith.constant 0 : i32
      %dma_start3A_845 = arith.constant 0 : i32
      %dma_start3A_846 = tpu.memref_slice %arg11[%dma_start3A_835, %dma_start3A_844, %dma_start3A_845] : memref<16x8x32xf32, #tpu.memory_space<vmem>> -> memref<1x8x32xf32, #tpu.memory_space<vmem>>
      %dma_start3A_847 = tpu.memref_squeeze %dma_start3A_846 : memref<1x8x32xf32, #tpu.memory_space<vmem>> -> memref<8x32xf32, #tpu.memory_space<vmem>>
      %dma_start3A_848 = arith.constant 0 : i32
      %dma_start3A_849 = arith.constant 0 : i32
      %dma_start3A_850 = tpu.memref_slice %arg4[%shift_right_logical3A_830, %dma_start3A_848, %dma_start3A_849] : memref<125000x8x32xf32, #tpu.memory_space<hbm>> -> memref<1x8x32xf32, #tpu.memory_space<hbm>>
      %dma_start3A_851 = tpu.memref_squeeze %dma_start3A_850 : memref<1x8x32xf32, #tpu.memory_space<hbm>> -> memref<8x32xf32, #tpu.memory_space<hbm>>
      tpu.enqueue_dma source(%dma_start3A_851 : memref<8x32xf32, #tpu.memory_space<hbm>>) target(%dma_start3A_847 : memref<8x32xf32, #tpu.memory_space<vmem>>) target_semaphore(%arg14 : memref<!tpu.dma_semaphore, #tpu.memory_space<semaphore_mem>>)
      %dma_start3A_852 = arith.constant 3 : i32
      %dma_start3A_853 = arith.constant 0 : i32
      %dma_start3A_854 = arith.constant 0 : i32
      %dma_start3A_855 = tpu.memref_slice %arg12[%dma_start3A_852, %dma_start3A_853, %dma_start3A_854] : memref<16x8x32xf32, #tpu.memory_space<vmem>> -> memref<1x8x32xf32, #tpu.memory_space<vmem>>
      %dma_start3A_856 = tpu.memref_squeeze %dma_start3A_855 : memref<1x8x32xf32, #tpu.memory_space<vmem>> -> memref<8x32xf32, #tpu.memory_space<vmem>>
      %dma_start3A_857 = arith.constant 0 : i32
      %dma_start3A_858 = arith.constant 0 : i32
      %dma_start3A_859 = tpu.memref_slice %arg5[%shift_right_logical3A_834, %dma_start3A_857, %dma_start3A_858] : memref<125000x8x32xf32, #tpu.memory_space<hbm>> -> memref<1x8x32xf32, #tpu.memory_space<hbm>>
      %dma_start3A_860 = tpu.memref_squeeze %dma_start3A_859 : memref<1x8x32xf32, #tpu.memory_space<hbm>> -> memref<8x32xf32, #tpu.memory_space<hbm>>
      %dma_start3A_861 = arith.constant 0 : i32
      %dma_start3A_862 = arith.constant 0 : i32
      %dma_start3A_863 = tpu.memref_slice %arg12[%dma_start3A_852, %dma_start3A_861, %dma_start3A_862] : memref<16x8x32xf32, #tpu.memory_space<vmem>> -> memref<1x8x32xf32, #tpu.memory_space<vmem>>
      %dma_start3A_864 = tpu.memref_squeeze %dma_start3A_863 : memref<1x8x32xf32, #tpu.memory_space<vmem>> -> memref<8x32xf32, #tpu.memory_space<vmem>>
      %dma_start3A_865 = arith.constant 0 : i32
      %dma_start3A_866 = arith.constant 0 : i32
      %dma_start3A_867 = tpu.memref_slice %arg5[%shift_right_logical3A_834, %dma_start3A_865, %dma_start3A_866] : memref<125000x8x32xf32, #tpu.memory_space<hbm>> -> memref<1x8x32xf32, #tpu.memory_space<hbm>>
      %dma_start3A_868 = tpu.memref_squeeze %dma_start3A_867 : memref<1x8x32xf32, #tpu.memory_space<hbm>> -> memref<8x32xf32, #tpu.memory_space<hbm>>
      tpu.enqueue_dma source(%dma_start3A_868 : memref<8x32xf32, #tpu.memory_space<hbm>>) target(%dma_start3A_864 : memref<8x32xf32, #tpu.memory_space<vmem>>) target_semaphore(%arg15 : memref<!tpu.dma_semaphore, #tpu.memory_space<semaphore_mem>>)
      %slice3A_869 = vector.extract_strided_slice %get3A_698 {offsets = [4], sizes = [1], strides = [1]} : vector<16xi32> to vector<1xi32>
      %squeeze3A_870 = vector.extract %slice3A_869[0] : i32 from vector<1xi32>
      %shift_right_logical3A_871 = arith.constant 3 : i32
      %shift_right_logical3A_872 = arith.shrui %squeeze3A_870, %shift_right_logical3A_871 : i32
      %slice3A_873 = vector.extract_strided_slice %get3A_700 {offsets = [4], sizes = [1], strides = [1]} : vector<16xi32> to vector<1xi32>
      %squeeze3A_874 = vector.extract %slice3A_873[0] : i32 from vector<1xi32>
      %shift_right_logical3A_875 = arith.constant 3 : i32
      %shift_right_logical3A_876 = arith.shrui %squeeze3A_874, %shift_right_logical3A_875 : i32
      %dma_start3A_877 = arith.constant 4 : i32
      %dma_start3A_878 = arith.constant 0 : i32
      %dma_start3A_879 = arith.constant 0 : i32
      %dma_start3A_880 = tpu.memref_slice %arg11[%dma_start3A_877, %dma_start3A_878, %dma_start3A_879] : memref<16x8x32xf32, #tpu.memory_space<vmem>> -> memref<1x8x32xf32, #tpu.memory_space<vmem>>
      %dma_start3A_881 = tpu.memref_squeeze %dma_start3A_880 : memref<1x8x32xf32, #tpu.memory_space<vmem>> -> memref<8x32xf32, #tpu.memory_space<vmem>>
      %dma_start3A_882 = arith.constant 0 : i32
      %dma_start3A_883 = arith.constant 0 : i32
      %dma_start3A_884 = tpu.memref_slice %arg4[%shift_right_logical3A_872, %dma_start3A_882, %dma_start3A_883] : memref<125000x8x32xf32, #tpu.memory_space<hbm>> -> memref<1x8x32xf32, #tpu.memory_space<hbm>>
      %dma_start3A_885 = tpu.memref_squeeze %dma_start3A_884 : memref<1x8x32xf32, #tpu.memory_space<hbm>> -> memref<8x32xf32, #tpu.memory_space<hbm>>
      %dma_start3A_886 = arith.constant 0 : i32
      %dma_start3A_887 = arith.constant 0 : i32
      %dma_start3A_888 = tpu.memref_slice %arg11[%dma_start3A_877, %dma_start3A_886, %dma_start3A_887] : memref<16x8x32xf32, #tpu.memory_space<vmem>> -> memref<1x8x32xf32, #tpu.memory_space<vmem>>
      %dma_start3A_889 = tpu.memref_squeeze %dma_start3A_888 : memref<1x8x32xf32, #tpu.memory_space<vmem>> -> memref<8x32xf32, #tpu.memory_space<vmem>>
      %dma_start3A_890 = arith.constant 0 : i32
      %dma_start3A_891 = arith.constant 0 : i32
      %dma_start3A_892 = tpu.memref_slice %arg4[%shift_right_logical3A_872, %dma_start3A_890, %dma_start3A_891] : memref<125000x8x32xf32, #tpu.memory_space<hbm>> -> memref<1x8x32xf32, #tpu.memory_space<hbm>>
      %dma_start3A_893 = tpu.memref_squeeze %dma_start3A_892 : memref<1x8x32xf32, #tpu.memory_space<hbm>> -> memref<8x32xf32, #tpu.memory_space<hbm>>
      tpu.enqueue_dma source(%dma_start3A_893 : memref<8x32xf32, #tpu.memory_space<hbm>>) target(%dma_start3A_889 : memref<8x32xf32, #tpu.memory_space<vmem>>) target_semaphore(%arg14 : memref<!tpu.dma_semaphore, #tpu.memory_space<semaphore_mem>>)
      %dma_start3A_894 = arith.constant 4 : i32
      %dma_start3A_895 = arith.constant 0 : i32
      %dma_start3A_896 = arith.constant 0 : i32
      %dma_start3A_897 = tpu.memref_slice %arg12[%dma_start3A_894, %dma_start3A_895, %dma_start3A_896] : memref<16x8x32xf32, #tpu.memory_space<vmem>> -> memref<1x8x32xf32, #tpu.memory_space<vmem>>
      %dma_start3A_898 = tpu.memref_squeeze %dma_start3A_897 : memref<1x8x32xf32, #tpu.memory_space<vmem>> -> memref<8x32xf32, #tpu.memory_space<vmem>>
      %dma_start3A_899 = arith.constant 0 : i32
      %dma_start3A_900 = arith.constant 0 : i32
      %dma_start3A_901 = tpu.memref_slice %arg5[%shift_right_logical3A_876, %dma_start3A_899, %dma_start3A_900] : memref<125000x8x32xf32, #tpu.memory_space<hbm>> -> memref<1x8x32xf32, #tpu.memory_space<hbm>>
      %dma_start3A_902 = tpu.memref_squeeze %dma_start3A_901 : memref<1x8x32xf32, #tpu.memory_space<hbm>> -> memref<8x32xf32, #tpu.memory_space<hbm>>
      %dma_start3A_903 = arith.constant 0 : i32
      %dma_start3A_904 = arith.constant 0 : i32
      %dma_start3A_905 = tpu.memref_slice %arg12[%dma_start3A_894, %dma_start3A_903, %dma_start3A_904] : memref<16x8x32xf32, #tpu.memory_space<vmem>> -> memref<1x8x32xf32, #tpu.memory_space<vmem>>
      %dma_start3A_906 = tpu.memref_squeeze %dma_start3A_905 : memref<1x8x32xf32, #tpu.memory_space<vmem>> -> memref<8x32xf32, #tpu.memory_space<vmem>>
      %dma_start3A_907 = arith.constant 0 : i32
      %dma_start3A_908 = arith.constant 0 : i32
      %dma_start3A_909 = tpu.memref_slice %arg5[%shift_right_logical3A_876, %dma_start3A_907, %dma_start3A_908] : memref<125000x8x32xf32, #tpu.memory_space<hbm>> -> memref<1x8x32xf32, #tpu.memory_space<hbm>>
      %dma_start3A_910 = tpu.memref_squeeze %dma_start3A_909 : memref<1x8x32xf32, #tpu.memory_space<hbm>> -> memref<8x32xf32, #tpu.memory_space<hbm>>
      tpu.enqueue_dma source(%dma_start3A_910 : memref<8x32xf32, #tpu.memory_space<hbm>>) target(%dma_start3A_906 : memref<8x32xf32, #tpu.memory_space<vmem>>) target_semaphore(%arg15 : memref<!tpu.dma_semaphore, #tpu.memory_space<semaphore_mem>>)
      %slice3A_911 = vector.extract_strided_slice %get3A_698 {offsets = [5], sizes = [1], strides = [1]} : vector<16xi32> to vector<1xi32>
      %squeeze3A_912 = vector.extract %slice3A_911[0] : i32 from vector<1xi32>
      %shift_right_logical3A_913 = arith.constant 3 : i32
      %shift_right_logical3A_914 = arith.shrui %squeeze3A_912, %shift_right_logical3A_913 : i32
      %slice3A_915 = vector.extract_strided_slice %get3A_700 {offsets = [5], sizes = [1], strides = [1]} : vector<16xi32> to vector<1xi32>
      %squeeze3A_916 = vector.extract %slice3A_915[0] : i32 from vector<1xi32>
      %shift_right_logical3A_917 = arith.constant 3 : i32
      %shift_right_logical3A_918 = arith.shrui %squeeze3A_916, %shift_right_logical3A_917 : i32
      %dma_start3A_919 = arith.constant 5 : i32
      %dma_start3A_920 = arith.constant 0 : i32
      %dma_start3A_921 = arith.constant 0 : i32
      %dma_start3A_922 = tpu.memref_slice %arg11[%dma_start3A_919, %dma_start3A_920, %dma_start3A_921] : memref<16x8x32xf32, #tpu.memory_space<vmem>> -> memref<1x8x32xf32, #tpu.memory_space<vmem>>
      %dma_start3A_923 = tpu.memref_squeeze %dma_start3A_922 : memref<1x8x32xf32, #tpu.memory_space<vmem>> -> memref<8x32xf32, #tpu.memory_space<vmem>>
      %dma_start3A_924 = arith.constant 0 : i32
      %dma_start3A_925 = arith.constant 0 : i32
      %dma_start3A_926 = tpu.memref_slice %arg4[%shift_right_logical3A_914, %dma_start3A_924, %dma_start3A_925] : memref<125000x8x32xf32, #tpu.memory_space<hbm>> -> memref<1x8x32xf32, #tpu.memory_space<hbm>>
      %dma_start3A_927 = tpu.memref_squeeze %dma_start3A_926 : memref<1x8x32xf32, #tpu.memory_space<hbm>> -> memref<8x32xf32, #tpu.memory_space<hbm>>
      %dma_start3A_928 = arith.constant 0 : i32
      %dma_start3A_929 = arith.constant 0 : i32
      %dma_start3A_930 = tpu.memref_slice %arg11[%dma_start3A_919, %dma_start3A_928, %dma_start3A_929] : memref<16x8x32xf32, #tpu.memory_space<vmem>> -> memref<1x8x32xf32, #tpu.memory_space<vmem>>
      %dma_start3A_931 = tpu.memref_squeeze %dma_start3A_930 : memref<1x8x32xf32, #tpu.memory_space<vmem>> -> memref<8x32xf32, #tpu.memory_space<vmem>>
      %dma_start3A_932 = arith.constant 0 : i32
      %dma_start3A_933 = arith.constant 0 : i32
      %dma_start3A_934 = tpu.memref_slice %arg4[%shift_right_logical3A_914, %dma_start3A_932, %dma_start3A_933] : memref<125000x8x32xf32, #tpu.memory_space<hbm>> -> memref<1x8x32xf32, #tpu.memory_space<hbm>>
      %dma_start3A_935 = tpu.memref_squeeze %dma_start3A_934 : memref<1x8x32xf32, #tpu.memory_space<hbm>> -> memref<8x32xf32, #tpu.memory_space<hbm>>
      tpu.enqueue_dma source(%dma_start3A_935 : memref<8x32xf32, #tpu.memory_space<hbm>>) target(%dma_start3A_931 : memref<8x32xf32, #tpu.memory_space<vmem>>) target_semaphore(%arg14 : memref<!tpu.dma_semaphore, #tpu.memory_space<semaphore_mem>>)
      %dma_start3A_936 = arith.constant 5 : i32
      %dma_start3A_937 = arith.constant 0 : i32
      %dma_start3A_938 = arith.constant 0 : i32
      %dma_start3A_939 = tpu.memref_slice %arg12[%dma_start3A_936, %dma_start3A_937, %dma_start3A_938] : memref<16x8x32xf32, #tpu.memory_space<vmem>> -> memref<1x8x32xf32, #tpu.memory_space<vmem>>
      %dma_start3A_940 = tpu.memref_squeeze %dma_start3A_939 : memref<1x8x32xf32, #tpu.memory_space<vmem>> -> memref<8x32xf32, #tpu.memory_space<vmem>>
      %dma_start3A_941 = arith.constant 0 : i32
      %dma_start3A_942 = arith.constant 0 : i32
      %dma_start3A_943 = tpu.memref_slice %arg5[%shift_right_logical3A_918, %dma_start3A_941, %dma_start3A_942] : memref<125000x8x32xf32, #tpu.memory_space<hbm>> -> memref<1x8x32xf32, #tpu.memory_space<hbm>>
      %dma_start3A_944 = tpu.memref_squeeze %dma_start3A_943 : memref<1x8x32xf32, #tpu.memory_space<hbm>> -> memref<8x32xf32, #tpu.memory_space<hbm>>
      %dma_start3A_945 = arith.constant 0 : i32
      %dma_start3A_946 = arith.constant 0 : i32
      %dma_start3A_947 = tpu.memref_slice %arg12[%dma_start3A_936, %dma_start3A_945, %dma_start3A_946] : memref<16x8x32xf32, #tpu.memory_space<vmem>> -> memref<1x8x32xf32, #tpu.memory_space<vmem>>
      %dma_start3A_948 = tpu.memref_squeeze %dma_start3A_947 : memref<1x8x32xf32, #tpu.memory_space<vmem>> -> memref<8x32xf32, #tpu.memory_space<vmem>>
      %dma_start3A_949 = arith.constant 0 : i32
      %dma_start3A_950 = arith.constant 0 : i32
      %dma_start3A_951 = tpu.memref_slice %arg5[%shift_right_logical3A_918, %dma_start3A_949, %dma_start3A_950] : memref<125000x8x32xf32, #tpu.memory_space<hbm>> -> memref<1x8x32xf32, #tpu.memory_space<hbm>>
      %dma_start3A_952 = tpu.memref_squeeze %dma_start3A_951 : memref<1x8x32xf32, #tpu.memory_space<hbm>> -> memref<8x32xf32, #tpu.memory_space<hbm>>
      tpu.enqueue_dma source(%dma_start3A_952 : memref<8x32xf32, #tpu.memory_space<hbm>>) target(%dma_start3A_948 : memref<8x32xf32, #tpu.memory_space<vmem>>) target_semaphore(%arg15 : memref<!tpu.dma_semaphore, #tpu.memory_space<semaphore_mem>>)
      %slice3A_953 = vector.extract_strided_slice %get3A_698 {offsets = [6], sizes = [1], strides = [1]} : vector<16xi32> to vector<1xi32>
      %squeeze3A_954 = vector.extract %slice3A_953[0] : i32 from vector<1xi32>
      %shift_right_logical3A_955 = arith.constant 3 : i32
      %shift_right_logical3A_956 = arith.shrui %squeeze3A_954, %shift_right_logical3A_955 : i32
      %slice3A_957 = vector.extract_strided_slice %get3A_700 {offsets = [6], sizes = [1], strides = [1]} : vector<16xi32> to vector<1xi32>
      %squeeze3A_958 = vector.extract %slice3A_957[0] : i32 from vector<1xi32>
      %shift_right_logical3A_959 = arith.constant 3 : i32
      %shift_right_logical3A_960 = arith.shrui %squeeze3A_958, %shift_right_logical3A_959 : i32
      %dma_start3A_961 = arith.constant 6 : i32
      %dma_start3A_962 = arith.constant 0 : i32
      %dma_start3A_963 = arith.constant 0 : i32
      %dma_start3A_964 = tpu.memref_slice %arg11[%dma_start3A_961, %dma_start3A_962, %dma_start3A_963] : memref<16x8x32xf32, #tpu.memory_space<vmem>> -> memref<1x8x32xf32, #tpu.memory_space<vmem>>
      %dma_start3A_965 = tpu.memref_squeeze %dma_start3A_964 : memref<1x8x32xf32, #tpu.memory_space<vmem>> -> memref<8x32xf32, #tpu.memory_space<vmem>>
      %dma_start3A_966 = arith.constant 0 : i32
      %dma_start3A_967 = arith.constant 0 : i32
      %dma_start3A_968 = tpu.memref_slice %arg4[%shift_right_logical3A_956, %dma_start3A_966, %dma_start3A_967] : memref<125000x8x32xf32, #tpu.memory_space<hbm>> -> memref<1x8x32xf32, #tpu.memory_space<hbm>>
      %dma_start3A_969 = tpu.memref_squeeze %dma_start3A_968 : memref<1x8x32xf32, #tpu.memory_space<hbm>> -> memref<8x32xf32, #tpu.memory_space<hbm>>
      %dma_start3A_970 = arith.constant 0 : i32
      %dma_start3A_971 = arith.constant 0 : i32
      %dma_start3A_972 = tpu.memref_slice %arg11[%dma_start3A_961, %dma_start3A_970, %dma_start3A_971] : memref<16x8x32xf32, #tpu.memory_space<vmem>> -> memref<1x8x32xf32, #tpu.memory_space<vmem>>
      %dma_start3A_973 = tpu.memref_squeeze %dma_start3A_972 : memref<1x8x32xf32, #tpu.memory_space<vmem>> -> memref<8x32xf32, #tpu.memory_space<vmem>>
      %dma_start3A_974 = arith.constant 0 : i32
      %dma_start3A_975 = arith.constant 0 : i32
      %dma_start3A_976 = tpu.memref_slice %arg4[%shift_right_logical3A_956, %dma_start3A_974, %dma_start3A_975] : memref<125000x8x32xf32, #tpu.memory_space<hbm>> -> memref<1x8x32xf32, #tpu.memory_space<hbm>>
      %dma_start3A_977 = tpu.memref_squeeze %dma_start3A_976 : memref<1x8x32xf32, #tpu.memory_space<hbm>> -> memref<8x32xf32, #tpu.memory_space<hbm>>
      tpu.enqueue_dma source(%dma_start3A_977 : memref<8x32xf32, #tpu.memory_space<hbm>>) target(%dma_start3A_973 : memref<8x32xf32, #tpu.memory_space<vmem>>) target_semaphore(%arg14 : memref<!tpu.dma_semaphore, #tpu.memory_space<semaphore_mem>>)
      %dma_start3A_978 = arith.constant 6 : i32
      %dma_start3A_979 = arith.constant 0 : i32
      %dma_start3A_980 = arith.constant 0 : i32
      %dma_start3A_981 = tpu.memref_slice %arg12[%dma_start3A_978, %dma_start3A_979, %dma_start3A_980] : memref<16x8x32xf32, #tpu.memory_space<vmem>> -> memref<1x8x32xf32, #tpu.memory_space<vmem>>
      %dma_start3A_982 = tpu.memref_squeeze %dma_start3A_981 : memref<1x8x32xf32, #tpu.memory_space<vmem>> -> memref<8x32xf32, #tpu.memory_space<vmem>>
      %dma_start3A_983 = arith.constant 0 : i32
      %dma_start3A_984 = arith.constant 0 : i32
      %dma_start3A_985 = tpu.memref_slice %arg5[%shift_right_logical3A_960, %dma_start3A_983, %dma_start3A_984] : memref<125000x8x32xf32, #tpu.memory_space<hbm>> -> memref<1x8x32xf32, #tpu.memory_space<hbm>>
      %dma_start3A_986 = tpu.memref_squeeze %dma_start3A_985 : memref<1x8x32xf32, #tpu.memory_space<hbm>> -> memref<8x32xf32, #tpu.memory_space<hbm>>
      %dma_start3A_987 = arith.constant 0 : i32
      %dma_start3A_988 = arith.constant 0 : i32
      %dma_start3A_989 = tpu.memref_slice %arg12[%dma_start3A_978, %dma_start3A_987, %dma_start3A_988] : memref<16x8x32xf32, #tpu.memory_space<vmem>> -> memref<1x8x32xf32, #tpu.memory_space<vmem>>
      %dma_start3A_990 = tpu.memref_squeeze %dma_start3A_989 : memref<1x8x32xf32, #tpu.memory_space<vmem>> -> memref<8x32xf32, #tpu.memory_space<vmem>>
      %dma_start3A_991 = arith.constant 0 : i32
      %dma_start3A_992 = arith.constant 0 : i32
      %dma_start3A_993 = tpu.memref_slice %arg5[%shift_right_logical3A_960, %dma_start3A_991, %dma_start3A_992] : memref<125000x8x32xf32, #tpu.memory_space<hbm>> -> memref<1x8x32xf32, #tpu.memory_space<hbm>>
      %dma_start3A_994 = tpu.memref_squeeze %dma_start3A_993 : memref<1x8x32xf32, #tpu.memory_space<hbm>> -> memref<8x32xf32, #tpu.memory_space<hbm>>
      tpu.enqueue_dma source(%dma_start3A_994 : memref<8x32xf32, #tpu.memory_space<hbm>>) target(%dma_start3A_990 : memref<8x32xf32, #tpu.memory_space<vmem>>) target_semaphore(%arg15 : memref<!tpu.dma_semaphore, #tpu.memory_space<semaphore_mem>>)
      %slice3A_995 = vector.extract_strided_slice %get3A_698 {offsets = [7], sizes = [1], strides = [1]} : vector<16xi32> to vector<1xi32>
      %squeeze3A_996 = vector.extract %slice3A_995[0] : i32 from vector<1xi32>
      %shift_right_logical3A_997 = arith.constant 3 : i32
      %shift_right_logical3A_998 = arith.shrui %squeeze3A_996, %shift_right_logical3A_997 : i32
      %slice3A_999 = vector.extract_strided_slice %get3A_700 {offsets = [7], sizes = [1], strides = [1]} : vector<16xi32> to vector<1xi32>
      %squeeze3A_1000 = vector.extract %slice3A_999[0] : i32 from vector<1xi32>
      %shift_right_logical3A_1001 = arith.constant 3 : i32
      %shift_right_logical3A_1002 = arith.shrui %squeeze3A_1000, %shift_right_logical3A_1001 : i32
      %dma_start3A_1003 = arith.constant 7 : i32
      %dma_start3A_1004 = arith.constant 0 : i32
      %dma_start3A_1005 = arith.constant 0 : i32
      %dma_start3A_1006 = tpu.memref_slice %arg11[%dma_start3A_1003, %dma_start3A_1004, %dma_start3A_1005] : memref<16x8x32xf32, #tpu.memory_space<vmem>> -> memref<1x8x32xf32, #tpu.memory_space<vmem>>
      %dma_start3A_1007 = tpu.memref_squeeze %dma_start3A_1006 : memref<1x8x32xf32, #tpu.memory_space<vmem>> -> memref<8x32xf32, #tpu.memory_space<vmem>>
      %dma_start3A_1008 = arith.constant 0 : i32
      %dma_start3A_1009 = arith.constant 0 : i32
      %dma_start3A_1010 = tpu.memref_slice %arg4[%shift_right_logical3A_998, %dma_start3A_1008, %dma_start3A_1009] : memref<125000x8x32xf32, #tpu.memory_space<hbm>> -> memref<1x8x32xf32, #tpu.memory_space<hbm>>
      %dma_start3A_1011 = tpu.memref_squeeze %dma_start3A_1010 : memref<1x8x32xf32, #tpu.memory_space<hbm>> -> memref<8x32xf32, #tpu.memory_space<hbm>>
      %dma_start3A_1012 = arith.constant 0 : i32
      %dma_start3A_1013 = arith.constant 0 : i32
      %dma_start3A_1014 = tpu.memref_slice %arg11[%dma_start3A_1003, %dma_start3A_1012, %dma_start3A_1013] : memref<16x8x32xf32, #tpu.memory_space<vmem>> -> memref<1x8x32xf32, #tpu.memory_space<vmem>>
      %dma_start3A_1015 = tpu.memref_squeeze %dma_start3A_1014 : memref<1x8x32xf32, #tpu.memory_space<vmem>> -> memref<8x32xf32, #tpu.memory_space<vmem>>
      %dma_start3A_1016 = arith.constant 0 : i32
      %dma_start3A_1017 = arith.constant 0 : i32
      %dma_start3A_1018 = tpu.memref_slice %arg4[%shift_right_logical3A_998, %dma_start3A_1016, %dma_start3A_1017] : memref<125000x8x32xf32, #tpu.memory_space<hbm>> -> memref<1x8x32xf32, #tpu.memory_space<hbm>>
      %dma_start3A_1019 = tpu.memref_squeeze %dma_start3A_1018 : memref<1x8x32xf32, #tpu.memory_space<hbm>> -> memref<8x32xf32, #tpu.memory_space<hbm>>
      tpu.enqueue_dma source(%dma_start3A_1019 : memref<8x32xf32, #tpu.memory_space<hbm>>) target(%dma_start3A_1015 : memref<8x32xf32, #tpu.memory_space<vmem>>) target_semaphore(%arg14 : memref<!tpu.dma_semaphore, #tpu.memory_space<semaphore_mem>>)
      %dma_start3A_1020 = arith.constant 7 : i32
      %dma_start3A_1021 = arith.constant 0 : i32
      %dma_start3A_1022 = arith.constant 0 : i32
      %dma_start3A_1023 = tpu.memref_slice %arg12[%dma_start3A_1020, %dma_start3A_1021, %dma_start3A_1022] : memref<16x8x32xf32, #tpu.memory_space<vmem>> -> memref<1x8x32xf32, #tpu.memory_space<vmem>>
      %dma_start3A_1024 = tpu.memref_squeeze %dma_start3A_1023 : memref<1x8x32xf32, #tpu.memory_space<vmem>> -> memref<8x32xf32, #tpu.memory_space<vmem>>
      %dma_start3A_1025 = arith.constant 0 : i32
      %dma_start3A_1026 = arith.constant 0 : i32
      %dma_start3A_1027 = tpu.memref_slice %arg5[%shift_right_logical3A_1002, %dma_start3A_1025, %dma_start3A_1026] : memref<125000x8x32xf32, #tpu.memory_space<hbm>> -> memref<1x8x32xf32, #tpu.memory_space<hbm>>
      %dma_start3A_1028 = tpu.memref_squeeze %dma_start3A_1027 : memref<1x8x32xf32, #tpu.memory_space<hbm>> -> memref<8x32xf32, #tpu.memory_space<hbm>>
      %dma_start3A_1029 = arith.constant 0 : i32
      %dma_start3A_1030 = arith.constant 0 : i32
      %dma_start3A_1031 = tpu.memref_slice %arg12[%dma_start3A_1020, %dma_start3A_1029, %dma_start3A_1030] : memref<16x8x32xf32, #tpu.memory_space<vmem>> -> memref<1x8x32xf32, #tpu.memory_space<vmem>>
      %dma_start3A_1032 = tpu.memref_squeeze %dma_start3A_1031 : memref<1x8x32xf32, #tpu.memory_space<vmem>> -> memref<8x32xf32, #tpu.memory_space<vmem>>
      %dma_start3A_1033 = arith.constant 0 : i32
      %dma_start3A_1034 = arith.constant 0 : i32
      %dma_start3A_1035 = tpu.memref_slice %arg5[%shift_right_logical3A_1002, %dma_start3A_1033, %dma_start3A_1034] : memref<125000x8x32xf32, #tpu.memory_space<hbm>> -> memref<1x8x32xf32, #tpu.memory_space<hbm>>
      %dma_start3A_1036 = tpu.memref_squeeze %dma_start3A_1035 : memref<1x8x32xf32, #tpu.memory_space<hbm>> -> memref<8x32xf32, #tpu.memory_space<hbm>>
      tpu.enqueue_dma source(%dma_start3A_1036 : memref<8x32xf32, #tpu.memory_space<hbm>>) target(%dma_start3A_1032 : memref<8x32xf32, #tpu.memory_space<vmem>>) target_semaphore(%arg15 : memref<!tpu.dma_semaphore, #tpu.memory_space<semaphore_mem>>)
      %slice3A_1037 = vector.extract_strided_slice %get3A_698 {offsets = [8], sizes = [1], strides = [1]} : vector<16xi32> to vector<1xi32>
      %squeeze3A_1038 = vector.extract %slice3A_1037[0] : i32 from vector<1xi32>
      %shift_right_logical3A_1039 = arith.constant 3 : i32
      %shift_right_logical3A_1040 = arith.shrui %squeeze3A_1038, %shift_right_logical3A_1039 : i32
      %slice3A_1041 = vector.extract_strided_slice %get3A_700 {offsets = [8], sizes = [1], strides = [1]} : vector<16xi32> to vector<1xi32>
      %squeeze3A_1042 = vector.extract %slice3A_1041[0] : i32 from vector<1xi32>
      %shift_right_logical3A_1043 = arith.constant 3 : i32
      %shift_right_logical3A_1044 = arith.shrui %squeeze3A_1042, %shift_right_logical3A_1043 : i32
      %dma_start3A_1045 = arith.constant 8 : i32
      %dma_start3A_1046 = arith.constant 0 : i32
      %dma_start3A_1047 = arith.constant 0 : i32
      %dma_start3A_1048 = tpu.memref_slice %arg11[%dma_start3A_1045, %dma_start3A_1046, %dma_start3A_1047] : memref<16x8x32xf32, #tpu.memory_space<vmem>> -> memref<1x8x32xf32, #tpu.memory_space<vmem>>
      %dma_start3A_1049 = tpu.memref_squeeze %dma_start3A_1048 : memref<1x8x32xf32, #tpu.memory_space<vmem>> -> memref<8x32xf32, #tpu.memory_space<vmem>>
      %dma_start3A_1050 = arith.constant 0 : i32
      %dma_start3A_1051 = arith.constant 0 : i32
      %dma_start3A_1052 = tpu.memref_slice %arg4[%shift_right_logical3A_1040, %dma_start3A_1050, %dma_start3A_1051] : memref<125000x8x32xf32, #tpu.memory_space<hbm>> -> memref<1x8x32xf32, #tpu.memory_space<hbm>>
      %dma_start3A_1053 = tpu.memref_squeeze %dma_start3A_1052 : memref<1x8x32xf32, #tpu.memory_space<hbm>> -> memref<8x32xf32, #tpu.memory_space<hbm>>
      %dma_start3A_1054 = arith.constant 0 : i32
      %dma_start3A_1055 = arith.constant 0 : i32
      %dma_start3A_1056 = tpu.memref_slice %arg11[%dma_start3A_1045, %dma_start3A_1054, %dma_start3A_1055] : memref<16x8x32xf32, #tpu.memory_space<vmem>> -> memref<1x8x32xf32, #tpu.memory_space<vmem>>
      %dma_start3A_1057 = tpu.memref_squeeze %dma_start3A_1056 : memref<1x8x32xf32, #tpu.memory_space<vmem>> -> memref<8x32xf32, #tpu.memory_space<vmem>>
      %dma_start3A_1058 = arith.constant 0 : i32
      %dma_start3A_1059 = arith.constant 0 : i32
      %dma_start3A_1060 = tpu.memref_slice %arg4[%shift_right_logical3A_1040, %dma_start3A_1058, %dma_start3A_1059] : memref<125000x8x32xf32, #tpu.memory_space<hbm>> -> memref<1x8x32xf32, #tpu.memory_space<hbm>>
      %dma_start3A_1061 = tpu.memref_squeeze %dma_start3A_1060 : memref<1x8x32xf32, #tpu.memory_space<hbm>> -> memref<8x32xf32, #tpu.memory_space<hbm>>
      tpu.enqueue_dma source(%dma_start3A_1061 : memref<8x32xf32, #tpu.memory_space<hbm>>) target(%dma_start3A_1057 : memref<8x32xf32, #tpu.memory_space<vmem>>) target_semaphore(%arg14 : memref<!tpu.dma_semaphore, #tpu.memory_space<semaphore_mem>>)
      %dma_start3A_1062 = arith.constant 8 : i32
      %dma_start3A_1063 = arith.constant 0 : i32
      %dma_start3A_1064 = arith.constant 0 : i32
      %dma_start3A_1065 = tpu.memref_slice %arg12[%dma_start3A_1062, %dma_start3A_1063, %dma_start3A_1064] : memref<16x8x32xf32, #tpu.memory_space<vmem>> -> memref<1x8x32xf32, #tpu.memory_space<vmem>>
      %dma_start3A_1066 = tpu.memref_squeeze %dma_start3A_1065 : memref<1x8x32xf32, #tpu.memory_space<vmem>> -> memref<8x32xf32, #tpu.memory_space<vmem>>
      %dma_start3A_1067 = arith.constant 0 : i32
      %dma_start3A_1068 = arith.constant 0 : i32
      %dma_start3A_1069 = tpu.memref_slice %arg5[%shift_right_logical3A_1044, %dma_start3A_1067, %dma_start3A_1068] : memref<125000x8x32xf32, #tpu.memory_space<hbm>> -> memref<1x8x32xf32, #tpu.memory_space<hbm>>
      %dma_start3A_1070 = tpu.memref_squeeze %dma_start3A_1069 : memref<1x8x32xf32, #tpu.memory_space<hbm>> -> memref<8x32xf32, #tpu.memory_space<hbm>>
      %dma_start3A_1071 = arith.constant 0 : i32
      %dma_start3A_1072 = arith.constant 0 : i32
      %dma_start3A_1073 = tpu.memref_slice %arg12[%dma_start3A_1062, %dma_start3A_1071, %dma_start3A_1072] : memref<16x8x32xf32, #tpu.memory_space<vmem>> -> memref<1x8x32xf32, #tpu.memory_space<vmem>>
      %dma_start3A_1074 = tpu.memref_squeeze %dma_start3A_1073 : memref<1x8x32xf32, #tpu.memory_space<vmem>> -> memref<8x32xf32, #tpu.memory_space<vmem>>
      %dma_start3A_1075 = arith.constant 0 : i32
      %dma_start3A_1076 = arith.constant 0 : i32
      %dma_start3A_1077 = tpu.memref_slice %arg5[%shift_right_logical3A_1044, %dma_start3A_1075, %dma_start3A_1076] : memref<125000x8x32xf32, #tpu.memory_space<hbm>> -> memref<1x8x32xf32, #tpu.memory_space<hbm>>
      %dma_start3A_1078 = tpu.memref_squeeze %dma_start3A_1077 : memref<1x8x32xf32, #tpu.memory_space<hbm>> -> memref<8x32xf32, #tpu.memory_space<hbm>>
      tpu.enqueue_dma source(%dma_start3A_1078 : memref<8x32xf32, #tpu.memory_space<hbm>>) target(%dma_start3A_1074 : memref<8x32xf32, #tpu.memory_space<vmem>>) target_semaphore(%arg15 : memref<!tpu.dma_semaphore, #tpu.memory_space<semaphore_mem>>)
      %slice3A_1079 = vector.extract_strided_slice %get3A_698 {offsets = [9], sizes = [1], strides = [1]} : vector<16xi32> to vector<1xi32>
      %squeeze3A_1080 = vector.extract %slice3A_1079[0] : i32 from vector<1xi32>
      %shift_right_logical3A_1081 = arith.constant 3 : i32
      %shift_right_logical3A_1082 = arith.shrui %squeeze3A_1080, %shift_right_logical3A_1081 : i32
      %slice3A_1083 = vector.extract_strided_slice %get3A_700 {offsets = [9], sizes = [1], strides = [1]} : vector<16xi32> to vector<1xi32>
      %squeeze3A_1084 = vector.extract %slice3A_1083[0] : i32 from vector<1xi32>
      %shift_right_logical3A_1085 = arith.constant 3 : i32
      %shift_right_logical3A_1086 = arith.shrui %squeeze3A_1084, %shift_right_logical3A_1085 : i32
      %dma_start3A_1087 = arith.constant 9 : i32
      %dma_start3A_1088 = arith.constant 0 : i32
      %dma_start3A_1089 = arith.constant 0 : i32
      %dma_start3A_1090 = tpu.memref_slice %arg11[%dma_start3A_1087, %dma_start3A_1088, %dma_start3A_1089] : memref<16x8x32xf32, #tpu.memory_space<vmem>> -> memref<1x8x32xf32, #tpu.memory_space<vmem>>
      %dma_start3A_1091 = tpu.memref_squeeze %dma_start3A_1090 : memref<1x8x32xf32, #tpu.memory_space<vmem>> -> memref<8x32xf32, #tpu.memory_space<vmem>>
      %dma_start3A_1092 = arith.constant 0 : i32
      %dma_start3A_1093 = arith.constant 0 : i32
      %dma_start3A_1094 = tpu.memref_slice %arg4[%shift_right_logical3A_1082, %dma_start3A_1092, %dma_start3A_1093] : memref<125000x8x32xf32, #tpu.memory_space<hbm>> -> memref<1x8x32xf32, #tpu.memory_space<hbm>>
      %dma_start3A_1095 = tpu.memref_squeeze %dma_start3A_1094 : memref<1x8x32xf32, #tpu.memory_space<hbm>> -> memref<8x32xf32, #tpu.memory_space<hbm>>
      %dma_start3A_1096 = arith.constant 0 : i32
      %dma_start3A_1097 = arith.constant 0 : i32
      %dma_start3A_1098 = tpu.memref_slice %arg11[%dma_start3A_1087, %dma_start3A_1096, %dma_start3A_1097] : memref<16x8x32xf32, #tpu.memory_space<vmem>> -> memref<1x8x32xf32, #tpu.memory_space<vmem>>
      %dma_start3A_1099 = tpu.memref_squeeze %dma_start3A_1098 : memref<1x8x32xf32, #tpu.memory_space<vmem>> -> memref<8x32xf32, #tpu.memory_space<vmem>>
      %dma_start3A_1100 = arith.constant 0 : i32
      %dma_start3A_1101 = arith.constant 0 : i32
      %dma_start3A_1102 = tpu.memref_slice %arg4[%shift_right_logical3A_1082, %dma_start3A_1100, %dma_start3A_1101] : memref<125000x8x32xf32, #tpu.memory_space<hbm>> -> memref<1x8x32xf32, #tpu.memory_space<hbm>>
      %dma_start3A_1103 = tpu.memref_squeeze %dma_start3A_1102 : memref<1x8x32xf32, #tpu.memory_space<hbm>> -> memref<8x32xf32, #tpu.memory_space<hbm>>
      tpu.enqueue_dma source(%dma_start3A_1103 : memref<8x32xf32, #tpu.memory_space<hbm>>) target(%dma_start3A_1099 : memref<8x32xf32, #tpu.memory_space<vmem>>) target_semaphore(%arg14 : memref<!tpu.dma_semaphore, #tpu.memory_space<semaphore_mem>>)
      %dma_start3A_1104 = arith.constant 9 : i32
      %dma_start3A_1105 = arith.constant 0 : i32
      %dma_start3A_1106 = arith.constant 0 : i32
      %dma_start3A_1107 = tpu.memref_slice %arg12[%dma_start3A_1104, %dma_start3A_1105, %dma_start3A_1106] : memref<16x8x32xf32, #tpu.memory_space<vmem>> -> memref<1x8x32xf32, #tpu.memory_space<vmem>>
      %dma_start3A_1108 = tpu.memref_squeeze %dma_start3A_1107 : memref<1x8x32xf32, #tpu.memory_space<vmem>> -> memref<8x32xf32, #tpu.memory_space<vmem>>
      %dma_start3A_1109 = arith.constant 0 : i32
      %dma_start3A_1110 = arith.constant 0 : i32
      %dma_start3A_1111 = tpu.memref_slice %arg5[%shift_right_logical3A_1086, %dma_start3A_1109, %dma_start3A_1110] : memref<125000x8x32xf32, #tpu.memory_space<hbm>> -> memref<1x8x32xf32, #tpu.memory_space<hbm>>
      %dma_start3A_1112 = tpu.memref_squeeze %dma_start3A_1111 : memref<1x8x32xf32, #tpu.memory_space<hbm>> -> memref<8x32xf32, #tpu.memory_space<hbm>>
      %dma_start3A_1113 = arith.constant 0 : i32
      %dma_start3A_1114 = arith.constant 0 : i32
      %dma_start3A_1115 = tpu.memref_slice %arg12[%dma_start3A_1104, %dma_start3A_1113, %dma_start3A_1114] : memref<16x8x32xf32, #tpu.memory_space<vmem>> -> memref<1x8x32xf32, #tpu.memory_space<vmem>>
      %dma_start3A_1116 = tpu.memref_squeeze %dma_start3A_1115 : memref<1x8x32xf32, #tpu.memory_space<vmem>> -> memref<8x32xf32, #tpu.memory_space<vmem>>
      %dma_start3A_1117 = arith.constant 0 : i32
      %dma_start3A_1118 = arith.constant 0 : i32
      %dma_start3A_1119 = tpu.memref_slice %arg5[%shift_right_logical3A_1086, %dma_start3A_1117, %dma_start3A_1118] : memref<125000x8x32xf32, #tpu.memory_space<hbm>> -> memref<1x8x32xf32, #tpu.memory_space<hbm>>
      %dma_start3A_1120 = tpu.memref_squeeze %dma_start3A_1119 : memref<1x8x32xf32, #tpu.memory_space<hbm>> -> memref<8x32xf32, #tpu.memory_space<hbm>>
      tpu.enqueue_dma source(%dma_start3A_1120 : memref<8x32xf32, #tpu.memory_space<hbm>>) target(%dma_start3A_1116 : memref<8x32xf32, #tpu.memory_space<vmem>>) target_semaphore(%arg15 : memref<!tpu.dma_semaphore, #tpu.memory_space<semaphore_mem>>)
      %slice3A_1121 = vector.extract_strided_slice %get3A_698 {offsets = [10], sizes = [1], strides = [1]} : vector<16xi32> to vector<1xi32>
      %squeeze3A_1122 = vector.extract %slice3A_1121[0] : i32 from vector<1xi32>
      %shift_right_logical3A_1123 = arith.constant 3 : i32
      %shift_right_logical3A_1124 = arith.shrui %squeeze3A_1122, %shift_right_logical3A_1123 : i32
      %slice3A_1125 = vector.extract_strided_slice %get3A_700 {offsets = [10], sizes = [1], strides = [1]} : vector<16xi32> to vector<1xi32>
      %squeeze3A_1126 = vector.extract %slice3A_1125[0] : i32 from vector<1xi32>
      %shift_right_logical3A_1127 = arith.constant 3 : i32
      %shift_right_logical3A_1128 = arith.shrui %squeeze3A_1126, %shift_right_logical3A_1127 : i32
      %dma_start3A_1129 = arith.constant 10 : i32
      %dma_start3A_1130 = arith.constant 0 : i32
      %dma_start3A_1131 = arith.constant 0 : i32
      %dma_start3A_1132 = tpu.memref_slice %arg11[%dma_start3A_1129, %dma_start3A_1130, %dma_start3A_1131] : memref<16x8x32xf32, #tpu.memory_space<vmem>> -> memref<1x8x32xf32, #tpu.memory_space<vmem>>
      %dma_start3A_1133 = tpu.memref_squeeze %dma_start3A_1132 : memref<1x8x32xf32, #tpu.memory_space<vmem>> -> memref<8x32xf32, #tpu.memory_space<vmem>>
      %dma_start3A_1134 = arith.constant 0 : i32
      %dma_start3A_1135 = arith.constant 0 : i32
      %dma_start3A_1136 = tpu.memref_slice %arg4[%shift_right_logical3A_1124, %dma_start3A_1134, %dma_start3A_1135] : memref<125000x8x32xf32, #tpu.memory_space<hbm>> -> memref<1x8x32xf32, #tpu.memory_space<hbm>>
      %dma_start3A_1137 = tpu.memref_squeeze %dma_start3A_1136 : memref<1x8x32xf32, #tpu.memory_space<hbm>> -> memref<8x32xf32, #tpu.memory_space<hbm>>
      %dma_start3A_1138 = arith.constant 0 : i32
      %dma_start3A_1139 = arith.constant 0 : i32
      %dma_start3A_1140 = tpu.memref_slice %arg11[%dma_start3A_1129, %dma_start3A_1138, %dma_start3A_1139] : memref<16x8x32xf32, #tpu.memory_space<vmem>> -> memref<1x8x32xf32, #tpu.memory_space<vmem>>
      %dma_start3A_1141 = tpu.memref_squeeze %dma_start3A_1140 : memref<1x8x32xf32, #tpu.memory_space<vmem>> -> memref<8x32xf32, #tpu.memory_space<vmem>>
      %dma_start3A_1142 = arith.constant 0 : i32
      %dma_start3A_1143 = arith.constant 0 : i32
      %dma_start3A_1144 = tpu.memref_slice %arg4[%shift_right_logical3A_1124, %dma_start3A_1142, %dma_start3A_1143] : memref<125000x8x32xf32, #tpu.memory_space<hbm>> -> memref<1x8x32xf32, #tpu.memory_space<hbm>>
      %dma_start3A_1145 = tpu.memref_squeeze %dma_start3A_1144 : memref<1x8x32xf32, #tpu.memory_space<hbm>> -> memref<8x32xf32, #tpu.memory_space<hbm>>
      tpu.enqueue_dma source(%dma_start3A_1145 : memref<8x32xf32, #tpu.memory_space<hbm>>) target(%dma_start3A_1141 : memref<8x32xf32, #tpu.memory_space<vmem>>) target_semaphore(%arg14 : memref<!tpu.dma_semaphore, #tpu.memory_space<semaphore_mem>>)
      %dma_start3A_1146 = arith.constant 10 : i32
      %dma_start3A_1147 = arith.constant 0 : i32
      %dma_start3A_1148 = arith.constant 0 : i32
      %dma_start3A_1149 = tpu.memref_slice %arg12[%dma_start3A_1146, %dma_start3A_1147, %dma_start3A_1148] : memref<16x8x32xf32, #tpu.memory_space<vmem>> -> memref<1x8x32xf32, #tpu.memory_space<vmem>>
      %dma_start3A_1150 = tpu.memref_squeeze %dma_start3A_1149 : memref<1x8x32xf32, #tpu.memory_space<vmem>> -> memref<8x32xf32, #tpu.memory_space<vmem>>
      %dma_start3A_1151 = arith.constant 0 : i32
      %dma_start3A_1152 = arith.constant 0 : i32
      %dma_start3A_1153 = tpu.memref_slice %arg5[%shift_right_logical3A_1128, %dma_start3A_1151, %dma_start3A_1152] : memref<125000x8x32xf32, #tpu.memory_space<hbm>> -> memref<1x8x32xf32, #tpu.memory_space<hbm>>
      %dma_start3A_1154 = tpu.memref_squeeze %dma_start3A_1153 : memref<1x8x32xf32, #tpu.memory_space<hbm>> -> memref<8x32xf32, #tpu.memory_space<hbm>>
      %dma_start3A_1155 = arith.constant 0 : i32
      %dma_start3A_1156 = arith.constant 0 : i32
      %dma_start3A_1157 = tpu.memref_slice %arg12[%dma_start3A_1146, %dma_start3A_1155, %dma_start3A_1156] : memref<16x8x32xf32, #tpu.memory_space<vmem>> -> memref<1x8x32xf32, #tpu.memory_space<vmem>>
      %dma_start3A_1158 = tpu.memref_squeeze %dma_start3A_1157 : memref<1x8x32xf32, #tpu.memory_space<vmem>> -> memref<8x32xf32, #tpu.memory_space<vmem>>
      %dma_start3A_1159 = arith.constant 0 : i32
      %dma_start3A_1160 = arith.constant 0 : i32
      %dma_start3A_1161 = tpu.memref_slice %arg5[%shift_right_logical3A_1128, %dma_start3A_1159, %dma_start3A_1160] : memref<125000x8x32xf32, #tpu.memory_space<hbm>> -> memref<1x8x32xf32, #tpu.memory_space<hbm>>
      %dma_start3A_1162 = tpu.memref_squeeze %dma_start3A_1161 : memref<1x8x32xf32, #tpu.memory_space<hbm>> -> memref<8x32xf32, #tpu.memory_space<hbm>>
      tpu.enqueue_dma source(%dma_start3A_1162 : memref<8x32xf32, #tpu.memory_space<hbm>>) target(%dma_start3A_1158 : memref<8x32xf32, #tpu.memory_space<vmem>>) target_semaphore(%arg15 : memref<!tpu.dma_semaphore, #tpu.memory_space<semaphore_mem>>)
      %slice3A_1163 = vector.extract_strided_slice %get3A_698 {offsets = [11], sizes = [1], strides = [1]} : vector<16xi32> to vector<1xi32>
      %squeeze3A_1164 = vector.extract %slice3A_1163[0] : i32 from vector<1xi32>
      %shift_right_logical3A_1165 = arith.constant 3 : i32
      %shift_right_logical3A_1166 = arith.shrui %squeeze3A_1164, %shift_right_logical3A_1165 : i32
      %slice3A_1167 = vector.extract_strided_slice %get3A_700 {offsets = [11], sizes = [1], strides = [1]} : vector<16xi32> to vector<1xi32>
      %squeeze3A_1168 = vector.extract %slice3A_1167[0] : i32 from vector<1xi32>
      %shift_right_logical3A_1169 = arith.constant 3 : i32
      %shift_right_logical3A_1170 = arith.shrui %squeeze3A_1168, %shift_right_logical3A_1169 : i32
      %dma_start3A_1171 = arith.constant 11 : i32
      %dma_start3A_1172 = arith.constant 0 : i32
      %dma_start3A_1173 = arith.constant 0 : i32
      %dma_start3A_1174 = tpu.memref_slice %arg11[%dma_start3A_1171, %dma_start3A_1172, %dma_start3A_1173] : memref<16x8x32xf32, #tpu.memory_space<vmem>> -> memref<1x8x32xf32, #tpu.memory_space<vmem>>
      %dma_start3A_1175 = tpu.memref_squeeze %dma_start3A_1174 : memref<1x8x32xf32, #tpu.memory_space<vmem>> -> memref<8x32xf32, #tpu.memory_space<vmem>>
      %dma_start3A_1176 = arith.constant 0 : i32
      %dma_start3A_1177 = arith.constant 0 : i32
      %dma_start3A_1178 = tpu.memref_slice %arg4[%shift_right_logical3A_1166, %dma_start3A_1176, %dma_start3A_1177] : memref<125000x8x32xf32, #tpu.memory_space<hbm>> -> memref<1x8x32xf32, #tpu.memory_space<hbm>>
      %dma_start3A_1179 = tpu.memref_squeeze %dma_start3A_1178 : memref<1x8x32xf32, #tpu.memory_space<hbm>> -> memref<8x32xf32, #tpu.memory_space<hbm>>
      %dma_start3A_1180 = arith.constant 0 : i32
      %dma_start3A_1181 = arith.constant 0 : i32
      %dma_start3A_1182 = tpu.memref_slice %arg11[%dma_start3A_1171, %dma_start3A_1180, %dma_start3A_1181] : memref<16x8x32xf32, #tpu.memory_space<vmem>> -> memref<1x8x32xf32, #tpu.memory_space<vmem>>
      %dma_start3A_1183 = tpu.memref_squeeze %dma_start3A_1182 : memref<1x8x32xf32, #tpu.memory_space<vmem>> -> memref<8x32xf32, #tpu.memory_space<vmem>>
      %dma_start3A_1184 = arith.constant 0 : i32
      %dma_start3A_1185 = arith.constant 0 : i32
      %dma_start3A_1186 = tpu.memref_slice %arg4[%shift_right_logical3A_1166, %dma_start3A_1184, %dma_start3A_1185] : memref<125000x8x32xf32, #tpu.memory_space<hbm>> -> memref<1x8x32xf32, #tpu.memory_space<hbm>>
      %dma_start3A_1187 = tpu.memref_squeeze %dma_start3A_1186 : memref<1x8x32xf32, #tpu.memory_space<hbm>> -> memref<8x32xf32, #tpu.memory_space<hbm>>
      tpu.enqueue_dma source(%dma_start3A_1187 : memref<8x32xf32, #tpu.memory_space<hbm>>) target(%dma_start3A_1183 : memref<8x32xf32, #tpu.memory_space<vmem>>) target_semaphore(%arg14 : memref<!tpu.dma_semaphore, #tpu.memory_space<semaphore_mem>>)
      %dma_start3A_1188 = arith.constant 11 : i32
      %dma_start3A_1189 = arith.constant 0 : i32
      %dma_start3A_1190 = arith.constant 0 : i32
      %dma_start3A_1191 = tpu.memref_slice %arg12[%dma_start3A_1188, %dma_start3A_1189, %dma_start3A_1190] : memref<16x8x32xf32, #tpu.memory_space<vmem>> -> memref<1x8x32xf32, #tpu.memory_space<vmem>>
      %dma_start3A_1192 = tpu.memref_squeeze %dma_start3A_1191 : memref<1x8x32xf32, #tpu.memory_space<vmem>> -> memref<8x32xf32, #tpu.memory_space<vmem>>
      %dma_start3A_1193 = arith.constant 0 : i32
      %dma_start3A_1194 = arith.constant 0 : i32
      %dma_start3A_1195 = tpu.memref_slice %arg5[%shift_right_logical3A_1170, %dma_start3A_1193, %dma_start3A_1194] : memref<125000x8x32xf32, #tpu.memory_space<hbm>> -> memref<1x8x32xf32, #tpu.memory_space<hbm>>
      %dma_start3A_1196 = tpu.memref_squeeze %dma_start3A_1195 : memref<1x8x32xf32, #tpu.memory_space<hbm>> -> memref<8x32xf32, #tpu.memory_space<hbm>>
      %dma_start3A_1197 = arith.constant 0 : i32
      %dma_start3A_1198 = arith.constant 0 : i32
      %dma_start3A_1199 = tpu.memref_slice %arg12[%dma_start3A_1188, %dma_start3A_1197, %dma_start3A_1198] : memref<16x8x32xf32, #tpu.memory_space<vmem>> -> memref<1x8x32xf32, #tpu.memory_space<vmem>>
      %dma_start3A_1200 = tpu.memref_squeeze %dma_start3A_1199 : memref<1x8x32xf32, #tpu.memory_space<vmem>> -> memref<8x32xf32, #tpu.memory_space<vmem>>
      %dma_start3A_1201 = arith.constant 0 : i32
      %dma_start3A_1202 = arith.constant 0 : i32
      %dma_start3A_1203 = tpu.memref_slice %arg5[%shift_right_logical3A_1170, %dma_start3A_1201, %dma_start3A_1202] : memref<125000x8x32xf32, #tpu.memory_space<hbm>> -> memref<1x8x32xf32, #tpu.memory_space<hbm>>
      %dma_start3A_1204 = tpu.memref_squeeze %dma_start3A_1203 : memref<1x8x32xf32, #tpu.memory_space<hbm>> -> memref<8x32xf32, #tpu.memory_space<hbm>>
      tpu.enqueue_dma source(%dma_start3A_1204 : memref<8x32xf32, #tpu.memory_space<hbm>>) target(%dma_start3A_1200 : memref<8x32xf32, #tpu.memory_space<vmem>>) target_semaphore(%arg15 : memref<!tpu.dma_semaphore, #tpu.memory_space<semaphore_mem>>)
      %slice3A_1205 = vector.extract_strided_slice %get3A_698 {offsets = [12], sizes = [1], strides = [1]} : vector<16xi32> to vector<1xi32>
      %squeeze3A_1206 = vector.extract %slice3A_1205[0] : i32 from vector<1xi32>
      %shift_right_logical3A_1207 = arith.constant 3 : i32
      %shift_right_logical3A_1208 = arith.shrui %squeeze3A_1206, %shift_right_logical3A_1207 : i32
      %slice3A_1209 = vector.extract_strided_slice %get3A_700 {offsets = [12], sizes = [1], strides = [1]} : vector<16xi32> to vector<1xi32>
      %squeeze3A_1210 = vector.extract %slice3A_1209[0] : i32 from vector<1xi32>
      %shift_right_logical3A_1211 = arith.constant 3 : i32
      %shift_right_logical3A_1212 = arith.shrui %squeeze3A_1210, %shift_right_logical3A_1211 : i32
      %dma_start3A_1213 = arith.constant 12 : i32
      %dma_start3A_1214 = arith.constant 0 : i32
      %dma_start3A_1215 = arith.constant 0 : i32
      %dma_start3A_1216 = tpu.memref_slice %arg11[%dma_start3A_1213, %dma_start3A_1214, %dma_start3A_1215] : memref<16x8x32xf32, #tpu.memory_space<vmem>> -> memref<1x8x32xf32, #tpu.memory_space<vmem>>
      %dma_start3A_1217 = tpu.memref_squeeze %dma_start3A_1216 : memref<1x8x32xf32, #tpu.memory_space<vmem>> -> memref<8x32xf32, #tpu.memory_space<vmem>>
      %dma_start3A_1218 = arith.constant 0 : i32
      %dma_start3A_1219 = arith.constant 0 : i32
      %dma_start3A_1220 = tpu.memref_slice %arg4[%shift_right_logical3A_1208, %dma_start3A_1218, %dma_start3A_1219] : memref<125000x8x32xf32, #tpu.memory_space<hbm>> -> memref<1x8x32xf32, #tpu.memory_space<hbm>>
      %dma_start3A_1221 = tpu.memref_squeeze %dma_start3A_1220 : memref<1x8x32xf32, #tpu.memory_space<hbm>> -> memref<8x32xf32, #tpu.memory_space<hbm>>
      %dma_start3A_1222 = arith.constant 0 : i32
      %dma_start3A_1223 = arith.constant 0 : i32
      %dma_start3A_1224 = tpu.memref_slice %arg11[%dma_start3A_1213, %dma_start3A_1222, %dma_start3A_1223] : memref<16x8x32xf32, #tpu.memory_space<vmem>> -> memref<1x8x32xf32, #tpu.memory_space<vmem>>
      %dma_start3A_1225 = tpu.memref_squeeze %dma_start3A_1224 : memref<1x8x32xf32, #tpu.memory_space<vmem>> -> memref<8x32xf32, #tpu.memory_space<vmem>>
      %dma_start3A_1226 = arith.constant 0 : i32
      %dma_start3A_1227 = arith.constant 0 : i32
      %dma_start3A_1228 = tpu.memref_slice %arg4[%shift_right_logical3A_1208, %dma_start3A_1226, %dma_start3A_1227] : memref<125000x8x32xf32, #tpu.memory_space<hbm>> -> memref<1x8x32xf32, #tpu.memory_space<hbm>>
      %dma_start3A_1229 = tpu.memref_squeeze %dma_start3A_1228 : memref<1x8x32xf32, #tpu.memory_space<hbm>> -> memref<8x32xf32, #tpu.memory_space<hbm>>
      tpu.enqueue_dma source(%dma_start3A_1229 : memref<8x32xf32, #tpu.memory_space<hbm>>) target(%dma_start3A_1225 : memref<8x32xf32, #tpu.memory_space<vmem>>) target_semaphore(%arg14 : memref<!tpu.dma_semaphore, #tpu.memory_space<semaphore_mem>>)
      %dma_start3A_1230 = arith.constant 12 : i32
      %dma_start3A_1231 = arith.constant 0 : i32
      %dma_start3A_1232 = arith.constant 0 : i32
      %dma_start3A_1233 = tpu.memref_slice %arg12[%dma_start3A_1230, %dma_start3A_1231, %dma_start3A_1232] : memref<16x8x32xf32, #tpu.memory_space<vmem>> -> memref<1x8x32xf32, #tpu.memory_space<vmem>>
      %dma_start3A_1234 = tpu.memref_squeeze %dma_start3A_1233 : memref<1x8x32xf32, #tpu.memory_space<vmem>> -> memref<8x32xf32, #tpu.memory_space<vmem>>
      %dma_start3A_1235 = arith.constant 0 : i32
      %dma_start3A_1236 = arith.constant 0 : i32
      %dma_start3A_1237 = tpu.memref_slice %arg5[%shift_right_logical3A_1212, %dma_start3A_1235, %dma_start3A_1236] : memref<125000x8x32xf32, #tpu.memory_space<hbm>> -> memref<1x8x32xf32, #tpu.memory_space<hbm>>
      %dma_start3A_1238 = tpu.memref_squeeze %dma_start3A_1237 : memref<1x8x32xf32, #tpu.memory_space<hbm>> -> memref<8x32xf32, #tpu.memory_space<hbm>>
      %dma_start3A_1239 = arith.constant 0 : i32
      %dma_start3A_1240 = arith.constant 0 : i32
      %dma_start3A_1241 = tpu.memref_slice %arg12[%dma_start3A_1230, %dma_start3A_1239, %dma_start3A_1240] : memref<16x8x32xf32, #tpu.memory_space<vmem>> -> memref<1x8x32xf32, #tpu.memory_space<vmem>>
      %dma_start3A_1242 = tpu.memref_squeeze %dma_start3A_1241 : memref<1x8x32xf32, #tpu.memory_space<vmem>> -> memref<8x32xf32, #tpu.memory_space<vmem>>
      %dma_start3A_1243 = arith.constant 0 : i32
      %dma_start3A_1244 = arith.constant 0 : i32
      %dma_start3A_1245 = tpu.memref_slice %arg5[%shift_right_logical3A_1212, %dma_start3A_1243, %dma_start3A_1244] : memref<125000x8x32xf32, #tpu.memory_space<hbm>> -> memref<1x8x32xf32, #tpu.memory_space<hbm>>
      %dma_start3A_1246 = tpu.memref_squeeze %dma_start3A_1245 : memref<1x8x32xf32, #tpu.memory_space<hbm>> -> memref<8x32xf32, #tpu.memory_space<hbm>>
      tpu.enqueue_dma source(%dma_start3A_1246 : memref<8x32xf32, #tpu.memory_space<hbm>>) target(%dma_start3A_1242 : memref<8x32xf32, #tpu.memory_space<vmem>>) target_semaphore(%arg15 : memref<!tpu.dma_semaphore, #tpu.memory_space<semaphore_mem>>)
      %slice3A_1247 = vector.extract_strided_slice %get3A_698 {offsets = [13], sizes = [1], strides = [1]} : vector<16xi32> to vector<1xi32>
      %squeeze3A_1248 = vector.extract %slice3A_1247[0] : i32 from vector<1xi32>
      %shift_right_logical3A_1249 = arith.constant 3 : i32
      %shift_right_logical3A_1250 = arith.shrui %squeeze3A_1248, %shift_right_logical3A_1249 : i32
      %slice3A_1251 = vector.extract_strided_slice %get3A_700 {offsets = [13], sizes = [1], strides = [1]} : vector<16xi32> to vector<1xi32>
      %squeeze3A_1252 = vector.extract %slice3A_1251[0] : i32 from vector<1xi32>
      %shift_right_logical3A_1253 = arith.constant 3 : i32
      %shift_right_logical3A_1254 = arith.shrui %squeeze3A_1252, %shift_right_logical3A_1253 : i32
      %dma_start3A_1255 = arith.constant 13 : i32
      %dma_start3A_1256 = arith.constant 0 : i32
      %dma_start3A_1257 = arith.constant 0 : i32
      %dma_start3A_1258 = tpu.memref_slice %arg11[%dma_start3A_1255, %dma_start3A_1256, %dma_start3A_1257] : memref<16x8x32xf32, #tpu.memory_space<vmem>> -> memref<1x8x32xf32, #tpu.memory_space<vmem>>
      %dma_start3A_1259 = tpu.memref_squeeze %dma_start3A_1258 : memref<1x8x32xf32, #tpu.memory_space<vmem>> -> memref<8x32xf32, #tpu.memory_space<vmem>>
      %dma_start3A_1260 = arith.constant 0 : i32
      %dma_start3A_1261 = arith.constant 0 : i32
      %dma_start3A_1262 = tpu.memref_slice %arg4[%shift_right_logical3A_1250, %dma_start3A_1260, %dma_start3A_1261] : memref<125000x8x32xf32, #tpu.memory_space<hbm>> -> memref<1x8x32xf32, #tpu.memory_space<hbm>>
      %dma_start3A_1263 = tpu.memref_squeeze %dma_start3A_1262 : memref<1x8x32xf32, #tpu.memory_space<hbm>> -> memref<8x32xf32, #tpu.memory_space<hbm>>
      %dma_start3A_1264 = arith.constant 0 : i32
      %dma_start3A_1265 = arith.constant 0 : i32
      %dma_start3A_1266 = tpu.memref_slice %arg11[%dma_start3A_1255, %dma_start3A_1264, %dma_start3A_1265] : memref<16x8x32xf32, #tpu.memory_space<vmem>> -> memref<1x8x32xf32, #tpu.memory_space<vmem>>
      %dma_start3A_1267 = tpu.memref_squeeze %dma_start3A_1266 : memref<1x8x32xf32, #tpu.memory_space<vmem>> -> memref<8x32xf32, #tpu.memory_space<vmem>>
      %dma_start3A_1268 = arith.constant 0 : i32
      %dma_start3A_1269 = arith.constant 0 : i32
      %dma_start3A_1270 = tpu.memref_slice %arg4[%shift_right_logical3A_1250, %dma_start3A_1268, %dma_start3A_1269] : memref<125000x8x32xf32, #tpu.memory_space<hbm>> -> memref<1x8x32xf32, #tpu.memory_space<hbm>>
      %dma_start3A_1271 = tpu.memref_squeeze %dma_start3A_1270 : memref<1x8x32xf32, #tpu.memory_space<hbm>> -> memref<8x32xf32, #tpu.memory_space<hbm>>
      tpu.enqueue_dma source(%dma_start3A_1271 : memref<8x32xf32, #tpu.memory_space<hbm>>) target(%dma_start3A_1267 : memref<8x32xf32, #tpu.memory_space<vmem>>) target_semaphore(%arg14 : memref<!tpu.dma_semaphore, #tpu.memory_space<semaphore_mem>>)
      %dma_start3A_1272 = arith.constant 13 : i32
      %dma_start3A_1273 = arith.constant 0 : i32
      %dma_start3A_1274 = arith.constant 0 : i32
      %dma_start3A_1275 = tpu.memref_slice %arg12[%dma_start3A_1272, %dma_start3A_1273, %dma_start3A_1274] : memref<16x8x32xf32, #tpu.memory_space<vmem>> -> memref<1x8x32xf32, #tpu.memory_space<vmem>>
      %dma_start3A_1276 = tpu.memref_squeeze %dma_start3A_1275 : memref<1x8x32xf32, #tpu.memory_space<vmem>> -> memref<8x32xf32, #tpu.memory_space<vmem>>
      %dma_start3A_1277 = arith.constant 0 : i32
      %dma_start3A_1278 = arith.constant 0 : i32
      %dma_start3A_1279 = tpu.memref_slice %arg5[%shift_right_logical3A_1254, %dma_start3A_1277, %dma_start3A_1278] : memref<125000x8x32xf32, #tpu.memory_space<hbm>> -> memref<1x8x32xf32, #tpu.memory_space<hbm>>
      %dma_start3A_1280 = tpu.memref_squeeze %dma_start3A_1279 : memref<1x8x32xf32, #tpu.memory_space<hbm>> -> memref<8x32xf32, #tpu.memory_space<hbm>>
      %dma_start3A_1281 = arith.constant 0 : i32
      %dma_start3A_1282 = arith.constant 0 : i32
      %dma_start3A_1283 = tpu.memref_slice %arg12[%dma_start3A_1272, %dma_start3A_1281, %dma_start3A_1282] : memref<16x8x32xf32, #tpu.memory_space<vmem>> -> memref<1x8x32xf32, #tpu.memory_space<vmem>>
      %dma_start3A_1284 = tpu.memref_squeeze %dma_start3A_1283 : memref<1x8x32xf32, #tpu.memory_space<vmem>> -> memref<8x32xf32, #tpu.memory_space<vmem>>
      %dma_start3A_1285 = arith.constant 0 : i32
      %dma_start3A_1286 = arith.constant 0 : i32
      %dma_start3A_1287 = tpu.memref_slice %arg5[%shift_right_logical3A_1254, %dma_start3A_1285, %dma_start3A_1286] : memref<125000x8x32xf32, #tpu.memory_space<hbm>> -> memref<1x8x32xf32, #tpu.memory_space<hbm>>
      %dma_start3A_1288 = tpu.memref_squeeze %dma_start3A_1287 : memref<1x8x32xf32, #tpu.memory_space<hbm>> -> memref<8x32xf32, #tpu.memory_space<hbm>>
      tpu.enqueue_dma source(%dma_start3A_1288 : memref<8x32xf32, #tpu.memory_space<hbm>>) target(%dma_start3A_1284 : memref<8x32xf32, #tpu.memory_space<vmem>>) target_semaphore(%arg15 : memref<!tpu.dma_semaphore, #tpu.memory_space<semaphore_mem>>)
      %slice3A_1289 = vector.extract_strided_slice %get3A_698 {offsets = [14], sizes = [1], strides = [1]} : vector<16xi32> to vector<1xi32>
      %squeeze3A_1290 = vector.extract %slice3A_1289[0] : i32 from vector<1xi32>
      %shift_right_logical3A_1291 = arith.constant 3 : i32
      %shift_right_logical3A_1292 = arith.shrui %squeeze3A_1290, %shift_right_logical3A_1291 : i32
      %slice3A_1293 = vector.extract_strided_slice %get3A_700 {offsets = [14], sizes = [1], strides = [1]} : vector<16xi32> to vector<1xi32>
      %squeeze3A_1294 = vector.extract %slice3A_1293[0] : i32 from vector<1xi32>
      %shift_right_logical3A_1295 = arith.constant 3 : i32
      %shift_right_logical3A_1296 = arith.shrui %squeeze3A_1294, %shift_right_logical3A_1295 : i32
      %dma_start3A_1297 = arith.constant 14 : i32
      %dma_start3A_1298 = arith.constant 0 : i32
      %dma_start3A_1299 = arith.constant 0 : i32
      %dma_start3A_1300 = tpu.memref_slice %arg11[%dma_start3A_1297, %dma_start3A_1298, %dma_start3A_1299] : memref<16x8x32xf32, #tpu.memory_space<vmem>> -> memref<1x8x32xf32, #tpu.memory_space<vmem>>
      %dma_start3A_1301 = tpu.memref_squeeze %dma_start3A_1300 : memref<1x8x32xf32, #tpu.memory_space<vmem>> -> memref<8x32xf32, #tpu.memory_space<vmem>>
      %dma_start3A_1302 = arith.constant 0 : i32
      %dma_start3A_1303 = arith.constant 0 : i32
      %dma_start3A_1304 = tpu.memref_slice %arg4[%shift_right_logical3A_1292, %dma_start3A_1302, %dma_start3A_1303] : memref<125000x8x32xf32, #tpu.memory_space<hbm>> -> memref<1x8x32xf32, #tpu.memory_space<hbm>>
      %dma_start3A_1305 = tpu.memref_squeeze %dma_start3A_1304 : memref<1x8x32xf32, #tpu.memory_space<hbm>> -> memref<8x32xf32, #tpu.memory_space<hbm>>
      %dma_start3A_1306 = arith.constant 0 : i32
      %dma_start3A_1307 = arith.constant 0 : i32
      %dma_start3A_1308 = tpu.memref_slice %arg11[%dma_start3A_1297, %dma_start3A_1306, %dma_start3A_1307] : memref<16x8x32xf32, #tpu.memory_space<vmem>> -> memref<1x8x32xf32, #tpu.memory_space<vmem>>
      %dma_start3A_1309 = tpu.memref_squeeze %dma_start3A_1308 : memref<1x8x32xf32, #tpu.memory_space<vmem>> -> memref<8x32xf32, #tpu.memory_space<vmem>>
      %dma_start3A_1310 = arith.constant 0 : i32
      %dma_start3A_1311 = arith.constant 0 : i32
      %dma_start3A_1312 = tpu.memref_slice %arg4[%shift_right_logical3A_1292, %dma_start3A_1310, %dma_start3A_1311] : memref<125000x8x32xf32, #tpu.memory_space<hbm>> -> memref<1x8x32xf32, #tpu.memory_space<hbm>>
      %dma_start3A_1313 = tpu.memref_squeeze %dma_start3A_1312 : memref<1x8x32xf32, #tpu.memory_space<hbm>> -> memref<8x32xf32, #tpu.memory_space<hbm>>
      tpu.enqueue_dma source(%dma_start3A_1313 : memref<8x32xf32, #tpu.memory_space<hbm>>) target(%dma_start3A_1309 : memref<8x32xf32, #tpu.memory_space<vmem>>) target_semaphore(%arg14 : memref<!tpu.dma_semaphore, #tpu.memory_space<semaphore_mem>>)
      %dma_start3A_1314 = arith.constant 14 : i32
      %dma_start3A_1315 = arith.constant 0 : i32
      %dma_start3A_1316 = arith.constant 0 : i32
      %dma_start3A_1317 = tpu.memref_slice %arg12[%dma_start3A_1314, %dma_start3A_1315, %dma_start3A_1316] : memref<16x8x32xf32, #tpu.memory_space<vmem>> -> memref<1x8x32xf32, #tpu.memory_space<vmem>>
      %dma_start3A_1318 = tpu.memref_squeeze %dma_start3A_1317 : memref<1x8x32xf32, #tpu.memory_space<vmem>> -> memref<8x32xf32, #tpu.memory_space<vmem>>
      %dma_start3A_1319 = arith.constant 0 : i32
      %dma_start3A_1320 = arith.constant 0 : i32
      %dma_start3A_1321 = tpu.memref_slice %arg5[%shift_right_logical3A_1296, %dma_start3A_1319, %dma_start3A_1320] : memref<125000x8x32xf32, #tpu.memory_space<hbm>> -> memref<1x8x32xf32, #tpu.memory_space<hbm>>
      %dma_start3A_1322 = tpu.memref_squeeze %dma_start3A_1321 : memref<1x8x32xf32, #tpu.memory_space<hbm>> -> memref<8x32xf32, #tpu.memory_space<hbm>>
      %dma_start3A_1323 = arith.constant 0 : i32
      %dma_start3A_1324 = arith.constant 0 : i32
      %dma_start3A_1325 = tpu.memref_slice %arg12[%dma_start3A_1314, %dma_start3A_1323, %dma_start3A_1324] : memref<16x8x32xf32, #tpu.memory_space<vmem>> -> memref<1x8x32xf32, #tpu.memory_space<vmem>>
      %dma_start3A_1326 = tpu.memref_squeeze %dma_start3A_1325 : memref<1x8x32xf32, #tpu.memory_space<vmem>> -> memref<8x32xf32, #tpu.memory_space<vmem>>
      %dma_start3A_1327 = arith.constant 0 : i32
      %dma_start3A_1328 = arith.constant 0 : i32
      %dma_start3A_1329 = tpu.memref_slice %arg5[%shift_right_logical3A_1296, %dma_start3A_1327, %dma_start3A_1328] : memref<125000x8x32xf32, #tpu.memory_space<hbm>> -> memref<1x8x32xf32, #tpu.memory_space<hbm>>
      %dma_start3A_1330 = tpu.memref_squeeze %dma_start3A_1329 : memref<1x8x32xf32, #tpu.memory_space<hbm>> -> memref<8x32xf32, #tpu.memory_space<hbm>>
      tpu.enqueue_dma source(%dma_start3A_1330 : memref<8x32xf32, #tpu.memory_space<hbm>>) target(%dma_start3A_1326 : memref<8x32xf32, #tpu.memory_space<vmem>>) target_semaphore(%arg15 : memref<!tpu.dma_semaphore, #tpu.memory_space<semaphore_mem>>)
      %slice3A_1331 = vector.extract_strided_slice %get3A_698 {offsets = [15], sizes = [1], strides = [1]} : vector<16xi32> to vector<1xi32>
      %squeeze3A_1332 = vector.extract %slice3A_1331[0] : i32 from vector<1xi32>
      %shift_right_logical3A_1333 = arith.constant 3 : i32
      %shift_right_logical3A_1334 = arith.shrui %squeeze3A_1332, %shift_right_logical3A_1333 : i32
      %slice3A_1335 = vector.extract_strided_slice %get3A_700 {offsets = [15], sizes = [1], strides = [1]} : vector<16xi32> to vector<1xi32>
      %squeeze3A_1336 = vector.extract %slice3A_1335[0] : i32 from vector<1xi32>
      %shift_right_logical3A_1337 = arith.constant 3 : i32
      %shift_right_logical3A_1338 = arith.shrui %squeeze3A_1336, %shift_right_logical3A_1337 : i32
      %dma_start3A_1339 = arith.constant 15 : i32
      %dma_start3A_1340 = arith.constant 0 : i32
      %dma_start3A_1341 = arith.constant 0 : i32
      %dma_start3A_1342 = tpu.memref_slice %arg11[%dma_start3A_1339, %dma_start3A_1340, %dma_start3A_1341] : memref<16x8x32xf32, #tpu.memory_space<vmem>> -> memref<1x8x32xf32, #tpu.memory_space<vmem>>
      %dma_start3A_1343 = tpu.memref_squeeze %dma_start3A_1342 : memref<1x8x32xf32, #tpu.memory_space<vmem>> -> memref<8x32xf32, #tpu.memory_space<vmem>>
      %dma_start3A_1344 = arith.constant 0 : i32
      %dma_start3A_1345 = arith.constant 0 : i32
      %dma_start3A_1346 = tpu.memref_slice %arg4[%shift_right_logical3A_1334, %dma_start3A_1344, %dma_start3A_1345] : memref<125000x8x32xf32, #tpu.memory_space<hbm>> -> memref<1x8x32xf32, #tpu.memory_space<hbm>>
      %dma_start3A_1347 = tpu.memref_squeeze %dma_start3A_1346 : memref<1x8x32xf32, #tpu.memory_space<hbm>> -> memref<8x32xf32, #tpu.memory_space<hbm>>
      %dma_start3A_1348 = arith.constant 0 : i32
      %dma_start3A_1349 = arith.constant 0 : i32
      %dma_start3A_1350 = tpu.memref_slice %arg11[%dma_start3A_1339, %dma_start3A_1348, %dma_start3A_1349] : memref<16x8x32xf32, #tpu.memory_space<vmem>> -> memref<1x8x32xf32, #tpu.memory_space<vmem>>
      %dma_start3A_1351 = tpu.memref_squeeze %dma_start3A_1350 : memref<1x8x32xf32, #tpu.memory_space<vmem>> -> memref<8x32xf32, #tpu.memory_space<vmem>>
      %dma_start3A_1352 = arith.constant 0 : i32
      %dma_start3A_1353 = arith.constant 0 : i32
      %dma_start3A_1354 = tpu.memref_slice %arg4[%shift_right_logical3A_1334, %dma_start3A_1352, %dma_start3A_1353] : memref<125000x8x32xf32, #tpu.memory_space<hbm>> -> memref<1x8x32xf32, #tpu.memory_space<hbm>>
      %dma_start3A_1355 = tpu.memref_squeeze %dma_start3A_1354 : memref<1x8x32xf32, #tpu.memory_space<hbm>> -> memref<8x32xf32, #tpu.memory_space<hbm>>
      tpu.enqueue_dma source(%dma_start3A_1355 : memref<8x32xf32, #tpu.memory_space<hbm>>) target(%dma_start3A_1351 : memref<8x32xf32, #tpu.memory_space<vmem>>) target_semaphore(%arg14 : memref<!tpu.dma_semaphore, #tpu.memory_space<semaphore_mem>>)
      %dma_start3A_1356 = arith.constant 15 : i32
      %dma_start3A_1357 = arith.constant 0 : i32
      %dma_start3A_1358 = arith.constant 0 : i32
      %dma_start3A_1359 = tpu.memref_slice %arg12[%dma_start3A_1356, %dma_start3A_1357, %dma_start3A_1358] : memref<16x8x32xf32, #tpu.memory_space<vmem>> -> memref<1x8x32xf32, #tpu.memory_space<vmem>>
      %dma_start3A_1360 = tpu.memref_squeeze %dma_start3A_1359 : memref<1x8x32xf32, #tpu.memory_space<vmem>> -> memref<8x32xf32, #tpu.memory_space<vmem>>
      %dma_start3A_1361 = arith.constant 0 : i32
      %dma_start3A_1362 = arith.constant 0 : i32
      %dma_start3A_1363 = tpu.memref_slice %arg5[%shift_right_logical3A_1338, %dma_start3A_1361, %dma_start3A_1362] : memref<125000x8x32xf32, #tpu.memory_space<hbm>> -> memref<1x8x32xf32, #tpu.memory_space<hbm>>
      %dma_start3A_1364 = tpu.memref_squeeze %dma_start3A_1363 : memref<1x8x32xf32, #tpu.memory_space<hbm>> -> memref<8x32xf32, #tpu.memory_space<hbm>>
      %dma_start3A_1365 = arith.constant 0 : i32
      %dma_start3A_1366 = arith.constant 0 : i32
      %dma_start3A_1367 = tpu.memref_slice %arg12[%dma_start3A_1356, %dma_start3A_1365, %dma_start3A_1366] : memref<16x8x32xf32, #tpu.memory_space<vmem>> -> memref<1x8x32xf32, #tpu.memory_space<vmem>>
      %dma_start3A_1368 = tpu.memref_squeeze %dma_start3A_1367 : memref<1x8x32xf32, #tpu.memory_space<vmem>> -> memref<8x32xf32, #tpu.memory_space<vmem>>
      %dma_start3A_1369 = arith.constant 0 : i32
      %dma_start3A_1370 = arith.constant 0 : i32
      %dma_start3A_1371 = tpu.memref_slice %arg5[%shift_right_logical3A_1338, %dma_start3A_1369, %dma_start3A_1370] : memref<125000x8x32xf32, #tpu.memory_space<hbm>> -> memref<1x8x32xf32, #tpu.memory_space<hbm>>
      %dma_start3A_1372 = tpu.memref_squeeze %dma_start3A_1371 : memref<1x8x32xf32, #tpu.memory_space<hbm>> -> memref<8x32xf32, #tpu.memory_space<hbm>>
      tpu.enqueue_dma source(%dma_start3A_1372 : memref<8x32xf32, #tpu.memory_space<hbm>>) target(%dma_start3A_1368 : memref<8x32xf32, #tpu.memory_space<vmem>>) target_semaphore(%arg15 : memref<!tpu.dma_semaphore, #tpu.memory_space<semaphore_mem>>)
      %dma_wait3A = arith.constant 0 : i32
      %dma_wait3A_1373 = arith.constant 0 : i32
      %dma_wait3A_1374 = arith.constant 0 : i32
      %dma_wait3A_1375 = tpu.memref_slice %arg9[%dma_wait3A, %dma_wait3A_1373, %dma_wait3A_1374] : memref<16x8x32xf32, #tpu.memory_space<vmem>> -> memref<1x8x32xf32, #tpu.memory_space<vmem>>
      %dma_wait3A_1376 = tpu.memref_squeeze %dma_wait3A_1375 : memref<1x8x32xf32, #tpu.memory_space<vmem>> -> memref<8x32xf32, #tpu.memory_space<vmem>>
      %dma_wait3A_1377 = arith.constant 0 : i32
      %dma_wait3A_1378 = arith.constant 0 : i32
      %dma_wait3A_1379 = tpu.memref_slice %arg4[%shift_right_logical3A_20, %dma_wait3A_1377, %dma_wait3A_1378] : memref<125000x8x32xf32, #tpu.memory_space<hbm>> -> memref<1x8x32xf32, #tpu.memory_space<hbm>>
      %dma_wait3A_1380 = tpu.memref_squeeze %dma_wait3A_1379 : memref<1x8x32xf32, #tpu.memory_space<hbm>> -> memref<8x32xf32, #tpu.memory_space<hbm>>
      %dma_wait3A_1381 = arith.constant 0 : i32
      %dma_wait3A_1382 = arith.constant 0 : i32
      %dma_wait3A_1383 = tpu.memref_slice %arg9[%dma_wait3A, %dma_wait3A_1381, %dma_wait3A_1382] : memref<16x8x32xf32, #tpu.memory_space<vmem>> -> memref<1x8x32xf32, #tpu.memory_space<vmem>>
      %dma_wait3A_1384 = tpu.memref_squeeze %dma_wait3A_1383 : memref<1x8x32xf32, #tpu.memory_space<vmem>> -> memref<8x32xf32, #tpu.memory_space<vmem>>
      %dma_wait3A_1385 = arith.constant 0 : i32
      %dma_wait3A_1386 = arith.constant 0 : i32
      %dma_wait3A_1387 = tpu.memref_slice %arg4[%shift_right_logical3A_20, %dma_wait3A_1385, %dma_wait3A_1386] : memref<125000x8x32xf32, #tpu.memory_space<hbm>> -> memref<1x8x32xf32, #tpu.memory_space<hbm>>
      %dma_wait3A_1388 = tpu.memref_squeeze %dma_wait3A_1387 : memref<1x8x32xf32, #tpu.memory_space<hbm>> -> memref<8x32xf32, #tpu.memory_space<hbm>>
      tpu.wait_dma2 semaphore(%arg14 : memref<!tpu.dma_semaphore, #tpu.memory_space<semaphore_mem>>) src(%dma_wait3A_1388 : memref<8x32xf32, #tpu.memory_space<hbm>>) dst(%dma_wait3A_1384 : memref<8x32xf32, #tpu.memory_space<vmem>>)
      %dma_wait3A_1389 = arith.constant 0 : i32
      %dma_wait3A_1390 = arith.constant 0 : i32
      %dma_wait3A_1391 = arith.constant 0 : i32
      %dma_wait3A_1392 = tpu.memref_slice %arg10[%dma_wait3A_1389, %dma_wait3A_1390, %dma_wait3A_1391] : memref<16x8x32xf32, #tpu.memory_space<vmem>> -> memref<1x8x32xf32, #tpu.memory_space<vmem>>
      %dma_wait3A_1393 = tpu.memref_squeeze %dma_wait3A_1392 : memref<1x8x32xf32, #tpu.memory_space<vmem>> -> memref<8x32xf32, #tpu.memory_space<vmem>>
      %dma_wait3A_1394 = arith.constant 0 : i32
      %dma_wait3A_1395 = arith.constant 0 : i32
      %dma_wait3A_1396 = tpu.memref_slice %arg5[%shift_right_logical3A_24, %dma_wait3A_1394, %dma_wait3A_1395] : memref<125000x8x32xf32, #tpu.memory_space<hbm>> -> memref<1x8x32xf32, #tpu.memory_space<hbm>>
      %dma_wait3A_1397 = tpu.memref_squeeze %dma_wait3A_1396 : memref<1x8x32xf32, #tpu.memory_space<hbm>> -> memref<8x32xf32, #tpu.memory_space<hbm>>
      %dma_wait3A_1398 = arith.constant 0 : i32
      %dma_wait3A_1399 = arith.constant 0 : i32
      %dma_wait3A_1400 = tpu.memref_slice %arg10[%dma_wait3A_1389, %dma_wait3A_1398, %dma_wait3A_1399] : memref<16x8x32xf32, #tpu.memory_space<vmem>> -> memref<1x8x32xf32, #tpu.memory_space<vmem>>
      %dma_wait3A_1401 = tpu.memref_squeeze %dma_wait3A_1400 : memref<1x8x32xf32, #tpu.memory_space<vmem>> -> memref<8x32xf32, #tpu.memory_space<vmem>>
      %dma_wait3A_1402 = arith.constant 0 : i32
      %dma_wait3A_1403 = arith.constant 0 : i32
      %dma_wait3A_1404 = tpu.memref_slice %arg5[%shift_right_logical3A_24, %dma_wait3A_1402, %dma_wait3A_1403] : memref<125000x8x32xf32, #tpu.memory_space<hbm>> -> memref<1x8x32xf32, #tpu.memory_space<hbm>>
      %dma_wait3A_1405 = tpu.memref_squeeze %dma_wait3A_1404 : memref<1x8x32xf32, #tpu.memory_space<hbm>> -> memref<8x32xf32, #tpu.memory_space<hbm>>
      tpu.wait_dma2 semaphore(%arg15 : memref<!tpu.dma_semaphore, #tpu.memory_space<semaphore_mem>>) src(%dma_wait3A_1405 : memref<8x32xf32, #tpu.memory_space<hbm>>) dst(%dma_wait3A_1401 : memref<8x32xf32, #tpu.memory_space<vmem>>)
      %dma_wait3A_1406 = arith.constant 1 : i32
      %dma_wait3A_1407 = arith.constant 0 : i32
      %dma_wait3A_1408 = arith.constant 0 : i32
      %dma_wait3A_1409 = tpu.memref_slice %arg9[%dma_wait3A_1406, %dma_wait3A_1407, %dma_wait3A_1408] : memref<16x8x32xf32, #tpu.memory_space<vmem>> -> memref<1x8x32xf32, #tpu.memory_space<vmem>>
      %dma_wait3A_1410 = tpu.memref_squeeze %dma_wait3A_1409 : memref<1x8x32xf32, #tpu.memory_space<vmem>> -> memref<8x32xf32, #tpu.memory_space<vmem>>
      %dma_wait3A_1411 = arith.constant 0 : i32
      %dma_wait3A_1412 = arith.constant 0 : i32
      %dma_wait3A_1413 = tpu.memref_slice %arg4[%shift_right_logical3A_61, %dma_wait3A_1411, %dma_wait3A_1412] : memref<125000x8x32xf32, #tpu.memory_space<hbm>> -> memref<1x8x32xf32, #tpu.memory_space<hbm>>
      %dma_wait3A_1414 = tpu.memref_squeeze %dma_wait3A_1413 : memref<1x8x32xf32, #tpu.memory_space<hbm>> -> memref<8x32xf32, #tpu.memory_space<hbm>>
      %dma_wait3A_1415 = arith.constant 0 : i32
      %dma_wait3A_1416 = arith.constant 0 : i32
      %dma_wait3A_1417 = tpu.memref_slice %arg9[%dma_wait3A_1406, %dma_wait3A_1415, %dma_wait3A_1416] : memref<16x8x32xf32, #tpu.memory_space<vmem>> -> memref<1x8x32xf32, #tpu.memory_space<vmem>>
      %dma_wait3A_1418 = tpu.memref_squeeze %dma_wait3A_1417 : memref<1x8x32xf32, #tpu.memory_space<vmem>> -> memref<8x32xf32, #tpu.memory_space<vmem>>
      %dma_wait3A_1419 = arith.constant 0 : i32
      %dma_wait3A_1420 = arith.constant 0 : i32
      %dma_wait3A_1421 = tpu.memref_slice %arg4[%shift_right_logical3A_61, %dma_wait3A_1419, %dma_wait3A_1420] : memref<125000x8x32xf32, #tpu.memory_space<hbm>> -> memref<1x8x32xf32, #tpu.memory_space<hbm>>
      %dma_wait3A_1422 = tpu.memref_squeeze %dma_wait3A_1421 : memref<1x8x32xf32, #tpu.memory_space<hbm>> -> memref<8x32xf32, #tpu.memory_space<hbm>>
      tpu.wait_dma2 semaphore(%arg14 : memref<!tpu.dma_semaphore, #tpu.memory_space<semaphore_mem>>) src(%dma_wait3A_1422 : memref<8x32xf32, #tpu.memory_space<hbm>>) dst(%dma_wait3A_1418 : memref<8x32xf32, #tpu.memory_space<vmem>>)
      %dma_wait3A_1423 = arith.constant 1 : i32
      %dma_wait3A_1424 = arith.constant 0 : i32
      %dma_wait3A_1425 = arith.constant 0 : i32
      %dma_wait3A_1426 = tpu.memref_slice %arg10[%dma_wait3A_1423, %dma_wait3A_1424, %dma_wait3A_1425] : memref<16x8x32xf32, #tpu.memory_space<vmem>> -> memref<1x8x32xf32, #tpu.memory_space<vmem>>
      %dma_wait3A_1427 = tpu.memref_squeeze %dma_wait3A_1426 : memref<1x8x32xf32, #tpu.memory_space<vmem>> -> memref<8x32xf32, #tpu.memory_space<vmem>>
      %dma_wait3A_1428 = arith.constant 0 : i32
      %dma_wait3A_1429 = arith.constant 0 : i32
      %dma_wait3A_1430 = tpu.memref_slice %arg5[%shift_right_logical3A_65, %dma_wait3A_1428, %dma_wait3A_1429] : memref<125000x8x32xf32, #tpu.memory_space<hbm>> -> memref<1x8x32xf32, #tpu.memory_space<hbm>>
      %dma_wait3A_1431 = tpu.memref_squeeze %dma_wait3A_1430 : memref<1x8x32xf32, #tpu.memory_space<hbm>> -> memref<8x32xf32, #tpu.memory_space<hbm>>
      %dma_wait3A_1432 = arith.constant 0 : i32
      %dma_wait3A_1433 = arith.constant 0 : i32
      %dma_wait3A_1434 = tpu.memref_slice %arg10[%dma_wait3A_1423, %dma_wait3A_1432, %dma_wait3A_1433] : memref<16x8x32xf32, #tpu.memory_space<vmem>> -> memref<1x8x32xf32, #tpu.memory_space<vmem>>
      %dma_wait3A_1435 = tpu.memref_squeeze %dma_wait3A_1434 : memref<1x8x32xf32, #tpu.memory_space<vmem>> -> memref<8x32xf32, #tpu.memory_space<vmem>>
      %dma_wait3A_1436 = arith.constant 0 : i32
      %dma_wait3A_1437 = arith.constant 0 : i32
      %dma_wait3A_1438 = tpu.memref_slice %arg5[%shift_right_logical3A_65, %dma_wait3A_1436, %dma_wait3A_1437] : memref<125000x8x32xf32, #tpu.memory_space<hbm>> -> memref<1x8x32xf32, #tpu.memory_space<hbm>>
      %dma_wait3A_1439 = tpu.memref_squeeze %dma_wait3A_1438 : memref<1x8x32xf32, #tpu.memory_space<hbm>> -> memref<8x32xf32, #tpu.memory_space<hbm>>
      tpu.wait_dma2 semaphore(%arg15 : memref<!tpu.dma_semaphore, #tpu.memory_space<semaphore_mem>>) src(%dma_wait3A_1439 : memref<8x32xf32, #tpu.memory_space<hbm>>) dst(%dma_wait3A_1435 : memref<8x32xf32, #tpu.memory_space<vmem>>)
      %dma_wait3A_1440 = arith.constant 2 : i32
      %dma_wait3A_1441 = arith.constant 0 : i32
      %dma_wait3A_1442 = arith.constant 0 : i32
      %dma_wait3A_1443 = tpu.memref_slice %arg9[%dma_wait3A_1440, %dma_wait3A_1441, %dma_wait3A_1442] : memref<16x8x32xf32, #tpu.memory_space<vmem>> -> memref<1x8x32xf32, #tpu.memory_space<vmem>>
      %dma_wait3A_1444 = tpu.memref_squeeze %dma_wait3A_1443 : memref<1x8x32xf32, #tpu.memory_space<vmem>> -> memref<8x32xf32, #tpu.memory_space<vmem>>
      %dma_wait3A_1445 = arith.constant 0 : i32
      %dma_wait3A_1446 = arith.constant 0 : i32
      %dma_wait3A_1447 = tpu.memref_slice %arg4[%shift_right_logical3A_103, %dma_wait3A_1445, %dma_wait3A_1446] : memref<125000x8x32xf32, #tpu.memory_space<hbm>> -> memref<1x8x32xf32, #tpu.memory_space<hbm>>
      %dma_wait3A_1448 = tpu.memref_squeeze %dma_wait3A_1447 : memref<1x8x32xf32, #tpu.memory_space<hbm>> -> memref<8x32xf32, #tpu.memory_space<hbm>>
      %dma_wait3A_1449 = arith.constant 0 : i32
      %dma_wait3A_1450 = arith.constant 0 : i32
      %dma_wait3A_1451 = tpu.memref_slice %arg9[%dma_wait3A_1440, %dma_wait3A_1449, %dma_wait3A_1450] : memref<16x8x32xf32, #tpu.memory_space<vmem>> -> memref<1x8x32xf32, #tpu.memory_space<vmem>>
      %dma_wait3A_1452 = tpu.memref_squeeze %dma_wait3A_1451 : memref<1x8x32xf32, #tpu.memory_space<vmem>> -> memref<8x32xf32, #tpu.memory_space<vmem>>
      %dma_wait3A_1453 = arith.constant 0 : i32
      %dma_wait3A_1454 = arith.constant 0 : i32
      %dma_wait3A_1455 = tpu.memref_slice %arg4[%shift_right_logical3A_103, %dma_wait3A_1453, %dma_wait3A_1454] : memref<125000x8x32xf32, #tpu.memory_space<hbm>> -> memref<1x8x32xf32, #tpu.memory_space<hbm>>
      %dma_wait3A_1456 = tpu.memref_squeeze %dma_wait3A_1455 : memref<1x8x32xf32, #tpu.memory_space<hbm>> -> memref<8x32xf32, #tpu.memory_space<hbm>>
      tpu.wait_dma2 semaphore(%arg14 : memref<!tpu.dma_semaphore, #tpu.memory_space<semaphore_mem>>) src(%dma_wait3A_1456 : memref<8x32xf32, #tpu.memory_space<hbm>>) dst(%dma_wait3A_1452 : memref<8x32xf32, #tpu.memory_space<vmem>>)
      %dma_wait3A_1457 = arith.constant 2 : i32
      %dma_wait3A_1458 = arith.constant 0 : i32
      %dma_wait3A_1459 = arith.constant 0 : i32
      %dma_wait3A_1460 = tpu.memref_slice %arg10[%dma_wait3A_1457, %dma_wait3A_1458, %dma_wait3A_1459] : memref<16x8x32xf32, #tpu.memory_space<vmem>> -> memref<1x8x32xf32, #tpu.memory_space<vmem>>
      %dma_wait3A_1461 = tpu.memref_squeeze %dma_wait3A_1460 : memref<1x8x32xf32, #tpu.memory_space<vmem>> -> memref<8x32xf32, #tpu.memory_space<vmem>>
      %dma_wait3A_1462 = arith.constant 0 : i32
      %dma_wait3A_1463 = arith.constant 0 : i32
      %dma_wait3A_1464 = tpu.memref_slice %arg5[%shift_right_logical3A_107, %dma_wait3A_1462, %dma_wait3A_1463] : memref<125000x8x32xf32, #tpu.memory_space<hbm>> -> memref<1x8x32xf32, #tpu.memory_space<hbm>>
      %dma_wait3A_1465 = tpu.memref_squeeze %dma_wait3A_1464 : memref<1x8x32xf32, #tpu.memory_space<hbm>> -> memref<8x32xf32, #tpu.memory_space<hbm>>
      %dma_wait3A_1466 = arith.constant 0 : i32
      %dma_wait3A_1467 = arith.constant 0 : i32
      %dma_wait3A_1468 = tpu.memref_slice %arg10[%dma_wait3A_1457, %dma_wait3A_1466, %dma_wait3A_1467] : memref<16x8x32xf32, #tpu.memory_space<vmem>> -> memref<1x8x32xf32, #tpu.memory_space<vmem>>
      %dma_wait3A_1469 = tpu.memref_squeeze %dma_wait3A_1468 : memref<1x8x32xf32, #tpu.memory_space<vmem>> -> memref<8x32xf32, #tpu.memory_space<vmem>>
      %dma_wait3A_1470 = arith.constant 0 : i32
      %dma_wait3A_1471 = arith.constant 0 : i32
      %dma_wait3A_1472 = tpu.memref_slice %arg5[%shift_right_logical3A_107, %dma_wait3A_1470, %dma_wait3A_1471] : memref<125000x8x32xf32, #tpu.memory_space<hbm>> -> memref<1x8x32xf32, #tpu.memory_space<hbm>>
      %dma_wait3A_1473 = tpu.memref_squeeze %dma_wait3A_1472 : memref<1x8x32xf32, #tpu.memory_space<hbm>> -> memref<8x32xf32, #tpu.memory_space<hbm>>
      tpu.wait_dma2 semaphore(%arg15 : memref<!tpu.dma_semaphore, #tpu.memory_space<semaphore_mem>>) src(%dma_wait3A_1473 : memref<8x32xf32, #tpu.memory_space<hbm>>) dst(%dma_wait3A_1469 : memref<8x32xf32, #tpu.memory_space<vmem>>)
      %dma_wait3A_1474 = arith.constant 3 : i32
      %dma_wait3A_1475 = arith.constant 0 : i32
      %dma_wait3A_1476 = arith.constant 0 : i32
      %dma_wait3A_1477 = tpu.memref_slice %arg9[%dma_wait3A_1474, %dma_wait3A_1475, %dma_wait3A_1476] : memref<16x8x32xf32, #tpu.memory_space<vmem>> -> memref<1x8x32xf32, #tpu.memory_space<vmem>>
      %dma_wait3A_1478 = tpu.memref_squeeze %dma_wait3A_1477 : memref<1x8x32xf32, #tpu.memory_space<vmem>> -> memref<8x32xf32, #tpu.memory_space<vmem>>
      %dma_wait3A_1479 = arith.constant 0 : i32
      %dma_wait3A_1480 = arith.constant 0 : i32
      %dma_wait3A_1481 = tpu.memref_slice %arg4[%shift_right_logical3A_145, %dma_wait3A_1479, %dma_wait3A_1480] : memref<125000x8x32xf32, #tpu.memory_space<hbm>> -> memref<1x8x32xf32, #tpu.memory_space<hbm>>
      %dma_wait3A_1482 = tpu.memref_squeeze %dma_wait3A_1481 : memref<1x8x32xf32, #tpu.memory_space<hbm>> -> memref<8x32xf32, #tpu.memory_space<hbm>>
      %dma_wait3A_1483 = arith.constant 0 : i32
      %dma_wait3A_1484 = arith.constant 0 : i32
      %dma_wait3A_1485 = tpu.memref_slice %arg9[%dma_wait3A_1474, %dma_wait3A_1483, %dma_wait3A_1484] : memref<16x8x32xf32, #tpu.memory_space<vmem>> -> memref<1x8x32xf32, #tpu.memory_space<vmem>>
      %dma_wait3A_1486 = tpu.memref_squeeze %dma_wait3A_1485 : memref<1x8x32xf32, #tpu.memory_space<vmem>> -> memref<8x32xf32, #tpu.memory_space<vmem>>
      %dma_wait3A_1487 = arith.constant 0 : i32
      %dma_wait3A_1488 = arith.constant 0 : i32
      %dma_wait3A_1489 = tpu.memref_slice %arg4[%shift_right_logical3A_145, %dma_wait3A_1487, %dma_wait3A_1488] : memref<125000x8x32xf32, #tpu.memory_space<hbm>> -> memref<1x8x32xf32, #tpu.memory_space<hbm>>
      %dma_wait3A_1490 = tpu.memref_squeeze %dma_wait3A_1489 : memref<1x8x32xf32, #tpu.memory_space<hbm>> -> memref<8x32xf32, #tpu.memory_space<hbm>>
      tpu.wait_dma2 semaphore(%arg14 : memref<!tpu.dma_semaphore, #tpu.memory_space<semaphore_mem>>) src(%dma_wait3A_1490 : memref<8x32xf32, #tpu.memory_space<hbm>>) dst(%dma_wait3A_1486 : memref<8x32xf32, #tpu.memory_space<vmem>>)
      %dma_wait3A_1491 = arith.constant 3 : i32
      %dma_wait3A_1492 = arith.constant 0 : i32
      %dma_wait3A_1493 = arith.constant 0 : i32
      %dma_wait3A_1494 = tpu.memref_slice %arg10[%dma_wait3A_1491, %dma_wait3A_1492, %dma_wait3A_1493] : memref<16x8x32xf32, #tpu.memory_space<vmem>> -> memref<1x8x32xf32, #tpu.memory_space<vmem>>
      %dma_wait3A_1495 = tpu.memref_squeeze %dma_wait3A_1494 : memref<1x8x32xf32, #tpu.memory_space<vmem>> -> memref<8x32xf32, #tpu.memory_space<vmem>>
      %dma_wait3A_1496 = arith.constant 0 : i32
      %dma_wait3A_1497 = arith.constant 0 : i32
      %dma_wait3A_1498 = tpu.memref_slice %arg5[%shift_right_logical3A_149, %dma_wait3A_1496, %dma_wait3A_1497] : memref<125000x8x32xf32, #tpu.memory_space<hbm>> -> memref<1x8x32xf32, #tpu.memory_space<hbm>>
      %dma_wait3A_1499 = tpu.memref_squeeze %dma_wait3A_1498 : memref<1x8x32xf32, #tpu.memory_space<hbm>> -> memref<8x32xf32, #tpu.memory_space<hbm>>
      %dma_wait3A_1500 = arith.constant 0 : i32
      %dma_wait3A_1501 = arith.constant 0 : i32
      %dma_wait3A_1502 = tpu.memref_slice %arg10[%dma_wait3A_1491, %dma_wait3A_1500, %dma_wait3A_1501] : memref<16x8x32xf32, #tpu.memory_space<vmem>> -> memref<1x8x32xf32, #tpu.memory_space<vmem>>
      %dma_wait3A_1503 = tpu.memref_squeeze %dma_wait3A_1502 : memref<1x8x32xf32, #tpu.memory_space<vmem>> -> memref<8x32xf32, #tpu.memory_space<vmem>>
      %dma_wait3A_1504 = arith.constant 0 : i32
      %dma_wait3A_1505 = arith.constant 0 : i32
      %dma_wait3A_1506 = tpu.memref_slice %arg5[%shift_right_logical3A_149, %dma_wait3A_1504, %dma_wait3A_1505] : memref<125000x8x32xf32, #tpu.memory_space<hbm>> -> memref<1x8x32xf32, #tpu.memory_space<hbm>>
      %dma_wait3A_1507 = tpu.memref_squeeze %dma_wait3A_1506 : memref<1x8x32xf32, #tpu.memory_space<hbm>> -> memref<8x32xf32, #tpu.memory_space<hbm>>
      tpu.wait_dma2 semaphore(%arg15 : memref<!tpu.dma_semaphore, #tpu.memory_space<semaphore_mem>>) src(%dma_wait3A_1507 : memref<8x32xf32, #tpu.memory_space<hbm>>) dst(%dma_wait3A_1503 : memref<8x32xf32, #tpu.memory_space<vmem>>)
      %dma_wait3A_1508 = arith.constant 4 : i32
      %dma_wait3A_1509 = arith.constant 0 : i32
      %dma_wait3A_1510 = arith.constant 0 : i32
      %dma_wait3A_1511 = tpu.memref_slice %arg9[%dma_wait3A_1508, %dma_wait3A_1509, %dma_wait3A_1510] : memref<16x8x32xf32, #tpu.memory_space<vmem>> -> memref<1x8x32xf32, #tpu.memory_space<vmem>>
      %dma_wait3A_1512 = tpu.memref_squeeze %dma_wait3A_1511 : memref<1x8x32xf32, #tpu.memory_space<vmem>> -> memref<8x32xf32, #tpu.memory_space<vmem>>
      %dma_wait3A_1513 = arith.constant 0 : i32
      %dma_wait3A_1514 = arith.constant 0 : i32
      %dma_wait3A_1515 = tpu.memref_slice %arg4[%shift_right_logical3A_187, %dma_wait3A_1513, %dma_wait3A_1514] : memref<125000x8x32xf32, #tpu.memory_space<hbm>> -> memref<1x8x32xf32, #tpu.memory_space<hbm>>
      %dma_wait3A_1516 = tpu.memref_squeeze %dma_wait3A_1515 : memref<1x8x32xf32, #tpu.memory_space<hbm>> -> memref<8x32xf32, #tpu.memory_space<hbm>>
      %dma_wait3A_1517 = arith.constant 0 : i32
      %dma_wait3A_1518 = arith.constant 0 : i32
      %dma_wait3A_1519 = tpu.memref_slice %arg9[%dma_wait3A_1508, %dma_wait3A_1517, %dma_wait3A_1518] : memref<16x8x32xf32, #tpu.memory_space<vmem>> -> memref<1x8x32xf32, #tpu.memory_space<vmem>>
      %dma_wait3A_1520 = tpu.memref_squeeze %dma_wait3A_1519 : memref<1x8x32xf32, #tpu.memory_space<vmem>> -> memref<8x32xf32, #tpu.memory_space<vmem>>
      %dma_wait3A_1521 = arith.constant 0 : i32
      %dma_wait3A_1522 = arith.constant 0 : i32
      %dma_wait3A_1523 = tpu.memref_slice %arg4[%shift_right_logical3A_187, %dma_wait3A_1521, %dma_wait3A_1522] : memref<125000x8x32xf32, #tpu.memory_space<hbm>> -> memref<1x8x32xf32, #tpu.memory_space<hbm>>
      %dma_wait3A_1524 = tpu.memref_squeeze %dma_wait3A_1523 : memref<1x8x32xf32, #tpu.memory_space<hbm>> -> memref<8x32xf32, #tpu.memory_space<hbm>>
      tpu.wait_dma2 semaphore(%arg14 : memref<!tpu.dma_semaphore, #tpu.memory_space<semaphore_mem>>) src(%dma_wait3A_1524 : memref<8x32xf32, #tpu.memory_space<hbm>>) dst(%dma_wait3A_1520 : memref<8x32xf32, #tpu.memory_space<vmem>>)
      %dma_wait3A_1525 = arith.constant 4 : i32
      %dma_wait3A_1526 = arith.constant 0 : i32
      %dma_wait3A_1527 = arith.constant 0 : i32
      %dma_wait3A_1528 = tpu.memref_slice %arg10[%dma_wait3A_1525, %dma_wait3A_1526, %dma_wait3A_1527] : memref<16x8x32xf32, #tpu.memory_space<vmem>> -> memref<1x8x32xf32, #tpu.memory_space<vmem>>
      %dma_wait3A_1529 = tpu.memref_squeeze %dma_wait3A_1528 : memref<1x8x32xf32, #tpu.memory_space<vmem>> -> memref<8x32xf32, #tpu.memory_space<vmem>>
      %dma_wait3A_1530 = arith.constant 0 : i32
      %dma_wait3A_1531 = arith.constant 0 : i32
      %dma_wait3A_1532 = tpu.memref_slice %arg5[%shift_right_logical3A_191, %dma_wait3A_1530, %dma_wait3A_1531] : memref<125000x8x32xf32, #tpu.memory_space<hbm>> -> memref<1x8x32xf32, #tpu.memory_space<hbm>>
      %dma_wait3A_1533 = tpu.memref_squeeze %dma_wait3A_1532 : memref<1x8x32xf32, #tpu.memory_space<hbm>> -> memref<8x32xf32, #tpu.memory_space<hbm>>
      %dma_wait3A_1534 = arith.constant 0 : i32
      %dma_wait3A_1535 = arith.constant 0 : i32
      %dma_wait3A_1536 = tpu.memref_slice %arg10[%dma_wait3A_1525, %dma_wait3A_1534, %dma_wait3A_1535] : memref<16x8x32xf32, #tpu.memory_space<vmem>> -> memref<1x8x32xf32, #tpu.memory_space<vmem>>
      %dma_wait3A_1537 = tpu.memref_squeeze %dma_wait3A_1536 : memref<1x8x32xf32, #tpu.memory_space<vmem>> -> memref<8x32xf32, #tpu.memory_space<vmem>>
      %dma_wait3A_1538 = arith.constant 0 : i32
      %dma_wait3A_1539 = arith.constant 0 : i32
      %dma_wait3A_1540 = tpu.memref_slice %arg5[%shift_right_logical3A_191, %dma_wait3A_1538, %dma_wait3A_1539] : memref<125000x8x32xf32, #tpu.memory_space<hbm>> -> memref<1x8x32xf32, #tpu.memory_space<hbm>>
      %dma_wait3A_1541 = tpu.memref_squeeze %dma_wait3A_1540 : memref<1x8x32xf32, #tpu.memory_space<hbm>> -> memref<8x32xf32, #tpu.memory_space<hbm>>
      tpu.wait_dma2 semaphore(%arg15 : memref<!tpu.dma_semaphore, #tpu.memory_space<semaphore_mem>>) src(%dma_wait3A_1541 : memref<8x32xf32, #tpu.memory_space<hbm>>) dst(%dma_wait3A_1537 : memref<8x32xf32, #tpu.memory_space<vmem>>)
      %dma_wait3A_1542 = arith.constant 5 : i32
      %dma_wait3A_1543 = arith.constant 0 : i32
      %dma_wait3A_1544 = arith.constant 0 : i32
      %dma_wait3A_1545 = tpu.memref_slice %arg9[%dma_wait3A_1542, %dma_wait3A_1543, %dma_wait3A_1544] : memref<16x8x32xf32, #tpu.memory_space<vmem>> -> memref<1x8x32xf32, #tpu.memory_space<vmem>>
      %dma_wait3A_1546 = tpu.memref_squeeze %dma_wait3A_1545 : memref<1x8x32xf32, #tpu.memory_space<vmem>> -> memref<8x32xf32, #tpu.memory_space<vmem>>
      %dma_wait3A_1547 = arith.constant 0 : i32
      %dma_wait3A_1548 = arith.constant 0 : i32
      %dma_wait3A_1549 = tpu.memref_slice %arg4[%shift_right_logical3A_229, %dma_wait3A_1547, %dma_wait3A_1548] : memref<125000x8x32xf32, #tpu.memory_space<hbm>> -> memref<1x8x32xf32, #tpu.memory_space<hbm>>
      %dma_wait3A_1550 = tpu.memref_squeeze %dma_wait3A_1549 : memref<1x8x32xf32, #tpu.memory_space<hbm>> -> memref<8x32xf32, #tpu.memory_space<hbm>>
      %dma_wait3A_1551 = arith.constant 0 : i32
      %dma_wait3A_1552 = arith.constant 0 : i32
      %dma_wait3A_1553 = tpu.memref_slice %arg9[%dma_wait3A_1542, %dma_wait3A_1551, %dma_wait3A_1552] : memref<16x8x32xf32, #tpu.memory_space<vmem>> -> memref<1x8x32xf32, #tpu.memory_space<vmem>>
      %dma_wait3A_1554 = tpu.memref_squeeze %dma_wait3A_1553 : memref<1x8x32xf32, #tpu.memory_space<vmem>> -> memref<8x32xf32, #tpu.memory_space<vmem>>
      %dma_wait3A_1555 = arith.constant 0 : i32
      %dma_wait3A_1556 = arith.constant 0 : i32
      %dma_wait3A_1557 = tpu.memref_slice %arg4[%shift_right_logical3A_229, %dma_wait3A_1555, %dma_wait3A_1556] : memref<125000x8x32xf32, #tpu.memory_space<hbm>> -> memref<1x8x32xf32, #tpu.memory_space<hbm>>
      %dma_wait3A_1558 = tpu.memref_squeeze %dma_wait3A_1557 : memref<1x8x32xf32, #tpu.memory_space<hbm>> -> memref<8x32xf32, #tpu.memory_space<hbm>>
      tpu.wait_dma2 semaphore(%arg14 : memref<!tpu.dma_semaphore, #tpu.memory_space<semaphore_mem>>) src(%dma_wait3A_1558 : memref<8x32xf32, #tpu.memory_space<hbm>>) dst(%dma_wait3A_1554 : memref<8x32xf32, #tpu.memory_space<vmem>>)
      %dma_wait3A_1559 = arith.constant 5 : i32
      %dma_wait3A_1560 = arith.constant 0 : i32
      %dma_wait3A_1561 = arith.constant 0 : i32
      %dma_wait3A_1562 = tpu.memref_slice %arg10[%dma_wait3A_1559, %dma_wait3A_1560, %dma_wait3A_1561] : memref<16x8x32xf32, #tpu.memory_space<vmem>> -> memref<1x8x32xf32, #tpu.memory_space<vmem>>
      %dma_wait3A_1563 = tpu.memref_squeeze %dma_wait3A_1562 : memref<1x8x32xf32, #tpu.memory_space<vmem>> -> memref<8x32xf32, #tpu.memory_space<vmem>>
      %dma_wait3A_1564 = arith.constant 0 : i32
      %dma_wait3A_1565 = arith.constant 0 : i32
      %dma_wait3A_1566 = tpu.memref_slice %arg5[%shift_right_logical3A_233, %dma_wait3A_1564, %dma_wait3A_1565] : memref<125000x8x32xf32, #tpu.memory_space<hbm>> -> memref<1x8x32xf32, #tpu.memory_space<hbm>>
      %dma_wait3A_1567 = tpu.memref_squeeze %dma_wait3A_1566 : memref<1x8x32xf32, #tpu.memory_space<hbm>> -> memref<8x32xf32, #tpu.memory_space<hbm>>
      %dma_wait3A_1568 = arith.constant 0 : i32
      %dma_wait3A_1569 = arith.constant 0 : i32
      %dma_wait3A_1570 = tpu.memref_slice %arg10[%dma_wait3A_1559, %dma_wait3A_1568, %dma_wait3A_1569] : memref<16x8x32xf32, #tpu.memory_space<vmem>> -> memref<1x8x32xf32, #tpu.memory_space<vmem>>
      %dma_wait3A_1571 = tpu.memref_squeeze %dma_wait3A_1570 : memref<1x8x32xf32, #tpu.memory_space<vmem>> -> memref<8x32xf32, #tpu.memory_space<vmem>>
      %dma_wait3A_1572 = arith.constant 0 : i32
      %dma_wait3A_1573 = arith.constant 0 : i32
      %dma_wait3A_1574 = tpu.memref_slice %arg5[%shift_right_logical3A_233, %dma_wait3A_1572, %dma_wait3A_1573] : memref<125000x8x32xf32, #tpu.memory_space<hbm>> -> memref<1x8x32xf32, #tpu.memory_space<hbm>>
      %dma_wait3A_1575 = tpu.memref_squeeze %dma_wait3A_1574 : memref<1x8x32xf32, #tpu.memory_space<hbm>> -> memref<8x32xf32, #tpu.memory_space<hbm>>
      tpu.wait_dma2 semaphore(%arg15 : memref<!tpu.dma_semaphore, #tpu.memory_space<semaphore_mem>>) src(%dma_wait3A_1575 : memref<8x32xf32, #tpu.memory_space<hbm>>) dst(%dma_wait3A_1571 : memref<8x32xf32, #tpu.memory_space<vmem>>)
      %dma_wait3A_1576 = arith.constant 6 : i32
      %dma_wait3A_1577 = arith.constant 0 : i32
      %dma_wait3A_1578 = arith.constant 0 : i32
      %dma_wait3A_1579 = tpu.memref_slice %arg9[%dma_wait3A_1576, %dma_wait3A_1577, %dma_wait3A_1578] : memref<16x8x32xf32, #tpu.memory_space<vmem>> -> memref<1x8x32xf32, #tpu.memory_space<vmem>>
      %dma_wait3A_1580 = tpu.memref_squeeze %dma_wait3A_1579 : memref<1x8x32xf32, #tpu.memory_space<vmem>> -> memref<8x32xf32, #tpu.memory_space<vmem>>
      %dma_wait3A_1581 = arith.constant 0 : i32
      %dma_wait3A_1582 = arith.constant 0 : i32
      %dma_wait3A_1583 = tpu.memref_slice %arg4[%shift_right_logical3A_271, %dma_wait3A_1581, %dma_wait3A_1582] : memref<125000x8x32xf32, #tpu.memory_space<hbm>> -> memref<1x8x32xf32, #tpu.memory_space<hbm>>
      %dma_wait3A_1584 = tpu.memref_squeeze %dma_wait3A_1583 : memref<1x8x32xf32, #tpu.memory_space<hbm>> -> memref<8x32xf32, #tpu.memory_space<hbm>>
      %dma_wait3A_1585 = arith.constant 0 : i32
      %dma_wait3A_1586 = arith.constant 0 : i32
      %dma_wait3A_1587 = tpu.memref_slice %arg9[%dma_wait3A_1576, %dma_wait3A_1585, %dma_wait3A_1586] : memref<16x8x32xf32, #tpu.memory_space<vmem>> -> memref<1x8x32xf32, #tpu.memory_space<vmem>>
      %dma_wait3A_1588 = tpu.memref_squeeze %dma_wait3A_1587 : memref<1x8x32xf32, #tpu.memory_space<vmem>> -> memref<8x32xf32, #tpu.memory_space<vmem>>
      %dma_wait3A_1589 = arith.constant 0 : i32
      %dma_wait3A_1590 = arith.constant 0 : i32
      %dma_wait3A_1591 = tpu.memref_slice %arg4[%shift_right_logical3A_271, %dma_wait3A_1589, %dma_wait3A_1590] : memref<125000x8x32xf32, #tpu.memory_space<hbm>> -> memref<1x8x32xf32, #tpu.memory_space<hbm>>
      %dma_wait3A_1592 = tpu.memref_squeeze %dma_wait3A_1591 : memref<1x8x32xf32, #tpu.memory_space<hbm>> -> memref<8x32xf32, #tpu.memory_space<hbm>>
      tpu.wait_dma2 semaphore(%arg14 : memref<!tpu.dma_semaphore, #tpu.memory_space<semaphore_mem>>) src(%dma_wait3A_1592 : memref<8x32xf32, #tpu.memory_space<hbm>>) dst(%dma_wait3A_1588 : memref<8x32xf32, #tpu.memory_space<vmem>>)
      %dma_wait3A_1593 = arith.constant 6 : i32
      %dma_wait3A_1594 = arith.constant 0 : i32
      %dma_wait3A_1595 = arith.constant 0 : i32
      %dma_wait3A_1596 = tpu.memref_slice %arg10[%dma_wait3A_1593, %dma_wait3A_1594, %dma_wait3A_1595] : memref<16x8x32xf32, #tpu.memory_space<vmem>> -> memref<1x8x32xf32, #tpu.memory_space<vmem>>
      %dma_wait3A_1597 = tpu.memref_squeeze %dma_wait3A_1596 : memref<1x8x32xf32, #tpu.memory_space<vmem>> -> memref<8x32xf32, #tpu.memory_space<vmem>>
      %dma_wait3A_1598 = arith.constant 0 : i32
      %dma_wait3A_1599 = arith.constant 0 : i32
      %dma_wait3A_1600 = tpu.memref_slice %arg5[%shift_right_logical3A_275, %dma_wait3A_1598, %dma_wait3A_1599] : memref<125000x8x32xf32, #tpu.memory_space<hbm>> -> memref<1x8x32xf32, #tpu.memory_space<hbm>>
      %dma_wait3A_1601 = tpu.memref_squeeze %dma_wait3A_1600 : memref<1x8x32xf32, #tpu.memory_space<hbm>> -> memref<8x32xf32, #tpu.memory_space<hbm>>
      %dma_wait3A_1602 = arith.constant 0 : i32
      %dma_wait3A_1603 = arith.constant 0 : i32
      %dma_wait3A_1604 = tpu.memref_slice %arg10[%dma_wait3A_1593, %dma_wait3A_1602, %dma_wait3A_1603] : memref<16x8x32xf32, #tpu.memory_space<vmem>> -> memref<1x8x32xf32, #tpu.memory_space<vmem>>
      %dma_wait3A_1605 = tpu.memref_squeeze %dma_wait3A_1604 : memref<1x8x32xf32, #tpu.memory_space<vmem>> -> memref<8x32xf32, #tpu.memory_space<vmem>>
      %dma_wait3A_1606 = arith.constant 0 : i32
      %dma_wait3A_1607 = arith.constant 0 : i32
      %dma_wait3A_1608 = tpu.memref_slice %arg5[%shift_right_logical3A_275, %dma_wait3A_1606, %dma_wait3A_1607] : memref<125000x8x32xf32, #tpu.memory_space<hbm>> -> memref<1x8x32xf32, #tpu.memory_space<hbm>>
      %dma_wait3A_1609 = tpu.memref_squeeze %dma_wait3A_1608 : memref<1x8x32xf32, #tpu.memory_space<hbm>> -> memref<8x32xf32, #tpu.memory_space<hbm>>
      tpu.wait_dma2 semaphore(%arg15 : memref<!tpu.dma_semaphore, #tpu.memory_space<semaphore_mem>>) src(%dma_wait3A_1609 : memref<8x32xf32, #tpu.memory_space<hbm>>) dst(%dma_wait3A_1605 : memref<8x32xf32, #tpu.memory_space<vmem>>)
      %dma_wait3A_1610 = arith.constant 7 : i32
      %dma_wait3A_1611 = arith.constant 0 : i32
      %dma_wait3A_1612 = arith.constant 0 : i32
      %dma_wait3A_1613 = tpu.memref_slice %arg9[%dma_wait3A_1610, %dma_wait3A_1611, %dma_wait3A_1612] : memref<16x8x32xf32, #tpu.memory_space<vmem>> -> memref<1x8x32xf32, #tpu.memory_space<vmem>>
      %dma_wait3A_1614 = tpu.memref_squeeze %dma_wait3A_1613 : memref<1x8x32xf32, #tpu.memory_space<vmem>> -> memref<8x32xf32, #tpu.memory_space<vmem>>
      %dma_wait3A_1615 = arith.constant 0 : i32
      %dma_wait3A_1616 = arith.constant 0 : i32
      %dma_wait3A_1617 = tpu.memref_slice %arg4[%shift_right_logical3A_313, %dma_wait3A_1615, %dma_wait3A_1616] : memref<125000x8x32xf32, #tpu.memory_space<hbm>> -> memref<1x8x32xf32, #tpu.memory_space<hbm>>
      %dma_wait3A_1618 = tpu.memref_squeeze %dma_wait3A_1617 : memref<1x8x32xf32, #tpu.memory_space<hbm>> -> memref<8x32xf32, #tpu.memory_space<hbm>>
      %dma_wait3A_1619 = arith.constant 0 : i32
      %dma_wait3A_1620 = arith.constant 0 : i32
      %dma_wait3A_1621 = tpu.memref_slice %arg9[%dma_wait3A_1610, %dma_wait3A_1619, %dma_wait3A_1620] : memref<16x8x32xf32, #tpu.memory_space<vmem>> -> memref<1x8x32xf32, #tpu.memory_space<vmem>>
      %dma_wait3A_1622 = tpu.memref_squeeze %dma_wait3A_1621 : memref<1x8x32xf32, #tpu.memory_space<vmem>> -> memref<8x32xf32, #tpu.memory_space<vmem>>
      %dma_wait3A_1623 = arith.constant 0 : i32
      %dma_wait3A_1624 = arith.constant 0 : i32
      %dma_wait3A_1625 = tpu.memref_slice %arg4[%shift_right_logical3A_313, %dma_wait3A_1623, %dma_wait3A_1624] : memref<125000x8x32xf32, #tpu.memory_space<hbm>> -> memref<1x8x32xf32, #tpu.memory_space<hbm>>
      %dma_wait3A_1626 = tpu.memref_squeeze %dma_wait3A_1625 : memref<1x8x32xf32, #tpu.memory_space<hbm>> -> memref<8x32xf32, #tpu.memory_space<hbm>>
      tpu.wait_dma2 semaphore(%arg14 : memref<!tpu.dma_semaphore, #tpu.memory_space<semaphore_mem>>) src(%dma_wait3A_1626 : memref<8x32xf32, #tpu.memory_space<hbm>>) dst(%dma_wait3A_1622 : memref<8x32xf32, #tpu.memory_space<vmem>>)
      %dma_wait3A_1627 = arith.constant 7 : i32
      %dma_wait3A_1628 = arith.constant 0 : i32
      %dma_wait3A_1629 = arith.constant 0 : i32
      %dma_wait3A_1630 = tpu.memref_slice %arg10[%dma_wait3A_1627, %dma_wait3A_1628, %dma_wait3A_1629] : memref<16x8x32xf32, #tpu.memory_space<vmem>> -> memref<1x8x32xf32, #tpu.memory_space<vmem>>
      %dma_wait3A_1631 = tpu.memref_squeeze %dma_wait3A_1630 : memref<1x8x32xf32, #tpu.memory_space<vmem>> -> memref<8x32xf32, #tpu.memory_space<vmem>>
      %dma_wait3A_1632 = arith.constant 0 : i32
      %dma_wait3A_1633 = arith.constant 0 : i32
      %dma_wait3A_1634 = tpu.memref_slice %arg5[%shift_right_logical3A_317, %dma_wait3A_1632, %dma_wait3A_1633] : memref<125000x8x32xf32, #tpu.memory_space<hbm>> -> memref<1x8x32xf32, #tpu.memory_space<hbm>>
      %dma_wait3A_1635 = tpu.memref_squeeze %dma_wait3A_1634 : memref<1x8x32xf32, #tpu.memory_space<hbm>> -> memref<8x32xf32, #tpu.memory_space<hbm>>
      %dma_wait3A_1636 = arith.constant 0 : i32
      %dma_wait3A_1637 = arith.constant 0 : i32
      %dma_wait3A_1638 = tpu.memref_slice %arg10[%dma_wait3A_1627, %dma_wait3A_1636, %dma_wait3A_1637] : memref<16x8x32xf32, #tpu.memory_space<vmem>> -> memref<1x8x32xf32, #tpu.memory_space<vmem>>
      %dma_wait3A_1639 = tpu.memref_squeeze %dma_wait3A_1638 : memref<1x8x32xf32, #tpu.memory_space<vmem>> -> memref<8x32xf32, #tpu.memory_space<vmem>>
      %dma_wait3A_1640 = arith.constant 0 : i32
      %dma_wait3A_1641 = arith.constant 0 : i32
      %dma_wait3A_1642 = tpu.memref_slice %arg5[%shift_right_logical3A_317, %dma_wait3A_1640, %dma_wait3A_1641] : memref<125000x8x32xf32, #tpu.memory_space<hbm>> -> memref<1x8x32xf32, #tpu.memory_space<hbm>>
      %dma_wait3A_1643 = tpu.memref_squeeze %dma_wait3A_1642 : memref<1x8x32xf32, #tpu.memory_space<hbm>> -> memref<8x32xf32, #tpu.memory_space<hbm>>
      tpu.wait_dma2 semaphore(%arg15 : memref<!tpu.dma_semaphore, #tpu.memory_space<semaphore_mem>>) src(%dma_wait3A_1643 : memref<8x32xf32, #tpu.memory_space<hbm>>) dst(%dma_wait3A_1639 : memref<8x32xf32, #tpu.memory_space<vmem>>)
      %dma_wait3A_1644 = arith.constant 8 : i32
      %dma_wait3A_1645 = arith.constant 0 : i32
      %dma_wait3A_1646 = arith.constant 0 : i32
      %dma_wait3A_1647 = tpu.memref_slice %arg9[%dma_wait3A_1644, %dma_wait3A_1645, %dma_wait3A_1646] : memref<16x8x32xf32, #tpu.memory_space<vmem>> -> memref<1x8x32xf32, #tpu.memory_space<vmem>>
      %dma_wait3A_1648 = tpu.memref_squeeze %dma_wait3A_1647 : memref<1x8x32xf32, #tpu.memory_space<vmem>> -> memref<8x32xf32, #tpu.memory_space<vmem>>
      %dma_wait3A_1649 = arith.constant 0 : i32
      %dma_wait3A_1650 = arith.constant 0 : i32
      %dma_wait3A_1651 = tpu.memref_slice %arg4[%shift_right_logical3A_355, %dma_wait3A_1649, %dma_wait3A_1650] : memref<125000x8x32xf32, #tpu.memory_space<hbm>> -> memref<1x8x32xf32, #tpu.memory_space<hbm>>
      %dma_wait3A_1652 = tpu.memref_squeeze %dma_wait3A_1651 : memref<1x8x32xf32, #tpu.memory_space<hbm>> -> memref<8x32xf32, #tpu.memory_space<hbm>>
      %dma_wait3A_1653 = arith.constant 0 : i32
      %dma_wait3A_1654 = arith.constant 0 : i32
      %dma_wait3A_1655 = tpu.memref_slice %arg9[%dma_wait3A_1644, %dma_wait3A_1653, %dma_wait3A_1654] : memref<16x8x32xf32, #tpu.memory_space<vmem>> -> memref<1x8x32xf32, #tpu.memory_space<vmem>>
      %dma_wait3A_1656 = tpu.memref_squeeze %dma_wait3A_1655 : memref<1x8x32xf32, #tpu.memory_space<vmem>> -> memref<8x32xf32, #tpu.memory_space<vmem>>
      %dma_wait3A_1657 = arith.constant 0 : i32
      %dma_wait3A_1658 = arith.constant 0 : i32
      %dma_wait3A_1659 = tpu.memref_slice %arg4[%shift_right_logical3A_355, %dma_wait3A_1657, %dma_wait3A_1658] : memref<125000x8x32xf32, #tpu.memory_space<hbm>> -> memref<1x8x32xf32, #tpu.memory_space<hbm>>
      %dma_wait3A_1660 = tpu.memref_squeeze %dma_wait3A_1659 : memref<1x8x32xf32, #tpu.memory_space<hbm>> -> memref<8x32xf32, #tpu.memory_space<hbm>>
      tpu.wait_dma2 semaphore(%arg14 : memref<!tpu.dma_semaphore, #tpu.memory_space<semaphore_mem>>) src(%dma_wait3A_1660 : memref<8x32xf32, #tpu.memory_space<hbm>>) dst(%dma_wait3A_1656 : memref<8x32xf32, #tpu.memory_space<vmem>>)
      %dma_wait3A_1661 = arith.constant 8 : i32
      %dma_wait3A_1662 = arith.constant 0 : i32
      %dma_wait3A_1663 = arith.constant 0 : i32
      %dma_wait3A_1664 = tpu.memref_slice %arg10[%dma_wait3A_1661, %dma_wait3A_1662, %dma_wait3A_1663] : memref<16x8x32xf32, #tpu.memory_space<vmem>> -> memref<1x8x32xf32, #tpu.memory_space<vmem>>
      %dma_wait3A_1665 = tpu.memref_squeeze %dma_wait3A_1664 : memref<1x8x32xf32, #tpu.memory_space<vmem>> -> memref<8x32xf32, #tpu.memory_space<vmem>>
      %dma_wait3A_1666 = arith.constant 0 : i32
      %dma_wait3A_1667 = arith.constant 0 : i32
      %dma_wait3A_1668 = tpu.memref_slice %arg5[%shift_right_logical3A_359, %dma_wait3A_1666, %dma_wait3A_1667] : memref<125000x8x32xf32, #tpu.memory_space<hbm>> -> memref<1x8x32xf32, #tpu.memory_space<hbm>>
      %dma_wait3A_1669 = tpu.memref_squeeze %dma_wait3A_1668 : memref<1x8x32xf32, #tpu.memory_space<hbm>> -> memref<8x32xf32, #tpu.memory_space<hbm>>
      %dma_wait3A_1670 = arith.constant 0 : i32
      %dma_wait3A_1671 = arith.constant 0 : i32
      %dma_wait3A_1672 = tpu.memref_slice %arg10[%dma_wait3A_1661, %dma_wait3A_1670, %dma_wait3A_1671] : memref<16x8x32xf32, #tpu.memory_space<vmem>> -> memref<1x8x32xf32, #tpu.memory_space<vmem>>
      %dma_wait3A_1673 = tpu.memref_squeeze %dma_wait3A_1672 : memref<1x8x32xf32, #tpu.memory_space<vmem>> -> memref<8x32xf32, #tpu.memory_space<vmem>>
      %dma_wait3A_1674 = arith.constant 0 : i32
      %dma_wait3A_1675 = arith.constant 0 : i32
      %dma_wait3A_1676 = tpu.memref_slice %arg5[%shift_right_logical3A_359, %dma_wait3A_1674, %dma_wait3A_1675] : memref<125000x8x32xf32, #tpu.memory_space<hbm>> -> memref<1x8x32xf32, #tpu.memory_space<hbm>>
      %dma_wait3A_1677 = tpu.memref_squeeze %dma_wait3A_1676 : memref<1x8x32xf32, #tpu.memory_space<hbm>> -> memref<8x32xf32, #tpu.memory_space<hbm>>
      tpu.wait_dma2 semaphore(%arg15 : memref<!tpu.dma_semaphore, #tpu.memory_space<semaphore_mem>>) src(%dma_wait3A_1677 : memref<8x32xf32, #tpu.memory_space<hbm>>) dst(%dma_wait3A_1673 : memref<8x32xf32, #tpu.memory_space<vmem>>)
      %dma_wait3A_1678 = arith.constant 9 : i32
      %dma_wait3A_1679 = arith.constant 0 : i32
      %dma_wait3A_1680 = arith.constant 0 : i32
      %dma_wait3A_1681 = tpu.memref_slice %arg9[%dma_wait3A_1678, %dma_wait3A_1679, %dma_wait3A_1680] : memref<16x8x32xf32, #tpu.memory_space<vmem>> -> memref<1x8x32xf32, #tpu.memory_space<vmem>>
      %dma_wait3A_1682 = tpu.memref_squeeze %dma_wait3A_1681 : memref<1x8x32xf32, #tpu.memory_space<vmem>> -> memref<8x32xf32, #tpu.memory_space<vmem>>
      %dma_wait3A_1683 = arith.constant 0 : i32
      %dma_wait3A_1684 = arith.constant 0 : i32
      %dma_wait3A_1685 = tpu.memref_slice %arg4[%shift_right_logical3A_397, %dma_wait3A_1683, %dma_wait3A_1684] : memref<125000x8x32xf32, #tpu.memory_space<hbm>> -> memref<1x8x32xf32, #tpu.memory_space<hbm>>
      %dma_wait3A_1686 = tpu.memref_squeeze %dma_wait3A_1685 : memref<1x8x32xf32, #tpu.memory_space<hbm>> -> memref<8x32xf32, #tpu.memory_space<hbm>>
      %dma_wait3A_1687 = arith.constant 0 : i32
      %dma_wait3A_1688 = arith.constant 0 : i32
      %dma_wait3A_1689 = tpu.memref_slice %arg9[%dma_wait3A_1678, %dma_wait3A_1687, %dma_wait3A_1688] : memref<16x8x32xf32, #tpu.memory_space<vmem>> -> memref<1x8x32xf32, #tpu.memory_space<vmem>>
      %dma_wait3A_1690 = tpu.memref_squeeze %dma_wait3A_1689 : memref<1x8x32xf32, #tpu.memory_space<vmem>> -> memref<8x32xf32, #tpu.memory_space<vmem>>
      %dma_wait3A_1691 = arith.constant 0 : i32
      %dma_wait3A_1692 = arith.constant 0 : i32
      %dma_wait3A_1693 = tpu.memref_slice %arg4[%shift_right_logical3A_397, %dma_wait3A_1691, %dma_wait3A_1692] : memref<125000x8x32xf32, #tpu.memory_space<hbm>> -> memref<1x8x32xf32, #tpu.memory_space<hbm>>
      %dma_wait3A_1694 = tpu.memref_squeeze %dma_wait3A_1693 : memref<1x8x32xf32, #tpu.memory_space<hbm>> -> memref<8x32xf32, #tpu.memory_space<hbm>>
      tpu.wait_dma2 semaphore(%arg14 : memref<!tpu.dma_semaphore, #tpu.memory_space<semaphore_mem>>) src(%dma_wait3A_1694 : memref<8x32xf32, #tpu.memory_space<hbm>>) dst(%dma_wait3A_1690 : memref<8x32xf32, #tpu.memory_space<vmem>>)
      %dma_wait3A_1695 = arith.constant 9 : i32
      %dma_wait3A_1696 = arith.constant 0 : i32
      %dma_wait3A_1697 = arith.constant 0 : i32
      %dma_wait3A_1698 = tpu.memref_slice %arg10[%dma_wait3A_1695, %dma_wait3A_1696, %dma_wait3A_1697] : memref<16x8x32xf32, #tpu.memory_space<vmem>> -> memref<1x8x32xf32, #tpu.memory_space<vmem>>
      %dma_wait3A_1699 = tpu.memref_squeeze %dma_wait3A_1698 : memref<1x8x32xf32, #tpu.memory_space<vmem>> -> memref<8x32xf32, #tpu.memory_space<vmem>>
      %dma_wait3A_1700 = arith.constant 0 : i32
      %dma_wait3A_1701 = arith.constant 0 : i32
      %dma_wait3A_1702 = tpu.memref_slice %arg5[%shift_right_logical3A_401, %dma_wait3A_1700, %dma_wait3A_1701] : memref<125000x8x32xf32, #tpu.memory_space<hbm>> -> memref<1x8x32xf32, #tpu.memory_space<hbm>>
      %dma_wait3A_1703 = tpu.memref_squeeze %dma_wait3A_1702 : memref<1x8x32xf32, #tpu.memory_space<hbm>> -> memref<8x32xf32, #tpu.memory_space<hbm>>
      %dma_wait3A_1704 = arith.constant 0 : i32
      %dma_wait3A_1705 = arith.constant 0 : i32
      %dma_wait3A_1706 = tpu.memref_slice %arg10[%dma_wait3A_1695, %dma_wait3A_1704, %dma_wait3A_1705] : memref<16x8x32xf32, #tpu.memory_space<vmem>> -> memref<1x8x32xf32, #tpu.memory_space<vmem>>
      %dma_wait3A_1707 = tpu.memref_squeeze %dma_wait3A_1706 : memref<1x8x32xf32, #tpu.memory_space<vmem>> -> memref<8x32xf32, #tpu.memory_space<vmem>>
      %dma_wait3A_1708 = arith.constant 0 : i32
      %dma_wait3A_1709 = arith.constant 0 : i32
      %dma_wait3A_1710 = tpu.memref_slice %arg5[%shift_right_logical3A_401, %dma_wait3A_1708, %dma_wait3A_1709] : memref<125000x8x32xf32, #tpu.memory_space<hbm>> -> memref<1x8x32xf32, #tpu.memory_space<hbm>>
      %dma_wait3A_1711 = tpu.memref_squeeze %dma_wait3A_1710 : memref<1x8x32xf32, #tpu.memory_space<hbm>> -> memref<8x32xf32, #tpu.memory_space<hbm>>
      tpu.wait_dma2 semaphore(%arg15 : memref<!tpu.dma_semaphore, #tpu.memory_space<semaphore_mem>>) src(%dma_wait3A_1711 : memref<8x32xf32, #tpu.memory_space<hbm>>) dst(%dma_wait3A_1707 : memref<8x32xf32, #tpu.memory_space<vmem>>)
      %dma_wait3A_1712 = arith.constant 10 : i32
      %dma_wait3A_1713 = arith.constant 0 : i32
      %dma_wait3A_1714 = arith.constant 0 : i32
      %dma_wait3A_1715 = tpu.memref_slice %arg9[%dma_wait3A_1712, %dma_wait3A_1713, %dma_wait3A_1714] : memref<16x8x32xf32, #tpu.memory_space<vmem>> -> memref<1x8x32xf32, #tpu.memory_space<vmem>>
      %dma_wait3A_1716 = tpu.memref_squeeze %dma_wait3A_1715 : memref<1x8x32xf32, #tpu.memory_space<vmem>> -> memref<8x32xf32, #tpu.memory_space<vmem>>
      %dma_wait3A_1717 = arith.constant 0 : i32
      %dma_wait3A_1718 = arith.constant 0 : i32
      %dma_wait3A_1719 = tpu.memref_slice %arg4[%shift_right_logical3A_439, %dma_wait3A_1717, %dma_wait3A_1718] : memref<125000x8x32xf32, #tpu.memory_space<hbm>> -> memref<1x8x32xf32, #tpu.memory_space<hbm>>
      %dma_wait3A_1720 = tpu.memref_squeeze %dma_wait3A_1719 : memref<1x8x32xf32, #tpu.memory_space<hbm>> -> memref<8x32xf32, #tpu.memory_space<hbm>>
      %dma_wait3A_1721 = arith.constant 0 : i32
      %dma_wait3A_1722 = arith.constant 0 : i32
      %dma_wait3A_1723 = tpu.memref_slice %arg9[%dma_wait3A_1712, %dma_wait3A_1721, %dma_wait3A_1722] : memref<16x8x32xf32, #tpu.memory_space<vmem>> -> memref<1x8x32xf32, #tpu.memory_space<vmem>>
      %dma_wait3A_1724 = tpu.memref_squeeze %dma_wait3A_1723 : memref<1x8x32xf32, #tpu.memory_space<vmem>> -> memref<8x32xf32, #tpu.memory_space<vmem>>
      %dma_wait3A_1725 = arith.constant 0 : i32
      %dma_wait3A_1726 = arith.constant 0 : i32
      %dma_wait3A_1727 = tpu.memref_slice %arg4[%shift_right_logical3A_439, %dma_wait3A_1725, %dma_wait3A_1726] : memref<125000x8x32xf32, #tpu.memory_space<hbm>> -> memref<1x8x32xf32, #tpu.memory_space<hbm>>
      %dma_wait3A_1728 = tpu.memref_squeeze %dma_wait3A_1727 : memref<1x8x32xf32, #tpu.memory_space<hbm>> -> memref<8x32xf32, #tpu.memory_space<hbm>>
      tpu.wait_dma2 semaphore(%arg14 : memref<!tpu.dma_semaphore, #tpu.memory_space<semaphore_mem>>) src(%dma_wait3A_1728 : memref<8x32xf32, #tpu.memory_space<hbm>>) dst(%dma_wait3A_1724 : memref<8x32xf32, #tpu.memory_space<vmem>>)
      %dma_wait3A_1729 = arith.constant 10 : i32
      %dma_wait3A_1730 = arith.constant 0 : i32
      %dma_wait3A_1731 = arith.constant 0 : i32
      %dma_wait3A_1732 = tpu.memref_slice %arg10[%dma_wait3A_1729, %dma_wait3A_1730, %dma_wait3A_1731] : memref<16x8x32xf32, #tpu.memory_space<vmem>> -> memref<1x8x32xf32, #tpu.memory_space<vmem>>
      %dma_wait3A_1733 = tpu.memref_squeeze %dma_wait3A_1732 : memref<1x8x32xf32, #tpu.memory_space<vmem>> -> memref<8x32xf32, #tpu.memory_space<vmem>>
      %dma_wait3A_1734 = arith.constant 0 : i32
      %dma_wait3A_1735 = arith.constant 0 : i32
      %dma_wait3A_1736 = tpu.memref_slice %arg5[%shift_right_logical3A_443, %dma_wait3A_1734, %dma_wait3A_1735] : memref<125000x8x32xf32, #tpu.memory_space<hbm>> -> memref<1x8x32xf32, #tpu.memory_space<hbm>>
      %dma_wait3A_1737 = tpu.memref_squeeze %dma_wait3A_1736 : memref<1x8x32xf32, #tpu.memory_space<hbm>> -> memref<8x32xf32, #tpu.memory_space<hbm>>
      %dma_wait3A_1738 = arith.constant 0 : i32
      %dma_wait3A_1739 = arith.constant 0 : i32
      %dma_wait3A_1740 = tpu.memref_slice %arg10[%dma_wait3A_1729, %dma_wait3A_1738, %dma_wait3A_1739] : memref<16x8x32xf32, #tpu.memory_space<vmem>> -> memref<1x8x32xf32, #tpu.memory_space<vmem>>
      %dma_wait3A_1741 = tpu.memref_squeeze %dma_wait3A_1740 : memref<1x8x32xf32, #tpu.memory_space<vmem>> -> memref<8x32xf32, #tpu.memory_space<vmem>>
      %dma_wait3A_1742 = arith.constant 0 : i32
      %dma_wait3A_1743 = arith.constant 0 : i32
      %dma_wait3A_1744 = tpu.memref_slice %arg5[%shift_right_logical3A_443, %dma_wait3A_1742, %dma_wait3A_1743] : memref<125000x8x32xf32, #tpu.memory_space<hbm>> -> memref<1x8x32xf32, #tpu.memory_space<hbm>>
      %dma_wait3A_1745 = tpu.memref_squeeze %dma_wait3A_1744 : memref<1x8x32xf32, #tpu.memory_space<hbm>> -> memref<8x32xf32, #tpu.memory_space<hbm>>
      tpu.wait_dma2 semaphore(%arg15 : memref<!tpu.dma_semaphore, #tpu.memory_space<semaphore_mem>>) src(%dma_wait3A_1745 : memref<8x32xf32, #tpu.memory_space<hbm>>) dst(%dma_wait3A_1741 : memref<8x32xf32, #tpu.memory_space<vmem>>)
      %dma_wait3A_1746 = arith.constant 11 : i32
      %dma_wait3A_1747 = arith.constant 0 : i32
      %dma_wait3A_1748 = arith.constant 0 : i32
      %dma_wait3A_1749 = tpu.memref_slice %arg9[%dma_wait3A_1746, %dma_wait3A_1747, %dma_wait3A_1748] : memref<16x8x32xf32, #tpu.memory_space<vmem>> -> memref<1x8x32xf32, #tpu.memory_space<vmem>>
      %dma_wait3A_1750 = tpu.memref_squeeze %dma_wait3A_1749 : memref<1x8x32xf32, #tpu.memory_space<vmem>> -> memref<8x32xf32, #tpu.memory_space<vmem>>
      %dma_wait3A_1751 = arith.constant 0 : i32
      %dma_wait3A_1752 = arith.constant 0 : i32
      %dma_wait3A_1753 = tpu.memref_slice %arg4[%shift_right_logical3A_481, %dma_wait3A_1751, %dma_wait3A_1752] : memref<125000x8x32xf32, #tpu.memory_space<hbm>> -> memref<1x8x32xf32, #tpu.memory_space<hbm>>
      %dma_wait3A_1754 = tpu.memref_squeeze %dma_wait3A_1753 : memref<1x8x32xf32, #tpu.memory_space<hbm>> -> memref<8x32xf32, #tpu.memory_space<hbm>>
      %dma_wait3A_1755 = arith.constant 0 : i32
      %dma_wait3A_1756 = arith.constant 0 : i32
      %dma_wait3A_1757 = tpu.memref_slice %arg9[%dma_wait3A_1746, %dma_wait3A_1755, %dma_wait3A_1756] : memref<16x8x32xf32, #tpu.memory_space<vmem>> -> memref<1x8x32xf32, #tpu.memory_space<vmem>>
      %dma_wait3A_1758 = tpu.memref_squeeze %dma_wait3A_1757 : memref<1x8x32xf32, #tpu.memory_space<vmem>> -> memref<8x32xf32, #tpu.memory_space<vmem>>
      %dma_wait3A_1759 = arith.constant 0 : i32
      %dma_wait3A_1760 = arith.constant 0 : i32
      %dma_wait3A_1761 = tpu.memref_slice %arg4[%shift_right_logical3A_481, %dma_wait3A_1759, %dma_wait3A_1760] : memref<125000x8x32xf32, #tpu.memory_space<hbm>> -> memref<1x8x32xf32, #tpu.memory_space<hbm>>
      %dma_wait3A_1762 = tpu.memref_squeeze %dma_wait3A_1761 : memref<1x8x32xf32, #tpu.memory_space<hbm>> -> memref<8x32xf32, #tpu.memory_space<hbm>>
      tpu.wait_dma2 semaphore(%arg14 : memref<!tpu.dma_semaphore, #tpu.memory_space<semaphore_mem>>) src(%dma_wait3A_1762 : memref<8x32xf32, #tpu.memory_space<hbm>>) dst(%dma_wait3A_1758 : memref<8x32xf32, #tpu.memory_space<vmem>>)
      %dma_wait3A_1763 = arith.constant 11 : i32
      %dma_wait3A_1764 = arith.constant 0 : i32
      %dma_wait3A_1765 = arith.constant 0 : i32
      %dma_wait3A_1766 = tpu.memref_slice %arg10[%dma_wait3A_1763, %dma_wait3A_1764, %dma_wait3A_1765] : memref<16x8x32xf32, #tpu.memory_space<vmem>> -> memref<1x8x32xf32, #tpu.memory_space<vmem>>
      %dma_wait3A_1767 = tpu.memref_squeeze %dma_wait3A_1766 : memref<1x8x32xf32, #tpu.memory_space<vmem>> -> memref<8x32xf32, #tpu.memory_space<vmem>>
      %dma_wait3A_1768 = arith.constant 0 : i32
      %dma_wait3A_1769 = arith.constant 0 : i32
      %dma_wait3A_1770 = tpu.memref_slice %arg5[%shift_right_logical3A_485, %dma_wait3A_1768, %dma_wait3A_1769] : memref<125000x8x32xf32, #tpu.memory_space<hbm>> -> memref<1x8x32xf32, #tpu.memory_space<hbm>>
      %dma_wait3A_1771 = tpu.memref_squeeze %dma_wait3A_1770 : memref<1x8x32xf32, #tpu.memory_space<hbm>> -> memref<8x32xf32, #tpu.memory_space<hbm>>
      %dma_wait3A_1772 = arith.constant 0 : i32
      %dma_wait3A_1773 = arith.constant 0 : i32
      %dma_wait3A_1774 = tpu.memref_slice %arg10[%dma_wait3A_1763, %dma_wait3A_1772, %dma_wait3A_1773] : memref<16x8x32xf32, #tpu.memory_space<vmem>> -> memref<1x8x32xf32, #tpu.memory_space<vmem>>
      %dma_wait3A_1775 = tpu.memref_squeeze %dma_wait3A_1774 : memref<1x8x32xf32, #tpu.memory_space<vmem>> -> memref<8x32xf32, #tpu.memory_space<vmem>>
      %dma_wait3A_1776 = arith.constant 0 : i32
      %dma_wait3A_1777 = arith.constant 0 : i32
      %dma_wait3A_1778 = tpu.memref_slice %arg5[%shift_right_logical3A_485, %dma_wait3A_1776, %dma_wait3A_1777] : memref<125000x8x32xf32, #tpu.memory_space<hbm>> -> memref<1x8x32xf32, #tpu.memory_space<hbm>>
      %dma_wait3A_1779 = tpu.memref_squeeze %dma_wait3A_1778 : memref<1x8x32xf32, #tpu.memory_space<hbm>> -> memref<8x32xf32, #tpu.memory_space<hbm>>
      tpu.wait_dma2 semaphore(%arg15 : memref<!tpu.dma_semaphore, #tpu.memory_space<semaphore_mem>>) src(%dma_wait3A_1779 : memref<8x32xf32, #tpu.memory_space<hbm>>) dst(%dma_wait3A_1775 : memref<8x32xf32, #tpu.memory_space<vmem>>)
      %dma_wait3A_1780 = arith.constant 12 : i32
      %dma_wait3A_1781 = arith.constant 0 : i32
      %dma_wait3A_1782 = arith.constant 0 : i32
      %dma_wait3A_1783 = tpu.memref_slice %arg9[%dma_wait3A_1780, %dma_wait3A_1781, %dma_wait3A_1782] : memref<16x8x32xf32, #tpu.memory_space<vmem>> -> memref<1x8x32xf32, #tpu.memory_space<vmem>>
      %dma_wait3A_1784 = tpu.memref_squeeze %dma_wait3A_1783 : memref<1x8x32xf32, #tpu.memory_space<vmem>> -> memref<8x32xf32, #tpu.memory_space<vmem>>
      %dma_wait3A_1785 = arith.constant 0 : i32
      %dma_wait3A_1786 = arith.constant 0 : i32
      %dma_wait3A_1787 = tpu.memref_slice %arg4[%shift_right_logical3A_523, %dma_wait3A_1785, %dma_wait3A_1786] : memref<125000x8x32xf32, #tpu.memory_space<hbm>> -> memref<1x8x32xf32, #tpu.memory_space<hbm>>
      %dma_wait3A_1788 = tpu.memref_squeeze %dma_wait3A_1787 : memref<1x8x32xf32, #tpu.memory_space<hbm>> -> memref<8x32xf32, #tpu.memory_space<hbm>>
      %dma_wait3A_1789 = arith.constant 0 : i32
      %dma_wait3A_1790 = arith.constant 0 : i32
      %dma_wait3A_1791 = tpu.memref_slice %arg9[%dma_wait3A_1780, %dma_wait3A_1789, %dma_wait3A_1790] : memref<16x8x32xf32, #tpu.memory_space<vmem>> -> memref<1x8x32xf32, #tpu.memory_space<vmem>>
      %dma_wait3A_1792 = tpu.memref_squeeze %dma_wait3A_1791 : memref<1x8x32xf32, #tpu.memory_space<vmem>> -> memref<8x32xf32, #tpu.memory_space<vmem>>
      %dma_wait3A_1793 = arith.constant 0 : i32
      %dma_wait3A_1794 = arith.constant 0 : i32
      %dma_wait3A_1795 = tpu.memref_slice %arg4[%shift_right_logical3A_523, %dma_wait3A_1793, %dma_wait3A_1794] : memref<125000x8x32xf32, #tpu.memory_space<hbm>> -> memref<1x8x32xf32, #tpu.memory_space<hbm>>
      %dma_wait3A_1796 = tpu.memref_squeeze %dma_wait3A_1795 : memref<1x8x32xf32, #tpu.memory_space<hbm>> -> memref<8x32xf32, #tpu.memory_space<hbm>>
      tpu.wait_dma2 semaphore(%arg14 : memref<!tpu.dma_semaphore, #tpu.memory_space<semaphore_mem>>) src(%dma_wait3A_1796 : memref<8x32xf32, #tpu.memory_space<hbm>>) dst(%dma_wait3A_1792 : memref<8x32xf32, #tpu.memory_space<vmem>>)
      %dma_wait3A_1797 = arith.constant 12 : i32
      %dma_wait3A_1798 = arith.constant 0 : i32
      %dma_wait3A_1799 = arith.constant 0 : i32
      %dma_wait3A_1800 = tpu.memref_slice %arg10[%dma_wait3A_1797, %dma_wait3A_1798, %dma_wait3A_1799] : memref<16x8x32xf32, #tpu.memory_space<vmem>> -> memref<1x8x32xf32, #tpu.memory_space<vmem>>
      %dma_wait3A_1801 = tpu.memref_squeeze %dma_wait3A_1800 : memref<1x8x32xf32, #tpu.memory_space<vmem>> -> memref<8x32xf32, #tpu.memory_space<vmem>>
      %dma_wait3A_1802 = arith.constant 0 : i32
      %dma_wait3A_1803 = arith.constant 0 : i32
      %dma_wait3A_1804 = tpu.memref_slice %arg5[%shift_right_logical3A_527, %dma_wait3A_1802, %dma_wait3A_1803] : memref<125000x8x32xf32, #tpu.memory_space<hbm>> -> memref<1x8x32xf32, #tpu.memory_space<hbm>>
      %dma_wait3A_1805 = tpu.memref_squeeze %dma_wait3A_1804 : memref<1x8x32xf32, #tpu.memory_space<hbm>> -> memref<8x32xf32, #tpu.memory_space<hbm>>
      %dma_wait3A_1806 = arith.constant 0 : i32
      %dma_wait3A_1807 = arith.constant 0 : i32
      %dma_wait3A_1808 = tpu.memref_slice %arg10[%dma_wait3A_1797, %dma_wait3A_1806, %dma_wait3A_1807] : memref<16x8x32xf32, #tpu.memory_space<vmem>> -> memref<1x8x32xf32, #tpu.memory_space<vmem>>
      %dma_wait3A_1809 = tpu.memref_squeeze %dma_wait3A_1808 : memref<1x8x32xf32, #tpu.memory_space<vmem>> -> memref<8x32xf32, #tpu.memory_space<vmem>>
      %dma_wait3A_1810 = arith.constant 0 : i32
      %dma_wait3A_1811 = arith.constant 0 : i32
      %dma_wait3A_1812 = tpu.memref_slice %arg5[%shift_right_logical3A_527, %dma_wait3A_1810, %dma_wait3A_1811] : memref<125000x8x32xf32, #tpu.memory_space<hbm>> -> memref<1x8x32xf32, #tpu.memory_space<hbm>>
      %dma_wait3A_1813 = tpu.memref_squeeze %dma_wait3A_1812 : memref<1x8x32xf32, #tpu.memory_space<hbm>> -> memref<8x32xf32, #tpu.memory_space<hbm>>
      tpu.wait_dma2 semaphore(%arg15 : memref<!tpu.dma_semaphore, #tpu.memory_space<semaphore_mem>>) src(%dma_wait3A_1813 : memref<8x32xf32, #tpu.memory_space<hbm>>) dst(%dma_wait3A_1809 : memref<8x32xf32, #tpu.memory_space<vmem>>)
      %dma_wait3A_1814 = arith.constant 13 : i32
      %dma_wait3A_1815 = arith.constant 0 : i32
      %dma_wait3A_1816 = arith.constant 0 : i32
      %dma_wait3A_1817 = tpu.memref_slice %arg9[%dma_wait3A_1814, %dma_wait3A_1815, %dma_wait3A_1816] : memref<16x8x32xf32, #tpu.memory_space<vmem>> -> memref<1x8x32xf32, #tpu.memory_space<vmem>>
      %dma_wait3A_1818 = tpu.memref_squeeze %dma_wait3A_1817 : memref<1x8x32xf32, #tpu.memory_space<vmem>> -> memref<8x32xf32, #tpu.memory_space<vmem>>
      %dma_wait3A_1819 = arith.constant 0 : i32
      %dma_wait3A_1820 = arith.constant 0 : i32
      %dma_wait3A_1821 = tpu.memref_slice %arg4[%shift_right_logical3A_565, %dma_wait3A_1819, %dma_wait3A_1820] : memref<125000x8x32xf32, #tpu.memory_space<hbm>> -> memref<1x8x32xf32, #tpu.memory_space<hbm>>
      %dma_wait3A_1822 = tpu.memref_squeeze %dma_wait3A_1821 : memref<1x8x32xf32, #tpu.memory_space<hbm>> -> memref<8x32xf32, #tpu.memory_space<hbm>>
      %dma_wait3A_1823 = arith.constant 0 : i32
      %dma_wait3A_1824 = arith.constant 0 : i32
      %dma_wait3A_1825 = tpu.memref_slice %arg9[%dma_wait3A_1814, %dma_wait3A_1823, %dma_wait3A_1824] : memref<16x8x32xf32, #tpu.memory_space<vmem>> -> memref<1x8x32xf32, #tpu.memory_space<vmem>>
      %dma_wait3A_1826 = tpu.memref_squeeze %dma_wait3A_1825 : memref<1x8x32xf32, #tpu.memory_space<vmem>> -> memref<8x32xf32, #tpu.memory_space<vmem>>
      %dma_wait3A_1827 = arith.constant 0 : i32
      %dma_wait3A_1828 = arith.constant 0 : i32
      %dma_wait3A_1829 = tpu.memref_slice %arg4[%shift_right_logical3A_565, %dma_wait3A_1827, %dma_wait3A_1828] : memref<125000x8x32xf32, #tpu.memory_space<hbm>> -> memref<1x8x32xf32, #tpu.memory_space<hbm>>
      %dma_wait3A_1830 = tpu.memref_squeeze %dma_wait3A_1829 : memref<1x8x32xf32, #tpu.memory_space<hbm>> -> memref<8x32xf32, #tpu.memory_space<hbm>>
      tpu.wait_dma2 semaphore(%arg14 : memref<!tpu.dma_semaphore, #tpu.memory_space<semaphore_mem>>) src(%dma_wait3A_1830 : memref<8x32xf32, #tpu.memory_space<hbm>>) dst(%dma_wait3A_1826 : memref<8x32xf32, #tpu.memory_space<vmem>>)
      %dma_wait3A_1831 = arith.constant 13 : i32
      %dma_wait3A_1832 = arith.constant 0 : i32
      %dma_wait3A_1833 = arith.constant 0 : i32
      %dma_wait3A_1834 = tpu.memref_slice %arg10[%dma_wait3A_1831, %dma_wait3A_1832, %dma_wait3A_1833] : memref<16x8x32xf32, #tpu.memory_space<vmem>> -> memref<1x8x32xf32, #tpu.memory_space<vmem>>
      %dma_wait3A_1835 = tpu.memref_squeeze %dma_wait3A_1834 : memref<1x8x32xf32, #tpu.memory_space<vmem>> -> memref<8x32xf32, #tpu.memory_space<vmem>>
      %dma_wait3A_1836 = arith.constant 0 : i32
      %dma_wait3A_1837 = arith.constant 0 : i32
      %dma_wait3A_1838 = tpu.memref_slice %arg5[%shift_right_logical3A_569, %dma_wait3A_1836, %dma_wait3A_1837] : memref<125000x8x32xf32, #tpu.memory_space<hbm>> -> memref<1x8x32xf32, #tpu.memory_space<hbm>>
      %dma_wait3A_1839 = tpu.memref_squeeze %dma_wait3A_1838 : memref<1x8x32xf32, #tpu.memory_space<hbm>> -> memref<8x32xf32, #tpu.memory_space<hbm>>
      %dma_wait3A_1840 = arith.constant 0 : i32
      %dma_wait3A_1841 = arith.constant 0 : i32
      %dma_wait3A_1842 = tpu.memref_slice %arg10[%dma_wait3A_1831, %dma_wait3A_1840, %dma_wait3A_1841] : memref<16x8x32xf32, #tpu.memory_space<vmem>> -> memref<1x8x32xf32, #tpu.memory_space<vmem>>
      %dma_wait3A_1843 = tpu.memref_squeeze %dma_wait3A_1842 : memref<1x8x32xf32, #tpu.memory_space<vmem>> -> memref<8x32xf32, #tpu.memory_space<vmem>>
      %dma_wait3A_1844 = arith.constant 0 : i32
      %dma_wait3A_1845 = arith.constant 0 : i32
      %dma_wait3A_1846 = tpu.memref_slice %arg5[%shift_right_logical3A_569, %dma_wait3A_1844, %dma_wait3A_1845] : memref<125000x8x32xf32, #tpu.memory_space<hbm>> -> memref<1x8x32xf32, #tpu.memory_space<hbm>>
      %dma_wait3A_1847 = tpu.memref_squeeze %dma_wait3A_1846 : memref<1x8x32xf32, #tpu.memory_space<hbm>> -> memref<8x32xf32, #tpu.memory_space<hbm>>
      tpu.wait_dma2 semaphore(%arg15 : memref<!tpu.dma_semaphore, #tpu.memory_space<semaphore_mem>>) src(%dma_wait3A_1847 : memref<8x32xf32, #tpu.memory_space<hbm>>) dst(%dma_wait3A_1843 : memref<8x32xf32, #tpu.memory_space<vmem>>)
      %dma_wait3A_1848 = arith.constant 14 : i32
      %dma_wait3A_1849 = arith.constant 0 : i32
      %dma_wait3A_1850 = arith.constant 0 : i32
      %dma_wait3A_1851 = tpu.memref_slice %arg9[%dma_wait3A_1848, %dma_wait3A_1849, %dma_wait3A_1850] : memref<16x8x32xf32, #tpu.memory_space<vmem>> -> memref<1x8x32xf32, #tpu.memory_space<vmem>>
      %dma_wait3A_1852 = tpu.memref_squeeze %dma_wait3A_1851 : memref<1x8x32xf32, #tpu.memory_space<vmem>> -> memref<8x32xf32, #tpu.memory_space<vmem>>
      %dma_wait3A_1853 = arith.constant 0 : i32
      %dma_wait3A_1854 = arith.constant 0 : i32
      %dma_wait3A_1855 = tpu.memref_slice %arg4[%shift_right_logical3A_607, %dma_wait3A_1853, %dma_wait3A_1854] : memref<125000x8x32xf32, #tpu.memory_space<hbm>> -> memref<1x8x32xf32, #tpu.memory_space<hbm>>
      %dma_wait3A_1856 = tpu.memref_squeeze %dma_wait3A_1855 : memref<1x8x32xf32, #tpu.memory_space<hbm>> -> memref<8x32xf32, #tpu.memory_space<hbm>>
      %dma_wait3A_1857 = arith.constant 0 : i32
      %dma_wait3A_1858 = arith.constant 0 : i32
      %dma_wait3A_1859 = tpu.memref_slice %arg9[%dma_wait3A_1848, %dma_wait3A_1857, %dma_wait3A_1858] : memref<16x8x32xf32, #tpu.memory_space<vmem>> -> memref<1x8x32xf32, #tpu.memory_space<vmem>>
      %dma_wait3A_1860 = tpu.memref_squeeze %dma_wait3A_1859 : memref<1x8x32xf32, #tpu.memory_space<vmem>> -> memref<8x32xf32, #tpu.memory_space<vmem>>
      %dma_wait3A_1861 = arith.constant 0 : i32
      %dma_wait3A_1862 = arith.constant 0 : i32
      %dma_wait3A_1863 = tpu.memref_slice %arg4[%shift_right_logical3A_607, %dma_wait3A_1861, %dma_wait3A_1862] : memref<125000x8x32xf32, #tpu.memory_space<hbm>> -> memref<1x8x32xf32, #tpu.memory_space<hbm>>
      %dma_wait3A_1864 = tpu.memref_squeeze %dma_wait3A_1863 : memref<1x8x32xf32, #tpu.memory_space<hbm>> -> memref<8x32xf32, #tpu.memory_space<hbm>>
      tpu.wait_dma2 semaphore(%arg14 : memref<!tpu.dma_semaphore, #tpu.memory_space<semaphore_mem>>) src(%dma_wait3A_1864 : memref<8x32xf32, #tpu.memory_space<hbm>>) dst(%dma_wait3A_1860 : memref<8x32xf32, #tpu.memory_space<vmem>>)
      %dma_wait3A_1865 = arith.constant 14 : i32
      %dma_wait3A_1866 = arith.constant 0 : i32
      %dma_wait3A_1867 = arith.constant 0 : i32
      %dma_wait3A_1868 = tpu.memref_slice %arg10[%dma_wait3A_1865, %dma_wait3A_1866, %dma_wait3A_1867] : memref<16x8x32xf32, #tpu.memory_space<vmem>> -> memref<1x8x32xf32, #tpu.memory_space<vmem>>
      %dma_wait3A_1869 = tpu.memref_squeeze %dma_wait3A_1868 : memref<1x8x32xf32, #tpu.memory_space<vmem>> -> memref<8x32xf32, #tpu.memory_space<vmem>>
      %dma_wait3A_1870 = arith.constant 0 : i32
      %dma_wait3A_1871 = arith.constant 0 : i32
      %dma_wait3A_1872 = tpu.memref_slice %arg5[%shift_right_logical3A_611, %dma_wait3A_1870, %dma_wait3A_1871] : memref<125000x8x32xf32, #tpu.memory_space<hbm>> -> memref<1x8x32xf32, #tpu.memory_space<hbm>>
      %dma_wait3A_1873 = tpu.memref_squeeze %dma_wait3A_1872 : memref<1x8x32xf32, #tpu.memory_space<hbm>> -> memref<8x32xf32, #tpu.memory_space<hbm>>
      %dma_wait3A_1874 = arith.constant 0 : i32
      %dma_wait3A_1875 = arith.constant 0 : i32
      %dma_wait3A_1876 = tpu.memref_slice %arg10[%dma_wait3A_1865, %dma_wait3A_1874, %dma_wait3A_1875] : memref<16x8x32xf32, #tpu.memory_space<vmem>> -> memref<1x8x32xf32, #tpu.memory_space<vmem>>
      %dma_wait3A_1877 = tpu.memref_squeeze %dma_wait3A_1876 : memref<1x8x32xf32, #tpu.memory_space<vmem>> -> memref<8x32xf32, #tpu.memory_space<vmem>>
      %dma_wait3A_1878 = arith.constant 0 : i32
      %dma_wait3A_1879 = arith.constant 0 : i32
      %dma_wait3A_1880 = tpu.memref_slice %arg5[%shift_right_logical3A_611, %dma_wait3A_1878, %dma_wait3A_1879] : memref<125000x8x32xf32, #tpu.memory_space<hbm>> -> memref<1x8x32xf32, #tpu.memory_space<hbm>>
      %dma_wait3A_1881 = tpu.memref_squeeze %dma_wait3A_1880 : memref<1x8x32xf32, #tpu.memory_space<hbm>> -> memref<8x32xf32, #tpu.memory_space<hbm>>
      tpu.wait_dma2 semaphore(%arg15 : memref<!tpu.dma_semaphore, #tpu.memory_space<semaphore_mem>>) src(%dma_wait3A_1881 : memref<8x32xf32, #tpu.memory_space<hbm>>) dst(%dma_wait3A_1877 : memref<8x32xf32, #tpu.memory_space<vmem>>)
      %dma_wait3A_1882 = arith.constant 15 : i32
      %dma_wait3A_1883 = arith.constant 0 : i32
      %dma_wait3A_1884 = arith.constant 0 : i32
      %dma_wait3A_1885 = tpu.memref_slice %arg9[%dma_wait3A_1882, %dma_wait3A_1883, %dma_wait3A_1884] : memref<16x8x32xf32, #tpu.memory_space<vmem>> -> memref<1x8x32xf32, #tpu.memory_space<vmem>>
      %dma_wait3A_1886 = tpu.memref_squeeze %dma_wait3A_1885 : memref<1x8x32xf32, #tpu.memory_space<vmem>> -> memref<8x32xf32, #tpu.memory_space<vmem>>
      %dma_wait3A_1887 = arith.constant 0 : i32
      %dma_wait3A_1888 = arith.constant 0 : i32
      %dma_wait3A_1889 = tpu.memref_slice %arg4[%shift_right_logical3A_649, %dma_wait3A_1887, %dma_wait3A_1888] : memref<125000x8x32xf32, #tpu.memory_space<hbm>> -> memref<1x8x32xf32, #tpu.memory_space<hbm>>
      %dma_wait3A_1890 = tpu.memref_squeeze %dma_wait3A_1889 : memref<1x8x32xf32, #tpu.memory_space<hbm>> -> memref<8x32xf32, #tpu.memory_space<hbm>>
      %dma_wait3A_1891 = arith.constant 0 : i32
      %dma_wait3A_1892 = arith.constant 0 : i32
      %dma_wait3A_1893 = tpu.memref_slice %arg9[%dma_wait3A_1882, %dma_wait3A_1891, %dma_wait3A_1892] : memref<16x8x32xf32, #tpu.memory_space<vmem>> -> memref<1x8x32xf32, #tpu.memory_space<vmem>>
      %dma_wait3A_1894 = tpu.memref_squeeze %dma_wait3A_1893 : memref<1x8x32xf32, #tpu.memory_space<vmem>> -> memref<8x32xf32, #tpu.memory_space<vmem>>
      %dma_wait3A_1895 = arith.constant 0 : i32
      %dma_wait3A_1896 = arith.constant 0 : i32
      %dma_wait3A_1897 = tpu.memref_slice %arg4[%shift_right_logical3A_649, %dma_wait3A_1895, %dma_wait3A_1896] : memref<125000x8x32xf32, #tpu.memory_space<hbm>> -> memref<1x8x32xf32, #tpu.memory_space<hbm>>
      %dma_wait3A_1898 = tpu.memref_squeeze %dma_wait3A_1897 : memref<1x8x32xf32, #tpu.memory_space<hbm>> -> memref<8x32xf32, #tpu.memory_space<hbm>>
      tpu.wait_dma2 semaphore(%arg14 : memref<!tpu.dma_semaphore, #tpu.memory_space<semaphore_mem>>) src(%dma_wait3A_1898 : memref<8x32xf32, #tpu.memory_space<hbm>>) dst(%dma_wait3A_1894 : memref<8x32xf32, #tpu.memory_space<vmem>>)
      %dma_wait3A_1899 = arith.constant 15 : i32
      %dma_wait3A_1900 = arith.constant 0 : i32
      %dma_wait3A_1901 = arith.constant 0 : i32
      %dma_wait3A_1902 = tpu.memref_slice %arg10[%dma_wait3A_1899, %dma_wait3A_1900, %dma_wait3A_1901] : memref<16x8x32xf32, #tpu.memory_space<vmem>> -> memref<1x8x32xf32, #tpu.memory_space<vmem>>
      %dma_wait3A_1903 = tpu.memref_squeeze %dma_wait3A_1902 : memref<1x8x32xf32, #tpu.memory_space<vmem>> -> memref<8x32xf32, #tpu.memory_space<vmem>>
      %dma_wait3A_1904 = arith.constant 0 : i32
      %dma_wait3A_1905 = arith.constant 0 : i32
      %dma_wait3A_1906 = tpu.memref_slice %arg5[%shift_right_logical3A_653, %dma_wait3A_1904, %dma_wait3A_1905] : memref<125000x8x32xf32, #tpu.memory_space<hbm>> -> memref<1x8x32xf32, #tpu.memory_space<hbm>>
      %dma_wait3A_1907 = tpu.memref_squeeze %dma_wait3A_1906 : memref<1x8x32xf32, #tpu.memory_space<hbm>> -> memref<8x32xf32, #tpu.memory_space<hbm>>
      %dma_wait3A_1908 = arith.constant 0 : i32
      %dma_wait3A_1909 = arith.constant 0 : i32
      %dma_wait3A_1910 = tpu.memref_slice %arg10[%dma_wait3A_1899, %dma_wait3A_1908, %dma_wait3A_1909] : memref<16x8x32xf32, #tpu.memory_space<vmem>> -> memref<1x8x32xf32, #tpu.memory_space<vmem>>
      %dma_wait3A_1911 = tpu.memref_squeeze %dma_wait3A_1910 : memref<1x8x32xf32, #tpu.memory_space<vmem>> -> memref<8x32xf32, #tpu.memory_space<vmem>>
      %dma_wait3A_1912 = arith.constant 0 : i32
      %dma_wait3A_1913 = arith.constant 0 : i32
      %dma_wait3A_1914 = tpu.memref_slice %arg5[%shift_right_logical3A_653, %dma_wait3A_1912, %dma_wait3A_1913] : memref<125000x8x32xf32, #tpu.memory_space<hbm>> -> memref<1x8x32xf32, #tpu.memory_space<hbm>>
      %dma_wait3A_1915 = tpu.memref_squeeze %dma_wait3A_1914 : memref<1x8x32xf32, #tpu.memory_space<hbm>> -> memref<8x32xf32, #tpu.memory_space<hbm>>
      tpu.wait_dma2 semaphore(%arg15 : memref<!tpu.dma_semaphore, #tpu.memory_space<semaphore_mem>>) src(%dma_wait3A_1915 : memref<8x32xf32, #tpu.memory_space<hbm>>) dst(%dma_wait3A_1911 : memref<8x32xf32, #tpu.memory_space<vmem>>)
      %broadcast_in_dim3A = arith.constant 0.000000e+00 : f32
      %broadcast_in_dim3A_1916 = vector.broadcast %broadcast_in_dim3A : f32 to vector<16xf32>
      %slice3A_1917 = vector.extract_strided_slice %get3A_17 {offsets = [0], sizes = [1], strides = [1]} : vector<16xi32> to vector<1xi32>
      %squeeze3A_1918 = vector.extract %slice3A_1917[0] : i32 from vector<1xi32>
      %and3A = arith.constant 7 : i32
      %and3A_1919 = arith.andi %squeeze3A_1918, %and3A : i32
      %slice3A_1920 = vector.extract_strided_slice %get3A_19 {offsets = [0], sizes = [1], strides = [1]} : vector<16xi32> to vector<1xi32>
      %squeeze3A_1921 = vector.extract %slice3A_1920[0] : i32 from vector<1xi32>
      %and3A_1922 = arith.constant 7 : i32
      %and3A_1923 = arith.andi %squeeze3A_1921, %and3A_1922 : i32
      %get3A_1924 = arith.constant 0 : i32
      %get3A_1925 = arith.index_cast %get3A_1924 : i32 to index
      %get3A_1926 = arith.index_cast %and3A_1919 : i32 to index
      %get3A_1927 = arith.constant 0 : index
      %get3A_1928 = tpu.vector_load %arg9[%get3A_1925, %get3A_1926, %get3A_1927] {strides = array<i32>} : memref<16x8x32xf32, #tpu.memory_space<vmem>>, vector<16xf32>,
      %get3A_1929 = arith.constant 0 : i32
      %get3A_1930 = arith.index_cast %get3A_1929 : i32 to index
      %get3A_1931 = arith.index_cast %and3A_1923 : i32 to index
      %get3A_1932 = arith.constant 0 : index
      %get3A_1933 = tpu.vector_load %arg10[%get3A_1930, %get3A_1931, %get3A_1932] {strides = array<i32>} : memref<16x8x32xf32, #tpu.memory_space<vmem>>, vector<16xf32>,
      %mul3A_1934 = arith.mulf %get3A_1928, %get3A_1933 : vector<16xf32>
      %get3A_1935 = arith.constant 0 : i32
      %get3A_1936 = arith.index_cast %get3A_1935 : i32 to index
      %get3A_1937 = arith.index_cast %and3A_1919 : i32 to index
      %get3A_1938 = arith.constant 16 : index
      %get3A_1939 = tpu.vector_load %arg9[%get3A_1936, %get3A_1937, %get3A_1938] {strides = array<i32>} : memref<16x8x32xf32, #tpu.memory_space<vmem>>, vector<16xf32>,
      %get3A_1940 = arith.constant 0 : i32
      %get3A_1941 = arith.index_cast %get3A_1940 : i32 to index
      %get3A_1942 = arith.index_cast %and3A_1923 : i32 to index
      %get3A_1943 = arith.constant 16 : index
      %get3A_1944 = tpu.vector_load %arg10[%get3A_1941, %get3A_1942, %get3A_1943] {strides = array<i32>} : memref<16x8x32xf32, #tpu.memory_space<vmem>>, vector<16xf32>,
      %mul3A_1945 = arith.mulf %get3A_1939, %get3A_1944 : vector<16xf32>
      %add3A_1946 = arith.addf %mul3A_1934, %mul3A_1945 : vector<16xf32>
      %eq3A = arith.constant 0 : i32
      %eq3A_1947 = vector.broadcast %eq3A : i32 to vector<16xi32>
      %eq3A_1948 = arith.cmpi eq, %iota3A, %eq3A_1947 : vector<16xi32>
      %reduce_sum3A = arith.constant true
      %reduce_sum3A_1949 = vector.broadcast %reduce_sum3A : i1 to vector<16xi1>
      %reduce_sum3A_1950 = tpu.scan <sum>, %add3A_1946 masked %reduce_sum3A_1949 : vector<16xf32>, vector<16xi1> -> vector<16xf32>
      %reduce_sum3A_1951 = vector.extract %reduce_sum3A_1950[15] : f32 from vector<16xf32>
      %broadcast_in_dim3A_1952 = vector.broadcast %reduce_sum3A_1951 : f32 to vector<16xf32>
      %select_n3A = arith.select %eq3A_1948, %broadcast_in_dim3A_1952, %broadcast_in_dim3A_1916 : vector<16xi1>, vector<16xf32>
      %slice3A_1953 = vector.extract_strided_slice %get3A_17 {offsets = [1], sizes = [1], strides = [1]} : vector<16xi32> to vector<1xi32>
      %squeeze3A_1954 = vector.extract %slice3A_1953[0] : i32 from vector<1xi32>
      %and3A_1955 = arith.constant 7 : i32
      %and3A_1956 = arith.andi %squeeze3A_1954, %and3A_1955 : i32
      %slice3A_1957 = vector.extract_strided_slice %get3A_19 {offsets = [1], sizes = [1], strides = [1]} : vector<16xi32> to vector<1xi32>
      %squeeze3A_1958 = vector.extract %slice3A_1957[0] : i32 from vector<1xi32>
      %and3A_1959 = arith.constant 7 : i32
      %and3A_1960 = arith.andi %squeeze3A_1958, %and3A_1959 : i32
      %get3A_1961 = arith.constant 1 : i32
      %get3A_1962 = arith.index_cast %get3A_1961 : i32 to index
      %get3A_1963 = arith.index_cast %and3A_1956 : i32 to index
      %get3A_1964 = arith.constant 0 : index
      %get3A_1965 = tpu.vector_load %arg9[%get3A_1962, %get3A_1963, %get3A_1964] {strides = array<i32>} : memref<16x8x32xf32, #tpu.memory_space<vmem>>, vector<16xf32>,
      %get3A_1966 = arith.constant 1 : i32
      %get3A_1967 = arith.index_cast %get3A_1966 : i32 to index
      %get3A_1968 = arith.index_cast %and3A_1960 : i32 to index
      %get3A_1969 = arith.constant 0 : index
      %get3A_1970 = tpu.vector_load %arg10[%get3A_1967, %get3A_1968, %get3A_1969] {strides = array<i32>} : memref<16x8x32xf32, #tpu.memory_space<vmem>>, vector<16xf32>,
      %mul3A_1971 = arith.mulf %get3A_1965, %get3A_1970 : vector<16xf32>
      %get3A_1972 = arith.constant 1 : i32
      %get3A_1973 = arith.index_cast %get3A_1972 : i32 to index
      %get3A_1974 = arith.index_cast %and3A_1956 : i32 to index
      %get3A_1975 = arith.constant 16 : index
      %get3A_1976 = tpu.vector_load %arg9[%get3A_1973, %get3A_1974, %get3A_1975] {strides = array<i32>} : memref<16x8x32xf32, #tpu.memory_space<vmem>>, vector<16xf32>,
      %get3A_1977 = arith.constant 1 : i32
      %get3A_1978 = arith.index_cast %get3A_1977 : i32 to index
      %get3A_1979 = arith.index_cast %and3A_1960 : i32 to index
      %get3A_1980 = arith.constant 16 : index
      %get3A_1981 = tpu.vector_load %arg10[%get3A_1978, %get3A_1979, %get3A_1980] {strides = array<i32>} : memref<16x8x32xf32, #tpu.memory_space<vmem>>, vector<16xf32>,
      %mul3A_1982 = arith.mulf %get3A_1976, %get3A_1981 : vector<16xf32>
      %add3A_1983 = arith.addf %mul3A_1971, %mul3A_1982 : vector<16xf32>
      %eq3A_1984 = arith.constant 1 : i32
      %eq3A_1985 = vector.broadcast %eq3A_1984 : i32 to vector<16xi32>
      %eq3A_1986 = arith.cmpi eq, %iota3A, %eq3A_1985 : vector<16xi32>
      %reduce_sum3A_1987 = arith.constant true
      %reduce_sum3A_1988 = vector.broadcast %reduce_sum3A_1987 : i1 to vector<16xi1>
      %reduce_sum3A_1989 = tpu.scan <sum>, %add3A_1983 masked %reduce_sum3A_1988 : vector<16xf32>, vector<16xi1> -> vector<16xf32>
      %reduce_sum3A_1990 = vector.extract %reduce_sum3A_1989[15] : f32 from vector<16xf32>
      %broadcast_in_dim3A_1991 = vector.broadcast %reduce_sum3A_1990 : f32 to vector<16xf32>
      %select_n3A_1992 = arith.select %eq3A_1986, %broadcast_in_dim3A_1991, %select_n3A : vector<16xi1>, vector<16xf32>
      %slice3A_1993 = vector.extract_strided_slice %get3A_17 {offsets = [2], sizes = [1], strides = [1]} : vector<16xi32> to vector<1xi32>
      %squeeze3A_1994 = vector.extract %slice3A_1993[0] : i32 from vector<1xi32>
      %and3A_1995 = arith.constant 7 : i32
      %and3A_1996 = arith.andi %squeeze3A_1994, %and3A_1995 : i32
      %slice3A_1997 = vector.extract_strided_slice %get3A_19 {offsets = [2], sizes = [1], strides = [1]} : vector<16xi32> to vector<1xi32>
      %squeeze3A_1998 = vector.extract %slice3A_1997[0] : i32 from vector<1xi32>
      %and3A_1999 = arith.constant 7 : i32
      %and3A_2000 = arith.andi %squeeze3A_1998, %and3A_1999 : i32
      %get3A_2001 = arith.constant 2 : i32
      %get3A_2002 = arith.index_cast %get3A_2001 : i32 to index
      %get3A_2003 = arith.index_cast %and3A_1996 : i32 to index
      %get3A_2004 = arith.constant 0 : index
      %get3A_2005 = tpu.vector_load %arg9[%get3A_2002, %get3A_2003, %get3A_2004] {strides = array<i32>} : memref<16x8x32xf32, #tpu.memory_space<vmem>>, vector<16xf32>,
      %get3A_2006 = arith.constant 2 : i32
      %get3A_2007 = arith.index_cast %get3A_2006 : i32 to index
      %get3A_2008 = arith.index_cast %and3A_2000 : i32 to index
      %get3A_2009 = arith.constant 0 : index
      %get3A_2010 = tpu.vector_load %arg10[%get3A_2007, %get3A_2008, %get3A_2009] {strides = array<i32>} : memref<16x8x32xf32, #tpu.memory_space<vmem>>, vector<16xf32>,
      %mul3A_2011 = arith.mulf %get3A_2005, %get3A_2010 : vector<16xf32>
      %get3A_2012 = arith.constant 2 : i32
      %get3A_2013 = arith.index_cast %get3A_2012 : i32 to index
      %get3A_2014 = arith.index_cast %and3A_1996 : i32 to index
      %get3A_2015 = arith.constant 16 : index
      %get3A_2016 = tpu.vector_load %arg9[%get3A_2013, %get3A_2014, %get3A_2015] {strides = array<i32>} : memref<16x8x32xf32, #tpu.memory_space<vmem>>, vector<16xf32>,
      %get3A_2017 = arith.constant 2 : i32
      %get3A_2018 = arith.index_cast %get3A_2017 : i32 to index
      %get3A_2019 = arith.index_cast %and3A_2000 : i32 to index
      %get3A_2020 = arith.constant 16 : index
      %get3A_2021 = tpu.vector_load %arg10[%get3A_2018, %get3A_2019, %get3A_2020] {strides = array<i32>} : memref<16x8x32xf32, #tpu.memory_space<vmem>>, vector<16xf32>,
      %mul3A_2022 = arith.mulf %get3A_2016, %get3A_2021 : vector<16xf32>
      %add3A_2023 = arith.addf %mul3A_2011, %mul3A_2022 : vector<16xf32>
      %eq3A_2024 = arith.constant 2 : i32
      %eq3A_2025 = vector.broadcast %eq3A_2024 : i32 to vector<16xi32>
      %eq3A_2026 = arith.cmpi eq, %iota3A, %eq3A_2025 : vector<16xi32>
      %reduce_sum3A_2027 = arith.constant true
      %reduce_sum3A_2028 = vector.broadcast %reduce_sum3A_2027 : i1 to vector<16xi1>
      %reduce_sum3A_2029 = tpu.scan <sum>, %add3A_2023 masked %reduce_sum3A_2028 : vector<16xf32>, vector<16xi1> -> vector<16xf32>
      %reduce_sum3A_2030 = vector.extract %reduce_sum3A_2029[15] : f32 from vector<16xf32>
      %broadcast_in_dim3A_2031 = vector.broadcast %reduce_sum3A_2030 : f32 to vector<16xf32>
      %select_n3A_2032 = arith.select %eq3A_2026, %broadcast_in_dim3A_2031, %select_n3A_1992 : vector<16xi1>, vector<16xf32>
      %slice3A_2033 = vector.extract_strided_slice %get3A_17 {offsets = [3], sizes = [1], strides = [1]} : vector<16xi32> to vector<1xi32>
      %squeeze3A_2034 = vector.extract %slice3A_2033[0] : i32 from vector<1xi32>
      %and3A_2035 = arith.constant 7 : i32
      %and3A_2036 = arith.andi %squeeze3A_2034, %and3A_2035 : i32
      %slice3A_2037 = vector.extract_strided_slice %get3A_19 {offsets = [3], sizes = [1], strides = [1]} : vector<16xi32> to vector<1xi32>
      %squeeze3A_2038 = vector.extract %slice3A_2037[0] : i32 from vector<1xi32>
      %and3A_2039 = arith.constant 7 : i32
      %and3A_2040 = arith.andi %squeeze3A_2038, %and3A_2039 : i32
      %get3A_2041 = arith.constant 3 : i32
      %get3A_2042 = arith.index_cast %get3A_2041 : i32 to index
      %get3A_2043 = arith.index_cast %and3A_2036 : i32 to index
      %get3A_2044 = arith.constant 0 : index
      %get3A_2045 = tpu.vector_load %arg9[%get3A_2042, %get3A_2043, %get3A_2044] {strides = array<i32>} : memref<16x8x32xf32, #tpu.memory_space<vmem>>, vector<16xf32>,
      %get3A_2046 = arith.constant 3 : i32
      %get3A_2047 = arith.index_cast %get3A_2046 : i32 to index
      %get3A_2048 = arith.index_cast %and3A_2040 : i32 to index
      %get3A_2049 = arith.constant 0 : index
      %get3A_2050 = tpu.vector_load %arg10[%get3A_2047, %get3A_2048, %get3A_2049] {strides = array<i32>} : memref<16x8x32xf32, #tpu.memory_space<vmem>>, vector<16xf32>,
      %mul3A_2051 = arith.mulf %get3A_2045, %get3A_2050 : vector<16xf32>
      %get3A_2052 = arith.constant 3 : i32
      %get3A_2053 = arith.index_cast %get3A_2052 : i32 to index
      %get3A_2054 = arith.index_cast %and3A_2036 : i32 to index
      %get3A_2055 = arith.constant 16 : index
      %get3A_2056 = tpu.vector_load %arg9[%get3A_2053, %get3A_2054, %get3A_2055] {strides = array<i32>} : memref<16x8x32xf32, #tpu.memory_space<vmem>>, vector<16xf32>,
      %get3A_2057 = arith.constant 3 : i32
      %get3A_2058 = arith.index_cast %get3A_2057 : i32 to index
      %get3A_2059 = arith.index_cast %and3A_2040 : i32 to index
      %get3A_2060 = arith.constant 16 : index
      %get3A_2061 = tpu.vector_load %arg10[%get3A_2058, %get3A_2059, %get3A_2060] {strides = array<i32>} : memref<16x8x32xf32, #tpu.memory_space<vmem>>, vector<16xf32>,
      %mul3A_2062 = arith.mulf %get3A_2056, %get3A_2061 : vector<16xf32>
      %add3A_2063 = arith.addf %mul3A_2051, %mul3A_2062 : vector<16xf32>
      %eq3A_2064 = arith.constant 3 : i32
      %eq3A_2065 = vector.broadcast %eq3A_2064 : i32 to vector<16xi32>
      %eq3A_2066 = arith.cmpi eq, %iota3A, %eq3A_2065 : vector<16xi32>
      %reduce_sum3A_2067 = arith.constant true
      %reduce_sum3A_2068 = vector.broadcast %reduce_sum3A_2067 : i1 to vector<16xi1>
      %reduce_sum3A_2069 = tpu.scan <sum>, %add3A_2063 masked %reduce_sum3A_2068 : vector<16xf32>, vector<16xi1> -> vector<16xf32>
      %reduce_sum3A_2070 = vector.extract %reduce_sum3A_2069[15] : f32 from vector<16xf32>
      %broadcast_in_dim3A_2071 = vector.broadcast %reduce_sum3A_2070 : f32 to vector<16xf32>
      %select_n3A_2072 = arith.select %eq3A_2066, %broadcast_in_dim3A_2071, %select_n3A_2032 : vector<16xi1>, vector<16xf32>
      %slice3A_2073 = vector.extract_strided_slice %get3A_17 {offsets = [4], sizes = [1], strides = [1]} : vector<16xi32> to vector<1xi32>
      %squeeze3A_2074 = vector.extract %slice3A_2073[0] : i32 from vector<1xi32>
      %and3A_2075 = arith.constant 7 : i32
      %and3A_2076 = arith.andi %squeeze3A_2074, %and3A_2075 : i32
      %slice3A_2077 = vector.extract_strided_slice %get3A_19 {offsets = [4], sizes = [1], strides = [1]} : vector<16xi32> to vector<1xi32>
      %squeeze3A_2078 = vector.extract %slice3A_2077[0] : i32 from vector<1xi32>
      %and3A_2079 = arith.constant 7 : i32
      %and3A_2080 = arith.andi %squeeze3A_2078, %and3A_2079 : i32
      %get3A_2081 = arith.constant 4 : i32
      %get3A_2082 = arith.index_cast %get3A_2081 : i32 to index
      %get3A_2083 = arith.index_cast %and3A_2076 : i32 to index
      %get3A_2084 = arith.constant 0 : index
      %get3A_2085 = tpu.vector_load %arg9[%get3A_2082, %get3A_2083, %get3A_2084] {strides = array<i32>} : memref<16x8x32xf32, #tpu.memory_space<vmem>>, vector<16xf32>,
      %get3A_2086 = arith.constant 4 : i32
      %get3A_2087 = arith.index_cast %get3A_2086 : i32 to index
      %get3A_2088 = arith.index_cast %and3A_2080 : i32 to index
      %get3A_2089 = arith.constant 0 : index
      %get3A_2090 = tpu.vector_load %arg10[%get3A_2087, %get3A_2088, %get3A_2089] {strides = array<i32>} : memref<16x8x32xf32, #tpu.memory_space<vmem>>, vector<16xf32>,
      %mul3A_2091 = arith.mulf %get3A_2085, %get3A_2090 : vector<16xf32>
      %get3A_2092 = arith.constant 4 : i32
      %get3A_2093 = arith.index_cast %get3A_2092 : i32 to index
      %get3A_2094 = arith.index_cast %and3A_2076 : i32 to index
      %get3A_2095 = arith.constant 16 : index
      %get3A_2096 = tpu.vector_load %arg9[%get3A_2093, %get3A_2094, %get3A_2095] {strides = array<i32>} : memref<16x8x32xf32, #tpu.memory_space<vmem>>, vector<16xf32>,
      %get3A_2097 = arith.constant 4 : i32
      %get3A_2098 = arith.index_cast %get3A_2097 : i32 to index
      %get3A_2099 = arith.index_cast %and3A_2080 : i32 to index
      %get3A_2100 = arith.constant 16 : index
      %get3A_2101 = tpu.vector_load %arg10[%get3A_2098, %get3A_2099, %get3A_2100] {strides = array<i32>} : memref<16x8x32xf32, #tpu.memory_space<vmem>>, vector<16xf32>,
      %mul3A_2102 = arith.mulf %get3A_2096, %get3A_2101 : vector<16xf32>
      %add3A_2103 = arith.addf %mul3A_2091, %mul3A_2102 : vector<16xf32>
      %eq3A_2104 = arith.constant 4 : i32
      %eq3A_2105 = vector.broadcast %eq3A_2104 : i32 to vector<16xi32>
      %eq3A_2106 = arith.cmpi eq, %iota3A, %eq3A_2105 : vector<16xi32>
      %reduce_sum3A_2107 = arith.constant true
      %reduce_sum3A_2108 = vector.broadcast %reduce_sum3A_2107 : i1 to vector<16xi1>
      %reduce_sum3A_2109 = tpu.scan <sum>, %add3A_2103 masked %reduce_sum3A_2108 : vector<16xf32>, vector<16xi1> -> vector<16xf32>
      %reduce_sum3A_2110 = vector.extract %reduce_sum3A_2109[15] : f32 from vector<16xf32>
      %broadcast_in_dim3A_2111 = vector.broadcast %reduce_sum3A_2110 : f32 to vector<16xf32>
      %select_n3A_2112 = arith.select %eq3A_2106, %broadcast_in_dim3A_2111, %select_n3A_2072 : vector<16xi1>, vector<16xf32>
      %slice3A_2113 = vector.extract_strided_slice %get3A_17 {offsets = [5], sizes = [1], strides = [1]} : vector<16xi32> to vector<1xi32>
      %squeeze3A_2114 = vector.extract %slice3A_2113[0] : i32 from vector<1xi32>
      %and3A_2115 = arith.constant 7 : i32
      %and3A_2116 = arith.andi %squeeze3A_2114, %and3A_2115 : i32
      %slice3A_2117 = vector.extract_strided_slice %get3A_19 {offsets = [5], sizes = [1], strides = [1]} : vector<16xi32> to vector<1xi32>
      %squeeze3A_2118 = vector.extract %slice3A_2117[0] : i32 from vector<1xi32>
      %and3A_2119 = arith.constant 7 : i32
      %and3A_2120 = arith.andi %squeeze3A_2118, %and3A_2119 : i32
      %get3A_2121 = arith.constant 5 : i32
      %get3A_2122 = arith.index_cast %get3A_2121 : i32 to index
      %get3A_2123 = arith.index_cast %and3A_2116 : i32 to index
      %get3A_2124 = arith.constant 0 : index
      %get3A_2125 = tpu.vector_load %arg9[%get3A_2122, %get3A_2123, %get3A_2124] {strides = array<i32>} : memref<16x8x32xf32, #tpu.memory_space<vmem>>, vector<16xf32>,
      %get3A_2126 = arith.constant 5 : i32
      %get3A_2127 = arith.index_cast %get3A_2126 : i32 to index
      %get3A_2128 = arith.index_cast %and3A_2120 : i32 to index
      %get3A_2129 = arith.constant 0 : index
      %get3A_2130 = tpu.vector_load %arg10[%get3A_2127, %get3A_2128, %get3A_2129] {strides = array<i32>} : memref<16x8x32xf32, #tpu.memory_space<vmem>>, vector<16xf32>,
      %mul3A_2131 = arith.mulf %get3A_2125, %get3A_2130 : vector<16xf32>
      %get3A_2132 = arith.constant 5 : i32
      %get3A_2133 = arith.index_cast %get3A_2132 : i32 to index
      %get3A_2134 = arith.index_cast %and3A_2116 : i32 to index
      %get3A_2135 = arith.constant 16 : index
      %get3A_2136 = tpu.vector_load %arg9[%get3A_2133, %get3A_2134, %get3A_2135] {strides = array<i32>} : memref<16x8x32xf32, #tpu.memory_space<vmem>>, vector<16xf32>,
      %get3A_2137 = arith.constant 5 : i32
      %get3A_2138 = arith.index_cast %get3A_2137 : i32 to index
      %get3A_2139 = arith.index_cast %and3A_2120 : i32 to index
      %get3A_2140 = arith.constant 16 : index
      %get3A_2141 = tpu.vector_load %arg10[%get3A_2138, %get3A_2139, %get3A_2140] {strides = array<i32>} : memref<16x8x32xf32, #tpu.memory_space<vmem>>, vector<16xf32>,
      %mul3A_2142 = arith.mulf %get3A_2136, %get3A_2141 : vector<16xf32>
      %add3A_2143 = arith.addf %mul3A_2131, %mul3A_2142 : vector<16xf32>
      %eq3A_2144 = arith.constant 5 : i32
      %eq3A_2145 = vector.broadcast %eq3A_2144 : i32 to vector<16xi32>
      %eq3A_2146 = arith.cmpi eq, %iota3A, %eq3A_2145 : vector<16xi32>
      %reduce_sum3A_2147 = arith.constant true
      %reduce_sum3A_2148 = vector.broadcast %reduce_sum3A_2147 : i1 to vector<16xi1>
      %reduce_sum3A_2149 = tpu.scan <sum>, %add3A_2143 masked %reduce_sum3A_2148 : vector<16xf32>, vector<16xi1> -> vector<16xf32>
      %reduce_sum3A_2150 = vector.extract %reduce_sum3A_2149[15] : f32 from vector<16xf32>
      %broadcast_in_dim3A_2151 = vector.broadcast %reduce_sum3A_2150 : f32 to vector<16xf32>
      %select_n3A_2152 = arith.select %eq3A_2146, %broadcast_in_dim3A_2151, %select_n3A_2112 : vector<16xi1>, vector<16xf32>
      %slice3A_2153 = vector.extract_strided_slice %get3A_17 {offsets = [6], sizes = [1], strides = [1]} : vector<16xi32> to vector<1xi32>
      %squeeze3A_2154 = vector.extract %slice3A_2153[0] : i32 from vector<1xi32>
      %and3A_2155 = arith.constant 7 : i32
      %and3A_2156 = arith.andi %squeeze3A_2154, %and3A_2155 : i32
      %slice3A_2157 = vector.extract_strided_slice %get3A_19 {offsets = [6], sizes = [1], strides = [1]} : vector<16xi32> to vector<1xi32>
      %squeeze3A_2158 = vector.extract %slice3A_2157[0] : i32 from vector<1xi32>
      %and3A_2159 = arith.constant 7 : i32
      %and3A_2160 = arith.andi %squeeze3A_2158, %and3A_2159 : i32
      %get3A_2161 = arith.constant 6 : i32
      %get3A_2162 = arith.index_cast %get3A_2161 : i32 to index
      %get3A_2163 = arith.index_cast %and3A_2156 : i32 to index
      %get3A_2164 = arith.constant 0 : index
      %get3A_2165 = tpu.vector_load %arg9[%get3A_2162, %get3A_2163, %get3A_2164] {strides = array<i32>} : memref<16x8x32xf32, #tpu.memory_space<vmem>>, vector<16xf32>,
      %get3A_2166 = arith.constant 6 : i32
      %get3A_2167 = arith.index_cast %get3A_2166 : i32 to index
      %get3A_2168 = arith.index_cast %and3A_2160 : i32 to index
      %get3A_2169 = arith.constant 0 : index
      %get3A_2170 = tpu.vector_load %arg10[%get3A_2167, %get3A_2168, %get3A_2169] {strides = array<i32>} : memref<16x8x32xf32, #tpu.memory_space<vmem>>, vector<16xf32>,
      %mul3A_2171 = arith.mulf %get3A_2165, %get3A_2170 : vector<16xf32>
      %get3A_2172 = arith.constant 6 : i32
      %get3A_2173 = arith.index_cast %get3A_2172 : i32 to index
      %get3A_2174 = arith.index_cast %and3A_2156 : i32 to index
      %get3A_2175 = arith.constant 16 : index
      %get3A_2176 = tpu.vector_load %arg9[%get3A_2173, %get3A_2174, %get3A_2175] {strides = array<i32>} : memref<16x8x32xf32, #tpu.memory_space<vmem>>, vector<16xf32>,
      %get3A_2177 = arith.constant 6 : i32
      %get3A_2178 = arith.index_cast %get3A_2177 : i32 to index
      %get3A_2179 = arith.index_cast %and3A_2160 : i32 to index
      %get3A_2180 = arith.constant 16 : index
      %get3A_2181 = tpu.vector_load %arg10[%get3A_2178, %get3A_2179, %get3A_2180] {strides = array<i32>} : memref<16x8x32xf32, #tpu.memory_space<vmem>>, vector<16xf32>,
      %mul3A_2182 = arith.mulf %get3A_2176, %get3A_2181 : vector<16xf32>
      %add3A_2183 = arith.addf %mul3A_2171, %mul3A_2182 : vector<16xf32>
      %eq3A_2184 = arith.constant 6 : i32
      %eq3A_2185 = vector.broadcast %eq3A_2184 : i32 to vector<16xi32>
      %eq3A_2186 = arith.cmpi eq, %iota3A, %eq3A_2185 : vector<16xi32>
      %reduce_sum3A_2187 = arith.constant true
      %reduce_sum3A_2188 = vector.broadcast %reduce_sum3A_2187 : i1 to vector<16xi1>
      %reduce_sum3A_2189 = tpu.scan <sum>, %add3A_2183 masked %reduce_sum3A_2188 : vector<16xf32>, vector<16xi1> -> vector<16xf32>
      %reduce_sum3A_2190 = vector.extract %reduce_sum3A_2189[15] : f32 from vector<16xf32>
      %broadcast_in_dim3A_2191 = vector.broadcast %reduce_sum3A_2190 : f32 to vector<16xf32>
      %select_n3A_2192 = arith.select %eq3A_2186, %broadcast_in_dim3A_2191, %select_n3A_2152 : vector<16xi1>, vector<16xf32>
      %slice3A_2193 = vector.extract_strided_slice %get3A_17 {offsets = [7], sizes = [1], strides = [1]} : vector<16xi32> to vector<1xi32>
      %squeeze3A_2194 = vector.extract %slice3A_2193[0] : i32 from vector<1xi32>
      %and3A_2195 = arith.constant 7 : i32
      %and3A_2196 = arith.andi %squeeze3A_2194, %and3A_2195 : i32
      %slice3A_2197 = vector.extract_strided_slice %get3A_19 {offsets = [7], sizes = [1], strides = [1]} : vector<16xi32> to vector<1xi32>
      %squeeze3A_2198 = vector.extract %slice3A_2197[0] : i32 from vector<1xi32>
      %and3A_2199 = arith.constant 7 : i32
      %and3A_2200 = arith.andi %squeeze3A_2198, %and3A_2199 : i32
      %get3A_2201 = arith.constant 7 : i32
      %get3A_2202 = arith.index_cast %get3A_2201 : i32 to index
      %get3A_2203 = arith.index_cast %and3A_2196 : i32 to index
      %get3A_2204 = arith.constant 0 : index
      %get3A_2205 = tpu.vector_load %arg9[%get3A_2202, %get3A_2203, %get3A_2204] {strides = array<i32>} : memref<16x8x32xf32, #tpu.memory_space<vmem>>, vector<16xf32>,
      %get3A_2206 = arith.constant 7 : i32
      %get3A_2207 = arith.index_cast %get3A_2206 : i32 to index
      %get3A_2208 = arith.index_cast %and3A_2200 : i32 to index
      %get3A_2209 = arith.constant 0 : index
      %get3A_2210 = tpu.vector_load %arg10[%get3A_2207, %get3A_2208, %get3A_2209] {strides = array<i32>} : memref<16x8x32xf32, #tpu.memory_space<vmem>>, vector<16xf32>,
      %mul3A_2211 = arith.mulf %get3A_2205, %get3A_2210 : vector<16xf32>
      %get3A_2212 = arith.constant 7 : i32
      %get3A_2213 = arith.index_cast %get3A_2212 : i32 to index
      %get3A_2214 = arith.index_cast %and3A_2196 : i32 to index
      %get3A_2215 = arith.constant 16 : index
      %get3A_2216 = tpu.vector_load %arg9[%get3A_2213, %get3A_2214, %get3A_2215] {strides = array<i32>} : memref<16x8x32xf32, #tpu.memory_space<vmem>>, vector<16xf32>,
      %get3A_2217 = arith.constant 7 : i32
      %get3A_2218 = arith.index_cast %get3A_2217 : i32 to index
      %get3A_2219 = arith.index_cast %and3A_2200 : i32 to index
      %get3A_2220 = arith.constant 16 : index
      %get3A_2221 = tpu.vector_load %arg10[%get3A_2218, %get3A_2219, %get3A_2220] {strides = array<i32>} : memref<16x8x32xf32, #tpu.memory_space<vmem>>, vector<16xf32>,
      %mul3A_2222 = arith.mulf %get3A_2216, %get3A_2221 : vector<16xf32>
      %add3A_2223 = arith.addf %mul3A_2211, %mul3A_2222 : vector<16xf32>
      %eq3A_2224 = arith.constant 7 : i32
      %eq3A_2225 = vector.broadcast %eq3A_2224 : i32 to vector<16xi32>
      %eq3A_2226 = arith.cmpi eq, %iota3A, %eq3A_2225 : vector<16xi32>
      %reduce_sum3A_2227 = arith.constant true
      %reduce_sum3A_2228 = vector.broadcast %reduce_sum3A_2227 : i1 to vector<16xi1>
      %reduce_sum3A_2229 = tpu.scan <sum>, %add3A_2223 masked %reduce_sum3A_2228 : vector<16xf32>, vector<16xi1> -> vector<16xf32>
      %reduce_sum3A_2230 = vector.extract %reduce_sum3A_2229[15] : f32 from vector<16xf32>
      %broadcast_in_dim3A_2231 = vector.broadcast %reduce_sum3A_2230 : f32 to vector<16xf32>
      %select_n3A_2232 = arith.select %eq3A_2226, %broadcast_in_dim3A_2231, %select_n3A_2192 : vector<16xi1>, vector<16xf32>
      %slice3A_2233 = vector.extract_strided_slice %get3A_17 {offsets = [8], sizes = [1], strides = [1]} : vector<16xi32> to vector<1xi32>
      %squeeze3A_2234 = vector.extract %slice3A_2233[0] : i32 from vector<1xi32>
      %and3A_2235 = arith.constant 7 : i32
      %and3A_2236 = arith.andi %squeeze3A_2234, %and3A_2235 : i32
      %slice3A_2237 = vector.extract_strided_slice %get3A_19 {offsets = [8], sizes = [1], strides = [1]} : vector<16xi32> to vector<1xi32>
      %squeeze3A_2238 = vector.extract %slice3A_2237[0] : i32 from vector<1xi32>
      %and3A_2239 = arith.constant 7 : i32
      %and3A_2240 = arith.andi %squeeze3A_2238, %and3A_2239 : i32
      %get3A_2241 = arith.constant 8 : i32
      %get3A_2242 = arith.index_cast %get3A_2241 : i32 to index
      %get3A_2243 = arith.index_cast %and3A_2236 : i32 to index
      %get3A_2244 = arith.constant 0 : index
      %get3A_2245 = tpu.vector_load %arg9[%get3A_2242, %get3A_2243, %get3A_2244] {strides = array<i32>} : memref<16x8x32xf32, #tpu.memory_space<vmem>>, vector<16xf32>,
      %get3A_2246 = arith.constant 8 : i32
      %get3A_2247 = arith.index_cast %get3A_2246 : i32 to index
      %get3A_2248 = arith.index_cast %and3A_2240 : i32 to index
      %get3A_2249 = arith.constant 0 : index
      %get3A_2250 = tpu.vector_load %arg10[%get3A_2247, %get3A_2248, %get3A_2249] {strides = array<i32>} : memref<16x8x32xf32, #tpu.memory_space<vmem>>, vector<16xf32>,
      %mul3A_2251 = arith.mulf %get3A_2245, %get3A_2250 : vector<16xf32>
      %get3A_2252 = arith.constant 8 : i32
      %get3A_2253 = arith.index_cast %get3A_2252 : i32 to index
      %get3A_2254 = arith.index_cast %and3A_2236 : i32 to index
      %get3A_2255 = arith.constant 16 : index
      %get3A_2256 = tpu.vector_load %arg9[%get3A_2253, %get3A_2254, %get3A_2255] {strides = array<i32>} : memref<16x8x32xf32, #tpu.memory_space<vmem>>, vector<16xf32>,
      %get3A_2257 = arith.constant 8 : i32
      %get3A_2258 = arith.index_cast %get3A_2257 : i32 to index
      %get3A_2259 = arith.index_cast %and3A_2240 : i32 to index
      %get3A_2260 = arith.constant 16 : index
      %get3A_2261 = tpu.vector_load %arg10[%get3A_2258, %get3A_2259, %get3A_2260] {strides = array<i32>} : memref<16x8x32xf32, #tpu.memory_space<vmem>>, vector<16xf32>,
      %mul3A_2262 = arith.mulf %get3A_2256, %get3A_2261 : vector<16xf32>
      %add3A_2263 = arith.addf %mul3A_2251, %mul3A_2262 : vector<16xf32>
      %eq3A_2264 = arith.constant 8 : i32
      %eq3A_2265 = vector.broadcast %eq3A_2264 : i32 to vector<16xi32>
      %eq3A_2266 = arith.cmpi eq, %iota3A, %eq3A_2265 : vector<16xi32>
      %reduce_sum3A_2267 = arith.constant true
      %reduce_sum3A_2268 = vector.broadcast %reduce_sum3A_2267 : i1 to vector<16xi1>
      %reduce_sum3A_2269 = tpu.scan <sum>, %add3A_2263 masked %reduce_sum3A_2268 : vector<16xf32>, vector<16xi1> -> vector<16xf32>
      %reduce_sum3A_2270 = vector.extract %reduce_sum3A_2269[15] : f32 from vector<16xf32>
      %broadcast_in_dim3A_2271 = vector.broadcast %reduce_sum3A_2270 : f32 to vector<16xf32>
      %select_n3A_2272 = arith.select %eq3A_2266, %broadcast_in_dim3A_2271, %select_n3A_2232 : vector<16xi1>, vector<16xf32>
      %slice3A_2273 = vector.extract_strided_slice %get3A_17 {offsets = [9], sizes = [1], strides = [1]} : vector<16xi32> to vector<1xi32>
      %squeeze3A_2274 = vector.extract %slice3A_2273[0] : i32 from vector<1xi32>
      %and3A_2275 = arith.constant 7 : i32
      %and3A_2276 = arith.andi %squeeze3A_2274, %and3A_2275 : i32
      %slice3A_2277 = vector.extract_strided_slice %get3A_19 {offsets = [9], sizes = [1], strides = [1]} : vector<16xi32> to vector<1xi32>
      %squeeze3A_2278 = vector.extract %slice3A_2277[0] : i32 from vector<1xi32>
      %and3A_2279 = arith.constant 7 : i32
      %and3A_2280 = arith.andi %squeeze3A_2278, %and3A_2279 : i32
      %get3A_2281 = arith.constant 9 : i32
      %get3A_2282 = arith.index_cast %get3A_2281 : i32 to index
      %get3A_2283 = arith.index_cast %and3A_2276 : i32 to index
      %get3A_2284 = arith.constant 0 : index
      %get3A_2285 = tpu.vector_load %arg9[%get3A_2282, %get3A_2283, %get3A_2284] {strides = array<i32>} : memref<16x8x32xf32, #tpu.memory_space<vmem>>, vector<16xf32>,
      %get3A_2286 = arith.constant 9 : i32
      %get3A_2287 = arith.index_cast %get3A_2286 : i32 to index
      %get3A_2288 = arith.index_cast %and3A_2280 : i32 to index
      %get3A_2289 = arith.constant 0 : index
      %get3A_2290 = tpu.vector_load %arg10[%get3A_2287, %get3A_2288, %get3A_2289] {strides = array<i32>} : memref<16x8x32xf32, #tpu.memory_space<vmem>>, vector<16xf32>,
      %mul3A_2291 = arith.mulf %get3A_2285, %get3A_2290 : vector<16xf32>
      %get3A_2292 = arith.constant 9 : i32
      %get3A_2293 = arith.index_cast %get3A_2292 : i32 to index
      %get3A_2294 = arith.index_cast %and3A_2276 : i32 to index
      %get3A_2295 = arith.constant 16 : index
      %get3A_2296 = tpu.vector_load %arg9[%get3A_2293, %get3A_2294, %get3A_2295] {strides = array<i32>} : memref<16x8x32xf32, #tpu.memory_space<vmem>>, vector<16xf32>,
      %get3A_2297 = arith.constant 9 : i32
      %get3A_2298 = arith.index_cast %get3A_2297 : i32 to index
      %get3A_2299 = arith.index_cast %and3A_2280 : i32 to index
      %get3A_2300 = arith.constant 16 : index
      %get3A_2301 = tpu.vector_load %arg10[%get3A_2298, %get3A_2299, %get3A_2300] {strides = array<i32>} : memref<16x8x32xf32, #tpu.memory_space<vmem>>, vector<16xf32>,
      %mul3A_2302 = arith.mulf %get3A_2296, %get3A_2301 : vector<16xf32>
      %add3A_2303 = arith.addf %mul3A_2291, %mul3A_2302 : vector<16xf32>
      %eq3A_2304 = arith.constant 9 : i32
      %eq3A_2305 = vector.broadcast %eq3A_2304 : i32 to vector<16xi32>
      %eq3A_2306 = arith.cmpi eq, %iota3A, %eq3A_2305 : vector<16xi32>
      %reduce_sum3A_2307 = arith.constant true
      %reduce_sum3A_2308 = vector.broadcast %reduce_sum3A_2307 : i1 to vector<16xi1>
      %reduce_sum3A_2309 = tpu.scan <sum>, %add3A_2303 masked %reduce_sum3A_2308 : vector<16xf32>, vector<16xi1> -> vector<16xf32>
      %reduce_sum3A_2310 = vector.extract %reduce_sum3A_2309[15] : f32 from vector<16xf32>
      %broadcast_in_dim3A_2311 = vector.broadcast %reduce_sum3A_2310 : f32 to vector<16xf32>
      %select_n3A_2312 = arith.select %eq3A_2306, %broadcast_in_dim3A_2311, %select_n3A_2272 : vector<16xi1>, vector<16xf32>
      %slice3A_2313 = vector.extract_strided_slice %get3A_17 {offsets = [10], sizes = [1], strides = [1]} : vector<16xi32> to vector<1xi32>
      %squeeze3A_2314 = vector.extract %slice3A_2313[0] : i32 from vector<1xi32>
      %and3A_2315 = arith.constant 7 : i32
      %and3A_2316 = arith.andi %squeeze3A_2314, %and3A_2315 : i32
      %slice3A_2317 = vector.extract_strided_slice %get3A_19 {offsets = [10], sizes = [1], strides = [1]} : vector<16xi32> to vector<1xi32>
      %squeeze3A_2318 = vector.extract %slice3A_2317[0] : i32 from vector<1xi32>
      %and3A_2319 = arith.constant 7 : i32
      %and3A_2320 = arith.andi %squeeze3A_2318, %and3A_2319 : i32
      %get3A_2321 = arith.constant 10 : i32
      %get3A_2322 = arith.index_cast %get3A_2321 : i32 to index
      %get3A_2323 = arith.index_cast %and3A_2316 : i32 to index
      %get3A_2324 = arith.constant 0 : index
      %get3A_2325 = tpu.vector_load %arg9[%get3A_2322, %get3A_2323, %get3A_2324] {strides = array<i32>} : memref<16x8x32xf32, #tpu.memory_space<vmem>>, vector<16xf32>,
      %get3A_2326 = arith.constant 10 : i32
      %get3A_2327 = arith.index_cast %get3A_2326 : i32 to index
      %get3A_2328 = arith.index_cast %and3A_2320 : i32 to index
      %get3A_2329 = arith.constant 0 : index
      %get3A_2330 = tpu.vector_load %arg10[%get3A_2327, %get3A_2328, %get3A_2329] {strides = array<i32>} : memref<16x8x32xf32, #tpu.memory_space<vmem>>, vector<16xf32>,
      %mul3A_2331 = arith.mulf %get3A_2325, %get3A_2330 : vector<16xf32>
      %get3A_2332 = arith.constant 10 : i32
      %get3A_2333 = arith.index_cast %get3A_2332 : i32 to index
      %get3A_2334 = arith.index_cast %and3A_2316 : i32 to index
      %get3A_2335 = arith.constant 16 : index
      %get3A_2336 = tpu.vector_load %arg9[%get3A_2333, %get3A_2334, %get3A_2335] {strides = array<i32>} : memref<16x8x32xf32, #tpu.memory_space<vmem>>, vector<16xf32>,
      %get3A_2337 = arith.constant 10 : i32
      %get3A_2338 = arith.index_cast %get3A_2337 : i32 to index
      %get3A_2339 = arith.index_cast %and3A_2320 : i32 to index
      %get3A_2340 = arith.constant 16 : index
      %get3A_2341 = tpu.vector_load %arg10[%get3A_2338, %get3A_2339, %get3A_2340] {strides = array<i32>} : memref<16x8x32xf32, #tpu.memory_space<vmem>>, vector<16xf32>,
      %mul3A_2342 = arith.mulf %get3A_2336, %get3A_2341 : vector<16xf32>
      %add3A_2343 = arith.addf %mul3A_2331, %mul3A_2342 : vector<16xf32>
      %eq3A_2344 = arith.constant 10 : i32
      %eq3A_2345 = vector.broadcast %eq3A_2344 : i32 to vector<16xi32>
      %eq3A_2346 = arith.cmpi eq, %iota3A, %eq3A_2345 : vector<16xi32>
      %reduce_sum3A_2347 = arith.constant true
      %reduce_sum3A_2348 = vector.broadcast %reduce_sum3A_2347 : i1 to vector<16xi1>
      %reduce_sum3A_2349 = tpu.scan <sum>, %add3A_2343 masked %reduce_sum3A_2348 : vector<16xf32>, vector<16xi1> -> vector<16xf32>
      %reduce_sum3A_2350 = vector.extract %reduce_sum3A_2349[15] : f32 from vector<16xf32>
      %broadcast_in_dim3A_2351 = vector.broadcast %reduce_sum3A_2350 : f32 to vector<16xf32>
      %select_n3A_2352 = arith.select %eq3A_2346, %broadcast_in_dim3A_2351, %select_n3A_2312 : vector<16xi1>, vector<16xf32>
      %slice3A_2353 = vector.extract_strided_slice %get3A_17 {offsets = [11], sizes = [1], strides = [1]} : vector<16xi32> to vector<1xi32>
      %squeeze3A_2354 = vector.extract %slice3A_2353[0] : i32 from vector<1xi32>
      %and3A_2355 = arith.constant 7 : i32
      %and3A_2356 = arith.andi %squeeze3A_2354, %and3A_2355 : i32
      %slice3A_2357 = vector.extract_strided_slice %get3A_19 {offsets = [11], sizes = [1], strides = [1]} : vector<16xi32> to vector<1xi32>
      %squeeze3A_2358 = vector.extract %slice3A_2357[0] : i32 from vector<1xi32>
      %and3A_2359 = arith.constant 7 : i32
      %and3A_2360 = arith.andi %squeeze3A_2358, %and3A_2359 : i32
      %get3A_2361 = arith.constant 11 : i32
      %get3A_2362 = arith.index_cast %get3A_2361 : i32 to index
      %get3A_2363 = arith.index_cast %and3A_2356 : i32 to index
      %get3A_2364 = arith.constant 0 : index
      %get3A_2365 = tpu.vector_load %arg9[%get3A_2362, %get3A_2363, %get3A_2364] {strides = array<i32>} : memref<16x8x32xf32, #tpu.memory_space<vmem>>, vector<16xf32>,
      %get3A_2366 = arith.constant 11 : i32
      %get3A_2367 = arith.index_cast %get3A_2366 : i32 to index
      %get3A_2368 = arith.index_cast %and3A_2360 : i32 to index
      %get3A_2369 = arith.constant 0 : index
      %get3A_2370 = tpu.vector_load %arg10[%get3A_2367, %get3A_2368, %get3A_2369] {strides = array<i32>} : memref<16x8x32xf32, #tpu.memory_space<vmem>>, vector<16xf32>,
      %mul3A_2371 = arith.mulf %get3A_2365, %get3A_2370 : vector<16xf32>
      %get3A_2372 = arith.constant 11 : i32
      %get3A_2373 = arith.index_cast %get3A_2372 : i32 to index
      %get3A_2374 = arith.index_cast %and3A_2356 : i32 to index
      %get3A_2375 = arith.constant 16 : index
      %get3A_2376 = tpu.vector_load %arg9[%get3A_2373, %get3A_2374, %get3A_2375] {strides = array<i32>} : memref<16x8x32xf32, #tpu.memory_space<vmem>>, vector<16xf32>,
      %get3A_2377 = arith.constant 11 : i32
      %get3A_2378 = arith.index_cast %get3A_2377 : i32 to index
      %get3A_2379 = arith.index_cast %and3A_2360 : i32 to index
      %get3A_2380 = arith.constant 16 : index
      %get3A_2381 = tpu.vector_load %arg10[%get3A_2378, %get3A_2379, %get3A_2380] {strides = array<i32>} : memref<16x8x32xf32, #tpu.memory_space<vmem>>, vector<16xf32>,
      %mul3A_2382 = arith.mulf %get3A_2376, %get3A_2381 : vector<16xf32>
      %add3A_2383 = arith.addf %mul3A_2371, %mul3A_2382 : vector<16xf32>
      %eq3A_2384 = arith.constant 11 : i32
      %eq3A_2385 = vector.broadcast %eq3A_2384 : i32 to vector<16xi32>
      %eq3A_2386 = arith.cmpi eq, %iota3A, %eq3A_2385 : vector<16xi32>
      %reduce_sum3A_2387 = arith.constant true
      %reduce_sum3A_2388 = vector.broadcast %reduce_sum3A_2387 : i1 to vector<16xi1>
      %reduce_sum3A_2389 = tpu.scan <sum>, %add3A_2383 masked %reduce_sum3A_2388 : vector<16xf32>, vector<16xi1> -> vector<16xf32>
      %reduce_sum3A_2390 = vector.extract %reduce_sum3A_2389[15] : f32 from vector<16xf32>
      %broadcast_in_dim3A_2391 = vector.broadcast %reduce_sum3A_2390 : f32 to vector<16xf32>
      %select_n3A_2392 = arith.select %eq3A_2386, %broadcast_in_dim3A_2391, %select_n3A_2352 : vector<16xi1>, vector<16xf32>
      %slice3A_2393 = vector.extract_strided_slice %get3A_17 {offsets = [12], sizes = [1], strides = [1]} : vector<16xi32> to vector<1xi32>
      %squeeze3A_2394 = vector.extract %slice3A_2393[0] : i32 from vector<1xi32>
      %and3A_2395 = arith.constant 7 : i32
      %and3A_2396 = arith.andi %squeeze3A_2394, %and3A_2395 : i32
      %slice3A_2397 = vector.extract_strided_slice %get3A_19 {offsets = [12], sizes = [1], strides = [1]} : vector<16xi32> to vector<1xi32>
      %squeeze3A_2398 = vector.extract %slice3A_2397[0] : i32 from vector<1xi32>
      %and3A_2399 = arith.constant 7 : i32
      %and3A_2400 = arith.andi %squeeze3A_2398, %and3A_2399 : i32
      %get3A_2401 = arith.constant 12 : i32
      %get3A_2402 = arith.index_cast %get3A_2401 : i32 to index
      %get3A_2403 = arith.index_cast %and3A_2396 : i32 to index
      %get3A_2404 = arith.constant 0 : index
      %get3A_2405 = tpu.vector_load %arg9[%get3A_2402, %get3A_2403, %get3A_2404] {strides = array<i32>} : memref<16x8x32xf32, #tpu.memory_space<vmem>>, vector<16xf32>,
      %get3A_2406 = arith.constant 12 : i32
      %get3A_2407 = arith.index_cast %get3A_2406 : i32 to index
      %get3A_2408 = arith.index_cast %and3A_2400 : i32 to index
      %get3A_2409 = arith.constant 0 : index
      %get3A_2410 = tpu.vector_load %arg10[%get3A_2407, %get3A_2408, %get3A_2409] {strides = array<i32>} : memref<16x8x32xf32, #tpu.memory_space<vmem>>, vector<16xf32>,
      %mul3A_2411 = arith.mulf %get3A_2405, %get3A_2410 : vector<16xf32>
      %get3A_2412 = arith.constant 12 : i32
      %get3A_2413 = arith.index_cast %get3A_2412 : i32 to index
      %get3A_2414 = arith.index_cast %and3A_2396 : i32 to index
      %get3A_2415 = arith.constant 16 : index
      %get3A_2416 = tpu.vector_load %arg9[%get3A_2413, %get3A_2414, %get3A_2415] {strides = array<i32>} : memref<16x8x32xf32, #tpu.memory_space<vmem>>, vector<16xf32>,
      %get3A_2417 = arith.constant 12 : i32
      %get3A_2418 = arith.index_cast %get3A_2417 : i32 to index
      %get3A_2419 = arith.index_cast %and3A_2400 : i32 to index
      %get3A_2420 = arith.constant 16 : index
      %get3A_2421 = tpu.vector_load %arg10[%get3A_2418, %get3A_2419, %get3A_2420] {strides = array<i32>} : memref<16x8x32xf32, #tpu.memory_space<vmem>>, vector<16xf32>,
      %mul3A_2422 = arith.mulf %get3A_2416, %get3A_2421 : vector<16xf32>
      %add3A_2423 = arith.addf %mul3A_2411, %mul3A_2422 : vector<16xf32>
      %eq3A_2424 = arith.constant 12 : i32
      %eq3A_2425 = vector.broadcast %eq3A_2424 : i32 to vector<16xi32>
      %eq3A_2426 = arith.cmpi eq, %iota3A, %eq3A_2425 : vector<16xi32>
      %reduce_sum3A_2427 = arith.constant true
      %reduce_sum3A_2428 = vector.broadcast %reduce_sum3A_2427 : i1 to vector<16xi1>
      %reduce_sum3A_2429 = tpu.scan <sum>, %add3A_2423 masked %reduce_sum3A_2428 : vector<16xf32>, vector<16xi1> -> vector<16xf32>
      %reduce_sum3A_2430 = vector.extract %reduce_sum3A_2429[15] : f32 from vector<16xf32>
      %broadcast_in_dim3A_2431 = vector.broadcast %reduce_sum3A_2430 : f32 to vector<16xf32>
      %select_n3A_2432 = arith.select %eq3A_2426, %broadcast_in_dim3A_2431, %select_n3A_2392 : vector<16xi1>, vector<16xf32>
      %slice3A_2433 = vector.extract_strided_slice %get3A_17 {offsets = [13], sizes = [1], strides = [1]} : vector<16xi32> to vector<1xi32>
      %squeeze3A_2434 = vector.extract %slice3A_2433[0] : i32 from vector<1xi32>
      %and3A_2435 = arith.constant 7 : i32
      %and3A_2436 = arith.andi %squeeze3A_2434, %and3A_2435 : i32
      %slice3A_2437 = vector.extract_strided_slice %get3A_19 {offsets = [13], sizes = [1], strides = [1]} : vector<16xi32> to vector<1xi32>
      %squeeze3A_2438 = vector.extract %slice3A_2437[0] : i32 from vector<1xi32>
      %and3A_2439 = arith.constant 7 : i32
      %and3A_2440 = arith.andi %squeeze3A_2438, %and3A_2439 : i32
      %get3A_2441 = arith.constant 13 : i32
      %get3A_2442 = arith.index_cast %get3A_2441 : i32 to index
      %get3A_2443 = arith.index_cast %and3A_2436 : i32 to index
      %get3A_2444 = arith.constant 0 : index
      %get3A_2445 = tpu.vector_load %arg9[%get3A_2442, %get3A_2443, %get3A_2444] {strides = array<i32>} : memref<16x8x32xf32, #tpu.memory_space<vmem>>, vector<16xf32>,
      %get3A_2446 = arith.constant 13 : i32
      %get3A_2447 = arith.index_cast %get3A_2446 : i32 to index
      %get3A_2448 = arith.index_cast %and3A_2440 : i32 to index
      %get3A_2449 = arith.constant 0 : index
      %get3A_2450 = tpu.vector_load %arg10[%get3A_2447, %get3A_2448, %get3A_2449] {strides = array<i32>} : memref<16x8x32xf32, #tpu.memory_space<vmem>>, vector<16xf32>,
      %mul3A_2451 = arith.mulf %get3A_2445, %get3A_2450 : vector<16xf32>
      %get3A_2452 = arith.constant 13 : i32
      %get3A_2453 = arith.index_cast %get3A_2452 : i32 to index
      %get3A_2454 = arith.index_cast %and3A_2436 : i32 to index
      %get3A_2455 = arith.constant 16 : index
      %get3A_2456 = tpu.vector_load %arg9[%get3A_2453, %get3A_2454, %get3A_2455] {strides = array<i32>} : memref<16x8x32xf32, #tpu.memory_space<vmem>>, vector<16xf32>,
      %get3A_2457 = arith.constant 13 : i32
      %get3A_2458 = arith.index_cast %get3A_2457 : i32 to index
      %get3A_2459 = arith.index_cast %and3A_2440 : i32 to index
      %get3A_2460 = arith.constant 16 : index
      %get3A_2461 = tpu.vector_load %arg10[%get3A_2458, %get3A_2459, %get3A_2460] {strides = array<i32>} : memref<16x8x32xf32, #tpu.memory_space<vmem>>, vector<16xf32>,
      %mul3A_2462 = arith.mulf %get3A_2456, %get3A_2461 : vector<16xf32>
      %add3A_2463 = arith.addf %mul3A_2451, %mul3A_2462 : vector<16xf32>
      %eq3A_2464 = arith.constant 13 : i32
      %eq3A_2465 = vector.broadcast %eq3A_2464 : i32 to vector<16xi32>
      %eq3A_2466 = arith.cmpi eq, %iota3A, %eq3A_2465 : vector<16xi32>
      %reduce_sum3A_2467 = arith.constant true
      %reduce_sum3A_2468 = vector.broadcast %reduce_sum3A_2467 : i1 to vector<16xi1>
      %reduce_sum3A_2469 = tpu.scan <sum>, %add3A_2463 masked %reduce_sum3A_2468 : vector<16xf32>, vector<16xi1> -> vector<16xf32>
      %reduce_sum3A_2470 = vector.extract %reduce_sum3A_2469[15] : f32 from vector<16xf32>
      %broadcast_in_dim3A_2471 = vector.broadcast %reduce_sum3A_2470 : f32 to vector<16xf32>
      %select_n3A_2472 = arith.select %eq3A_2466, %broadcast_in_dim3A_2471, %select_n3A_2432 : vector<16xi1>, vector<16xf32>
      %slice3A_2473 = vector.extract_strided_slice %get3A_17 {offsets = [14], sizes = [1], strides = [1]} : vector<16xi32> to vector<1xi32>
      %squeeze3A_2474 = vector.extract %slice3A_2473[0] : i32 from vector<1xi32>
      %and3A_2475 = arith.constant 7 : i32
      %and3A_2476 = arith.andi %squeeze3A_2474, %and3A_2475 : i32
      %slice3A_2477 = vector.extract_strided_slice %get3A_19 {offsets = [14], sizes = [1], strides = [1]} : vector<16xi32> to vector<1xi32>
      %squeeze3A_2478 = vector.extract %slice3A_2477[0] : i32 from vector<1xi32>
      %and3A_2479 = arith.constant 7 : i32
      %and3A_2480 = arith.andi %squeeze3A_2478, %and3A_2479 : i32
      %get3A_2481 = arith.constant 14 : i32
      %get3A_2482 = arith.index_cast %get3A_2481 : i32 to index
      %get3A_2483 = arith.index_cast %and3A_2476 : i32 to index
      %get3A_2484 = arith.constant 0 : index
      %get3A_2485 = tpu.vector_load %arg9[%get3A_2482, %get3A_2483, %get3A_2484] {strides = array<i32>} : memref<16x8x32xf32, #tpu.memory_space<vmem>>, vector<16xf32>,
      %get3A_2486 = arith.constant 14 : i32
      %get3A_2487 = arith.index_cast %get3A_2486 : i32 to index
      %get3A_2488 = arith.index_cast %and3A_2480 : i32 to index
      %get3A_2489 = arith.constant 0 : index
      %get3A_2490 = tpu.vector_load %arg10[%get3A_2487, %get3A_2488, %get3A_2489] {strides = array<i32>} : memref<16x8x32xf32, #tpu.memory_space<vmem>>, vector<16xf32>,
      %mul3A_2491 = arith.mulf %get3A_2485, %get3A_2490 : vector<16xf32>
      %get3A_2492 = arith.constant 14 : i32
      %get3A_2493 = arith.index_cast %get3A_2492 : i32 to index
      %get3A_2494 = arith.index_cast %and3A_2476 : i32 to index
      %get3A_2495 = arith.constant 16 : index
      %get3A_2496 = tpu.vector_load %arg9[%get3A_2493, %get3A_2494, %get3A_2495] {strides = array<i32>} : memref<16x8x32xf32, #tpu.memory_space<vmem>>, vector<16xf32>,
      %get3A_2497 = arith.constant 14 : i32
      %get3A_2498 = arith.index_cast %get3A_2497 : i32 to index
      %get3A_2499 = arith.index_cast %and3A_2480 : i32 to index
      %get3A_2500 = arith.constant 16 : index
      %get3A_2501 = tpu.vector_load %arg10[%get3A_2498, %get3A_2499, %get3A_2500] {strides = array<i32>} : memref<16x8x32xf32, #tpu.memory_space<vmem>>, vector<16xf32>,
      %mul3A_2502 = arith.mulf %get3A_2496, %get3A_2501 : vector<16xf32>
      %add3A_2503 = arith.addf %mul3A_2491, %mul3A_2502 : vector<16xf32>
      %eq3A_2504 = arith.constant 14 : i32
      %eq3A_2505 = vector.broadcast %eq3A_2504 : i32 to vector<16xi32>
      %eq3A_2506 = arith.cmpi eq, %iota3A, %eq3A_2505 : vector<16xi32>
      %reduce_sum3A_2507 = arith.constant true
      %reduce_sum3A_2508 = vector.broadcast %reduce_sum3A_2507 : i1 to vector<16xi1>
      %reduce_sum3A_2509 = tpu.scan <sum>, %add3A_2503 masked %reduce_sum3A_2508 : vector<16xf32>, vector<16xi1> -> vector<16xf32>
      %reduce_sum3A_2510 = vector.extract %reduce_sum3A_2509[15] : f32 from vector<16xf32>
      %broadcast_in_dim3A_2511 = vector.broadcast %reduce_sum3A_2510 : f32 to vector<16xf32>
      %select_n3A_2512 = arith.select %eq3A_2506, %broadcast_in_dim3A_2511, %select_n3A_2472 : vector<16xi1>, vector<16xf32>
      %slice3A_2513 = vector.extract_strided_slice %get3A_17 {offsets = [15], sizes = [1], strides = [1]} : vector<16xi32> to vector<1xi32>
      %squeeze3A_2514 = vector.extract %slice3A_2513[0] : i32 from vector<1xi32>
      %and3A_2515 = arith.constant 7 : i32
      %and3A_2516 = arith.andi %squeeze3A_2514, %and3A_2515 : i32
      %slice3A_2517 = vector.extract_strided_slice %get3A_19 {offsets = [15], sizes = [1], strides = [1]} : vector<16xi32> to vector<1xi32>
      %squeeze3A_2518 = vector.extract %slice3A_2517[0] : i32 from vector<1xi32>
      %and3A_2519 = arith.constant 7 : i32
      %and3A_2520 = arith.andi %squeeze3A_2518, %and3A_2519 : i32
      %get3A_2521 = arith.constant 15 : i32
      %get3A_2522 = arith.index_cast %get3A_2521 : i32 to index
      %get3A_2523 = arith.index_cast %and3A_2516 : i32 to index
      %get3A_2524 = arith.constant 0 : index
      %get3A_2525 = tpu.vector_load %arg9[%get3A_2522, %get3A_2523, %get3A_2524] {strides = array<i32>} : memref<16x8x32xf32, #tpu.memory_space<vmem>>, vector<16xf32>,
      %get3A_2526 = arith.constant 15 : i32
      %get3A_2527 = arith.index_cast %get3A_2526 : i32 to index
      %get3A_2528 = arith.index_cast %and3A_2520 : i32 to index
      %get3A_2529 = arith.constant 0 : index
      %get3A_2530 = tpu.vector_load %arg10[%get3A_2527, %get3A_2528, %get3A_2529] {strides = array<i32>} : memref<16x8x32xf32, #tpu.memory_space<vmem>>, vector<16xf32>,
      %mul3A_2531 = arith.mulf %get3A_2525, %get3A_2530 : vector<16xf32>
      %get3A_2532 = arith.constant 15 : i32
      %get3A_2533 = arith.index_cast %get3A_2532 : i32 to index
      %get3A_2534 = arith.index_cast %and3A_2516 : i32 to index
      %get3A_2535 = arith.constant 16 : index
      %get3A_2536 = tpu.vector_load %arg9[%get3A_2533, %get3A_2534, %get3A_2535] {strides = array<i32>} : memref<16x8x32xf32, #tpu.memory_space<vmem>>, vector<16xf32>,
      %get3A_2537 = arith.constant 15 : i32
      %get3A_2538 = arith.index_cast %get3A_2537 : i32 to index
      %get3A_2539 = arith.index_cast %and3A_2520 : i32 to index
      %get3A_2540 = arith.constant 16 : index
      %get3A_2541 = tpu.vector_load %arg10[%get3A_2538, %get3A_2539, %get3A_2540] {strides = array<i32>} : memref<16x8x32xf32, #tpu.memory_space<vmem>>, vector<16xf32>,
      %mul3A_2542 = arith.mulf %get3A_2536, %get3A_2541 : vector<16xf32>
      %add3A_2543 = arith.addf %mul3A_2531, %mul3A_2542 : vector<16xf32>
      %eq3A_2544 = arith.constant 15 : i32
      %eq3A_2545 = vector.broadcast %eq3A_2544 : i32 to vector<16xi32>
      %eq3A_2546 = arith.cmpi eq, %iota3A, %eq3A_2545 : vector<16xi32>
      %reduce_sum3A_2547 = arith.constant true
      %reduce_sum3A_2548 = vector.broadcast %reduce_sum3A_2547 : i1 to vector<16xi1>
      %reduce_sum3A_2549 = tpu.scan <sum>, %add3A_2543 masked %reduce_sum3A_2548 : vector<16xf32>, vector<16xi1> -> vector<16xf32>
      %reduce_sum3A_2550 = vector.extract %reduce_sum3A_2549[15] : f32 from vector<16xf32>
      %broadcast_in_dim3A_2551 = vector.broadcast %reduce_sum3A_2550 : f32 to vector<16xf32>
      %select_n3A_2552 = arith.select %eq3A_2546, %broadcast_in_dim3A_2551, %select_n3A_2512 : vector<16xi1>, vector<16xf32>
      %add3A_2553 = arith.constant 0 : i32
      %add3A_2554 = arith.addi %multiple_of3A, %add3A_2553 : i32
      %swap3A = arith.index_cast %add3A_2554 : i32 to index
      %swap3A_2555 = tpu.vector_load %arg13[%swap3A] {strides = array<i32>} : memref<512xf32, #tpu.memory_space<vmem>>, vector<16xf32>,
      tpu.vector_store %arg13[%swap3A], %select_n3A_2552 {strides = array<i32>} : memref<512xf32, #tpu.memory_space<vmem>>, vector<16xf32>,
      %dma_wait3A_2556 = arith.constant 0 : i32
      %dma_wait3A_2557 = arith.constant 0 : i32
      %dma_wait3A_2558 = arith.constant 0 : i32
      %dma_wait3A_2559 = tpu.memref_slice %arg11[%dma_wait3A_2556, %dma_wait3A_2557, %dma_wait3A_2558] : memref<16x8x32xf32, #tpu.memory_space<vmem>> -> memref<1x8x32xf32, #tpu.memory_space<vmem>>
      %dma_wait3A_2560 = tpu.memref_squeeze %dma_wait3A_2559 : memref<1x8x32xf32, #tpu.memory_space<vmem>> -> memref<8x32xf32, #tpu.memory_space<vmem>>
      %dma_wait3A_2561 = arith.constant 0 : i32
      %dma_wait3A_2562 = arith.constant 0 : i32
      %dma_wait3A_2563 = tpu.memref_slice %arg4[%shift_right_logical3A_704, %dma_wait3A_2561, %dma_wait3A_2562] : memref<125000x8x32xf32, #tpu.memory_space<hbm>> -> memref<1x8x32xf32, #tpu.memory_space<hbm>>
      %dma_wait3A_2564 = tpu.memref_squeeze %dma_wait3A_2563 : memref<1x8x32xf32, #tpu.memory_space<hbm>> -> memref<8x32xf32, #tpu.memory_space<hbm>>
      %dma_wait3A_2565 = arith.constant 0 : i32
      %dma_wait3A_2566 = arith.constant 0 : i32
      %dma_wait3A_2567 = tpu.memref_slice %arg11[%dma_wait3A_2556, %dma_wait3A_2565, %dma_wait3A_2566] : memref<16x8x32xf32, #tpu.memory_space<vmem>> -> memref<1x8x32xf32, #tpu.memory_space<vmem>>
      %dma_wait3A_2568 = tpu.memref_squeeze %dma_wait3A_2567 : memref<1x8x32xf32, #tpu.memory_space<vmem>> -> memref<8x32xf32, #tpu.memory_space<vmem>>
      %dma_wait3A_2569 = arith.constant 0 : i32
      %dma_wait3A_2570 = arith.constant 0 : i32
      %dma_wait3A_2571 = tpu.memref_slice %arg4[%shift_right_logical3A_704, %dma_wait3A_2569, %dma_wait3A_2570] : memref<125000x8x32xf32, #tpu.memory_space<hbm>> -> memref<1x8x32xf32, #tpu.memory_space<hbm>>
      %dma_wait3A_2572 = tpu.memref_squeeze %dma_wait3A_2571 : memref<1x8x32xf32, #tpu.memory_space<hbm>> -> memref<8x32xf32, #tpu.memory_space<hbm>>
      tpu.wait_dma2 semaphore(%arg14 : memref<!tpu.dma_semaphore, #tpu.memory_space<semaphore_mem>>) src(%dma_wait3A_2572 : memref<8x32xf32, #tpu.memory_space<hbm>>) dst(%dma_wait3A_2568 : memref<8x32xf32, #tpu.memory_space<vmem>>)
      %dma_wait3A_2573 = arith.constant 0 : i32
      %dma_wait3A_2574 = arith.constant 0 : i32
      %dma_wait3A_2575 = arith.constant 0 : i32
      %dma_wait3A_2576 = tpu.memref_slice %arg12[%dma_wait3A_2573, %dma_wait3A_2574, %dma_wait3A_2575] : memref<16x8x32xf32, #tpu.memory_space<vmem>> -> memref<1x8x32xf32, #tpu.memory_space<vmem>>
      %dma_wait3A_2577 = tpu.memref_squeeze %dma_wait3A_2576 : memref<1x8x32xf32, #tpu.memory_space<vmem>> -> memref<8x32xf32, #tpu.memory_space<vmem>>
      %dma_wait3A_2578 = arith.constant 0 : i32
      %dma_wait3A_2579 = arith.constant 0 : i32
      %dma_wait3A_2580 = tpu.memref_slice %arg5[%shift_right_logical3A_708, %dma_wait3A_2578, %dma_wait3A_2579] : memref<125000x8x32xf32, #tpu.memory_space<hbm>> -> memref<1x8x32xf32, #tpu.memory_space<hbm>>
      %dma_wait3A_2581 = tpu.memref_squeeze %dma_wait3A_2580 : memref<1x8x32xf32, #tpu.memory_space<hbm>> -> memref<8x32xf32, #tpu.memory_space<hbm>>
      %dma_wait3A_2582 = arith.constant 0 : i32
      %dma_wait3A_2583 = arith.constant 0 : i32
      %dma_wait3A_2584 = tpu.memref_slice %arg12[%dma_wait3A_2573, %dma_wait3A_2582, %dma_wait3A_2583] : memref<16x8x32xf32, #tpu.memory_space<vmem>> -> memref<1x8x32xf32, #tpu.memory_space<vmem>>
      %dma_wait3A_2585 = tpu.memref_squeeze %dma_wait3A_2584 : memref<1x8x32xf32, #tpu.memory_space<vmem>> -> memref<8x32xf32, #tpu.memory_space<vmem>>
      %dma_wait3A_2586 = arith.constant 0 : i32
      %dma_wait3A_2587 = arith.constant 0 : i32
      %dma_wait3A_2588 = tpu.memref_slice %arg5[%shift_right_logical3A_708, %dma_wait3A_2586, %dma_wait3A_2587] : memref<125000x8x32xf32, #tpu.memory_space<hbm>> -> memref<1x8x32xf32, #tpu.memory_space<hbm>>
      %dma_wait3A_2589 = tpu.memref_squeeze %dma_wait3A_2588 : memref<1x8x32xf32, #tpu.memory_space<hbm>> -> memref<8x32xf32, #tpu.memory_space<hbm>>
      tpu.wait_dma2 semaphore(%arg15 : memref<!tpu.dma_semaphore, #tpu.memory_space<semaphore_mem>>) src(%dma_wait3A_2589 : memref<8x32xf32, #tpu.memory_space<hbm>>) dst(%dma_wait3A_2585 : memref<8x32xf32, #tpu.memory_space<vmem>>)
      %dma_wait3A_2590 = arith.constant 1 : i32
      %dma_wait3A_2591 = arith.constant 0 : i32
      %dma_wait3A_2592 = arith.constant 0 : i32
      %dma_wait3A_2593 = tpu.memref_slice %arg11[%dma_wait3A_2590, %dma_wait3A_2591, %dma_wait3A_2592] : memref<16x8x32xf32, #tpu.memory_space<vmem>> -> memref<1x8x32xf32, #tpu.memory_space<vmem>>
      %dma_wait3A_2594 = tpu.memref_squeeze %dma_wait3A_2593 : memref<1x8x32xf32, #tpu.memory_space<vmem>> -> memref<8x32xf32, #tpu.memory_space<vmem>>
      %dma_wait3A_2595 = arith.constant 0 : i32
      %dma_wait3A_2596 = arith.constant 0 : i32
      %dma_wait3A_2597 = tpu.memref_slice %arg4[%shift_right_logical3A_746, %dma_wait3A_2595, %dma_wait3A_2596] : memref<125000x8x32xf32, #tpu.memory_space<hbm>> -> memref<1x8x32xf32, #tpu.memory_space<hbm>>
      %dma_wait3A_2598 = tpu.memref_squeeze %dma_wait3A_2597 : memref<1x8x32xf32, #tpu.memory_space<hbm>> -> memref<8x32xf32, #tpu.memory_space<hbm>>
      %dma_wait3A_2599 = arith.constant 0 : i32
      %dma_wait3A_2600 = arith.constant 0 : i32
      %dma_wait3A_2601 = tpu.memref_slice %arg11[%dma_wait3A_2590, %dma_wait3A_2599, %dma_wait3A_2600] : memref<16x8x32xf32, #tpu.memory_space<vmem>> -> memref<1x8x32xf32, #tpu.memory_space<vmem>>
      %dma_wait3A_2602 = tpu.memref_squeeze %dma_wait3A_2601 : memref<1x8x32xf32, #tpu.memory_space<vmem>> -> memref<8x32xf32, #tpu.memory_space<vmem>>
      %dma_wait3A_2603 = arith.constant 0 : i32
      %dma_wait3A_2604 = arith.constant 0 : i32
      %dma_wait3A_2605 = tpu.memref_slice %arg4[%shift_right_logical3A_746, %dma_wait3A_2603, %dma_wait3A_2604] : memref<125000x8x32xf32, #tpu.memory_space<hbm>> -> memref<1x8x32xf32, #tpu.memory_space<hbm>>
      %dma_wait3A_2606 = tpu.memref_squeeze %dma_wait3A_2605 : memref<1x8x32xf32, #tpu.memory_space<hbm>> -> memref<8x32xf32, #tpu.memory_space<hbm>>
      tpu.wait_dma2 semaphore(%arg14 : memref<!tpu.dma_semaphore, #tpu.memory_space<semaphore_mem>>) src(%dma_wait3A_2606 : memref<8x32xf32, #tpu.memory_space<hbm>>) dst(%dma_wait3A_2602 : memref<8x32xf32, #tpu.memory_space<vmem>>)
      %dma_wait3A_2607 = arith.constant 1 : i32
      %dma_wait3A_2608 = arith.constant 0 : i32
      %dma_wait3A_2609 = arith.constant 0 : i32
      %dma_wait3A_2610 = tpu.memref_slice %arg12[%dma_wait3A_2607, %dma_wait3A_2608, %dma_wait3A_2609] : memref<16x8x32xf32, #tpu.memory_space<vmem>> -> memref<1x8x32xf32, #tpu.memory_space<vmem>>
      %dma_wait3A_2611 = tpu.memref_squeeze %dma_wait3A_2610 : memref<1x8x32xf32, #tpu.memory_space<vmem>> -> memref<8x32xf32, #tpu.memory_space<vmem>>
      %dma_wait3A_2612 = arith.constant 0 : i32
      %dma_wait3A_2613 = arith.constant 0 : i32
      %dma_wait3A_2614 = tpu.memref_slice %arg5[%shift_right_logical3A_750, %dma_wait3A_2612, %dma_wait3A_2613] : memref<125000x8x32xf32, #tpu.memory_space<hbm>> -> memref<1x8x32xf32, #tpu.memory_space<hbm>>
      %dma_wait3A_2615 = tpu.memref_squeeze %dma_wait3A_2614 : memref<1x8x32xf32, #tpu.memory_space<hbm>> -> memref<8x32xf32, #tpu.memory_space<hbm>>
      %dma_wait3A_2616 = arith.constant 0 : i32
      %dma_wait3A_2617 = arith.constant 0 : i32
      %dma_wait3A_2618 = tpu.memref_slice %arg12[%dma_wait3A_2607, %dma_wait3A_2616, %dma_wait3A_2617] : memref<16x8x32xf32, #tpu.memory_space<vmem>> -> memref<1x8x32xf32, #tpu.memory_space<vmem>>
      %dma_wait3A_2619 = tpu.memref_squeeze %dma_wait3A_2618 : memref<1x8x32xf32, #tpu.memory_space<vmem>> -> memref<8x32xf32, #tpu.memory_space<vmem>>
      %dma_wait3A_2620 = arith.constant 0 : i32
      %dma_wait3A_2621 = arith.constant 0 : i32
      %dma_wait3A_2622 = tpu.memref_slice %arg5[%shift_right_logical3A_750, %dma_wait3A_2620, %dma_wait3A_2621] : memref<125000x8x32xf32, #tpu.memory_space<hbm>> -> memref<1x8x32xf32, #tpu.memory_space<hbm>>
      %dma_wait3A_2623 = tpu.memref_squeeze %dma_wait3A_2622 : memref<1x8x32xf32, #tpu.memory_space<hbm>> -> memref<8x32xf32, #tpu.memory_space<hbm>>
      tpu.wait_dma2 semaphore(%arg15 : memref<!tpu.dma_semaphore, #tpu.memory_space<semaphore_mem>>) src(%dma_wait3A_2623 : memref<8x32xf32, #tpu.memory_space<hbm>>) dst(%dma_wait3A_2619 : memref<8x32xf32, #tpu.memory_space<vmem>>)
      %dma_wait3A_2624 = arith.constant 2 : i32
      %dma_wait3A_2625 = arith.constant 0 : i32
      %dma_wait3A_2626 = arith.constant 0 : i32
      %dma_wait3A_2627 = tpu.memref_slice %arg11[%dma_wait3A_2624, %dma_wait3A_2625, %dma_wait3A_2626] : memref<16x8x32xf32, #tpu.memory_space<vmem>> -> memref<1x8x32xf32, #tpu.memory_space<vmem>>
      %dma_wait3A_2628 = tpu.memref_squeeze %dma_wait3A_2627 : memref<1x8x32xf32, #tpu.memory_space<vmem>> -> memref<8x32xf32, #tpu.memory_space<vmem>>
      %dma_wait3A_2629 = arith.constant 0 : i32
      %dma_wait3A_2630 = arith.constant 0 : i32
      %dma_wait3A_2631 = tpu.memref_slice %arg4[%shift_right_logical3A_788, %dma_wait3A_2629, %dma_wait3A_2630] : memref<125000x8x32xf32, #tpu.memory_space<hbm>> -> memref<1x8x32xf32, #tpu.memory_space<hbm>>
      %dma_wait3A_2632 = tpu.memref_squeeze %dma_wait3A_2631 : memref<1x8x32xf32, #tpu.memory_space<hbm>> -> memref<8x32xf32, #tpu.memory_space<hbm>>
      %dma_wait3A_2633 = arith.constant 0 : i32
      %dma_wait3A_2634 = arith.constant 0 : i32
      %dma_wait3A_2635 = tpu.memref_slice %arg11[%dma_wait3A_2624, %dma_wait3A_2633, %dma_wait3A_2634] : memref<16x8x32xf32, #tpu.memory_space<vmem>> -> memref<1x8x32xf32, #tpu.memory_space<vmem>>
      %dma_wait3A_2636 = tpu.memref_squeeze %dma_wait3A_2635 : memref<1x8x32xf32, #tpu.memory_space<vmem>> -> memref<8x32xf32, #tpu.memory_space<vmem>>
      %dma_wait3A_2637 = arith.constant 0 : i32
      %dma_wait3A_2638 = arith.constant 0 : i32
      %dma_wait3A_2639 = tpu.memref_slice %arg4[%shift_right_logical3A_788, %dma_wait3A_2637, %dma_wait3A_2638] : memref<125000x8x32xf32, #tpu.memory_space<hbm>> -> memref<1x8x32xf32, #tpu.memory_space<hbm>>
      %dma_wait3A_2640 = tpu.memref_squeeze %dma_wait3A_2639 : memref<1x8x32xf32, #tpu.memory_space<hbm>> -> memref<8x32xf32, #tpu.memory_space<hbm>>
      tpu.wait_dma2 semaphore(%arg14 : memref<!tpu.dma_semaphore, #tpu.memory_space<semaphore_mem>>) src(%dma_wait3A_2640 : memref<8x32xf32, #tpu.memory_space<hbm>>) dst(%dma_wait3A_2636 : memref<8x32xf32, #tpu.memory_space<vmem>>)
      %dma_wait3A_2641 = arith.constant 2 : i32
      %dma_wait3A_2642 = arith.constant 0 : i32
      %dma_wait3A_2643 = arith.constant 0 : i32
      %dma_wait3A_2644 = tpu.memref_slice %arg12[%dma_wait3A_2641, %dma_wait3A_2642, %dma_wait3A_2643] : memref<16x8x32xf32, #tpu.memory_space<vmem>> -> memref<1x8x32xf32, #tpu.memory_space<vmem>>
      %dma_wait3A_2645 = tpu.memref_squeeze %dma_wait3A_2644 : memref<1x8x32xf32, #tpu.memory_space<vmem>> -> memref<8x32xf32, #tpu.memory_space<vmem>>
      %dma_wait3A_2646 = arith.constant 0 : i32
      %dma_wait3A_2647 = arith.constant 0 : i32
      %dma_wait3A_2648 = tpu.memref_slice %arg5[%shift_right_logical3A_792, %dma_wait3A_2646, %dma_wait3A_2647] : memref<125000x8x32xf32, #tpu.memory_space<hbm>> -> memref<1x8x32xf32, #tpu.memory_space<hbm>>
      %dma_wait3A_2649 = tpu.memref_squeeze %dma_wait3A_2648 : memref<1x8x32xf32, #tpu.memory_space<hbm>> -> memref<8x32xf32, #tpu.memory_space<hbm>>
      %dma_wait3A_2650 = arith.constant 0 : i32
      %dma_wait3A_2651 = arith.constant 0 : i32
      %dma_wait3A_2652 = tpu.memref_slice %arg12[%dma_wait3A_2641, %dma_wait3A_2650, %dma_wait3A_2651] : memref<16x8x32xf32, #tpu.memory_space<vmem>> -> memref<1x8x32xf32, #tpu.memory_space<vmem>>
      %dma_wait3A_2653 = tpu.memref_squeeze %dma_wait3A_2652 : memref<1x8x32xf32, #tpu.memory_space<vmem>> -> memref<8x32xf32, #tpu.memory_space<vmem>>
      %dma_wait3A_2654 = arith.constant 0 : i32
      %dma_wait3A_2655 = arith.constant 0 : i32
      %dma_wait3A_2656 = tpu.memref_slice %arg5[%shift_right_logical3A_792, %dma_wait3A_2654, %dma_wait3A_2655] : memref<125000x8x32xf32, #tpu.memory_space<hbm>> -> memref<1x8x32xf32, #tpu.memory_space<hbm>>
      %dma_wait3A_2657 = tpu.memref_squeeze %dma_wait3A_2656 : memref<1x8x32xf32, #tpu.memory_space<hbm>> -> memref<8x32xf32, #tpu.memory_space<hbm>>
      tpu.wait_dma2 semaphore(%arg15 : memref<!tpu.dma_semaphore, #tpu.memory_space<semaphore_mem>>) src(%dma_wait3A_2657 : memref<8x32xf32, #tpu.memory_space<hbm>>) dst(%dma_wait3A_2653 : memref<8x32xf32, #tpu.memory_space<vmem>>)
      %dma_wait3A_2658 = arith.constant 3 : i32
      %dma_wait3A_2659 = arith.constant 0 : i32
      %dma_wait3A_2660 = arith.constant 0 : i32
      %dma_wait3A_2661 = tpu.memref_slice %arg11[%dma_wait3A_2658, %dma_wait3A_2659, %dma_wait3A_2660] : memref<16x8x32xf32, #tpu.memory_space<vmem>> -> memref<1x8x32xf32, #tpu.memory_space<vmem>>
      %dma_wait3A_2662 = tpu.memref_squeeze %dma_wait3A_2661 : memref<1x8x32xf32, #tpu.memory_space<vmem>> -> memref<8x32xf32, #tpu.memory_space<vmem>>
      %dma_wait3A_2663 = arith.constant 0 : i32
      %dma_wait3A_2664 = arith.constant 0 : i32
      %dma_wait3A_2665 = tpu.memref_slice %arg4[%shift_right_logical3A_830, %dma_wait3A_2663, %dma_wait3A_2664] : memref<125000x8x32xf32, #tpu.memory_space<hbm>> -> memref<1x8x32xf32, #tpu.memory_space<hbm>>
      %dma_wait3A_2666 = tpu.memref_squeeze %dma_wait3A_2665 : memref<1x8x32xf32, #tpu.memory_space<hbm>> -> memref<8x32xf32, #tpu.memory_space<hbm>>
      %dma_wait3A_2667 = arith.constant 0 : i32
      %dma_wait3A_2668 = arith.constant 0 : i32
      %dma_wait3A_2669 = tpu.memref_slice %arg11[%dma_wait3A_2658, %dma_wait3A_2667, %dma_wait3A_2668] : memref<16x8x32xf32, #tpu.memory_space<vmem>> -> memref<1x8x32xf32, #tpu.memory_space<vmem>>
      %dma_wait3A_2670 = tpu.memref_squeeze %dma_wait3A_2669 : memref<1x8x32xf32, #tpu.memory_space<vmem>> -> memref<8x32xf32, #tpu.memory_space<vmem>>
      %dma_wait3A_2671 = arith.constant 0 : i32
      %dma_wait3A_2672 = arith.constant 0 : i32
      %dma_wait3A_2673 = tpu.memref_slice %arg4[%shift_right_logical3A_830, %dma_wait3A_2671, %dma_wait3A_2672] : memref<125000x8x32xf32, #tpu.memory_space<hbm>> -> memref<1x8x32xf32, #tpu.memory_space<hbm>>
      %dma_wait3A_2674 = tpu.memref_squeeze %dma_wait3A_2673 : memref<1x8x32xf32, #tpu.memory_space<hbm>> -> memref<8x32xf32, #tpu.memory_space<hbm>>
      tpu.wait_dma2 semaphore(%arg14 : memref<!tpu.dma_semaphore, #tpu.memory_space<semaphore_mem>>) src(%dma_wait3A_2674 : memref<8x32xf32, #tpu.memory_space<hbm>>) dst(%dma_wait3A_2670 : memref<8x32xf32, #tpu.memory_space<vmem>>)
      %dma_wait3A_2675 = arith.constant 3 : i32
      %dma_wait3A_2676 = arith.constant 0 : i32
      %dma_wait3A_2677 = arith.constant 0 : i32
      %dma_wait3A_2678 = tpu.memref_slice %arg12[%dma_wait3A_2675, %dma_wait3A_2676, %dma_wait3A_2677] : memref<16x8x32xf32, #tpu.memory_space<vmem>> -> memref<1x8x32xf32, #tpu.memory_space<vmem>>
      %dma_wait3A_2679 = tpu.memref_squeeze %dma_wait3A_2678 : memref<1x8x32xf32, #tpu.memory_space<vmem>> -> memref<8x32xf32, #tpu.memory_space<vmem>>
      %dma_wait3A_2680 = arith.constant 0 : i32
      %dma_wait3A_2681 = arith.constant 0 : i32
      %dma_wait3A_2682 = tpu.memref_slice %arg5[%shift_right_logical3A_834, %dma_wait3A_2680, %dma_wait3A_2681] : memref<125000x8x32xf32, #tpu.memory_space<hbm>> -> memref<1x8x32xf32, #tpu.memory_space<hbm>>
      %dma_wait3A_2683 = tpu.memref_squeeze %dma_wait3A_2682 : memref<1x8x32xf32, #tpu.memory_space<hbm>> -> memref<8x32xf32, #tpu.memory_space<hbm>>
      %dma_wait3A_2684 = arith.constant 0 : i32
      %dma_wait3A_2685 = arith.constant 0 : i32
      %dma_wait3A_2686 = tpu.memref_slice %arg12[%dma_wait3A_2675, %dma_wait3A_2684, %dma_wait3A_2685] : memref<16x8x32xf32, #tpu.memory_space<vmem>> -> memref<1x8x32xf32, #tpu.memory_space<vmem>>
      %dma_wait3A_2687 = tpu.memref_squeeze %dma_wait3A_2686 : memref<1x8x32xf32, #tpu.memory_space<vmem>> -> memref<8x32xf32, #tpu.memory_space<vmem>>
      %dma_wait3A_2688 = arith.constant 0 : i32
      %dma_wait3A_2689 = arith.constant 0 : i32
      %dma_wait3A_2690 = tpu.memref_slice %arg5[%shift_right_logical3A_834, %dma_wait3A_2688, %dma_wait3A_2689] : memref<125000x8x32xf32, #tpu.memory_space<hbm>> -> memref<1x8x32xf32, #tpu.memory_space<hbm>>
      %dma_wait3A_2691 = tpu.memref_squeeze %dma_wait3A_2690 : memref<1x8x32xf32, #tpu.memory_space<hbm>> -> memref<8x32xf32, #tpu.memory_space<hbm>>
      tpu.wait_dma2 semaphore(%arg15 : memref<!tpu.dma_semaphore, #tpu.memory_space<semaphore_mem>>) src(%dma_wait3A_2691 : memref<8x32xf32, #tpu.memory_space<hbm>>) dst(%dma_wait3A_2687 : memref<8x32xf32, #tpu.memory_space<vmem>>)
      %dma_wait3A_2692 = arith.constant 4 : i32
      %dma_wait3A_2693 = arith.constant 0 : i32
      %dma_wait3A_2694 = arith.constant 0 : i32
      %dma_wait3A_2695 = tpu.memref_slice %arg11[%dma_wait3A_2692, %dma_wait3A_2693, %dma_wait3A_2694] : memref<16x8x32xf32, #tpu.memory_space<vmem>> -> memref<1x8x32xf32, #tpu.memory_space<vmem>>
      %dma_wait3A_2696 = tpu.memref_squeeze %dma_wait3A_2695 : memref<1x8x32xf32, #tpu.memory_space<vmem>> -> memref<8x32xf32, #tpu.memory_space<vmem>>
      %dma_wait3A_2697 = arith.constant 0 : i32
      %dma_wait3A_2698 = arith.constant 0 : i32
      %dma_wait3A_2699 = tpu.memref_slice %arg4[%shift_right_logical3A_872, %dma_wait3A_2697, %dma_wait3A_2698] : memref<125000x8x32xf32, #tpu.memory_space<hbm>> -> memref<1x8x32xf32, #tpu.memory_space<hbm>>
      %dma_wait3A_2700 = tpu.memref_squeeze %dma_wait3A_2699 : memref<1x8x32xf32, #tpu.memory_space<hbm>> -> memref<8x32xf32, #tpu.memory_space<hbm>>
      %dma_wait3A_2701 = arith.constant 0 : i32
      %dma_wait3A_2702 = arith.constant 0 : i32
      %dma_wait3A_2703 = tpu.memref_slice %arg11[%dma_wait3A_2692, %dma_wait3A_2701, %dma_wait3A_2702] : memref<16x8x32xf32, #tpu.memory_space<vmem>> -> memref<1x8x32xf32, #tpu.memory_space<vmem>>
      %dma_wait3A_2704 = tpu.memref_squeeze %dma_wait3A_2703 : memref<1x8x32xf32, #tpu.memory_space<vmem>> -> memref<8x32xf32, #tpu.memory_space<vmem>>
      %dma_wait3A_2705 = arith.constant 0 : i32
      %dma_wait3A_2706 = arith.constant 0 : i32
      %dma_wait3A_2707 = tpu.memref_slice %arg4[%shift_right_logical3A_872, %dma_wait3A_2705, %dma_wait3A_2706] : memref<125000x8x32xf32, #tpu.memory_space<hbm>> -> memref<1x8x32xf32, #tpu.memory_space<hbm>>
      %dma_wait3A_2708 = tpu.memref_squeeze %dma_wait3A_2707 : memref<1x8x32xf32, #tpu.memory_space<hbm>> -> memref<8x32xf32, #tpu.memory_space<hbm>>
      tpu.wait_dma2 semaphore(%arg14 : memref<!tpu.dma_semaphore, #tpu.memory_space<semaphore_mem>>) src(%dma_wait3A_2708 : memref<8x32xf32, #tpu.memory_space<hbm>>) dst(%dma_wait3A_2704 : memref<8x32xf32, #tpu.memory_space<vmem>>)
      %dma_wait3A_2709 = arith.constant 4 : i32
      %dma_wait3A_2710 = arith.constant 0 : i32
      %dma_wait3A_2711 = arith.constant 0 : i32
      %dma_wait3A_2712 = tpu.memref_slice %arg12[%dma_wait3A_2709, %dma_wait3A_2710, %dma_wait3A_2711] : memref<16x8x32xf32, #tpu.memory_space<vmem>> -> memref<1x8x32xf32, #tpu.memory_space<vmem>>
      %dma_wait3A_2713 = tpu.memref_squeeze %dma_wait3A_2712 : memref<1x8x32xf32, #tpu.memory_space<vmem>> -> memref<8x32xf32, #tpu.memory_space<vmem>>
      %dma_wait3A_2714 = arith.constant 0 : i32
      %dma_wait3A_2715 = arith.constant 0 : i32
      %dma_wait3A_2716 = tpu.memref_slice %arg5[%shift_right_logical3A_876, %dma_wait3A_2714, %dma_wait3A_2715] : memref<125000x8x32xf32, #tpu.memory_space<hbm>> -> memref<1x8x32xf32, #tpu.memory_space<hbm>>
      %dma_wait3A_2717 = tpu.memref_squeeze %dma_wait3A_2716 : memref<1x8x32xf32, #tpu.memory_space<hbm>> -> memref<8x32xf32, #tpu.memory_space<hbm>>
      %dma_wait3A_2718 = arith.constant 0 : i32
      %dma_wait3A_2719 = arith.constant 0 : i32
      %dma_wait3A_2720 = tpu.memref_slice %arg12[%dma_wait3A_2709, %dma_wait3A_2718, %dma_wait3A_2719] : memref<16x8x32xf32, #tpu.memory_space<vmem>> -> memref<1x8x32xf32, #tpu.memory_space<vmem>>
      %dma_wait3A_2721 = tpu.memref_squeeze %dma_wait3A_2720 : memref<1x8x32xf32, #tpu.memory_space<vmem>> -> memref<8x32xf32, #tpu.memory_space<vmem>>
      %dma_wait3A_2722 = arith.constant 0 : i32
      %dma_wait3A_2723 = arith.constant 0 : i32
      %dma_wait3A_2724 = tpu.memref_slice %arg5[%shift_right_logical3A_876, %dma_wait3A_2722, %dma_wait3A_2723] : memref<125000x8x32xf32, #tpu.memory_space<hbm>> -> memref<1x8x32xf32, #tpu.memory_space<hbm>>
      %dma_wait3A_2725 = tpu.memref_squeeze %dma_wait3A_2724 : memref<1x8x32xf32, #tpu.memory_space<hbm>> -> memref<8x32xf32, #tpu.memory_space<hbm>>
      tpu.wait_dma2 semaphore(%arg15 : memref<!tpu.dma_semaphore, #tpu.memory_space<semaphore_mem>>) src(%dma_wait3A_2725 : memref<8x32xf32, #tpu.memory_space<hbm>>) dst(%dma_wait3A_2721 : memref<8x32xf32, #tpu.memory_space<vmem>>)
      %dma_wait3A_2726 = arith.constant 5 : i32
      %dma_wait3A_2727 = arith.constant 0 : i32
      %dma_wait3A_2728 = arith.constant 0 : i32
      %dma_wait3A_2729 = tpu.memref_slice %arg11[%dma_wait3A_2726, %dma_wait3A_2727, %dma_wait3A_2728] : memref<16x8x32xf32, #tpu.memory_space<vmem>> -> memref<1x8x32xf32, #tpu.memory_space<vmem>>
      %dma_wait3A_2730 = tpu.memref_squeeze %dma_wait3A_2729 : memref<1x8x32xf32, #tpu.memory_space<vmem>> -> memref<8x32xf32, #tpu.memory_space<vmem>>
      %dma_wait3A_2731 = arith.constant 0 : i32
      %dma_wait3A_2732 = arith.constant 0 : i32
      %dma_wait3A_2733 = tpu.memref_slice %arg4[%shift_right_logical3A_914, %dma_wait3A_2731, %dma_wait3A_2732] : memref<125000x8x32xf32, #tpu.memory_space<hbm>> -> memref<1x8x32xf32, #tpu.memory_space<hbm>>
      %dma_wait3A_2734 = tpu.memref_squeeze %dma_wait3A_2733 : memref<1x8x32xf32, #tpu.memory_space<hbm>> -> memref<8x32xf32, #tpu.memory_space<hbm>>
      %dma_wait3A_2735 = arith.constant 0 : i32
      %dma_wait3A_2736 = arith.constant 0 : i32
      %dma_wait3A_2737 = tpu.memref_slice %arg11[%dma_wait3A_2726, %dma_wait3A_2735, %dma_wait3A_2736] : memref<16x8x32xf32, #tpu.memory_space<vmem>> -> memref<1x8x32xf32, #tpu.memory_space<vmem>>
      %dma_wait3A_2738 = tpu.memref_squeeze %dma_wait3A_2737 : memref<1x8x32xf32, #tpu.memory_space<vmem>> -> memref<8x32xf32, #tpu.memory_space<vmem>>
      %dma_wait3A_2739 = arith.constant 0 : i32
      %dma_wait3A_2740 = arith.constant 0 : i32
      %dma_wait3A_2741 = tpu.memref_slice %arg4[%shift_right_logical3A_914, %dma_wait3A_2739, %dma_wait3A_2740] : memref<125000x8x32xf32, #tpu.memory_space<hbm>> -> memref<1x8x32xf32, #tpu.memory_space<hbm>>
      %dma_wait3A_2742 = tpu.memref_squeeze %dma_wait3A_2741 : memref<1x8x32xf32, #tpu.memory_space<hbm>> -> memref<8x32xf32, #tpu.memory_space<hbm>>
      tpu.wait_dma2 semaphore(%arg14 : memref<!tpu.dma_semaphore, #tpu.memory_space<semaphore_mem>>) src(%dma_wait3A_2742 : memref<8x32xf32, #tpu.memory_space<hbm>>) dst(%dma_wait3A_2738 : memref<8x32xf32, #tpu.memory_space<vmem>>)
      %dma_wait3A_2743 = arith.constant 5 : i32
      %dma_wait3A_2744 = arith.constant 0 : i32
      %dma_wait3A_2745 = arith.constant 0 : i32
      %dma_wait3A_2746 = tpu.memref_slice %arg12[%dma_wait3A_2743, %dma_wait3A_2744, %dma_wait3A_2745] : memref<16x8x32xf32, #tpu.memory_space<vmem>> -> memref<1x8x32xf32, #tpu.memory_space<vmem>>
      %dma_wait3A_2747 = tpu.memref_squeeze %dma_wait3A_2746 : memref<1x8x32xf32, #tpu.memory_space<vmem>> -> memref<8x32xf32, #tpu.memory_space<vmem>>
      %dma_wait3A_2748 = arith.constant 0 : i32
      %dma_wait3A_2749 = arith.constant 0 : i32
      %dma_wait3A_2750 = tpu.memref_slice %arg5[%shift_right_logical3A_918, %dma_wait3A_2748, %dma_wait3A_2749] : memref<125000x8x32xf32, #tpu.memory_space<hbm>> -> memref<1x8x32xf32, #tpu.memory_space<hbm>>
      %dma_wait3A_2751 = tpu.memref_squeeze %dma_wait3A_2750 : memref<1x8x32xf32, #tpu.memory_space<hbm>> -> memref<8x32xf32, #tpu.memory_space<hbm>>
      %dma_wait3A_2752 = arith.constant 0 : i32
      %dma_wait3A_2753 = arith.constant 0 : i32
      %dma_wait3A_2754 = tpu.memref_slice %arg12[%dma_wait3A_2743, %dma_wait3A_2752, %dma_wait3A_2753] : memref<16x8x32xf32, #tpu.memory_space<vmem>> -> memref<1x8x32xf32, #tpu.memory_space<vmem>>
      %dma_wait3A_2755 = tpu.memref_squeeze %dma_wait3A_2754 : memref<1x8x32xf32, #tpu.memory_space<vmem>> -> memref<8x32xf32, #tpu.memory_space<vmem>>
      %dma_wait3A_2756 = arith.constant 0 : i32
      %dma_wait3A_2757 = arith.constant 0 : i32
      %dma_wait3A_2758 = tpu.memref_slice %arg5[%shift_right_logical3A_918, %dma_wait3A_2756, %dma_wait3A_2757] : memref<125000x8x32xf32, #tpu.memory_space<hbm>> -> memref<1x8x32xf32, #tpu.memory_space<hbm>>
      %dma_wait3A_2759 = tpu.memref_squeeze %dma_wait3A_2758 : memref<1x8x32xf32, #tpu.memory_space<hbm>> -> memref<8x32xf32, #tpu.memory_space<hbm>>
      tpu.wait_dma2 semaphore(%arg15 : memref<!tpu.dma_semaphore, #tpu.memory_space<semaphore_mem>>) src(%dma_wait3A_2759 : memref<8x32xf32, #tpu.memory_space<hbm>>) dst(%dma_wait3A_2755 : memref<8x32xf32, #tpu.memory_space<vmem>>)
      %dma_wait3A_2760 = arith.constant 6 : i32
      %dma_wait3A_2761 = arith.constant 0 : i32
      %dma_wait3A_2762 = arith.constant 0 : i32
      %dma_wait3A_2763 = tpu.memref_slice %arg11[%dma_wait3A_2760, %dma_wait3A_2761, %dma_wait3A_2762] : memref<16x8x32xf32, #tpu.memory_space<vmem>> -> memref<1x8x32xf32, #tpu.memory_space<vmem>>
      %dma_wait3A_2764 = tpu.memref_squeeze %dma_wait3A_2763 : memref<1x8x32xf32, #tpu.memory_space<vmem>> -> memref<8x32xf32, #tpu.memory_space<vmem>>
      %dma_wait3A_2765 = arith.constant 0 : i32
      %dma_wait3A_2766 = arith.constant 0 : i32
      %dma_wait3A_2767 = tpu.memref_slice %arg4[%shift_right_logical3A_956, %dma_wait3A_2765, %dma_wait3A_2766] : memref<125000x8x32xf32, #tpu.memory_space<hbm>> -> memref<1x8x32xf32, #tpu.memory_space<hbm>>
      %dma_wait3A_2768 = tpu.memref_squeeze %dma_wait3A_2767 : memref<1x8x32xf32, #tpu.memory_space<hbm>> -> memref<8x32xf32, #tpu.memory_space<hbm>>
      %dma_wait3A_2769 = arith.constant 0 : i32
      %dma_wait3A_2770 = arith.constant 0 : i32
      %dma_wait3A_2771 = tpu.memref_slice %arg11[%dma_wait3A_2760, %dma_wait3A_2769, %dma_wait3A_2770] : memref<16x8x32xf32, #tpu.memory_space<vmem>> -> memref<1x8x32xf32, #tpu.memory_space<vmem>>
      %dma_wait3A_2772 = tpu.memref_squeeze %dma_wait3A_2771 : memref<1x8x32xf32, #tpu.memory_space<vmem>> -> memref<8x32xf32, #tpu.memory_space<vmem>>
      %dma_wait3A_2773 = arith.constant 0 : i32
      %dma_wait3A_2774 = arith.constant 0 : i32
      %dma_wait3A_2775 = tpu.memref_slice %arg4[%shift_right_logical3A_956, %dma_wait3A_2773, %dma_wait3A_2774] : memref<125000x8x32xf32, #tpu.memory_space<hbm>> -> memref<1x8x32xf32, #tpu.memory_space<hbm>>
      %dma_wait3A_2776 = tpu.memref_squeeze %dma_wait3A_2775 : memref<1x8x32xf32, #tpu.memory_space<hbm>> -> memref<8x32xf32, #tpu.memory_space<hbm>>
      tpu.wait_dma2 semaphore(%arg14 : memref<!tpu.dma_semaphore, #tpu.memory_space<semaphore_mem>>) src(%dma_wait3A_2776 : memref<8x32xf32, #tpu.memory_space<hbm>>) dst(%dma_wait3A_2772 : memref<8x32xf32, #tpu.memory_space<vmem>>)
      %dma_wait3A_2777 = arith.constant 6 : i32
      %dma_wait3A_2778 = arith.constant 0 : i32
      %dma_wait3A_2779 = arith.constant 0 : i32
      %dma_wait3A_2780 = tpu.memref_slice %arg12[%dma_wait3A_2777, %dma_wait3A_2778, %dma_wait3A_2779] : memref<16x8x32xf32, #tpu.memory_space<vmem>> -> memref<1x8x32xf32, #tpu.memory_space<vmem>>
      %dma_wait3A_2781 = tpu.memref_squeeze %dma_wait3A_2780 : memref<1x8x32xf32, #tpu.memory_space<vmem>> -> memref<8x32xf32, #tpu.memory_space<vmem>>
      %dma_wait3A_2782 = arith.constant 0 : i32
      %dma_wait3A_2783 = arith.constant 0 : i32
      %dma_wait3A_2784 = tpu.memref_slice %arg5[%shift_right_logical3A_960, %dma_wait3A_2782, %dma_wait3A_2783] : memref<125000x8x32xf32, #tpu.memory_space<hbm>> -> memref<1x8x32xf32, #tpu.memory_space<hbm>>
      %dma_wait3A_2785 = tpu.memref_squeeze %dma_wait3A_2784 : memref<1x8x32xf32, #tpu.memory_space<hbm>> -> memref<8x32xf32, #tpu.memory_space<hbm>>
      %dma_wait3A_2786 = arith.constant 0 : i32
      %dma_wait3A_2787 = arith.constant 0 : i32
      %dma_wait3A_2788 = tpu.memref_slice %arg12[%dma_wait3A_2777, %dma_wait3A_2786, %dma_wait3A_2787] : memref<16x8x32xf32, #tpu.memory_space<vmem>> -> memref<1x8x32xf32, #tpu.memory_space<vmem>>
      %dma_wait3A_2789 = tpu.memref_squeeze %dma_wait3A_2788 : memref<1x8x32xf32, #tpu.memory_space<vmem>> -> memref<8x32xf32, #tpu.memory_space<vmem>>
      %dma_wait3A_2790 = arith.constant 0 : i32
      %dma_wait3A_2791 = arith.constant 0 : i32
      %dma_wait3A_2792 = tpu.memref_slice %arg5[%shift_right_logical3A_960, %dma_wait3A_2790, %dma_wait3A_2791] : memref<125000x8x32xf32, #tpu.memory_space<hbm>> -> memref<1x8x32xf32, #tpu.memory_space<hbm>>
      %dma_wait3A_2793 = tpu.memref_squeeze %dma_wait3A_2792 : memref<1x8x32xf32, #tpu.memory_space<hbm>> -> memref<8x32xf32, #tpu.memory_space<hbm>>
      tpu.wait_dma2 semaphore(%arg15 : memref<!tpu.dma_semaphore, #tpu.memory_space<semaphore_mem>>) src(%dma_wait3A_2793 : memref<8x32xf32, #tpu.memory_space<hbm>>) dst(%dma_wait3A_2789 : memref<8x32xf32, #tpu.memory_space<vmem>>)
      %dma_wait3A_2794 = arith.constant 7 : i32
      %dma_wait3A_2795 = arith.constant 0 : i32
      %dma_wait3A_2796 = arith.constant 0 : i32
      %dma_wait3A_2797 = tpu.memref_slice %arg11[%dma_wait3A_2794, %dma_wait3A_2795, %dma_wait3A_2796] : memref<16x8x32xf32, #tpu.memory_space<vmem>> -> memref<1x8x32xf32, #tpu.memory_space<vmem>>
      %dma_wait3A_2798 = tpu.memref_squeeze %dma_wait3A_2797 : memref<1x8x32xf32, #tpu.memory_space<vmem>> -> memref<8x32xf32, #tpu.memory_space<vmem>>
      %dma_wait3A_2799 = arith.constant 0 : i32
      %dma_wait3A_2800 = arith.constant 0 : i32
      %dma_wait3A_2801 = tpu.memref_slice %arg4[%shift_right_logical3A_998, %dma_wait3A_2799, %dma_wait3A_2800] : memref<125000x8x32xf32, #tpu.memory_space<hbm>> -> memref<1x8x32xf32, #tpu.memory_space<hbm>>
      %dma_wait3A_2802 = tpu.memref_squeeze %dma_wait3A_2801 : memref<1x8x32xf32, #tpu.memory_space<hbm>> -> memref<8x32xf32, #tpu.memory_space<hbm>>
      %dma_wait3A_2803 = arith.constant 0 : i32
      %dma_wait3A_2804 = arith.constant 0 : i32
      %dma_wait3A_2805 = tpu.memref_slice %arg11[%dma_wait3A_2794, %dma_wait3A_2803, %dma_wait3A_2804] : memref<16x8x32xf32, #tpu.memory_space<vmem>> -> memref<1x8x32xf32, #tpu.memory_space<vmem>>
      %dma_wait3A_2806 = tpu.memref_squeeze %dma_wait3A_2805 : memref<1x8x32xf32, #tpu.memory_space<vmem>> -> memref<8x32xf32, #tpu.memory_space<vmem>>
      %dma_wait3A_2807 = arith.constant 0 : i32
      %dma_wait3A_2808 = arith.constant 0 : i32
      %dma_wait3A_2809 = tpu.memref_slice %arg4[%shift_right_logical3A_998, %dma_wait3A_2807, %dma_wait3A_2808] : memref<125000x8x32xf32, #tpu.memory_space<hbm>> -> memref<1x8x32xf32, #tpu.memory_space<hbm>>
      %dma_wait3A_2810 = tpu.memref_squeeze %dma_wait3A_2809 : memref<1x8x32xf32, #tpu.memory_space<hbm>> -> memref<8x32xf32, #tpu.memory_space<hbm>>
      tpu.wait_dma2 semaphore(%arg14 : memref<!tpu.dma_semaphore, #tpu.memory_space<semaphore_mem>>) src(%dma_wait3A_2810 : memref<8x32xf32, #tpu.memory_space<hbm>>) dst(%dma_wait3A_2806 : memref<8x32xf32, #tpu.memory_space<vmem>>)
      %dma_wait3A_2811 = arith.constant 7 : i32
      %dma_wait3A_2812 = arith.constant 0 : i32
      %dma_wait3A_2813 = arith.constant 0 : i32
      %dma_wait3A_2814 = tpu.memref_slice %arg12[%dma_wait3A_2811, %dma_wait3A_2812, %dma_wait3A_2813] : memref<16x8x32xf32, #tpu.memory_space<vmem>> -> memref<1x8x32xf32, #tpu.memory_space<vmem>>
      %dma_wait3A_2815 = tpu.memref_squeeze %dma_wait3A_2814 : memref<1x8x32xf32, #tpu.memory_space<vmem>> -> memref<8x32xf32, #tpu.memory_space<vmem>>
      %dma_wait3A_2816 = arith.constant 0 : i32
      %dma_wait3A_2817 = arith.constant 0 : i32
      %dma_wait3A_2818 = tpu.memref_slice %arg5[%shift_right_logical3A_1002, %dma_wait3A_2816, %dma_wait3A_2817] : memref<125000x8x32xf32, #tpu.memory_space<hbm>> -> memref<1x8x32xf32, #tpu.memory_space<hbm>>
      %dma_wait3A_2819 = tpu.memref_squeeze %dma_wait3A_2818 : memref<1x8x32xf32, #tpu.memory_space<hbm>> -> memref<8x32xf32, #tpu.memory_space<hbm>>
      %dma_wait3A_2820 = arith.constant 0 : i32
      %dma_wait3A_2821 = arith.constant 0 : i32
      %dma_wait3A_2822 = tpu.memref_slice %arg12[%dma_wait3A_2811, %dma_wait3A_2820, %dma_wait3A_2821] : memref<16x8x32xf32, #tpu.memory_space<vmem>> -> memref<1x8x32xf32, #tpu.memory_space<vmem>>
      %dma_wait3A_2823 = tpu.memref_squeeze %dma_wait3A_2822 : memref<1x8x32xf32, #tpu.memory_space<vmem>> -> memref<8x32xf32, #tpu.memory_space<vmem>>
      %dma_wait3A_2824 = arith.constant 0 : i32
      %dma_wait3A_2825 = arith.constant 0 : i32
      %dma_wait3A_2826 = tpu.memref_slice %arg5[%shift_right_logical3A_1002, %dma_wait3A_2824, %dma_wait3A_2825] : memref<125000x8x32xf32, #tpu.memory_space<hbm>> -> memref<1x8x32xf32, #tpu.memory_space<hbm>>
      %dma_wait3A_2827 = tpu.memref_squeeze %dma_wait3A_2826 : memref<1x8x32xf32, #tpu.memory_space<hbm>> -> memref<8x32xf32, #tpu.memory_space<hbm>>
      tpu.wait_dma2 semaphore(%arg15 : memref<!tpu.dma_semaphore, #tpu.memory_space<semaphore_mem>>) src(%dma_wait3A_2827 : memref<8x32xf32, #tpu.memory_space<hbm>>) dst(%dma_wait3A_2823 : memref<8x32xf32, #tpu.memory_space<vmem>>)
      %dma_wait3A_2828 = arith.constant 8 : i32
      %dma_wait3A_2829 = arith.constant 0 : i32
      %dma_wait3A_2830 = arith.constant 0 : i32
      %dma_wait3A_2831 = tpu.memref_slice %arg11[%dma_wait3A_2828, %dma_wait3A_2829, %dma_wait3A_2830] : memref<16x8x32xf32, #tpu.memory_space<vmem>> -> memref<1x8x32xf32, #tpu.memory_space<vmem>>
      %dma_wait3A_2832 = tpu.memref_squeeze %dma_wait3A_2831 : memref<1x8x32xf32, #tpu.memory_space<vmem>> -> memref<8x32xf32, #tpu.memory_space<vmem>>
      %dma_wait3A_2833 = arith.constant 0 : i32
      %dma_wait3A_2834 = arith.constant 0 : i32
      %dma_wait3A_2835 = tpu.memref_slice %arg4[%shift_right_logical3A_1040, %dma_wait3A_2833, %dma_wait3A_2834] : memref<125000x8x32xf32, #tpu.memory_space<hbm>> -> memref<1x8x32xf32, #tpu.memory_space<hbm>>
      %dma_wait3A_2836 = tpu.memref_squeeze %dma_wait3A_2835 : memref<1x8x32xf32, #tpu.memory_space<hbm>> -> memref<8x32xf32, #tpu.memory_space<hbm>>
      %dma_wait3A_2837 = arith.constant 0 : i32
      %dma_wait3A_2838 = arith.constant 0 : i32
      %dma_wait3A_2839 = tpu.memref_slice %arg11[%dma_wait3A_2828, %dma_wait3A_2837, %dma_wait3A_2838] : memref<16x8x32xf32, #tpu.memory_space<vmem>> -> memref<1x8x32xf32, #tpu.memory_space<vmem>>
      %dma_wait3A_2840 = tpu.memref_squeeze %dma_wait3A_2839 : memref<1x8x32xf32, #tpu.memory_space<vmem>> -> memref<8x32xf32, #tpu.memory_space<vmem>>
      %dma_wait3A_2841 = arith.constant 0 : i32
      %dma_wait3A_2842 = arith.constant 0 : i32
      %dma_wait3A_2843 = tpu.memref_slice %arg4[%shift_right_logical3A_1040, %dma_wait3A_2841, %dma_wait3A_2842] : memref<125000x8x32xf32, #tpu.memory_space<hbm>> -> memref<1x8x32xf32, #tpu.memory_space<hbm>>
      %dma_wait3A_2844 = tpu.memref_squeeze %dma_wait3A_2843 : memref<1x8x32xf32, #tpu.memory_space<hbm>> -> memref<8x32xf32, #tpu.memory_space<hbm>>
      tpu.wait_dma2 semaphore(%arg14 : memref<!tpu.dma_semaphore, #tpu.memory_space<semaphore_mem>>) src(%dma_wait3A_2844 : memref<8x32xf32, #tpu.memory_space<hbm>>) dst(%dma_wait3A_2840 : memref<8x32xf32, #tpu.memory_space<vmem>>)
      %dma_wait3A_2845 = arith.constant 8 : i32
      %dma_wait3A_2846 = arith.constant 0 : i32
      %dma_wait3A_2847 = arith.constant 0 : i32
      %dma_wait3A_2848 = tpu.memref_slice %arg12[%dma_wait3A_2845, %dma_wait3A_2846, %dma_wait3A_2847] : memref<16x8x32xf32, #tpu.memory_space<vmem>> -> memref<1x8x32xf32, #tpu.memory_space<vmem>>
      %dma_wait3A_2849 = tpu.memref_squeeze %dma_wait3A_2848 : memref<1x8x32xf32, #tpu.memory_space<vmem>> -> memref<8x32xf32, #tpu.memory_space<vmem>>
      %dma_wait3A_2850 = arith.constant 0 : i32
      %dma_wait3A_2851 = arith.constant 0 : i32
      %dma_wait3A_2852 = tpu.memref_slice %arg5[%shift_right_logical3A_1044, %dma_wait3A_2850, %dma_wait3A_2851] : memref<125000x8x32xf32, #tpu.memory_space<hbm>> -> memref<1x8x32xf32, #tpu.memory_space<hbm>>
      %dma_wait3A_2853 = tpu.memref_squeeze %dma_wait3A_2852 : memref<1x8x32xf32, #tpu.memory_space<hbm>> -> memref<8x32xf32, #tpu.memory_space<hbm>>
      %dma_wait3A_2854 = arith.constant 0 : i32
      %dma_wait3A_2855 = arith.constant 0 : i32
      %dma_wait3A_2856 = tpu.memref_slice %arg12[%dma_wait3A_2845, %dma_wait3A_2854, %dma_wait3A_2855] : memref<16x8x32xf32, #tpu.memory_space<vmem>> -> memref<1x8x32xf32, #tpu.memory_space<vmem>>
      %dma_wait3A_2857 = tpu.memref_squeeze %dma_wait3A_2856 : memref<1x8x32xf32, #tpu.memory_space<vmem>> -> memref<8x32xf32, #tpu.memory_space<vmem>>
      %dma_wait3A_2858 = arith.constant 0 : i32
      %dma_wait3A_2859 = arith.constant 0 : i32
      %dma_wait3A_2860 = tpu.memref_slice %arg5[%shift_right_logical3A_1044, %dma_wait3A_2858, %dma_wait3A_2859] : memref<125000x8x32xf32, #tpu.memory_space<hbm>> -> memref<1x8x32xf32, #tpu.memory_space<hbm>>
      %dma_wait3A_2861 = tpu.memref_squeeze %dma_wait3A_2860 : memref<1x8x32xf32, #tpu.memory_space<hbm>> -> memref<8x32xf32, #tpu.memory_space<hbm>>
      tpu.wait_dma2 semaphore(%arg15 : memref<!tpu.dma_semaphore, #tpu.memory_space<semaphore_mem>>) src(%dma_wait3A_2861 : memref<8x32xf32, #tpu.memory_space<hbm>>) dst(%dma_wait3A_2857 : memref<8x32xf32, #tpu.memory_space<vmem>>)
      %dma_wait3A_2862 = arith.constant 9 : i32
      %dma_wait3A_2863 = arith.constant 0 : i32
      %dma_wait3A_2864 = arith.constant 0 : i32
      %dma_wait3A_2865 = tpu.memref_slice %arg11[%dma_wait3A_2862, %dma_wait3A_2863, %dma_wait3A_2864] : memref<16x8x32xf32, #tpu.memory_space<vmem>> -> memref<1x8x32xf32, #tpu.memory_space<vmem>>
      %dma_wait3A_2866 = tpu.memref_squeeze %dma_wait3A_2865 : memref<1x8x32xf32, #tpu.memory_space<vmem>> -> memref<8x32xf32, #tpu.memory_space<vmem>>
      %dma_wait3A_2867 = arith.constant 0 : i32
      %dma_wait3A_2868 = arith.constant 0 : i32
      %dma_wait3A_2869 = tpu.memref_slice %arg4[%shift_right_logical3A_1082, %dma_wait3A_2867, %dma_wait3A_2868] : memref<125000x8x32xf32, #tpu.memory_space<hbm>> -> memref<1x8x32xf32, #tpu.memory_space<hbm>>
      %dma_wait3A_2870 = tpu.memref_squeeze %dma_wait3A_2869 : memref<1x8x32xf32, #tpu.memory_space<hbm>> -> memref<8x32xf32, #tpu.memory_space<hbm>>
      %dma_wait3A_2871 = arith.constant 0 : i32
      %dma_wait3A_2872 = arith.constant 0 : i32
      %dma_wait3A_2873 = tpu.memref_slice %arg11[%dma_wait3A_2862, %dma_wait3A_2871, %dma_wait3A_2872] : memref<16x8x32xf32, #tpu.memory_space<vmem>> -> memref<1x8x32xf32, #tpu.memory_space<vmem>>
      %dma_wait3A_2874 = tpu.memref_squeeze %dma_wait3A_2873 : memref<1x8x32xf32, #tpu.memory_space<vmem>> -> memref<8x32xf32, #tpu.memory_space<vmem>>
      %dma_wait3A_2875 = arith.constant 0 : i32
      %dma_wait3A_2876 = arith.constant 0 : i32
      %dma_wait3A_2877 = tpu.memref_slice %arg4[%shift_right_logical3A_1082, %dma_wait3A_2875, %dma_wait3A_2876] : memref<125000x8x32xf32, #tpu.memory_space<hbm>> -> memref<1x8x32xf32, #tpu.memory_space<hbm>>
      %dma_wait3A_2878 = tpu.memref_squeeze %dma_wait3A_2877 : memref<1x8x32xf32, #tpu.memory_space<hbm>> -> memref<8x32xf32, #tpu.memory_space<hbm>>
      tpu.wait_dma2 semaphore(%arg14 : memref<!tpu.dma_semaphore, #tpu.memory_space<semaphore_mem>>) src(%dma_wait3A_2878 : memref<8x32xf32, #tpu.memory_space<hbm>>) dst(%dma_wait3A_2874 : memref<8x32xf32, #tpu.memory_space<vmem>>)
      %dma_wait3A_2879 = arith.constant 9 : i32
      %dma_wait3A_2880 = arith.constant 0 : i32
      %dma_wait3A_2881 = arith.constant 0 : i32
      %dma_wait3A_2882 = tpu.memref_slice %arg12[%dma_wait3A_2879, %dma_wait3A_2880, %dma_wait3A_2881] : memref<16x8x32xf32, #tpu.memory_space<vmem>> -> memref<1x8x32xf32, #tpu.memory_space<vmem>>
      %dma_wait3A_2883 = tpu.memref_squeeze %dma_wait3A_2882 : memref<1x8x32xf32, #tpu.memory_space<vmem>> -> memref<8x32xf32, #tpu.memory_space<vmem>>
      %dma_wait3A_2884 = arith.constant 0 : i32
      %dma_wait3A_2885 = arith.constant 0 : i32
      %dma_wait3A_2886 = tpu.memref_slice %arg5[%shift_right_logical3A_1086, %dma_wait3A_2884, %dma_wait3A_2885] : memref<125000x8x32xf32, #tpu.memory_space<hbm>> -> memref<1x8x32xf32, #tpu.memory_space<hbm>>
      %dma_wait3A_2887 = tpu.memref_squeeze %dma_wait3A_2886 : memref<1x8x32xf32, #tpu.memory_space<hbm>> -> memref<8x32xf32, #tpu.memory_space<hbm>>
      %dma_wait3A_2888 = arith.constant 0 : i32
      %dma_wait3A_2889 = arith.constant 0 : i32
      %dma_wait3A_2890 = tpu.memref_slice %arg12[%dma_wait3A_2879, %dma_wait3A_2888, %dma_wait3A_2889] : memref<16x8x32xf32, #tpu.memory_space<vmem>> -> memref<1x8x32xf32, #tpu.memory_space<vmem>>
      %dma_wait3A_2891 = tpu.memref_squeeze %dma_wait3A_2890 : memref<1x8x32xf32, #tpu.memory_space<vmem>> -> memref<8x32xf32, #tpu.memory_space<vmem>>
      %dma_wait3A_2892 = arith.constant 0 : i32
      %dma_wait3A_2893 = arith.constant 0 : i32
      %dma_wait3A_2894 = tpu.memref_slice %arg5[%shift_right_logical3A_1086, %dma_wait3A_2892, %dma_wait3A_2893] : memref<125000x8x32xf32, #tpu.memory_space<hbm>> -> memref<1x8x32xf32, #tpu.memory_space<hbm>>
      %dma_wait3A_2895 = tpu.memref_squeeze %dma_wait3A_2894 : memref<1x8x32xf32, #tpu.memory_space<hbm>> -> memref<8x32xf32, #tpu.memory_space<hbm>>
      tpu.wait_dma2 semaphore(%arg15 : memref<!tpu.dma_semaphore, #tpu.memory_space<semaphore_mem>>) src(%dma_wait3A_2895 : memref<8x32xf32, #tpu.memory_space<hbm>>) dst(%dma_wait3A_2891 : memref<8x32xf32, #tpu.memory_space<vmem>>)
      %dma_wait3A_2896 = arith.constant 10 : i32
      %dma_wait3A_2897 = arith.constant 0 : i32
      %dma_wait3A_2898 = arith.constant 0 : i32
      %dma_wait3A_2899 = tpu.memref_slice %arg11[%dma_wait3A_2896, %dma_wait3A_2897, %dma_wait3A_2898] : memref<16x8x32xf32, #tpu.memory_space<vmem>> -> memref<1x8x32xf32, #tpu.memory_space<vmem>>
      %dma_wait3A_2900 = tpu.memref_squeeze %dma_wait3A_2899 : memref<1x8x32xf32, #tpu.memory_space<vmem>> -> memref<8x32xf32, #tpu.memory_space<vmem>>
      %dma_wait3A_2901 = arith.constant 0 : i32
      %dma_wait3A_2902 = arith.constant 0 : i32
      %dma_wait3A_2903 = tpu.memref_slice %arg4[%shift_right_logical3A_1124, %dma_wait3A_2901, %dma_wait3A_2902] : memref<125000x8x32xf32, #tpu.memory_space<hbm>> -> memref<1x8x32xf32, #tpu.memory_space<hbm>>
      %dma_wait3A_2904 = tpu.memref_squeeze %dma_wait3A_2903 : memref<1x8x32xf32, #tpu.memory_space<hbm>> -> memref<8x32xf32, #tpu.memory_space<hbm>>
      %dma_wait3A_2905 = arith.constant 0 : i32
      %dma_wait3A_2906 = arith.constant 0 : i32
      %dma_wait3A_2907 = tpu.memref_slice %arg11[%dma_wait3A_2896, %dma_wait3A_2905, %dma_wait3A_2906] : memref<16x8x32xf32, #tpu.memory_space<vmem>> -> memref<1x8x32xf32, #tpu.memory_space<vmem>>
      %dma_wait3A_2908 = tpu.memref_squeeze %dma_wait3A_2907 : memref<1x8x32xf32, #tpu.memory_space<vmem>> -> memref<8x32xf32, #tpu.memory_space<vmem>>
      %dma_wait3A_2909 = arith.constant 0 : i32
      %dma_wait3A_2910 = arith.constant 0 : i32
      %dma_wait3A_2911 = tpu.memref_slice %arg4[%shift_right_logical3A_1124, %dma_wait3A_2909, %dma_wait3A_2910] : memref<125000x8x32xf32, #tpu.memory_space<hbm>> -> memref<1x8x32xf32, #tpu.memory_space<hbm>>
      %dma_wait3A_2912 = tpu.memref_squeeze %dma_wait3A_2911 : memref<1x8x32xf32, #tpu.memory_space<hbm>> -> memref<8x32xf32, #tpu.memory_space<hbm>>
      tpu.wait_dma2 semaphore(%arg14 : memref<!tpu.dma_semaphore, #tpu.memory_space<semaphore_mem>>) src(%dma_wait3A_2912 : memref<8x32xf32, #tpu.memory_space<hbm>>) dst(%dma_wait3A_2908 : memref<8x32xf32, #tpu.memory_space<vmem>>)
      %dma_wait3A_2913 = arith.constant 10 : i32
      %dma_wait3A_2914 = arith.constant 0 : i32
      %dma_wait3A_2915 = arith.constant 0 : i32
      %dma_wait3A_2916 = tpu.memref_slice %arg12[%dma_wait3A_2913, %dma_wait3A_2914, %dma_wait3A_2915] : memref<16x8x32xf32, #tpu.memory_space<vmem>> -> memref<1x8x32xf32, #tpu.memory_space<vmem>>
      %dma_wait3A_2917 = tpu.memref_squeeze %dma_wait3A_2916 : memref<1x8x32xf32, #tpu.memory_space<vmem>> -> memref<8x32xf32, #tpu.memory_space<vmem>>
      %dma_wait3A_2918 = arith.constant 0 : i32
      %dma_wait3A_2919 = arith.constant 0 : i32
      %dma_wait3A_2920 = tpu.memref_slice %arg5[%shift_right_logical3A_1128, %dma_wait3A_2918, %dma_wait3A_2919] : memref<125000x8x32xf32, #tpu.memory_space<hbm>> -> memref<1x8x32xf32, #tpu.memory_space<hbm>>
      %dma_wait3A_2921 = tpu.memref_squeeze %dma_wait3A_2920 : memref<1x8x32xf32, #tpu.memory_space<hbm>> -> memref<8x32xf32, #tpu.memory_space<hbm>>
      %dma_wait3A_2922 = arith.constant 0 : i32
      %dma_wait3A_2923 = arith.constant 0 : i32
      %dma_wait3A_2924 = tpu.memref_slice %arg12[%dma_wait3A_2913, %dma_wait3A_2922, %dma_wait3A_2923] : memref<16x8x32xf32, #tpu.memory_space<vmem>> -> memref<1x8x32xf32, #tpu.memory_space<vmem>>
      %dma_wait3A_2925 = tpu.memref_squeeze %dma_wait3A_2924 : memref<1x8x32xf32, #tpu.memory_space<vmem>> -> memref<8x32xf32, #tpu.memory_space<vmem>>
      %dma_wait3A_2926 = arith.constant 0 : i32
      %dma_wait3A_2927 = arith.constant 0 : i32
      %dma_wait3A_2928 = tpu.memref_slice %arg5[%shift_right_logical3A_1128, %dma_wait3A_2926, %dma_wait3A_2927] : memref<125000x8x32xf32, #tpu.memory_space<hbm>> -> memref<1x8x32xf32, #tpu.memory_space<hbm>>
      %dma_wait3A_2929 = tpu.memref_squeeze %dma_wait3A_2928 : memref<1x8x32xf32, #tpu.memory_space<hbm>> -> memref<8x32xf32, #tpu.memory_space<hbm>>
      tpu.wait_dma2 semaphore(%arg15 : memref<!tpu.dma_semaphore, #tpu.memory_space<semaphore_mem>>) src(%dma_wait3A_2929 : memref<8x32xf32, #tpu.memory_space<hbm>>) dst(%dma_wait3A_2925 : memref<8x32xf32, #tpu.memory_space<vmem>>)
      %dma_wait3A_2930 = arith.constant 11 : i32
      %dma_wait3A_2931 = arith.constant 0 : i32
      %dma_wait3A_2932 = arith.constant 0 : i32
      %dma_wait3A_2933 = tpu.memref_slice %arg11[%dma_wait3A_2930, %dma_wait3A_2931, %dma_wait3A_2932] : memref<16x8x32xf32, #tpu.memory_space<vmem>> -> memref<1x8x32xf32, #tpu.memory_space<vmem>>
      %dma_wait3A_2934 = tpu.memref_squeeze %dma_wait3A_2933 : memref<1x8x32xf32, #tpu.memory_space<vmem>> -> memref<8x32xf32, #tpu.memory_space<vmem>>
      %dma_wait3A_2935 = arith.constant 0 : i32
      %dma_wait3A_2936 = arith.constant 0 : i32
      %dma_wait3A_2937 = tpu.memref_slice %arg4[%shift_right_logical3A_1166, %dma_wait3A_2935, %dma_wait3A_2936] : memref<125000x8x32xf32, #tpu.memory_space<hbm>> -> memref<1x8x32xf32, #tpu.memory_space<hbm>>
      %dma_wait3A_2938 = tpu.memref_squeeze %dma_wait3A_2937 : memref<1x8x32xf32, #tpu.memory_space<hbm>> -> memref<8x32xf32, #tpu.memory_space<hbm>>
      %dma_wait3A_2939 = arith.constant 0 : i32
      %dma_wait3A_2940 = arith.constant 0 : i32
      %dma_wait3A_2941 = tpu.memref_slice %arg11[%dma_wait3A_2930, %dma_wait3A_2939, %dma_wait3A_2940] : memref<16x8x32xf32, #tpu.memory_space<vmem>> -> memref<1x8x32xf32, #tpu.memory_space<vmem>>
      %dma_wait3A_2942 = tpu.memref_squeeze %dma_wait3A_2941 : memref<1x8x32xf32, #tpu.memory_space<vmem>> -> memref<8x32xf32, #tpu.memory_space<vmem>>
      %dma_wait3A_2943 = arith.constant 0 : i32
      %dma_wait3A_2944 = arith.constant 0 : i32
      %dma_wait3A_2945 = tpu.memref_slice %arg4[%shift_right_logical3A_1166, %dma_wait3A_2943, %dma_wait3A_2944] : memref<125000x8x32xf32, #tpu.memory_space<hbm>> -> memref<1x8x32xf32, #tpu.memory_space<hbm>>
      %dma_wait3A_2946 = tpu.memref_squeeze %dma_wait3A_2945 : memref<1x8x32xf32, #tpu.memory_space<hbm>> -> memref<8x32xf32, #tpu.memory_space<hbm>>
      tpu.wait_dma2 semaphore(%arg14 : memref<!tpu.dma_semaphore, #tpu.memory_space<semaphore_mem>>) src(%dma_wait3A_2946 : memref<8x32xf32, #tpu.memory_space<hbm>>) dst(%dma_wait3A_2942 : memref<8x32xf32, #tpu.memory_space<vmem>>)
      %dma_wait3A_2947 = arith.constant 11 : i32
      %dma_wait3A_2948 = arith.constant 0 : i32
      %dma_wait3A_2949 = arith.constant 0 : i32
      %dma_wait3A_2950 = tpu.memref_slice %arg12[%dma_wait3A_2947, %dma_wait3A_2948, %dma_wait3A_2949] : memref<16x8x32xf32, #tpu.memory_space<vmem>> -> memref<1x8x32xf32, #tpu.memory_space<vmem>>
      %dma_wait3A_2951 = tpu.memref_squeeze %dma_wait3A_2950 : memref<1x8x32xf32, #tpu.memory_space<vmem>> -> memref<8x32xf32, #tpu.memory_space<vmem>>
      %dma_wait3A_2952 = arith.constant 0 : i32
      %dma_wait3A_2953 = arith.constant 0 : i32
      %dma_wait3A_2954 = tpu.memref_slice %arg5[%shift_right_logical3A_1170, %dma_wait3A_2952, %dma_wait3A_2953] : memref<125000x8x32xf32, #tpu.memory_space<hbm>> -> memref<1x8x32xf32, #tpu.memory_space<hbm>>
      %dma_wait3A_2955 = tpu.memref_squeeze %dma_wait3A_2954 : memref<1x8x32xf32, #tpu.memory_space<hbm>> -> memref<8x32xf32, #tpu.memory_space<hbm>>
      %dma_wait3A_2956 = arith.constant 0 : i32
      %dma_wait3A_2957 = arith.constant 0 : i32
      %dma_wait3A_2958 = tpu.memref_slice %arg12[%dma_wait3A_2947, %dma_wait3A_2956, %dma_wait3A_2957] : memref<16x8x32xf32, #tpu.memory_space<vmem>> -> memref<1x8x32xf32, #tpu.memory_space<vmem>>
      %dma_wait3A_2959 = tpu.memref_squeeze %dma_wait3A_2958 : memref<1x8x32xf32, #tpu.memory_space<vmem>> -> memref<8x32xf32, #tpu.memory_space<vmem>>
      %dma_wait3A_2960 = arith.constant 0 : i32
      %dma_wait3A_2961 = arith.constant 0 : i32
      %dma_wait3A_2962 = tpu.memref_slice %arg5[%shift_right_logical3A_1170, %dma_wait3A_2960, %dma_wait3A_2961] : memref<125000x8x32xf32, #tpu.memory_space<hbm>> -> memref<1x8x32xf32, #tpu.memory_space<hbm>>
      %dma_wait3A_2963 = tpu.memref_squeeze %dma_wait3A_2962 : memref<1x8x32xf32, #tpu.memory_space<hbm>> -> memref<8x32xf32, #tpu.memory_space<hbm>>
      tpu.wait_dma2 semaphore(%arg15 : memref<!tpu.dma_semaphore, #tpu.memory_space<semaphore_mem>>) src(%dma_wait3A_2963 : memref<8x32xf32, #tpu.memory_space<hbm>>) dst(%dma_wait3A_2959 : memref<8x32xf32, #tpu.memory_space<vmem>>)
      %dma_wait3A_2964 = arith.constant 12 : i32
      %dma_wait3A_2965 = arith.constant 0 : i32
      %dma_wait3A_2966 = arith.constant 0 : i32
      %dma_wait3A_2967 = tpu.memref_slice %arg11[%dma_wait3A_2964, %dma_wait3A_2965, %dma_wait3A_2966] : memref<16x8x32xf32, #tpu.memory_space<vmem>> -> memref<1x8x32xf32, #tpu.memory_space<vmem>>
      %dma_wait3A_2968 = tpu.memref_squeeze %dma_wait3A_2967 : memref<1x8x32xf32, #tpu.memory_space<vmem>> -> memref<8x32xf32, #tpu.memory_space<vmem>>
      %dma_wait3A_2969 = arith.constant 0 : i32
      %dma_wait3A_2970 = arith.constant 0 : i32
      %dma_wait3A_2971 = tpu.memref_slice %arg4[%shift_right_logical3A_1208, %dma_wait3A_2969, %dma_wait3A_2970] : memref<125000x8x32xf32, #tpu.memory_space<hbm>> -> memref<1x8x32xf32, #tpu.memory_space<hbm>>
      %dma_wait3A_2972 = tpu.memref_squeeze %dma_wait3A_2971 : memref<1x8x32xf32, #tpu.memory_space<hbm>> -> memref<8x32xf32, #tpu.memory_space<hbm>>
      %dma_wait3A_2973 = arith.constant 0 : i32
      %dma_wait3A_2974 = arith.constant 0 : i32
      %dma_wait3A_2975 = tpu.memref_slice %arg11[%dma_wait3A_2964, %dma_wait3A_2973, %dma_wait3A_2974] : memref<16x8x32xf32, #tpu.memory_space<vmem>> -> memref<1x8x32xf32, #tpu.memory_space<vmem>>
      %dma_wait3A_2976 = tpu.memref_squeeze %dma_wait3A_2975 : memref<1x8x32xf32, #tpu.memory_space<vmem>> -> memref<8x32xf32, #tpu.memory_space<vmem>>
      %dma_wait3A_2977 = arith.constant 0 : i32
      %dma_wait3A_2978 = arith.constant 0 : i32
      %dma_wait3A_2979 = tpu.memref_slice %arg4[%shift_right_logical3A_1208, %dma_wait3A_2977, %dma_wait3A_2978] : memref<125000x8x32xf32, #tpu.memory_space<hbm>> -> memref<1x8x32xf32, #tpu.memory_space<hbm>>
      %dma_wait3A_2980 = tpu.memref_squeeze %dma_wait3A_2979 : memref<1x8x32xf32, #tpu.memory_space<hbm>> -> memref<8x32xf32, #tpu.memory_space<hbm>>
      tpu.wait_dma2 semaphore(%arg14 : memref<!tpu.dma_semaphore, #tpu.memory_space<semaphore_mem>>) src(%dma_wait3A_2980 : memref<8x32xf32, #tpu.memory_space<hbm>>) dst(%dma_wait3A_2976 : memref<8x32xf32, #tpu.memory_space<vmem>>)
      %dma_wait3A_2981 = arith.constant 12 : i32
      %dma_wait3A_2982 = arith.constant 0 : i32
      %dma_wait3A_2983 = arith.constant 0 : i32
      %dma_wait3A_2984 = tpu.memref_slice %arg12[%dma_wait3A_2981, %dma_wait3A_2982, %dma_wait3A_2983] : memref<16x8x32xf32, #tpu.memory_space<vmem>> -> memref<1x8x32xf32, #tpu.memory_space<vmem>>
      %dma_wait3A_2985 = tpu.memref_squeeze %dma_wait3A_2984 : memref<1x8x32xf32, #tpu.memory_space<vmem>> -> memref<8x32xf32, #tpu.memory_space<vmem>>
      %dma_wait3A_2986 = arith.constant 0 : i32
      %dma_wait3A_2987 = arith.constant 0 : i32
      %dma_wait3A_2988 = tpu.memref_slice %arg5[%shift_right_logical3A_1212, %dma_wait3A_2986, %dma_wait3A_2987] : memref<125000x8x32xf32, #tpu.memory_space<hbm>> -> memref<1x8x32xf32, #tpu.memory_space<hbm>>
      %dma_wait3A_2989 = tpu.memref_squeeze %dma_wait3A_2988 : memref<1x8x32xf32, #tpu.memory_space<hbm>> -> memref<8x32xf32, #tpu.memory_space<hbm>>
      %dma_wait3A_2990 = arith.constant 0 : i32
      %dma_wait3A_2991 = arith.constant 0 : i32
      %dma_wait3A_2992 = tpu.memref_slice %arg12[%dma_wait3A_2981, %dma_wait3A_2990, %dma_wait3A_2991] : memref<16x8x32xf32, #tpu.memory_space<vmem>> -> memref<1x8x32xf32, #tpu.memory_space<vmem>>
      %dma_wait3A_2993 = tpu.memref_squeeze %dma_wait3A_2992 : memref<1x8x32xf32, #tpu.memory_space<vmem>> -> memref<8x32xf32, #tpu.memory_space<vmem>>
      %dma_wait3A_2994 = arith.constant 0 : i32
      %dma_wait3A_2995 = arith.constant 0 : i32
      %dma_wait3A_2996 = tpu.memref_slice %arg5[%shift_right_logical3A_1212, %dma_wait3A_2994, %dma_wait3A_2995] : memref<125000x8x32xf32, #tpu.memory_space<hbm>> -> memref<1x8x32xf32, #tpu.memory_space<hbm>>
      %dma_wait3A_2997 = tpu.memref_squeeze %dma_wait3A_2996 : memref<1x8x32xf32, #tpu.memory_space<hbm>> -> memref<8x32xf32, #tpu.memory_space<hbm>>
      tpu.wait_dma2 semaphore(%arg15 : memref<!tpu.dma_semaphore, #tpu.memory_space<semaphore_mem>>) src(%dma_wait3A_2997 : memref<8x32xf32, #tpu.memory_space<hbm>>) dst(%dma_wait3A_2993 : memref<8x32xf32, #tpu.memory_space<vmem>>)
      %dma_wait3A_2998 = arith.constant 13 : i32
      %dma_wait3A_2999 = arith.constant 0 : i32
      %dma_wait3A_3000 = arith.constant 0 : i32
      %dma_wait3A_3001 = tpu.memref_slice %arg11[%dma_wait3A_2998, %dma_wait3A_2999, %dma_wait3A_3000] : memref<16x8x32xf32, #tpu.memory_space<vmem>> -> memref<1x8x32xf32, #tpu.memory_space<vmem>>
      %dma_wait3A_3002 = tpu.memref_squeeze %dma_wait3A_3001 : memref<1x8x32xf32, #tpu.memory_space<vmem>> -> memref<8x32xf32, #tpu.memory_space<vmem>>
      %dma_wait3A_3003 = arith.constant 0 : i32
      %dma_wait3A_3004 = arith.constant 0 : i32
      %dma_wait3A_3005 = tpu.memref_slice %arg4[%shift_right_logical3A_1250, %dma_wait3A_3003, %dma_wait3A_3004] : memref<125000x8x32xf32, #tpu.memory_space<hbm>> -> memref<1x8x32xf32, #tpu.memory_space<hbm>>
      %dma_wait3A_3006 = tpu.memref_squeeze %dma_wait3A_3005 : memref<1x8x32xf32, #tpu.memory_space<hbm>> -> memref<8x32xf32, #tpu.memory_space<hbm>>
      %dma_wait3A_3007 = arith.constant 0 : i32
      %dma_wait3A_3008 = arith.constant 0 : i32
      %dma_wait3A_3009 = tpu.memref_slice %arg11[%dma_wait3A_2998, %dma_wait3A_3007, %dma_wait3A_3008] : memref<16x8x32xf32, #tpu.memory_space<vmem>> -> memref<1x8x32xf32, #tpu.memory_space<vmem>>
      %dma_wait3A_3010 = tpu.memref_squeeze %dma_wait3A_3009 : memref<1x8x32xf32, #tpu.memory_space<vmem>> -> memref<8x32xf32, #tpu.memory_space<vmem>>
      %dma_wait3A_3011 = arith.constant 0 : i32
      %dma_wait3A_3012 = arith.constant 0 : i32
      %dma_wait3A_3013 = tpu.memref_slice %arg4[%shift_right_logical3A_1250, %dma_wait3A_3011, %dma_wait3A_3012] : memref<125000x8x32xf32, #tpu.memory_space<hbm>> -> memref<1x8x32xf32, #tpu.memory_space<hbm>>
      %dma_wait3A_3014 = tpu.memref_squeeze %dma_wait3A_3013 : memref<1x8x32xf32, #tpu.memory_space<hbm>> -> memref<8x32xf32, #tpu.memory_space<hbm>>
      tpu.wait_dma2 semaphore(%arg14 : memref<!tpu.dma_semaphore, #tpu.memory_space<semaphore_mem>>) src(%dma_wait3A_3014 : memref<8x32xf32, #tpu.memory_space<hbm>>) dst(%dma_wait3A_3010 : memref<8x32xf32, #tpu.memory_space<vmem>>)
      %dma_wait3A_3015 = arith.constant 13 : i32
      %dma_wait3A_3016 = arith.constant 0 : i32
      %dma_wait3A_3017 = arith.constant 0 : i32
      %dma_wait3A_3018 = tpu.memref_slice %arg12[%dma_wait3A_3015, %dma_wait3A_3016, %dma_wait3A_3017] : memref<16x8x32xf32, #tpu.memory_space<vmem>> -> memref<1x8x32xf32, #tpu.memory_space<vmem>>
      %dma_wait3A_3019 = tpu.memref_squeeze %dma_wait3A_3018 : memref<1x8x32xf32, #tpu.memory_space<vmem>> -> memref<8x32xf32, #tpu.memory_space<vmem>>
      %dma_wait3A_3020 = arith.constant 0 : i32
      %dma_wait3A_3021 = arith.constant 0 : i32
      %dma_wait3A_3022 = tpu.memref_slice %arg5[%shift_right_logical3A_1254, %dma_wait3A_3020, %dma_wait3A_3021] : memref<125000x8x32xf32, #tpu.memory_space<hbm>> -> memref<1x8x32xf32, #tpu.memory_space<hbm>>
      %dma_wait3A_3023 = tpu.memref_squeeze %dma_wait3A_3022 : memref<1x8x32xf32, #tpu.memory_space<hbm>> -> memref<8x32xf32, #tpu.memory_space<hbm>>
      %dma_wait3A_3024 = arith.constant 0 : i32
      %dma_wait3A_3025 = arith.constant 0 : i32
      %dma_wait3A_3026 = tpu.memref_slice %arg12[%dma_wait3A_3015, %dma_wait3A_3024, %dma_wait3A_3025] : memref<16x8x32xf32, #tpu.memory_space<vmem>> -> memref<1x8x32xf32, #tpu.memory_space<vmem>>
      %dma_wait3A_3027 = tpu.memref_squeeze %dma_wait3A_3026 : memref<1x8x32xf32, #tpu.memory_space<vmem>> -> memref<8x32xf32, #tpu.memory_space<vmem>>
      %dma_wait3A_3028 = arith.constant 0 : i32
      %dma_wait3A_3029 = arith.constant 0 : i32
      %dma_wait3A_3030 = tpu.memref_slice %arg5[%shift_right_logical3A_1254, %dma_wait3A_3028, %dma_wait3A_3029] : memref<125000x8x32xf32, #tpu.memory_space<hbm>> -> memref<1x8x32xf32, #tpu.memory_space<hbm>>
      %dma_wait3A_3031 = tpu.memref_squeeze %dma_wait3A_3030 : memref<1x8x32xf32, #tpu.memory_space<hbm>> -> memref<8x32xf32, #tpu.memory_space<hbm>>
      tpu.wait_dma2 semaphore(%arg15 : memref<!tpu.dma_semaphore, #tpu.memory_space<semaphore_mem>>) src(%dma_wait3A_3031 : memref<8x32xf32, #tpu.memory_space<hbm>>) dst(%dma_wait3A_3027 : memref<8x32xf32, #tpu.memory_space<vmem>>)
      %dma_wait3A_3032 = arith.constant 14 : i32
      %dma_wait3A_3033 = arith.constant 0 : i32
      %dma_wait3A_3034 = arith.constant 0 : i32
      %dma_wait3A_3035 = tpu.memref_slice %arg11[%dma_wait3A_3032, %dma_wait3A_3033, %dma_wait3A_3034] : memref<16x8x32xf32, #tpu.memory_space<vmem>> -> memref<1x8x32xf32, #tpu.memory_space<vmem>>
      %dma_wait3A_3036 = tpu.memref_squeeze %dma_wait3A_3035 : memref<1x8x32xf32, #tpu.memory_space<vmem>> -> memref<8x32xf32, #tpu.memory_space<vmem>>
      %dma_wait3A_3037 = arith.constant 0 : i32
      %dma_wait3A_3038 = arith.constant 0 : i32
      %dma_wait3A_3039 = tpu.memref_slice %arg4[%shift_right_logical3A_1292, %dma_wait3A_3037, %dma_wait3A_3038] : memref<125000x8x32xf32, #tpu.memory_space<hbm>> -> memref<1x8x32xf32, #tpu.memory_space<hbm>>
      %dma_wait3A_3040 = tpu.memref_squeeze %dma_wait3A_3039 : memref<1x8x32xf32, #tpu.memory_space<hbm>> -> memref<8x32xf32, #tpu.memory_space<hbm>>
      %dma_wait3A_3041 = arith.constant 0 : i32
      %dma_wait3A_3042 = arith.constant 0 : i32
      %dma_wait3A_3043 = tpu.memref_slice %arg11[%dma_wait3A_3032, %dma_wait3A_3041, %dma_wait3A_3042] : memref<16x8x32xf32, #tpu.memory_space<vmem>> -> memref<1x8x32xf32, #tpu.memory_space<vmem>>
      %dma_wait3A_3044 = tpu.memref_squeeze %dma_wait3A_3043 : memref<1x8x32xf32, #tpu.memory_space<vmem>> -> memref<8x32xf32, #tpu.memory_space<vmem>>
      %dma_wait3A_3045 = arith.constant 0 : i32
      %dma_wait3A_3046 = arith.constant 0 : i32
      %dma_wait3A_3047 = tpu.memref_slice %arg4[%shift_right_logical3A_1292, %dma_wait3A_3045, %dma_wait3A_3046] : memref<125000x8x32xf32, #tpu.memory_space<hbm>> -> memref<1x8x32xf32, #tpu.memory_space<hbm>>
      %dma_wait3A_3048 = tpu.memref_squeeze %dma_wait3A_3047 : memref<1x8x32xf32, #tpu.memory_space<hbm>> -> memref<8x32xf32, #tpu.memory_space<hbm>>
      tpu.wait_dma2 semaphore(%arg14 : memref<!tpu.dma_semaphore, #tpu.memory_space<semaphore_mem>>) src(%dma_wait3A_3048 : memref<8x32xf32, #tpu.memory_space<hbm>>) dst(%dma_wait3A_3044 : memref<8x32xf32, #tpu.memory_space<vmem>>)
      %dma_wait3A_3049 = arith.constant 14 : i32
      %dma_wait3A_3050 = arith.constant 0 : i32
      %dma_wait3A_3051 = arith.constant 0 : i32
      %dma_wait3A_3052 = tpu.memref_slice %arg12[%dma_wait3A_3049, %dma_wait3A_3050, %dma_wait3A_3051] : memref<16x8x32xf32, #tpu.memory_space<vmem>> -> memref<1x8x32xf32, #tpu.memory_space<vmem>>
      %dma_wait3A_3053 = tpu.memref_squeeze %dma_wait3A_3052 : memref<1x8x32xf32, #tpu.memory_space<vmem>> -> memref<8x32xf32, #tpu.memory_space<vmem>>
      %dma_wait3A_3054 = arith.constant 0 : i32
      %dma_wait3A_3055 = arith.constant 0 : i32
      %dma_wait3A_3056 = tpu.memref_slice %arg5[%shift_right_logical3A_1296, %dma_wait3A_3054, %dma_wait3A_3055] : memref<125000x8x32xf32, #tpu.memory_space<hbm>> -> memref<1x8x32xf32, #tpu.memory_space<hbm>>
      %dma_wait3A_3057 = tpu.memref_squeeze %dma_wait3A_3056 : memref<1x8x32xf32, #tpu.memory_space<hbm>> -> memref<8x32xf32, #tpu.memory_space<hbm>>
      %dma_wait3A_3058 = arith.constant 0 : i32
      %dma_wait3A_3059 = arith.constant 0 : i32
      %dma_wait3A_3060 = tpu.memref_slice %arg12[%dma_wait3A_3049, %dma_wait3A_3058, %dma_wait3A_3059] : memref<16x8x32xf32, #tpu.memory_space<vmem>> -> memref<1x8x32xf32, #tpu.memory_space<vmem>>
      %dma_wait3A_3061 = tpu.memref_squeeze %dma_wait3A_3060 : memref<1x8x32xf32, #tpu.memory_space<vmem>> -> memref<8x32xf32, #tpu.memory_space<vmem>>
      %dma_wait3A_3062 = arith.constant 0 : i32
      %dma_wait3A_3063 = arith.constant 0 : i32
      %dma_wait3A_3064 = tpu.memref_slice %arg5[%shift_right_logical3A_1296, %dma_wait3A_3062, %dma_wait3A_3063] : memref<125000x8x32xf32, #tpu.memory_space<hbm>> -> memref<1x8x32xf32, #tpu.memory_space<hbm>>
      %dma_wait3A_3065 = tpu.memref_squeeze %dma_wait3A_3064 : memref<1x8x32xf32, #tpu.memory_space<hbm>> -> memref<8x32xf32, #tpu.memory_space<hbm>>
      tpu.wait_dma2 semaphore(%arg15 : memref<!tpu.dma_semaphore, #tpu.memory_space<semaphore_mem>>) src(%dma_wait3A_3065 : memref<8x32xf32, #tpu.memory_space<hbm>>) dst(%dma_wait3A_3061 : memref<8x32xf32, #tpu.memory_space<vmem>>)
      %dma_wait3A_3066 = arith.constant 15 : i32
      %dma_wait3A_3067 = arith.constant 0 : i32
      %dma_wait3A_3068 = arith.constant 0 : i32
      %dma_wait3A_3069 = tpu.memref_slice %arg11[%dma_wait3A_3066, %dma_wait3A_3067, %dma_wait3A_3068] : memref<16x8x32xf32, #tpu.memory_space<vmem>> -> memref<1x8x32xf32, #tpu.memory_space<vmem>>
      %dma_wait3A_3070 = tpu.memref_squeeze %dma_wait3A_3069 : memref<1x8x32xf32, #tpu.memory_space<vmem>> -> memref<8x32xf32, #tpu.memory_space<vmem>>
      %dma_wait3A_3071 = arith.constant 0 : i32
      %dma_wait3A_3072 = arith.constant 0 : i32
      %dma_wait3A_3073 = tpu.memref_slice %arg4[%shift_right_logical3A_1334, %dma_wait3A_3071, %dma_wait3A_3072] : memref<125000x8x32xf32, #tpu.memory_space<hbm>> -> memref<1x8x32xf32, #tpu.memory_space<hbm>>
      %dma_wait3A_3074 = tpu.memref_squeeze %dma_wait3A_3073 : memref<1x8x32xf32, #tpu.memory_space<hbm>> -> memref<8x32xf32, #tpu.memory_space<hbm>>
      %dma_wait3A_3075 = arith.constant 0 : i32
      %dma_wait3A_3076 = arith.constant 0 : i32
      %dma_wait3A_3077 = tpu.memref_slice %arg11[%dma_wait3A_3066, %dma_wait3A_3075, %dma_wait3A_3076] : memref<16x8x32xf32, #tpu.memory_space<vmem>> -> memref<1x8x32xf32, #tpu.memory_space<vmem>>
      %dma_wait3A_3078 = tpu.memref_squeeze %dma_wait3A_3077 : memref<1x8x32xf32, #tpu.memory_space<vmem>> -> memref<8x32xf32, #tpu.memory_space<vmem>>
      %dma_wait3A_3079 = arith.constant 0 : i32
      %dma_wait3A_3080 = arith.constant 0 : i32
      %dma_wait3A_3081 = tpu.memref_slice %arg4[%shift_right_logical3A_1334, %dma_wait3A_3079, %dma_wait3A_3080] : memref<125000x8x32xf32, #tpu.memory_space<hbm>> -> memref<1x8x32xf32, #tpu.memory_space<hbm>>
      %dma_wait3A_3082 = tpu.memref_squeeze %dma_wait3A_3081 : memref<1x8x32xf32, #tpu.memory_space<hbm>> -> memref<8x32xf32, #tpu.memory_space<hbm>>
      tpu.wait_dma2 semaphore(%arg14 : memref<!tpu.dma_semaphore, #tpu.memory_space<semaphore_mem>>) src(%dma_wait3A_3082 : memref<8x32xf32, #tpu.memory_space<hbm>>) dst(%dma_wait3A_3078 : memref<8x32xf32, #tpu.memory_space<vmem>>)
      %dma_wait3A_3083 = arith.constant 15 : i32
      %dma_wait3A_3084 = arith.constant 0 : i32
      %dma_wait3A_3085 = arith.constant 0 : i32
      %dma_wait3A_3086 = tpu.memref_slice %arg12[%dma_wait3A_3083, %dma_wait3A_3084, %dma_wait3A_3085] : memref<16x8x32xf32, #tpu.memory_space<vmem>> -> memref<1x8x32xf32, #tpu.memory_space<vmem>>
      %dma_wait3A_3087 = tpu.memref_squeeze %dma_wait3A_3086 : memref<1x8x32xf32, #tpu.memory_space<vmem>> -> memref<8x32xf32, #tpu.memory_space<vmem>>
      %dma_wait3A_3088 = arith.constant 0 : i32
      %dma_wait3A_3089 = arith.constant 0 : i32
      %dma_wait3A_3090 = tpu.memref_slice %arg5[%shift_right_logical3A_1338, %dma_wait3A_3088, %dma_wait3A_3089] : memref<125000x8x32xf32, #tpu.memory_space<hbm>> -> memref<1x8x32xf32, #tpu.memory_space<hbm>>
      %dma_wait3A_3091 = tpu.memref_squeeze %dma_wait3A_3090 : memref<1x8x32xf32, #tpu.memory_space<hbm>> -> memref<8x32xf32, #tpu.memory_space<hbm>>
      %dma_wait3A_3092 = arith.constant 0 : i32
      %dma_wait3A_3093 = arith.constant 0 : i32
      %dma_wait3A_3094 = tpu.memref_slice %arg12[%dma_wait3A_3083, %dma_wait3A_3092, %dma_wait3A_3093] : memref<16x8x32xf32, #tpu.memory_space<vmem>> -> memref<1x8x32xf32, #tpu.memory_space<vmem>>
      %dma_wait3A_3095 = tpu.memref_squeeze %dma_wait3A_3094 : memref<1x8x32xf32, #tpu.memory_space<vmem>> -> memref<8x32xf32, #tpu.memory_space<vmem>>
      %dma_wait3A_3096 = arith.constant 0 : i32
      %dma_wait3A_3097 = arith.constant 0 : i32
      %dma_wait3A_3098 = tpu.memref_slice %arg5[%shift_right_logical3A_1338, %dma_wait3A_3096, %dma_wait3A_3097] : memref<125000x8x32xf32, #tpu.memory_space<hbm>> -> memref<1x8x32xf32, #tpu.memory_space<hbm>>
      %dma_wait3A_3099 = tpu.memref_squeeze %dma_wait3A_3098 : memref<1x8x32xf32, #tpu.memory_space<hbm>> -> memref<8x32xf32, #tpu.memory_space<hbm>>
      tpu.wait_dma2 semaphore(%arg15 : memref<!tpu.dma_semaphore, #tpu.memory_space<semaphore_mem>>) src(%dma_wait3A_3099 : memref<8x32xf32, #tpu.memory_space<hbm>>) dst(%dma_wait3A_3095 : memref<8x32xf32, #tpu.memory_space<vmem>>)
      %broadcast_in_dim3A_3100 = arith.constant 0.000000e+00 : f32
      %broadcast_in_dim3A_3101 = vector.broadcast %broadcast_in_dim3A_3100 : f32 to vector<16xf32>
      %slice3A_3102 = vector.extract_strided_slice %get3A_698 {offsets = [0], sizes = [1], strides = [1]} : vector<16xi32> to vector<1xi32>
      %squeeze3A_3103 = vector.extract %slice3A_3102[0] : i32 from vector<1xi32>
      %and3A_3104 = arith.constant 7 : i32
      %and3A_3105 = arith.andi %squeeze3A_3103, %and3A_3104 : i32
      %slice3A_3106 = vector.extract_strided_slice %get3A_700 {offsets = [0], sizes = [1], strides = [1]} : vector<16xi32> to vector<1xi32>
      %squeeze3A_3107 = vector.extract %slice3A_3106[0] : i32 from vector<1xi32>
      %and3A_3108 = arith.constant 7 : i32
      %and3A_3109 = arith.andi %squeeze3A_3107, %and3A_3108 : i32
      %get3A_3110 = arith.constant 0 : i32
      %get3A_3111 = arith.index_cast %get3A_3110 : i32 to index
      %get3A_3112 = arith.index_cast %and3A_3105 : i32 to index
      %get3A_3113 = arith.constant 0 : index
      %get3A_3114 = tpu.vector_load %arg11[%get3A_3111, %get3A_3112, %get3A_3113] {strides = array<i32>} : memref<16x8x32xf32, #tpu.memory_space<vmem>>, vector<16xf32>,
      %get3A_3115 = arith.constant 0 : i32
      %get3A_3116 = arith.index_cast %get3A_3115 : i32 to index
      %get3A_3117 = arith.index_cast %and3A_3109 : i32 to index
      %get3A_3118 = arith.constant 0 : index
      %get3A_3119 = tpu.vector_load %arg12[%get3A_3116, %get3A_3117, %get3A_3118] {strides = array<i32>} : memref<16x8x32xf32, #tpu.memory_space<vmem>>, vector<16xf32>,
      %mul3A_3120 = arith.mulf %get3A_3114, %get3A_3119 : vector<16xf32>
      %get3A_3121 = arith.constant 0 : i32
      %get3A_3122 = arith.index_cast %get3A_3121 : i32 to index
      %get3A_3123 = arith.index_cast %and3A_3105 : i32 to index
      %get3A_3124 = arith.constant 16 : index
      %get3A_3125 = tpu.vector_load %arg11[%get3A_3122, %get3A_3123, %get3A_3124] {strides = array<i32>} : memref<16x8x32xf32, #tpu.memory_space<vmem>>, vector<16xf32>,
      %get3A_3126 = arith.constant 0 : i32
      %get3A_3127 = arith.index_cast %get3A_3126 : i32 to index
      %get3A_3128 = arith.index_cast %and3A_3109 : i32 to index
      %get3A_3129 = arith.constant 16 : index
      %get3A_3130 = tpu.vector_load %arg12[%get3A_3127, %get3A_3128, %get3A_3129] {strides = array<i32>} : memref<16x8x32xf32, #tpu.memory_space<vmem>>, vector<16xf32>,
      %mul3A_3131 = arith.mulf %get3A_3125, %get3A_3130 : vector<16xf32>
      %add3A_3132 = arith.addf %mul3A_3120, %mul3A_3131 : vector<16xf32>
      %eq3A_3133 = arith.constant 0 : i32
      %eq3A_3134 = vector.broadcast %eq3A_3133 : i32 to vector<16xi32>
      %eq3A_3135 = arith.cmpi eq, %iota3A, %eq3A_3134 : vector<16xi32>
      %reduce_sum3A_3136 = arith.constant true
      %reduce_sum3A_3137 = vector.broadcast %reduce_sum3A_3136 : i1 to vector<16xi1>
      %reduce_sum3A_3138 = tpu.scan <sum>, %add3A_3132 masked %reduce_sum3A_3137 : vector<16xf32>, vector<16xi1> -> vector<16xf32>
      %reduce_sum3A_3139 = vector.extract %reduce_sum3A_3138[15] : f32 from vector<16xf32>
      %broadcast_in_dim3A_3140 = vector.broadcast %reduce_sum3A_3139 : f32 to vector<16xf32>
      %select_n3A_3141 = arith.select %eq3A_3135, %broadcast_in_dim3A_3140, %broadcast_in_dim3A_3101 : vector<16xi1>, vector<16xf32>
      %slice3A_3142 = vector.extract_strided_slice %get3A_698 {offsets = [1], sizes = [1], strides = [1]} : vector<16xi32> to vector<1xi32>
      %squeeze3A_3143 = vector.extract %slice3A_3142[0] : i32 from vector<1xi32>
      %and3A_3144 = arith.constant 7 : i32
      %and3A_3145 = arith.andi %squeeze3A_3143, %and3A_3144 : i32
      %slice3A_3146 = vector.extract_strided_slice %get3A_700 {offsets = [1], sizes = [1], strides = [1]} : vector<16xi32> to vector<1xi32>
      %squeeze3A_3147 = vector.extract %slice3A_3146[0] : i32 from vector<1xi32>
      %and3A_3148 = arith.constant 7 : i32
      %and3A_3149 = arith.andi %squeeze3A_3147, %and3A_3148 : i32
      %get3A_3150 = arith.constant 1 : i32
      %get3A_3151 = arith.index_cast %get3A_3150 : i32 to index
      %get3A_3152 = arith.index_cast %and3A_3145 : i32 to index
      %get3A_3153 = arith.constant 0 : index
      %get3A_3154 = tpu.vector_load %arg11[%get3A_3151, %get3A_3152, %get3A_3153] {strides = array<i32>} : memref<16x8x32xf32, #tpu.memory_space<vmem>>, vector<16xf32>,
      %get3A_3155 = arith.constant 1 : i32
      %get3A_3156 = arith.index_cast %get3A_3155 : i32 to index
      %get3A_3157 = arith.index_cast %and3A_3149 : i32 to index
      %get3A_3158 = arith.constant 0 : index
      %get3A_3159 = tpu.vector_load %arg12[%get3A_3156, %get3A_3157, %get3A_3158] {strides = array<i32>} : memref<16x8x32xf32, #tpu.memory_space<vmem>>, vector<16xf32>,
      %mul3A_3160 = arith.mulf %get3A_3154, %get3A_3159 : vector<16xf32>
      %get3A_3161 = arith.constant 1 : i32
      %get3A_3162 = arith.index_cast %get3A_3161 : i32 to index
      %get3A_3163 = arith.index_cast %and3A_3145 : i32 to index
      %get3A_3164 = arith.constant 16 : index
      %get3A_3165 = tpu.vector_load %arg11[%get3A_3162, %get3A_3163, %get3A_3164] {strides = array<i32>} : memref<16x8x32xf32, #tpu.memory_space<vmem>>, vector<16xf32>,
      %get3A_3166 = arith.constant 1 : i32
      %get3A_3167 = arith.index_cast %get3A_3166 : i32 to index
      %get3A_3168 = arith.index_cast %and3A_3149 : i32 to index
      %get3A_3169 = arith.constant 16 : index
      %get3A_3170 = tpu.vector_load %arg12[%get3A_3167, %get3A_3168, %get3A_3169] {strides = array<i32>} : memref<16x8x32xf32, #tpu.memory_space<vmem>>, vector<16xf32>,
      %mul3A_3171 = arith.mulf %get3A_3165, %get3A_3170 : vector<16xf32>
      %add3A_3172 = arith.addf %mul3A_3160, %mul3A_3171 : vector<16xf32>
      %eq3A_3173 = arith.constant 1 : i32
      %eq3A_3174 = vector.broadcast %eq3A_3173 : i32 to vector<16xi32>
      %eq3A_3175 = arith.cmpi eq, %iota3A, %eq3A_3174 : vector<16xi32>
      %reduce_sum3A_3176 = arith.constant true
      %reduce_sum3A_3177 = vector.broadcast %reduce_sum3A_3176 : i1 to vector<16xi1>
      %reduce_sum3A_3178 = tpu.scan <sum>, %add3A_3172 masked %reduce_sum3A_3177 : vector<16xf32>, vector<16xi1> -> vector<16xf32>
      %reduce_sum3A_3179 = vector.extract %reduce_sum3A_3178[15] : f32 from vector<16xf32>
      %broadcast_in_dim3A_3180 = vector.broadcast %reduce_sum3A_3179 : f32 to vector<16xf32>
      %select_n3A_3181 = arith.select %eq3A_3175, %broadcast_in_dim3A_3180, %select_n3A_3141 : vector<16xi1>, vector<16xf32>
      %slice3A_3182 = vector.extract_strided_slice %get3A_698 {offsets = [2], sizes = [1], strides = [1]} : vector<16xi32> to vector<1xi32>
      %squeeze3A_3183 = vector.extract %slice3A_3182[0] : i32 from vector<1xi32>
      %and3A_3184 = arith.constant 7 : i32
      %and3A_3185 = arith.andi %squeeze3A_3183, %and3A_3184 : i32
      %slice3A_3186 = vector.extract_strided_slice %get3A_700 {offsets = [2], sizes = [1], strides = [1]} : vector<16xi32> to vector<1xi32>
      %squeeze3A_3187 = vector.extract %slice3A_3186[0] : i32 from vector<1xi32>
      %and3A_3188 = arith.constant 7 : i32
      %and3A_3189 = arith.andi %squeeze3A_3187, %and3A_3188 : i32
      %get3A_3190 = arith.constant 2 : i32
      %get3A_3191 = arith.index_cast %get3A_3190 : i32 to index
      %get3A_3192 = arith.index_cast %and3A_3185 : i32 to index
      %get3A_3193 = arith.constant 0 : index
      %get3A_3194 = tpu.vector_load %arg11[%get3A_3191, %get3A_3192, %get3A_3193] {strides = array<i32>} : memref<16x8x32xf32, #tpu.memory_space<vmem>>, vector<16xf32>,
      %get3A_3195 = arith.constant 2 : i32
      %get3A_3196 = arith.index_cast %get3A_3195 : i32 to index
      %get3A_3197 = arith.index_cast %and3A_3189 : i32 to index
      %get3A_3198 = arith.constant 0 : index
      %get3A_3199 = tpu.vector_load %arg12[%get3A_3196, %get3A_3197, %get3A_3198] {strides = array<i32>} : memref<16x8x32xf32, #tpu.memory_space<vmem>>, vector<16xf32>,
      %mul3A_3200 = arith.mulf %get3A_3194, %get3A_3199 : vector<16xf32>
      %get3A_3201 = arith.constant 2 : i32
      %get3A_3202 = arith.index_cast %get3A_3201 : i32 to index
      %get3A_3203 = arith.index_cast %and3A_3185 : i32 to index
      %get3A_3204 = arith.constant 16 : index
      %get3A_3205 = tpu.vector_load %arg11[%get3A_3202, %get3A_3203, %get3A_3204] {strides = array<i32>} : memref<16x8x32xf32, #tpu.memory_space<vmem>>, vector<16xf32>,
      %get3A_3206 = arith.constant 2 : i32
      %get3A_3207 = arith.index_cast %get3A_3206 : i32 to index
      %get3A_3208 = arith.index_cast %and3A_3189 : i32 to index
      %get3A_3209 = arith.constant 16 : index
      %get3A_3210 = tpu.vector_load %arg12[%get3A_3207, %get3A_3208, %get3A_3209] {strides = array<i32>} : memref<16x8x32xf32, #tpu.memory_space<vmem>>, vector<16xf32>,
      %mul3A_3211 = arith.mulf %get3A_3205, %get3A_3210 : vector<16xf32>
      %add3A_3212 = arith.addf %mul3A_3200, %mul3A_3211 : vector<16xf32>
      %eq3A_3213 = arith.constant 2 : i32
      %eq3A_3214 = vector.broadcast %eq3A_3213 : i32 to vector<16xi32>
      %eq3A_3215 = arith.cmpi eq, %iota3A, %eq3A_3214 : vector<16xi32>
      %reduce_sum3A_3216 = arith.constant true
      %reduce_sum3A_3217 = vector.broadcast %reduce_sum3A_3216 : i1 to vector<16xi1>
      %reduce_sum3A_3218 = tpu.scan <sum>, %add3A_3212 masked %reduce_sum3A_3217 : vector<16xf32>, vector<16xi1> -> vector<16xf32>
      %reduce_sum3A_3219 = vector.extract %reduce_sum3A_3218[15] : f32 from vector<16xf32>
      %broadcast_in_dim3A_3220 = vector.broadcast %reduce_sum3A_3219 : f32 to vector<16xf32>
      %select_n3A_3221 = arith.select %eq3A_3215, %broadcast_in_dim3A_3220, %select_n3A_3181 : vector<16xi1>, vector<16xf32>
      %slice3A_3222 = vector.extract_strided_slice %get3A_698 {offsets = [3], sizes = [1], strides = [1]} : vector<16xi32> to vector<1xi32>
      %squeeze3A_3223 = vector.extract %slice3A_3222[0] : i32 from vector<1xi32>
      %and3A_3224 = arith.constant 7 : i32
      %and3A_3225 = arith.andi %squeeze3A_3223, %and3A_3224 : i32
      %slice3A_3226 = vector.extract_strided_slice %get3A_700 {offsets = [3], sizes = [1], strides = [1]} : vector<16xi32> to vector<1xi32>
      %squeeze3A_3227 = vector.extract %slice3A_3226[0] : i32 from vector<1xi32>
      %and3A_3228 = arith.constant 7 : i32
      %and3A_3229 = arith.andi %squeeze3A_3227, %and3A_3228 : i32
      %get3A_3230 = arith.constant 3 : i32
      %get3A_3231 = arith.index_cast %get3A_3230 : i32 to index
      %get3A_3232 = arith.index_cast %and3A_3225 : i32 to index
      %get3A_3233 = arith.constant 0 : index
      %get3A_3234 = tpu.vector_load %arg11[%get3A_3231, %get3A_3232, %get3A_3233] {strides = array<i32>} : memref<16x8x32xf32, #tpu.memory_space<vmem>>, vector<16xf32>,
      %get3A_3235 = arith.constant 3 : i32
      %get3A_3236 = arith.index_cast %get3A_3235 : i32 to index
      %get3A_3237 = arith.index_cast %and3A_3229 : i32 to index
      %get3A_3238 = arith.constant 0 : index
      %get3A_3239 = tpu.vector_load %arg12[%get3A_3236, %get3A_3237, %get3A_3238] {strides = array<i32>} : memref<16x8x32xf32, #tpu.memory_space<vmem>>, vector<16xf32>,
      %mul3A_3240 = arith.mulf %get3A_3234, %get3A_3239 : vector<16xf32>
      %get3A_3241 = arith.constant 3 : i32
      %get3A_3242 = arith.index_cast %get3A_3241 : i32 to index
      %get3A_3243 = arith.index_cast %and3A_3225 : i32 to index
      %get3A_3244 = arith.constant 16 : index
      %get3A_3245 = tpu.vector_load %arg11[%get3A_3242, %get3A_3243, %get3A_3244] {strides = array<i32>} : memref<16x8x32xf32, #tpu.memory_space<vmem>>, vector<16xf32>,
      %get3A_3246 = arith.constant 3 : i32
      %get3A_3247 = arith.index_cast %get3A_3246 : i32 to index
      %get3A_3248 = arith.index_cast %and3A_3229 : i32 to index
      %get3A_3249 = arith.constant 16 : index
      %get3A_3250 = tpu.vector_load %arg12[%get3A_3247, %get3A_3248, %get3A_3249] {strides = array<i32>} : memref<16x8x32xf32, #tpu.memory_space<vmem>>, vector<16xf32>,
      %mul3A_3251 = arith.mulf %get3A_3245, %get3A_3250 : vector<16xf32>
      %add3A_3252 = arith.addf %mul3A_3240, %mul3A_3251 : vector<16xf32>
      %eq3A_3253 = arith.constant 3 : i32
      %eq3A_3254 = vector.broadcast %eq3A_3253 : i32 to vector<16xi32>
      %eq3A_3255 = arith.cmpi eq, %iota3A, %eq3A_3254 : vector<16xi32>
      %reduce_sum3A_3256 = arith.constant true
      %reduce_sum3A_3257 = vector.broadcast %reduce_sum3A_3256 : i1 to vector<16xi1>
      %reduce_sum3A_3258 = tpu.scan <sum>, %add3A_3252 masked %reduce_sum3A_3257 : vector<16xf32>, vector<16xi1> -> vector<16xf32>
      %reduce_sum3A_3259 = vector.extract %reduce_sum3A_3258[15] : f32 from vector<16xf32>
      %broadcast_in_dim3A_3260 = vector.broadcast %reduce_sum3A_3259 : f32 to vector<16xf32>
      %select_n3A_3261 = arith.select %eq3A_3255, %broadcast_in_dim3A_3260, %select_n3A_3221 : vector<16xi1>, vector<16xf32>
      %slice3A_3262 = vector.extract_strided_slice %get3A_698 {offsets = [4], sizes = [1], strides = [1]} : vector<16xi32> to vector<1xi32>
      %squeeze3A_3263 = vector.extract %slice3A_3262[0] : i32 from vector<1xi32>
      %and3A_3264 = arith.constant 7 : i32
      %and3A_3265 = arith.andi %squeeze3A_3263, %and3A_3264 : i32
      %slice3A_3266 = vector.extract_strided_slice %get3A_700 {offsets = [4], sizes = [1], strides = [1]} : vector<16xi32> to vector<1xi32>
      %squeeze3A_3267 = vector.extract %slice3A_3266[0] : i32 from vector<1xi32>
      %and3A_3268 = arith.constant 7 : i32
      %and3A_3269 = arith.andi %squeeze3A_3267, %and3A_3268 : i32
      %get3A_3270 = arith.constant 4 : i32
      %get3A_3271 = arith.index_cast %get3A_3270 : i32 to index
      %get3A_3272 = arith.index_cast %and3A_3265 : i32 to index
      %get3A_3273 = arith.constant 0 : index
      %get3A_3274 = tpu.vector_load %arg11[%get3A_3271, %get3A_3272, %get3A_3273] {strides = array<i32>} : memref<16x8x32xf32, #tpu.memory_space<vmem>>, vector<16xf32>,
      %get3A_3275 = arith.constant 4 : i32
      %get3A_3276 = arith.index_cast %get3A_3275 : i32 to index
      %get3A_3277 = arith.index_cast %and3A_3269 : i32 to index
      %get3A_3278 = arith.constant 0 : index
      %get3A_3279 = tpu.vector_load %arg12[%get3A_3276, %get3A_3277, %get3A_3278] {strides = array<i32>} : memref<16x8x32xf32, #tpu.memory_space<vmem>>, vector<16xf32>,
      %mul3A_3280 = arith.mulf %get3A_3274, %get3A_3279 : vector<16xf32>
      %get3A_3281 = arith.constant 4 : i32
      %get3A_3282 = arith.index_cast %get3A_3281 : i32 to index
      %get3A_3283 = arith.index_cast %and3A_3265 : i32 to index
      %get3A_3284 = arith.constant 16 : index
      %get3A_3285 = tpu.vector_load %arg11[%get3A_3282, %get3A_3283, %get3A_3284] {strides = array<i32>} : memref<16x8x32xf32, #tpu.memory_space<vmem>>, vector<16xf32>,
      %get3A_3286 = arith.constant 4 : i32
      %get3A_3287 = arith.index_cast %get3A_3286 : i32 to index
      %get3A_3288 = arith.index_cast %and3A_3269 : i32 to index
      %get3A_3289 = arith.constant 16 : index
      %get3A_3290 = tpu.vector_load %arg12[%get3A_3287, %get3A_3288, %get3A_3289] {strides = array<i32>} : memref<16x8x32xf32, #tpu.memory_space<vmem>>, vector<16xf32>,
      %mul3A_3291 = arith.mulf %get3A_3285, %get3A_3290 : vector<16xf32>
      %add3A_3292 = arith.addf %mul3A_3280, %mul3A_3291 : vector<16xf32>
      %eq3A_3293 = arith.constant 4 : i32
      %eq3A_3294 = vector.broadcast %eq3A_3293 : i32 to vector<16xi32>
      %eq3A_3295 = arith.cmpi eq, %iota3A, %eq3A_3294 : vector<16xi32>
      %reduce_sum3A_3296 = arith.constant true
      %reduce_sum3A_3297 = vector.broadcast %reduce_sum3A_3296 : i1 to vector<16xi1>
      %reduce_sum3A_3298 = tpu.scan <sum>, %add3A_3292 masked %reduce_sum3A_3297 : vector<16xf32>, vector<16xi1> -> vector<16xf32>
      %reduce_sum3A_3299 = vector.extract %reduce_sum3A_3298[15] : f32 from vector<16xf32>
      %broadcast_in_dim3A_3300 = vector.broadcast %reduce_sum3A_3299 : f32 to vector<16xf32>
      %select_n3A_3301 = arith.select %eq3A_3295, %broadcast_in_dim3A_3300, %select_n3A_3261 : vector<16xi1>, vector<16xf32>
      %slice3A_3302 = vector.extract_strided_slice %get3A_698 {offsets = [5], sizes = [1], strides = [1]} : vector<16xi32> to vector<1xi32>
      %squeeze3A_3303 = vector.extract %slice3A_3302[0] : i32 from vector<1xi32>
      %and3A_3304 = arith.constant 7 : i32
      %and3A_3305 = arith.andi %squeeze3A_3303, %and3A_3304 : i32
      %slice3A_3306 = vector.extract_strided_slice %get3A_700 {offsets = [5], sizes = [1], strides = [1]} : vector<16xi32> to vector<1xi32>
      %squeeze3A_3307 = vector.extract %slice3A_3306[0] : i32 from vector<1xi32>
      %and3A_3308 = arith.constant 7 : i32
      %and3A_3309 = arith.andi %squeeze3A_3307, %and3A_3308 : i32
      %get3A_3310 = arith.constant 5 : i32
      %get3A_3311 = arith.index_cast %get3A_3310 : i32 to index
      %get3A_3312 = arith.index_cast %and3A_3305 : i32 to index
      %get3A_3313 = arith.constant 0 : index
      %get3A_3314 = tpu.vector_load %arg11[%get3A_3311, %get3A_3312, %get3A_3313] {strides = array<i32>} : memref<16x8x32xf32, #tpu.memory_space<vmem>>, vector<16xf32>,
      %get3A_3315 = arith.constant 5 : i32
      %get3A_3316 = arith.index_cast %get3A_3315 : i32 to index
      %get3A_3317 = arith.index_cast %and3A_3309 : i32 to index
      %get3A_3318 = arith.constant 0 : index
      %get3A_3319 = tpu.vector_load %arg12[%get3A_3316, %get3A_3317, %get3A_3318] {strides = array<i32>} : memref<16x8x32xf32, #tpu.memory_space<vmem>>, vector<16xf32>,
      %mul3A_3320 = arith.mulf %get3A_3314, %get3A_3319 : vector<16xf32>
      %get3A_3321 = arith.constant 5 : i32
      %get3A_3322 = arith.index_cast %get3A_3321 : i32 to index
      %get3A_3323 = arith.index_cast %and3A_3305 : i32 to index
      %get3A_3324 = arith.constant 16 : index
      %get3A_3325 = tpu.vector_load %arg11[%get3A_3322, %get3A_3323, %get3A_3324] {strides = array<i32>} : memref<16x8x32xf32, #tpu.memory_space<vmem>>, vector<16xf32>,
      %get3A_3326 = arith.constant 5 : i32
      %get3A_3327 = arith.index_cast %get3A_3326 : i32 to index
      %get3A_3328 = arith.index_cast %and3A_3309 : i32 to index
      %get3A_3329 = arith.constant 16 : index
      %get3A_3330 = tpu.vector_load %arg12[%get3A_3327, %get3A_3328, %get3A_3329] {strides = array<i32>} : memref<16x8x32xf32, #tpu.memory_space<vmem>>, vector<16xf32>,
      %mul3A_3331 = arith.mulf %get3A_3325, %get3A_3330 : vector<16xf32>
      %add3A_3332 = arith.addf %mul3A_3320, %mul3A_3331 : vector<16xf32>
      %eq3A_3333 = arith.constant 5 : i32
      %eq3A_3334 = vector.broadcast %eq3A_3333 : i32 to vector<16xi32>
      %eq3A_3335 = arith.cmpi eq, %iota3A, %eq3A_3334 : vector<16xi32>
      %reduce_sum3A_3336 = arith.constant true
      %reduce_sum3A_3337 = vector.broadcast %reduce_sum3A_3336 : i1 to vector<16xi1>
      %reduce_sum3A_3338 = tpu.scan <sum>, %add3A_3332 masked %reduce_sum3A_3337 : vector<16xf32>, vector<16xi1> -> vector<16xf32>
      %reduce_sum3A_3339 = vector.extract %reduce_sum3A_3338[15] : f32 from vector<16xf32>
      %broadcast_in_dim3A_3340 = vector.broadcast %reduce_sum3A_3339 : f32 to vector<16xf32>
      %select_n3A_3341 = arith.select %eq3A_3335, %broadcast_in_dim3A_3340, %select_n3A_3301 : vector<16xi1>, vector<16xf32>
      %slice3A_3342 = vector.extract_strided_slice %get3A_698 {offsets = [6], sizes = [1], strides = [1]} : vector<16xi32> to vector<1xi32>
      %squeeze3A_3343 = vector.extract %slice3A_3342[0] : i32 from vector<1xi32>
      %and3A_3344 = arith.constant 7 : i32
      %and3A_3345 = arith.andi %squeeze3A_3343, %and3A_3344 : i32
      %slice3A_3346 = vector.extract_strided_slice %get3A_700 {offsets = [6], sizes = [1], strides = [1]} : vector<16xi32> to vector<1xi32>
      %squeeze3A_3347 = vector.extract %slice3A_3346[0] : i32 from vector<1xi32>
      %and3A_3348 = arith.constant 7 : i32
      %and3A_3349 = arith.andi %squeeze3A_3347, %and3A_3348 : i32
      %get3A_3350 = arith.constant 6 : i32
      %get3A_3351 = arith.index_cast %get3A_3350 : i32 to index
      %get3A_3352 = arith.index_cast %and3A_3345 : i32 to index
      %get3A_3353 = arith.constant 0 : index
      %get3A_3354 = tpu.vector_load %arg11[%get3A_3351, %get3A_3352, %get3A_3353] {strides = array<i32>} : memref<16x8x32xf32, #tpu.memory_space<vmem>>, vector<16xf32>,
      %get3A_3355 = arith.constant 6 : i32
      %get3A_3356 = arith.index_cast %get3A_3355 : i32 to index
      %get3A_3357 = arith.index_cast %and3A_3349 : i32 to index
      %get3A_3358 = arith.constant 0 : index
      %get3A_3359 = tpu.vector_load %arg12[%get3A_3356, %get3A_3357, %get3A_3358] {strides = array<i32>} : memref<16x8x32xf32, #tpu.memory_space<vmem>>, vector<16xf32>,
      %mul3A_3360 = arith.mulf %get3A_3354, %get3A_3359 : vector<16xf32>
      %get3A_3361 = arith.constant 6 : i32
      %get3A_3362 = arith.index_cast %get3A_3361 : i32 to index
      %get3A_3363 = arith.index_cast %and3A_3345 : i32 to index
      %get3A_3364 = arith.constant 16 : index
      %get3A_3365 = tpu.vector_load %arg11[%get3A_3362, %get3A_3363, %get3A_3364] {strides = array<i32>} : memref<16x8x32xf32, #tpu.memory_space<vmem>>, vector<16xf32>,
      %get3A_3366 = arith.constant 6 : i32
      %get3A_3367 = arith.index_cast %get3A_3366 : i32 to index
      %get3A_3368 = arith.index_cast %and3A_3349 : i32 to index
      %get3A_3369 = arith.constant 16 : index
      %get3A_3370 = tpu.vector_load %arg12[%get3A_3367, %get3A_3368, %get3A_3369] {strides = array<i32>} : memref<16x8x32xf32, #tpu.memory_space<vmem>>, vector<16xf32>,
      %mul3A_3371 = arith.mulf %get3A_3365, %get3A_3370 : vector<16xf32>
      %add3A_3372 = arith.addf %mul3A_3360, %mul3A_3371 : vector<16xf32>
      %eq3A_3373 = arith.constant 6 : i32
      %eq3A_3374 = vector.broadcast %eq3A_3373 : i32 to vector<16xi32>
      %eq3A_3375 = arith.cmpi eq, %iota3A, %eq3A_3374 : vector<16xi32>
      %reduce_sum3A_3376 = arith.constant true
      %reduce_sum3A_3377 = vector.broadcast %reduce_sum3A_3376 : i1 to vector<16xi1>
      %reduce_sum3A_3378 = tpu.scan <sum>, %add3A_3372 masked %reduce_sum3A_3377 : vector<16xf32>, vector<16xi1> -> vector<16xf32>
      %reduce_sum3A_3379 = vector.extract %reduce_sum3A_3378[15] : f32 from vector<16xf32>
      %broadcast_in_dim3A_3380 = vector.broadcast %reduce_sum3A_3379 : f32 to vector<16xf32>
      %select_n3A_3381 = arith.select %eq3A_3375, %broadcast_in_dim3A_3380, %select_n3A_3341 : vector<16xi1>, vector<16xf32>
      %slice3A_3382 = vector.extract_strided_slice %get3A_698 {offsets = [7], sizes = [1], strides = [1]} : vector<16xi32> to vector<1xi32>
      %squeeze3A_3383 = vector.extract %slice3A_3382[0] : i32 from vector<1xi32>
      %and3A_3384 = arith.constant 7 : i32
      %and3A_3385 = arith.andi %squeeze3A_3383, %and3A_3384 : i32
      %slice3A_3386 = vector.extract_strided_slice %get3A_700 {offsets = [7], sizes = [1], strides = [1]} : vector<16xi32> to vector<1xi32>
      %squeeze3A_3387 = vector.extract %slice3A_3386[0] : i32 from vector<1xi32>
      %and3A_3388 = arith.constant 7 : i32
      %and3A_3389 = arith.andi %squeeze3A_3387, %and3A_3388 : i32
      %get3A_3390 = arith.constant 7 : i32
      %get3A_3391 = arith.index_cast %get3A_3390 : i32 to index
      %get3A_3392 = arith.index_cast %and3A_3385 : i32 to index
      %get3A_3393 = arith.constant 0 : index
      %get3A_3394 = tpu.vector_load %arg11[%get3A_3391, %get3A_3392, %get3A_3393] {strides = array<i32>} : memref<16x8x32xf32, #tpu.memory_space<vmem>>, vector<16xf32>,
      %get3A_3395 = arith.constant 7 : i32
      %get3A_3396 = arith.index_cast %get3A_3395 : i32 to index
      %get3A_3397 = arith.index_cast %and3A_3389 : i32 to index
      %get3A_3398 = arith.constant 0 : index
      %get3A_3399 = tpu.vector_load %arg12[%get3A_3396, %get3A_3397, %get3A_3398] {strides = array<i32>} : memref<16x8x32xf32, #tpu.memory_space<vmem>>, vector<16xf32>,
      %mul3A_3400 = arith.mulf %get3A_3394, %get3A_3399 : vector<16xf32>
      %get3A_3401 = arith.constant 7 : i32
      %get3A_3402 = arith.index_cast %get3A_3401 : i32 to index
      %get3A_3403 = arith.index_cast %and3A_3385 : i32 to index
      %get3A_3404 = arith.constant 16 : index
      %get3A_3405 = tpu.vector_load %arg11[%get3A_3402, %get3A_3403, %get3A_3404] {strides = array<i32>} : memref<16x8x32xf32, #tpu.memory_space<vmem>>, vector<16xf32>,
      %get3A_3406 = arith.constant 7 : i32
      %get3A_3407 = arith.index_cast %get3A_3406 : i32 to index
      %get3A_3408 = arith.index_cast %and3A_3389 : i32 to index
      %get3A_3409 = arith.constant 16 : index
      %get3A_3410 = tpu.vector_load %arg12[%get3A_3407, %get3A_3408, %get3A_3409] {strides = array<i32>} : memref<16x8x32xf32, #tpu.memory_space<vmem>>, vector<16xf32>,
      %mul3A_3411 = arith.mulf %get3A_3405, %get3A_3410 : vector<16xf32>
      %add3A_3412 = arith.addf %mul3A_3400, %mul3A_3411 : vector<16xf32>
      %eq3A_3413 = arith.constant 7 : i32
      %eq3A_3414 = vector.broadcast %eq3A_3413 : i32 to vector<16xi32>
      %eq3A_3415 = arith.cmpi eq, %iota3A, %eq3A_3414 : vector<16xi32>
      %reduce_sum3A_3416 = arith.constant true
      %reduce_sum3A_3417 = vector.broadcast %reduce_sum3A_3416 : i1 to vector<16xi1>
      %reduce_sum3A_3418 = tpu.scan <sum>, %add3A_3412 masked %reduce_sum3A_3417 : vector<16xf32>, vector<16xi1> -> vector<16xf32>
      %reduce_sum3A_3419 = vector.extract %reduce_sum3A_3418[15] : f32 from vector<16xf32>
      %broadcast_in_dim3A_3420 = vector.broadcast %reduce_sum3A_3419 : f32 to vector<16xf32>
      %select_n3A_3421 = arith.select %eq3A_3415, %broadcast_in_dim3A_3420, %select_n3A_3381 : vector<16xi1>, vector<16xf32>
      %slice3A_3422 = vector.extract_strided_slice %get3A_698 {offsets = [8], sizes = [1], strides = [1]} : vector<16xi32> to vector<1xi32>
      %squeeze3A_3423 = vector.extract %slice3A_3422[0] : i32 from vector<1xi32>
      %and3A_3424 = arith.constant 7 : i32
      %and3A_3425 = arith.andi %squeeze3A_3423, %and3A_3424 : i32
      %slice3A_3426 = vector.extract_strided_slice %get3A_700 {offsets = [8], sizes = [1], strides = [1]} : vector<16xi32> to vector<1xi32>
      %squeeze3A_3427 = vector.extract %slice3A_3426[0] : i32 from vector<1xi32>
      %and3A_3428 = arith.constant 7 : i32
      %and3A_3429 = arith.andi %squeeze3A_3427, %and3A_3428 : i32
      %get3A_3430 = arith.constant 8 : i32
      %get3A_3431 = arith.index_cast %get3A_3430 : i32 to index
      %get3A_3432 = arith.index_cast %and3A_3425 : i32 to index
      %get3A_3433 = arith.constant 0 : index
      %get3A_3434 = tpu.vector_load %arg11[%get3A_3431, %get3A_3432, %get3A_3433] {strides = array<i32>} : memref<16x8x32xf32, #tpu.memory_space<vmem>>, vector<16xf32>,
      %get3A_3435 = arith.constant 8 : i32
      %get3A_3436 = arith.index_cast %get3A_3435 : i32 to index
      %get3A_3437 = arith.index_cast %and3A_3429 : i32 to index
      %get3A_3438 = arith.constant 0 : index
      %get3A_3439 = tpu.vector_load %arg12[%get3A_3436, %get3A_3437, %get3A_3438] {strides = array<i32>} : memref<16x8x32xf32, #tpu.memory_space<vmem>>, vector<16xf32>,
      %mul3A_3440 = arith.mulf %get3A_3434, %get3A_3439 : vector<16xf32>
      %get3A_3441 = arith.constant 8 : i32
      %get3A_3442 = arith.index_cast %get3A_3441 : i32 to index
      %get3A_3443 = arith.index_cast %and3A_3425 : i32 to index
      %get3A_3444 = arith.constant 16 : index
      %get3A_3445 = tpu.vector_load %arg11[%get3A_3442, %get3A_3443, %get3A_3444] {strides = array<i32>} : memref<16x8x32xf32, #tpu.memory_space<vmem>>, vector<16xf32>,
      %get3A_3446 = arith.constant 8 : i32
      %get3A_3447 = arith.index_cast %get3A_3446 : i32 to index
      %get3A_3448 = arith.index_cast %and3A_3429 : i32 to index
      %get3A_3449 = arith.constant 16 : index
      %get3A_3450 = tpu.vector_load %arg12[%get3A_3447, %get3A_3448, %get3A_3449] {strides = array<i32>} : memref<16x8x32xf32, #tpu.memory_space<vmem>>, vector<16xf32>,
      %mul3A_3451 = arith.mulf %get3A_3445, %get3A_3450 : vector<16xf32>
      %add3A_3452 = arith.addf %mul3A_3440, %mul3A_3451 : vector<16xf32>
      %eq3A_3453 = arith.constant 8 : i32
      %eq3A_3454 = vector.broadcast %eq3A_3453 : i32 to vector<16xi32>
      %eq3A_3455 = arith.cmpi eq, %iota3A, %eq3A_3454 : vector<16xi32>
      %reduce_sum3A_3456 = arith.constant true
      %reduce_sum3A_3457 = vector.broadcast %reduce_sum3A_3456 : i1 to vector<16xi1>
      %reduce_sum3A_3458 = tpu.scan <sum>, %add3A_3452 masked %reduce_sum3A_3457 : vector<16xf32>, vector<16xi1> -> vector<16xf32>
      %reduce_sum3A_3459 = vector.extract %reduce_sum3A_3458[15] : f32 from vector<16xf32>
      %broadcast_in_dim3A_3460 = vector.broadcast %reduce_sum3A_3459 : f32 to vector<16xf32>
      %select_n3A_3461 = arith.select %eq3A_3455, %broadcast_in_dim3A_3460, %select_n3A_3421 : vector<16xi1>, vector<16xf32>
      %slice3A_3462 = vector.extract_strided_slice %get3A_698 {offsets = [9], sizes = [1], strides = [1]} : vector<16xi32> to vector<1xi32>
      %squeeze3A_3463 = vector.extract %slice3A_3462[0] : i32 from vector<1xi32>
      %and3A_3464 = arith.constant 7 : i32
      %and3A_3465 = arith.andi %squeeze3A_3463, %and3A_3464 : i32
      %slice3A_3466 = vector.extract_strided_slice %get3A_700 {offsets = [9], sizes = [1], strides = [1]} : vector<16xi32> to vector<1xi32>
      %squeeze3A_3467 = vector.extract %slice3A_3466[0] : i32 from vector<1xi32>
      %and3A_3468 = arith.constant 7 : i32
      %and3A_3469 = arith.andi %squeeze3A_3467, %and3A_3468 : i32
      %get3A_3470 = arith.constant 9 : i32
      %get3A_3471 = arith.index_cast %get3A_3470 : i32 to index
      %get3A_3472 = arith.index_cast %and3A_3465 : i32 to index
      %get3A_3473 = arith.constant 0 : index
      %get3A_3474 = tpu.vector_load %arg11[%get3A_3471, %get3A_3472, %get3A_3473] {strides = array<i32>} : memref<16x8x32xf32, #tpu.memory_space<vmem>>, vector<16xf32>,
      %get3A_3475 = arith.constant 9 : i32
      %get3A_3476 = arith.index_cast %get3A_3475 : i32 to index
      %get3A_3477 = arith.index_cast %and3A_3469 : i32 to index
      %get3A_3478 = arith.constant 0 : index
      %get3A_3479 = tpu.vector_load %arg12[%get3A_3476, %get3A_3477, %get3A_3478] {strides = array<i32>} : memref<16x8x32xf32, #tpu.memory_space<vmem>>, vector<16xf32>,
      %mul3A_3480 = arith.mulf %get3A_3474, %get3A_3479 : vector<16xf32>
      %get3A_3481 = arith.constant 9 : i32
      %get3A_3482 = arith.index_cast %get3A_3481 : i32 to index
      %get3A_3483 = arith.index_cast %and3A_3465 : i32 to index
      %get3A_3484 = arith.constant 16 : index
      %get3A_3485 = tpu.vector_load %arg11[%get3A_3482, %get3A_3483, %get3A_3484] {strides = array<i32>} : memref<16x8x32xf32, #tpu.memory_space<vmem>>, vector<16xf32>,
      %get3A_3486 = arith.constant 9 : i32
      %get3A_3487 = arith.index_cast %get3A_3486 : i32 to index
      %get3A_3488 = arith.index_cast %and3A_3469 : i32 to index
      %get3A_3489 = arith.constant 16 : index
      %get3A_3490 = tpu.vector_load %arg12[%get3A_3487, %get3A_3488, %get3A_3489] {strides = array<i32>} : memref<16x8x32xf32, #tpu.memory_space<vmem>>, vector<16xf32>,
      %mul3A_3491 = arith.mulf %get3A_3485, %get3A_3490 : vector<16xf32>
      %add3A_3492 = arith.addf %mul3A_3480, %mul3A_3491 : vector<16xf32>
      %eq3A_3493 = arith.constant 9 : i32
      %eq3A_3494 = vector.broadcast %eq3A_3493 : i32 to vector<16xi32>
      %eq3A_3495 = arith.cmpi eq, %iota3A, %eq3A_3494 : vector<16xi32>
      %reduce_sum3A_3496 = arith.constant true
      %reduce_sum3A_3497 = vector.broadcast %reduce_sum3A_3496 : i1 to vector<16xi1>
      %reduce_sum3A_3498 = tpu.scan <sum>, %add3A_3492 masked %reduce_sum3A_3497 : vector<16xf32>, vector<16xi1> -> vector<16xf32>
      %reduce_sum3A_3499 = vector.extract %reduce_sum3A_3498[15] : f32 from vector<16xf32>
      %broadcast_in_dim3A_3500 = vector.broadcast %reduce_sum3A_3499 : f32 to vector<16xf32>
      %select_n3A_3501 = arith.select %eq3A_3495, %broadcast_in_dim3A_3500, %select_n3A_3461 : vector<16xi1>, vector<16xf32>
      %slice3A_3502 = vector.extract_strided_slice %get3A_698 {offsets = [10], sizes = [1], strides = [1]} : vector<16xi32> to vector<1xi32>
      %squeeze3A_3503 = vector.extract %slice3A_3502[0] : i32 from vector<1xi32>
      %and3A_3504 = arith.constant 7 : i32
      %and3A_3505 = arith.andi %squeeze3A_3503, %and3A_3504 : i32
      %slice3A_3506 = vector.extract_strided_slice %get3A_700 {offsets = [10], sizes = [1], strides = [1]} : vector<16xi32> to vector<1xi32>
      %squeeze3A_3507 = vector.extract %slice3A_3506[0] : i32 from vector<1xi32>
      %and3A_3508 = arith.constant 7 : i32
      %and3A_3509 = arith.andi %squeeze3A_3507, %and3A_3508 : i32
      %get3A_3510 = arith.constant 10 : i32
      %get3A_3511 = arith.index_cast %get3A_3510 : i32 to index
      %get3A_3512 = arith.index_cast %and3A_3505 : i32 to index
      %get3A_3513 = arith.constant 0 : index
      %get3A_3514 = tpu.vector_load %arg11[%get3A_3511, %get3A_3512, %get3A_3513] {strides = array<i32>} : memref<16x8x32xf32, #tpu.memory_space<vmem>>, vector<16xf32>,
      %get3A_3515 = arith.constant 10 : i32
      %get3A_3516 = arith.index_cast %get3A_3515 : i32 to index
      %get3A_3517 = arith.index_cast %and3A_3509 : i32 to index
      %get3A_3518 = arith.constant 0 : index
      %get3A_3519 = tpu.vector_load %arg12[%get3A_3516, %get3A_3517, %get3A_3518] {strides = array<i32>} : memref<16x8x32xf32, #tpu.memory_space<vmem>>, vector<16xf32>,
      %mul3A_3520 = arith.mulf %get3A_3514, %get3A_3519 : vector<16xf32>
      %get3A_3521 = arith.constant 10 : i32
      %get3A_3522 = arith.index_cast %get3A_3521 : i32 to index
      %get3A_3523 = arith.index_cast %and3A_3505 : i32 to index
      %get3A_3524 = arith.constant 16 : index
      %get3A_3525 = tpu.vector_load %arg11[%get3A_3522, %get3A_3523, %get3A_3524] {strides = array<i32>} : memref<16x8x32xf32, #tpu.memory_space<vmem>>, vector<16xf32>,
      %get3A_3526 = arith.constant 10 : i32
      %get3A_3527 = arith.index_cast %get3A_3526 : i32 to index
      %get3A_3528 = arith.index_cast %and3A_3509 : i32 to index
      %get3A_3529 = arith.constant 16 : index
      %get3A_3530 = tpu.vector_load %arg12[%get3A_3527, %get3A_3528, %get3A_3529] {strides = array<i32>} : memref<16x8x32xf32, #tpu.memory_space<vmem>>, vector<16xf32>,
      %mul3A_3531 = arith.mulf %get3A_3525, %get3A_3530 : vector<16xf32>
      %add3A_3532 = arith.addf %mul3A_3520, %mul3A_3531 : vector<16xf32>
      %eq3A_3533 = arith.constant 10 : i32
      %eq3A_3534 = vector.broadcast %eq3A_3533 : i32 to vector<16xi32>
      %eq3A_3535 = arith.cmpi eq, %iota3A, %eq3A_3534 : vector<16xi32>
      %reduce_sum3A_3536 = arith.constant true
      %reduce_sum3A_3537 = vector.broadcast %reduce_sum3A_3536 : i1 to vector<16xi1>
      %reduce_sum3A_3538 = tpu.scan <sum>, %add3A_3532 masked %reduce_sum3A_3537 : vector<16xf32>, vector<16xi1> -> vector<16xf32>
      %reduce_sum3A_3539 = vector.extract %reduce_sum3A_3538[15] : f32 from vector<16xf32>
      %broadcast_in_dim3A_3540 = vector.broadcast %reduce_sum3A_3539 : f32 to vector<16xf32>
      %select_n3A_3541 = arith.select %eq3A_3535, %broadcast_in_dim3A_3540, %select_n3A_3501 : vector<16xi1>, vector<16xf32>
      %slice3A_3542 = vector.extract_strided_slice %get3A_698 {offsets = [11], sizes = [1], strides = [1]} : vector<16xi32> to vector<1xi32>
      %squeeze3A_3543 = vector.extract %slice3A_3542[0] : i32 from vector<1xi32>
      %and3A_3544 = arith.constant 7 : i32
      %and3A_3545 = arith.andi %squeeze3A_3543, %and3A_3544 : i32
      %slice3A_3546 = vector.extract_strided_slice %get3A_700 {offsets = [11], sizes = [1], strides = [1]} : vector<16xi32> to vector<1xi32>
      %squeeze3A_3547 = vector.extract %slice3A_3546[0] : i32 from vector<1xi32>
      %and3A_3548 = arith.constant 7 : i32
      %and3A_3549 = arith.andi %squeeze3A_3547, %and3A_3548 : i32
      %get3A_3550 = arith.constant 11 : i32
      %get3A_3551 = arith.index_cast %get3A_3550 : i32 to index
      %get3A_3552 = arith.index_cast %and3A_3545 : i32 to index
      %get3A_3553 = arith.constant 0 : index
      %get3A_3554 = tpu.vector_load %arg11[%get3A_3551, %get3A_3552, %get3A_3553] {strides = array<i32>} : memref<16x8x32xf32, #tpu.memory_space<vmem>>, vector<16xf32>,
      %get3A_3555 = arith.constant 11 : i32
      %get3A_3556 = arith.index_cast %get3A_3555 : i32 to index
      %get3A_3557 = arith.index_cast %and3A_3549 : i32 to index
      %get3A_3558 = arith.constant 0 : index
      %get3A_3559 = tpu.vector_load %arg12[%get3A_3556, %get3A_3557, %get3A_3558] {strides = array<i32>} : memref<16x8x32xf32, #tpu.memory_space<vmem>>, vector<16xf32>,
      %mul3A_3560 = arith.mulf %get3A_3554, %get3A_3559 : vector<16xf32>
      %get3A_3561 = arith.constant 11 : i32
      %get3A_3562 = arith.index_cast %get3A_3561 : i32 to index
      %get3A_3563 = arith.index_cast %and3A_3545 : i32 to index
      %get3A_3564 = arith.constant 16 : index
      %get3A_3565 = tpu.vector_load %arg11[%get3A_3562, %get3A_3563, %get3A_3564] {strides = array<i32>} : memref<16x8x32xf32, #tpu.memory_space<vmem>>, vector<16xf32>,
      %get3A_3566 = arith.constant 11 : i32
      %get3A_3567 = arith.index_cast %get3A_3566 : i32 to index
      %get3A_3568 = arith.index_cast %and3A_3549 : i32 to index
      %get3A_3569 = arith.constant 16 : index
      %get3A_3570 = tpu.vector_load %arg12[%get3A_3567, %get3A_3568, %get3A_3569] {strides = array<i32>} : memref<16x8x32xf32, #tpu.memory_space<vmem>>, vector<16xf32>,
      %mul3A_3571 = arith.mulf %get3A_3565, %get3A_3570 : vector<16xf32>
      %add3A_3572 = arith.addf %mul3A_3560, %mul3A_3571 : vector<16xf32>
      %eq3A_3573 = arith.constant 11 : i32
      %eq3A_3574 = vector.broadcast %eq3A_3573 : i32 to vector<16xi32>
      %eq3A_3575 = arith.cmpi eq, %iota3A, %eq3A_3574 : vector<16xi32>
      %reduce_sum3A_3576 = arith.constant true
      %reduce_sum3A_3577 = vector.broadcast %reduce_sum3A_3576 : i1 to vector<16xi1>
      %reduce_sum3A_3578 = tpu.scan <sum>, %add3A_3572 masked %reduce_sum3A_3577 : vector<16xf32>, vector<16xi1> -> vector<16xf32>
      %reduce_sum3A_3579 = vector.extract %reduce_sum3A_3578[15] : f32 from vector<16xf32>
      %broadcast_in_dim3A_3580 = vector.broadcast %reduce_sum3A_3579 : f32 to vector<16xf32>
      %select_n3A_3581 = arith.select %eq3A_3575, %broadcast_in_dim3A_3580, %select_n3A_3541 : vector<16xi1>, vector<16xf32>
      %slice3A_3582 = vector.extract_strided_slice %get3A_698 {offsets = [12], sizes = [1], strides = [1]} : vector<16xi32> to vector<1xi32>
      %squeeze3A_3583 = vector.extract %slice3A_3582[0] : i32 from vector<1xi32>
      %and3A_3584 = arith.constant 7 : i32
      %and3A_3585 = arith.andi %squeeze3A_3583, %and3A_3584 : i32
      %slice3A_3586 = vector.extract_strided_slice %get3A_700 {offsets = [12], sizes = [1], strides = [1]} : vector<16xi32> to vector<1xi32>
      %squeeze3A_3587 = vector.extract %slice3A_3586[0] : i32 from vector<1xi32>
      %and3A_3588 = arith.constant 7 : i32
      %and3A_3589 = arith.andi %squeeze3A_3587, %and3A_3588 : i32
      %get3A_3590 = arith.constant 12 : i32
      %get3A_3591 = arith.index_cast %get3A_3590 : i32 to index
      %get3A_3592 = arith.index_cast %and3A_3585 : i32 to index
      %get3A_3593 = arith.constant 0 : index
      %get3A_3594 = tpu.vector_load %arg11[%get3A_3591, %get3A_3592, %get3A_3593] {strides = array<i32>} : memref<16x8x32xf32, #tpu.memory_space<vmem>>, vector<16xf32>,
      %get3A_3595 = arith.constant 12 : i32
      %get3A_3596 = arith.index_cast %get3A_3595 : i32 to index
      %get3A_3597 = arith.index_cast %and3A_3589 : i32 to index
      %get3A_3598 = arith.constant 0 : index
      %get3A_3599 = tpu.vector_load %arg12[%get3A_3596, %get3A_3597, %get3A_3598] {strides = array<i32>} : memref<16x8x32xf32, #tpu.memory_space<vmem>>, vector<16xf32>,
      %mul3A_3600 = arith.mulf %get3A_3594, %get3A_3599 : vector<16xf32>
      %get3A_3601 = arith.constant 12 : i32
      %get3A_3602 = arith.index_cast %get3A_3601 : i32 to index
      %get3A_3603 = arith.index_cast %and3A_3585 : i32 to index
      %get3A_3604 = arith.constant 16 : index
      %get3A_3605 = tpu.vector_load %arg11[%get3A_3602, %get3A_3603, %get3A_3604] {strides = array<i32>} : memref<16x8x32xf32, #tpu.memory_space<vmem>>, vector<16xf32>,
      %get3A_3606 = arith.constant 12 : i32
      %get3A_3607 = arith.index_cast %get3A_3606 : i32 to index
      %get3A_3608 = arith.index_cast %and3A_3589 : i32 to index
      %get3A_3609 = arith.constant 16 : index
      %get3A_3610 = tpu.vector_load %arg12[%get3A_3607, %get3A_3608, %get3A_3609] {strides = array<i32>} : memref<16x8x32xf32, #tpu.memory_space<vmem>>, vector<16xf32>,
      %mul3A_3611 = arith.mulf %get3A_3605, %get3A_3610 : vector<16xf32>
      %add3A_3612 = arith.addf %mul3A_3600, %mul3A_3611 : vector<16xf32>
      %eq3A_3613 = arith.constant 12 : i32
      %eq3A_3614 = vector.broadcast %eq3A_3613 : i32 to vector<16xi32>
      %eq3A_3615 = arith.cmpi eq, %iota3A, %eq3A_3614 : vector<16xi32>
      %reduce_sum3A_3616 = arith.constant true
      %reduce_sum3A_3617 = vector.broadcast %reduce_sum3A_3616 : i1 to vector<16xi1>
      %reduce_sum3A_3618 = tpu.scan <sum>, %add3A_3612 masked %reduce_sum3A_3617 : vector<16xf32>, vector<16xi1> -> vector<16xf32>
      %reduce_sum3A_3619 = vector.extract %reduce_sum3A_3618[15] : f32 from vector<16xf32>
      %broadcast_in_dim3A_3620 = vector.broadcast %reduce_sum3A_3619 : f32 to vector<16xf32>
      %select_n3A_3621 = arith.select %eq3A_3615, %broadcast_in_dim3A_3620, %select_n3A_3581 : vector<16xi1>, vector<16xf32>
      %slice3A_3622 = vector.extract_strided_slice %get3A_698 {offsets = [13], sizes = [1], strides = [1]} : vector<16xi32> to vector<1xi32>
      %squeeze3A_3623 = vector.extract %slice3A_3622[0] : i32 from vector<1xi32>
      %and3A_3624 = arith.constant 7 : i32
      %and3A_3625 = arith.andi %squeeze3A_3623, %and3A_3624 : i32
      %slice3A_3626 = vector.extract_strided_slice %get3A_700 {offsets = [13], sizes = [1], strides = [1]} : vector<16xi32> to vector<1xi32>
      %squeeze3A_3627 = vector.extract %slice3A_3626[0] : i32 from vector<1xi32>
      %and3A_3628 = arith.constant 7 : i32
      %and3A_3629 = arith.andi %squeeze3A_3627, %and3A_3628 : i32
      %get3A_3630 = arith.constant 13 : i32
      %get3A_3631 = arith.index_cast %get3A_3630 : i32 to index
      %get3A_3632 = arith.index_cast %and3A_3625 : i32 to index
      %get3A_3633 = arith.constant 0 : index
      %get3A_3634 = tpu.vector_load %arg11[%get3A_3631, %get3A_3632, %get3A_3633] {strides = array<i32>} : memref<16x8x32xf32, #tpu.memory_space<vmem>>, vector<16xf32>,
      %get3A_3635 = arith.constant 13 : i32
      %get3A_3636 = arith.index_cast %get3A_3635 : i32 to index
      %get3A_3637 = arith.index_cast %and3A_3629 : i32 to index
      %get3A_3638 = arith.constant 0 : index
      %get3A_3639 = tpu.vector_load %arg12[%get3A_3636, %get3A_3637, %get3A_3638] {strides = array<i32>} : memref<16x8x32xf32, #tpu.memory_space<vmem>>, vector<16xf32>,
      %mul3A_3640 = arith.mulf %get3A_3634, %get3A_3639 : vector<16xf32>
      %get3A_3641 = arith.constant 13 : i32
      %get3A_3642 = arith.index_cast %get3A_3641 : i32 to index
      %get3A_3643 = arith.index_cast %and3A_3625 : i32 to index
      %get3A_3644 = arith.constant 16 : index
      %get3A_3645 = tpu.vector_load %arg11[%get3A_3642, %get3A_3643, %get3A_3644] {strides = array<i32>} : memref<16x8x32xf32, #tpu.memory_space<vmem>>, vector<16xf32>,
      %get3A_3646 = arith.constant 13 : i32
      %get3A_3647 = arith.index_cast %get3A_3646 : i32 to index
      %get3A_3648 = arith.index_cast %and3A_3629 : i32 to index
      %get3A_3649 = arith.constant 16 : index
      %get3A_3650 = tpu.vector_load %arg12[%get3A_3647, %get3A_3648, %get3A_3649] {strides = array<i32>} : memref<16x8x32xf32, #tpu.memory_space<vmem>>, vector<16xf32>,
      %mul3A_3651 = arith.mulf %get3A_3645, %get3A_3650 : vector<16xf32>
      %add3A_3652 = arith.addf %mul3A_3640, %mul3A_3651 : vector<16xf32>
      %eq3A_3653 = arith.constant 13 : i32
      %eq3A_3654 = vector.broadcast %eq3A_3653 : i32 to vector<16xi32>
      %eq3A_3655 = arith.cmpi eq, %iota3A, %eq3A_3654 : vector<16xi32>
      %reduce_sum3A_3656 = arith.constant true
      %reduce_sum3A_3657 = vector.broadcast %reduce_sum3A_3656 : i1 to vector<16xi1>
      %reduce_sum3A_3658 = tpu.scan <sum>, %add3A_3652 masked %reduce_sum3A_3657 : vector<16xf32>, vector<16xi1> -> vector<16xf32>
      %reduce_sum3A_3659 = vector.extract %reduce_sum3A_3658[15] : f32 from vector<16xf32>
      %broadcast_in_dim3A_3660 = vector.broadcast %reduce_sum3A_3659 : f32 to vector<16xf32>
      %select_n3A_3661 = arith.select %eq3A_3655, %broadcast_in_dim3A_3660, %select_n3A_3621 : vector<16xi1>, vector<16xf32>
      %slice3A_3662 = vector.extract_strided_slice %get3A_698 {offsets = [14], sizes = [1], strides = [1]} : vector<16xi32> to vector<1xi32>
      %squeeze3A_3663 = vector.extract %slice3A_3662[0] : i32 from vector<1xi32>
      %and3A_3664 = arith.constant 7 : i32
      %and3A_3665 = arith.andi %squeeze3A_3663, %and3A_3664 : i32
      %slice3A_3666 = vector.extract_strided_slice %get3A_700 {offsets = [14], sizes = [1], strides = [1]} : vector<16xi32> to vector<1xi32>
      %squeeze3A_3667 = vector.extract %slice3A_3666[0] : i32 from vector<1xi32>
      %and3A_3668 = arith.constant 7 : i32
      %and3A_3669 = arith.andi %squeeze3A_3667, %and3A_3668 : i32
      %get3A_3670 = arith.constant 14 : i32
      %get3A_3671 = arith.index_cast %get3A_3670 : i32 to index
      %get3A_3672 = arith.index_cast %and3A_3665 : i32 to index
      %get3A_3673 = arith.constant 0 : index
      %get3A_3674 = tpu.vector_load %arg11[%get3A_3671, %get3A_3672, %get3A_3673] {strides = array<i32>} : memref<16x8x32xf32, #tpu.memory_space<vmem>>, vector<16xf32>,
      %get3A_3675 = arith.constant 14 : i32
      %get3A_3676 = arith.index_cast %get3A_3675 : i32 to index
      %get3A_3677 = arith.index_cast %and3A_3669 : i32 to index
      %get3A_3678 = arith.constant 0 : index
      %get3A_3679 = tpu.vector_load %arg12[%get3A_3676, %get3A_3677, %get3A_3678] {strides = array<i32>} : memref<16x8x32xf32, #tpu.memory_space<vmem>>, vector<16xf32>,
      %mul3A_3680 = arith.mulf %get3A_3674, %get3A_3679 : vector<16xf32>
      %get3A_3681 = arith.constant 14 : i32
      %get3A_3682 = arith.index_cast %get3A_3681 : i32 to index
      %get3A_3683 = arith.index_cast %and3A_3665 : i32 to index
      %get3A_3684 = arith.constant 16 : index
      %get3A_3685 = tpu.vector_load %arg11[%get3A_3682, %get3A_3683, %get3A_3684] {strides = array<i32>} : memref<16x8x32xf32, #tpu.memory_space<vmem>>, vector<16xf32>,
      %get3A_3686 = arith.constant 14 : i32
      %get3A_3687 = arith.index_cast %get3A_3686 : i32 to index
      %get3A_3688 = arith.index_cast %and3A_3669 : i32 to index
      %get3A_3689 = arith.constant 16 : index
      %get3A_3690 = tpu.vector_load %arg12[%get3A_3687, %get3A_3688, %get3A_3689] {strides = array<i32>} : memref<16x8x32xf32, #tpu.memory_space<vmem>>, vector<16xf32>,
      %mul3A_3691 = arith.mulf %get3A_3685, %get3A_3690 : vector<16xf32>
      %add3A_3692 = arith.addf %mul3A_3680, %mul3A_3691 : vector<16xf32>
      %eq3A_3693 = arith.constant 14 : i32
      %eq3A_3694 = vector.broadcast %eq3A_3693 : i32 to vector<16xi32>
      %eq3A_3695 = arith.cmpi eq, %iota3A, %eq3A_3694 : vector<16xi32>
      %reduce_sum3A_3696 = arith.constant true
      %reduce_sum3A_3697 = vector.broadcast %reduce_sum3A_3696 : i1 to vector<16xi1>
      %reduce_sum3A_3698 = tpu.scan <sum>, %add3A_3692 masked %reduce_sum3A_3697 : vector<16xf32>, vector<16xi1> -> vector<16xf32>
      %reduce_sum3A_3699 = vector.extract %reduce_sum3A_3698[15] : f32 from vector<16xf32>
      %broadcast_in_dim3A_3700 = vector.broadcast %reduce_sum3A_3699 : f32 to vector<16xf32>
      %select_n3A_3701 = arith.select %eq3A_3695, %broadcast_in_dim3A_3700, %select_n3A_3661 : vector<16xi1>, vector<16xf32>
      %slice3A_3702 = vector.extract_strided_slice %get3A_698 {offsets = [15], sizes = [1], strides = [1]} : vector<16xi32> to vector<1xi32>
      %squeeze3A_3703 = vector.extract %slice3A_3702[0] : i32 from vector<1xi32>
      %and3A_3704 = arith.constant 7 : i32
      %and3A_3705 = arith.andi %squeeze3A_3703, %and3A_3704 : i32
      %slice3A_3706 = vector.extract_strided_slice %get3A_700 {offsets = [15], sizes = [1], strides = [1]} : vector<16xi32> to vector<1xi32>
      %squeeze3A_3707 = vector.extract %slice3A_3706[0] : i32 from vector<1xi32>
      %and3A_3708 = arith.constant 7 : i32
      %and3A_3709 = arith.andi %squeeze3A_3707, %and3A_3708 : i32
      %get3A_3710 = arith.constant 15 : i32
      %get3A_3711 = arith.index_cast %get3A_3710 : i32 to index
      %get3A_3712 = arith.index_cast %and3A_3705 : i32 to index
      %get3A_3713 = arith.constant 0 : index
      %get3A_3714 = tpu.vector_load %arg11[%get3A_3711, %get3A_3712, %get3A_3713] {strides = array<i32>} : memref<16x8x32xf32, #tpu.memory_space<vmem>>, vector<16xf32>,
      %get3A_3715 = arith.constant 15 : i32
      %get3A_3716 = arith.index_cast %get3A_3715 : i32 to index
      %get3A_3717 = arith.index_cast %and3A_3709 : i32 to index
      %get3A_3718 = arith.constant 0 : index
      %get3A_3719 = tpu.vector_load %arg12[%get3A_3716, %get3A_3717, %get3A_3718] {strides = array<i32>} : memref<16x8x32xf32, #tpu.memory_space<vmem>>, vector<16xf32>,
      %mul3A_3720 = arith.mulf %get3A_3714, %get3A_3719 : vector<16xf32>
      %get3A_3721 = arith.constant 15 : i32
      %get3A_3722 = arith.index_cast %get3A_3721 : i32 to index
      %get3A_3723 = arith.index_cast %and3A_3705 : i32 to index
      %get3A_3724 = arith.constant 16 : index
      %get3A_3725 = tpu.vector_load %arg11[%get3A_3722, %get3A_3723, %get3A_3724] {strides = array<i32>} : memref<16x8x32xf32, #tpu.memory_space<vmem>>, vector<16xf32>,
      %get3A_3726 = arith.constant 15 : i32
      %get3A_3727 = arith.index_cast %get3A_3726 : i32 to index
      %get3A_3728 = arith.index_cast %and3A_3709 : i32 to index
      %get3A_3729 = arith.constant 16 : index
      %get3A_3730 = tpu.vector_load %arg12[%get3A_3727, %get3A_3728, %get3A_3729] {strides = array<i32>} : memref<16x8x32xf32, #tpu.memory_space<vmem>>, vector<16xf32>,
      %mul3A_3731 = arith.mulf %get3A_3725, %get3A_3730 : vector<16xf32>
      %add3A_3732 = arith.addf %mul3A_3720, %mul3A_3731 : vector<16xf32>
      %eq3A_3733 = arith.constant 15 : i32
      %eq3A_3734 = vector.broadcast %eq3A_3733 : i32 to vector<16xi32>
      %eq3A_3735 = arith.cmpi eq, %iota3A, %eq3A_3734 : vector<16xi32>
      %reduce_sum3A_3736 = arith.constant true
      %reduce_sum3A_3737 = vector.broadcast %reduce_sum3A_3736 : i1 to vector<16xi1>
      %reduce_sum3A_3738 = tpu.scan <sum>, %add3A_3732 masked %reduce_sum3A_3737 : vector<16xf32>, vector<16xi1> -> vector<16xf32>
      %reduce_sum3A_3739 = vector.extract %reduce_sum3A_3738[15] : f32 from vector<16xf32>
      %broadcast_in_dim3A_3740 = vector.broadcast %reduce_sum3A_3739 : f32 to vector<16xf32>
      %select_n3A_3741 = arith.select %eq3A_3735, %broadcast_in_dim3A_3740, %select_n3A_3701 : vector<16xi1>, vector<16xf32>
      %add3A_3742 = arith.constant 0 : i32
      %add3A_3743 = arith.addi %multiple_of3A_694, %add3A_3742 : i32
      %swap3A_3744 = arith.index_cast %add3A_3743 : i32 to index
      %swap3A_3745 = tpu.vector_load %arg13[%swap3A_3744] {strides = array<i32>} : memref<512xf32, #tpu.memory_space<vmem>>, vector<16xf32>,
      tpu.vector_store %arg13[%swap3A_3744], %select_n3A_3741 {strides = array<i32>} : memref<512xf32, #tpu.memory_space<vmem>>, vector<16xf32>,
    }
    %scan3A_7 = arith.constant 16 : i32
    "tpu.region"() ({
      %run_scoped3A = tpu.sem_alloc : memref<!tpu.dma_semaphore, #tpu.memory_space<semaphore_mem>>
      %dma_start3A = tpu.memref_slice %arg6[%mul3A_2] : memref<16384xf32, #tpu.memory_space<hbm>> -> memref<512xf32, #tpu.memory_space<hbm>>
      %dma_start3A_8 = tpu.memref_slice %arg6[%mul3A_2] : memref<16384xf32, #tpu.memory_space<hbm>> -> memref<512xf32, #tpu.memory_space<hbm>>
      tpu.enqueue_dma source(%arg13 : memref<512xf32, #tpu.memory_space<vmem>>) target(%dma_start3A_8 : memref<512xf32, #tpu.memory_space<hbm>>) target_semaphore(%run_scoped3A : memref<!tpu.dma_semaphore, #tpu.memory_space<semaphore_mem>>)
      %dma_wait3A = tpu.memref_slice %arg6[%mul3A_2] : memref<16384xf32, #tpu.memory_space<hbm>> -> memref<512xf32, #tpu.memory_space<hbm>>
      %dma_wait3A_9 = tpu.memref_slice %arg6[%mul3A_2] : memref<16384xf32, #tpu.memory_space<hbm>> -> memref<512xf32, #tpu.memory_space<hbm>>
      tpu.wait_dma2 semaphore(%run_scoped3A : memref<!tpu.dma_semaphore, #tpu.memory_space<semaphore_mem>>) src(%arg13 : memref<512xf32, #tpu.memory_space<vmem>>) dst(%dma_wait3A_9 : memref<512xf32, #tpu.memory_space<hbm>>)
      tpu.yield
    }) : () -> ()
    return
  }
}

</mosaic_0001>

<sc_bundles>
// kernel: kernel.3.cloned.1.call-start
scs
__scs_entry_jumppad:
0x0: {  	(pc) =	sbr.rel $0x88, $3  }
0x1: {  	(tag) =	ssettag $0x0;
	lr =	simm.s32 $0x1  }
0x2: {  	[smem:$0x3F9D] =	sst lr;
	_ =	strace $0xD0000000  }
0x3: {  	_ = 	snop  }
0x4: {  	_ = 	snop  }
0x5: {  	_ = 	snop  }
0x6: {  	_ = 	snop  }
0x7: {  	_ = 	snop  }
__scs_overlays_trampoline_lowered:
0x8: {  	[smem:$0x3FAC] =	sst s0  }
0x9: {  	[smem:$0x3FAD] =	sst s1  }
0xa: {  	[smem:$0x3FAE] =	sst s2  }
0xb: {  	[smem:$0x3FAF] =	sst s3  }
0xc: {  	[smem:$0x3FB0] =	sst s4  }
0xd: {  	[smem:$0x3FB1] =	sst s5  }
0xe: {  	[smem:$0x3FB2] =	sst s6  }
0xf: {  	[smem:$0x3FB3] =	sst s7  }
0x10: {  	[smem:$0x3FB4] =	sst s8  }
0x11: {  	[smem:$0x3FB5] =	sst s9;
	s0 =	simm.s32 @!p0 $0x0  }
0x12: {  	s1 =	sld [smem:$0x3F9B];
	s0 =	simm.s32 @p0 $0x1  }
0x13: {  	[smem:$0x3FB6] =	sst s0;
	s0 =	simm.s32 @!p1 $0x0  }
0x14: {  	s2 =	sld [smem:$0x3F9A];
	s0 =	simm.s32 @p1 $0x1  }
0x15: {  	[smem:$0x3FB7] =	sst s0;
	s0 =	simm.s32 @!p2 $0x0  }
0x16: {  	s3 =	sld [smem:$0x3FDB];
	s0 =	simm.s32 @p2 $0x1  }
0x17: {  	s4 =	simm.s32 $0x1BF5;
	[smem:$0x3FB9] =	sst s0  }
0x18: {  	s0 =	sld [smem:$0x3F9C];
	_ =	swait.ge [sflag:s4], $0x0  }
0x19: {  	s7 =	sld [smem:$0x3F9D]  }
0x1a: {  	s8 =	sadd.s32 $0xFFFFE003, lr  }
0x1b: {  	s9 =	sadd.s32 $0xFFFFFEF7, lr;
	s5 =	simm.s32 $0xFFFFFFFF;
	p2 =	slt.u32 s8, $0xFFFFF086  }
0x1c: {  	p1 =	slt.u32 s9, $0xF7A;
	s5 =	simm.s32 @!p2 $0x0  }
0x1d: {  	s5 =	simm.s32 @p1 $0x1;
	p0 =	seq.s32 s7, s2  }
0x1e: {  	s7 =	smul.u32 @!p0 $0xF7A, s2;
	p2 =	seq.s32 @!p0 s5, $0x0  }
0x1f: {  	s9 =	smul.u32 $0xF7A, s1;
	s8 =	simm.s32 @!p0 $0x1BF5;
	p2 =	por !p2, p0  }
0x20: {  	[sflag:s8] =	ssyncset.s32 @!p0 $0xFFFFF086;
	s6 =	sadd.s32 @!p0 s3, s7;
	s7 =	simm.s32 @!p0 $0x108  }
0x21: {  	s3 =	sadd.s32 s3, s9;
	s6 =	sadd.s32 @!p0 $0x88, s6;
	s7 =	simm.s32 @p2 $0x1082  }
0x22: {  	[simem:s7], [sflag:s8] =	dma.local @!p0 [hbm:s6], $0xF7A  }
0x23: {  	s9 =	sor.u32 $0xD0000000, s2;
	s6 =	simm.s32 $0x108;
	_ =	swait.ge @!p0 [sflag:s8], $0x0  }
0x24: {  	s3 =	sadd.s32 $0x88, s3;
	s6 =	simm.s32 @!p1 $0x1082;
	[sflag:s4] =	ssyncset.s32 $0xFFFFF086  }
0x25: {  	[simem:s6], [sflag:s4] =	dma.local [hbm:s3], $0xF7A  }
0x26: {  	[smem:$0x3F9D] =	sst s1;
	(tag) =	ssettag s2;
	_ =	strace s9  }
0x27: {  	s1 =	sld [smem:$0x3FAD]  }
0x28: {  	s2 =	sld [smem:$0x3FAE]  }
0x29: {  	s4 =	sld [smem:$0x3FB0]  }
0x2a: {  	p0 =	seq.s32 s5, $0x0;
	s5 =	sld [smem:$0x3FB1]  }
0x2b: {  	s6 =	sld [smem:$0x3FB2]  }
0x2c: {  	s7 =	sld [smem:$0x3FB3]  }
0x2d: {  	s3 =	simm.s32 $0x108;
	s8 =	sld [smem:$0x3FB4]  }
0x2e: {  	s3 =	simm.s32 @!p0 $0x1082;
	s9 =	sld [smem:$0x3FB5]  }
0x2f: {  	lr =	sadd.s32 s0, s3;
	s0 =	sld [smem:$0x3FAC]  }
0x30: {  	s3 =	sld [smem:$0x3FAF]  }
0x31: {  	[smem:$0x3FB8] =	sst s10  }
0x32: {  	s10 =	sld [smem:$0x3FB6];
	_ =	sdelay $0x3  }
0x33: {  	p0 =	seq.s32 s10, $0x1;
	s10 =	sld [smem:$0x3FB8];
	_ =	sdelay $0x3  }
0x34: {  	[smem:$0x3FB8] =	sst s10  }
0x35: {  	s10 =	sld [smem:$0x3FB7];
	_ =	sdelay $0x3  }
0x36: {  	p1 =	seq.s32 s10, $0x1;
	s10 =	sld [smem:$0x3FB8];
	_ =	sdelay $0x3  }
0x37: {  	[smem:$0x3FB8] =	sst s10  }
0x38: {  	s10 =	sld [smem:$0x3FB9]  }
0x39: {  	_ = 	snop;
	(pc) =	sbr.ind lr, $3  }
0x3a: {  	_ = 	snop  }
0x3b: {  	_ = 	snop  }
0x3c: {  	p2 =	seq.s32 s10, $0x1;
	s10 =	sld [smem:$0x3FB8]  }
0x3d: {  	_ =	shalt  }
0x3e: {  	_ =	shalt  }
0x3f: {  	_ =	shalt  }
0x40: {  	_ =	shalt  }
0x41: {  	_ =	shalt  }
0x42: {  	_ =	shalt  }
0x43: {  	_ =	shalt  }
0x44: {  	_ =	shalt  }
0x45: {  	_ =	shalt  }
0x46: {  	_ =	shalt  }
0x47: {  	_ =	shalt  }
0x48: {  	_ =	shalt  }
0x49: {  	_ =	shalt  }
0x4a: {  	_ =	shalt  }
0x4b: {  	_ =	shalt  }
0x4c: {  	_ =	shalt  }
0x4d: {  	_ =	shalt  }
0x4e: {  	_ =	shalt  }
0x4f: {  	_ =	shalt  }
0x50: {  	_ =	shalt  }
0x51: {  	_ =	shalt  }
0x52: {  	_ =	shalt  }
0x53: {  	_ =	shalt  }
0x54: {  	_ =	shalt  }
0x55: {  	_ =	shalt  }
0x56: {  	_ =	shalt  }
0x57: {  	_ =	shalt  }
0x58: {  	_ =	shalt  }
0x59: {  	_ =	shalt  }
0x5a: {  	_ =	shalt  }
0x5b: {  	_ =	shalt  }
0x5c: {  	_ =	shalt  }
0x5d: {  	_ =	shalt  }
0x5e: {  	_ =	shalt  }
0x5f: {  	_ =	shalt  }
0x60: {  	_ =	shalt  }
0x61: {  	_ =	shalt  }
0x62: {  	_ =	shalt  }
0x63: {  	_ =	shalt  }
0x64: {  	_ =	shalt  }
0x65: {  	_ =	shalt  }
0x66: {  	_ =	shalt  }
0x67: {  	_ =	shalt  }
0x68: {  	_ =	shalt  }
0x69: {  	_ =	shalt  }
0x6a: {  	_ =	shalt  }
0x6b: {  	_ =	shalt  }
0x6c: {  	_ =	shalt  }
0x6d: {  	_ =	shalt  }
0x6e: {  	_ =	shalt  }
0x6f: {  	_ =	shalt  }
0x70: {  	_ =	shalt  }
0x71: {  	_ =	shalt  }
0x72: {  	_ =	shalt  }
0x73: {  	_ =	shalt  }
0x74: {  	_ =	shalt  }
0x75: {  	_ =	shalt  }
0x76: {  	_ =	shalt  }
0x77: {  	_ =	shalt  }
0x78: {  	_ =	shalt  }
0x79: {  	_ =	shalt  }
0x7a: {  	_ =	shalt  }
0x7b: {  	_ =	shalt  }
0x7c: {  	_ =	shalt  }
0x7d: {  	_ =	shalt  }
0x7e: {  	_ =	shalt  }
0x7f: {  	_ =	shalt  }
0x80: {  	_ =	shalt  }
0x81: {  	_ =	shalt  }
0x82: {  	_ =	shalt  }
0x83: {  	_ =	shalt  }
0x84: {  	_ =	shalt  }
0x85: {  	_ =	shalt  }
0x86: {  	_ =	shalt  }
0x87: {  	_ =	shalt  }
.Lfunc_end0:
.L_simem_size_0:
called_computation_lowered:
.L_overlay_start_0:
0x88: {  	s2 =	sld [smem:$0x3FD9]  }
0x89: {  	s3 =	sld [smem:$0x3FFE];
	_ =	sdelay $0x1  }
0x8a: {  	s1 =	srdreg.scid  }
0x8b: {  	s0 =	sand.u32 $0x1, s1  }
0x8c: {  	s17 =	sshll.u32 s0, $0xA;
	s2 =	sadd.s32 s3, s2  }
0x8d: {  	s2 =	sadd.s32 s2, s17  }
0x8e: {  	[smem:$0x3FC4] =	sst s2  }
0x8f: {  	_ = 	snop  }
0x90: {  	s2 =	sld [smem:$0x3FC9]  }
0x91: {  	s18 =	sld [smem:$0x3FC8]  }
0x92: {  	s4 =	sld [smem:$0x3FD0];
	(tm) =	ssettm $0x1  }
0x93: {  	s5 =	sld [smem:$0x3FFB];
	_ =	sdelay $0x3  }
0x94: {  	_ =	strace s5  }
0x95: {  	s5 =	sld [smem:$0x3FFC];
	_ =	sdelay $0x3  }
0x96: {  	_ =	strace s5  }
0x97: {  	s5 =	sld [smem:$0x3FFD];
	_ =	sdelay $0x3  }
0x98: {  	_ =	strace s5  }
0x99: {  	_ =	strace $0x8FFFFFFF  }
0x9a: {  	s19 =	sld [smem:$0x3FDB];
	_ =	sdelay $0x1  }
0x9b: {  	s6 =	simm.s32 $_scs_section_size  }
0x9c: {  	s7 =	simm.s32 $_size__tile_overlayer_lowered;
	s8 =	simm.s32 $_tile_overlayer_lowered  }
0x9d: {  	s22 =	simm.s32 $0x1BFF;
	s21 =	sshll.u32 s8, $0x1;
	s5 =	sadd.s32 s6, s19  }
0x9e: {  	s9 =	simm.s32 $0x0;
	s20 =	sshll.u32 s7, $0x1;
	s7 =	sadd.s32 s21, s5  }
0x9f: {  	[timem:s9], [sflag:s22] =	dma.local [hbm:s7], s20  }
0xa0: {  	_ =	swait.ge [sflag:s22], s20  }
0xa1: {  	s6 =	ssub.s32 $0x0, s20;
	[sflag:s22] =	ssyncset.done $0x0  }
0xa2: {  	[sflag:s22] =	ssyncadd.s32 s6;
	_ =	sdelay $0x1  }
0xa3: {  	s23 =	simm.s32 $0x1B8B  }
0xa4: {  	_ =	swait.ge [sflag:s23], $0x1  }
0xa5: {  	[sflag:s23] =	ssyncset.done $0x0  }
0xa6: {  	s25 =	simm.s32 $0x1B8E;
	s24 =	sld [smem:$0x3FFE];
	[sflag:s23] =	ssyncadd.s32 $0xFFFFFFFF  }
0xa7: {  	s26 =	simm.s32 $execute0_lowered;
	[smem:$0x3FD2] =	sst s25  }
0xa8: {  	s7 =	sshll.u32 s26, $0x1;
	_ =	strace $0x80000046;
	[dreg:$0x1] =	wrdreg $0xFFFFFFFF  }
0xa9: {  	s28 =	simm.s32 $_size_execute0_lowered;
	s5 =	sadd.s32 s5, s7;
	[dreg:$0x0] =	wrdreg $0x0  }
0xaa: {  	s7 =	sshll.u32 s28, $0x1;
	[dreg:$0x2] =	wrdreg s5  }
0xab: {  	[dreg:$0x3] =	wrdreg s7  }
0xac: {  	[dreg:$0x4] =	wrdreg $0xC0  }
0xad: {  	_ =	task [dreg:s9], $0x5FFFF  }
0xae: {  	[dreg:$0x1] =	wrdreg $0xFFFFFFFF  }
0xaf: {  	[dreg:$0x0] =	wrdreg $0x60  }
0xb0: {  	[dreg:$0x2] =	wrdreg s2  }
0xb1: {  	[dreg:$0x3] =	wrdreg s18  }
0xb2: {  	[dreg:$0x4] =	wrdreg s24  }
0xb3: {  	[dreg:$0x5] =	wrdreg s4  }
0xb4: {  	[dreg:$0x6] =	wrdreg $0x9  }
0xb5: {  	_ =	task.clear_ibuf [dreg:s9], $0x7FFFF;
	_ =	strace $0x90000046  }
0xb6: {  	s29 =	simm.s32 $0x9;
	_ =	strace $0x80000048  }
0xb7: {  	_ =	swait.ge [sflag:s29], $0x1  }
0xb8: {  	[sflag:s29] =	ssyncadd.s32 $0xFFFFFFFF  }
0xb9: {  	_ =	strace $0x90000048  }
0xba: {  	_ =	sfence  }
0xbb: {  	s30 =	sld [smem:$0x0];
	_ =	sdelay $0x2  }
0xbc: {  	s31 =	sshll.u32 s1, $0xD;
	s1 =	sshrl.u32 s1, $0x2  }
0xbd: {  	s3 =	sand.u32 $0x4000, s31;
	s1 =	sadd.s32 s1, s30  }
0xbe: {  	s0 =	sor.u32 s3, s0;
	s1 =	sshll.u32 s1, $0x11  }
0xbf: {  	s0 =	sor.u32 s1, s0  }
0xc0: {  	s0 =	sadd.s32 $0x8F2B, s0  }
0xc1: {  	[sflag:s0] =	ssyncadd.remote.s32 $0x1  }
0xc2: {  	_ =	sfence.sel $0xFFFF  }
0xc3: {  	[dreg:$0x0] =	wrdreg $0xFFFFFFFF;
	(pc) =	sbr.abs _section_cstart, $3  }
0xc4: {  	[dreg:$0x1] =	wrdreg $0xFFFFFFFF  }
0xc5: {  	_ =	task.clear_ibuf [dreg:s9], $0x2FFFF;
	_ =	strace $0x9FFFFFFF  }
0xc6: {  	(tm) =	ssettm $0x7FFFFFFF  }
0xc7: {  	_ =	shalt  }
tec
execute0_lowered:
.L_overlay_start_1:
0x0: {  	(tag) =	ssettag $0x1  }
0x1: {  	s5 =	rddreg [dreg:$0x0]  }
0x2: {  	s4 =	rddreg [dreg:$0x1]  }
0x3: {  	s3 =	rddreg [dreg:$0x2]  }
0x4: {  	s0 =	rddreg [dreg:$0x3];
	s1 =	simm.s32 $0x0  }
0x5: {  	s2 =	simm.s32 $0x400;
	[smem:$0x7FF] =	sst s1  }
0x6: {  	s17 =	simm.s32 $0x4400;
	_ =	strace $0x80000047;
	[dreg:$0x5] =	wrdreg s2  }
0x7: {  	s18 =	simm.s32 $0x800;
	[dreg:$0x6] =	wrdreg s17  }
0x8: {  	s19 =	simm.s32 $0x4800;
	[dreg:$0x7] =	wrdreg s18  }
0x9: {  	s20 =	simm.s32 $0xC00;
	[dreg:$0x8] =	wrdreg s19  }
0xa: {  	s21 =	simm.s32 $0x4C00;
	[dreg:$0x9] =	wrdreg s20  }
0xb: {  	s22 =	simm.s32 $0x1000;
	[dreg:$0xa] =	wrdreg s21  }
0xc: {  	s23 =	simm.s32 $0x5000;
	[dreg:$0xb] =	wrdreg s22  }
0xd: {  	s24 =	simm.s32 $0x1400;
	[dreg:$0xc] =	wrdreg s23  }
0xe: {  	s25 =	simm.s32 $0x5400;
	[dreg:$0xd] =	wrdreg s24  }
0xf: {  	s26 =	simm.s32 $0x1800;
	[dreg:$0xe] =	wrdreg s25  }
0x10: {  	s28 =	simm.s32 $0x5800;
	[dreg:$0xf] =	wrdreg s26  }
0x11: {  	s29 =	simm.s32 $0x1C00;
	[dreg:$0x10] =	wrdreg s28  }
0x12: {  	s30 =	simm.s32 $0x5C00;
	[dreg:$0x11] =	wrdreg s29  }
0x13: {  	s31 =	simm.s32 $0x2000;
	[dreg:$0x12] =	wrdreg s30  }
0x14: {  	s6 =	simm.s32 $0x6000;
	[dreg:$0x13] =	wrdreg s31  }
0x15: {  	s7 =	simm.s32 $0x2400;
	[dreg:$0x14] =	wrdreg s6  }
0x16: {  	s8 =	simm.s32 $0x6400;
	[dreg:$0x15] =	wrdreg s7  }
0x17: {  	s9 =	simm.s32 $0x2800;
	[dreg:$0x16] =	wrdreg s8  }
0x18: {  	s10 =	simm.s32 $0x6800;
	[dreg:$0x17] =	wrdreg s9  }
0x19: {  	s11 =	simm.s32 $0x2C00;
	[dreg:$0x18] =	wrdreg s10  }
0x1a: {  	s12 =	simm.s32 $0x6C00;
	[dreg:$0x19] =	wrdreg s11  }
0x1b: {  	s13 =	simm.s32 $0x3000;
	[dreg:$0x1a] =	wrdreg s12  }
0x1c: {  	s14 =	simm.s32 $0x7000;
	[dreg:$0x1b] =	wrdreg s13  }
0x1d: {  	s15 =	simm.s32 $0x3400;
	[dreg:$0x1c] =	wrdreg s14  }
0x1e: {  	s16 =	simm.s32 $0x7400;
	[dreg:$0x1d] =	wrdreg s15  }
0x1f: {  	[dreg:$0x1e] =	wrdreg s16;
	s17 =	simm.s32 $0x3800  }
0x20: {  	s18 =	simm.s32 $0x7800;
	[dreg:$0x1f] =	wrdreg s17  }
0x21: {  	s19 =	simm.s32 $0x3C00;
	[smem:$0x7D5] =	sst s18  }
0x22: {  	s20 =	simm.s32 $0x7C00;
	[smem:$0x7D6] =	sst s19  }
0x23: {  	s21 =	simm.s32 $0x4000;
	[smem:$0x7D7] =	sst s20  }
0x24: {  	s22 =	simm.s32 $0x8000;
	[smem:$0x7D8] =	sst s21  }
0x25: {  	s23 =	simm.s32 $0x8400;
	[smem:$0x7D9] =	sst s22  }
0x26: {  	s24 =	simm.s32 $0xC400;
	[smem:$0x7DA] =	sst s23  }
0x27: {  	s25 =	simm.s32 $0x8800;
	[smem:$0x7DB] =	sst s24  }
0x28: {  	s26 =	simm.s32 $0xC800;
	[smem:$0x7DC] =	sst s25  }
0x29: {  	s28 =	simm.s32 $0x8C00;
	[smem:$0x7DD] =	sst s26  }
0x2a: {  	s29 =	simm.s32 $0xCC00;
	[smem:$0x7DE] =	sst s28  }
0x2b: {  	s30 =	simm.s32 $0x9000;
	[smem:$0x7DF] =	sst s29  }
0x2c: {  	s31 =	simm.s32 $0xD000;
	[smem:$0x7E0] =	sst s30  }
0x2d: {  	s6 =	simm.s32 $0x9400;
	[smem:$0x7E1] =	sst s31  }
0x2e: {  	s7 =	simm.s32 $0xD400;
	[smem:$0x7E2] =	sst s6  }
0x2f: {  	s8 =	simm.s32 $0x9800;
	[smem:$0x7E3] =	sst s7  }
0x30: {  	s9 =	simm.s32 $0xD800;
	[smem:$0x7E4] =	sst s8  }
0x31: {  	s10 =	simm.s32 $0x9C00;
	[smem:$0x7E5] =	sst s9  }
0x32: {  	s11 =	simm.s32 $0xDC00;
	[smem:$0x7E6] =	sst s10  }
0x33: {  	s12 =	simm.s32 $0xA000;
	[smem:$0x7E7] =	sst s11  }
0x34: {  	s13 =	simm.s32 $0xA400;
	[smem:$0x7E8] =	sst s12  }
0x35: {  	s14 =	simm.s32 $0xE400;
	[smem:$0x7EA] =	sst s13  }
0x36: {  	s15 =	simm.s32 $0xA800;
	[smem:$0x7EB] =	sst s14  }
0x37: {  	s16 =	simm.s32 $0xE800;
	[smem:$0x7EC] =	sst s15  }
0x38: {  	s6 =	simm.s32 $0xE000;
	[smem:$0x7ED] =	sst s16  }
0x39: {  	s17 =	simm.s32 $0xAC00;
	[smem:$0x7E9] =	sst s6  }
0x3a: {  	s18 =	simm.s32 $0xEC00;
	[smem:$0x7EE] =	sst s17  }
0x3b: {  	s19 =	simm.s32 $0xB000;
	[smem:$0x7EF] =	sst s18  }
0x3c: {  	s2 =	sadd.s32 $0x400, s3;
	s20 =	simm.s32 $0xF000;
	[smem:$0x7F0] =	sst s19  }
0x3d: {  	s3 =	sadd.s32 $0xF42800, s3;
	s22 =	simm.s32 $0xB400;
	[smem:$0x7F1] =	sst s20  }
0x3e: {  	s7 =	srdreg.scid;
	s23 =	simm.s32 $0xF400;
	[smem:$0x7F2] =	sst s22  }
0x3f: {  	s10 =	stileid.u32;
	s24 =	simm.s32 $0xB800;
	[smem:$0x7F3] =	sst s23  }
0x40: {  	s25 =	simm.s32 $0xF800;
	s26 =	simm.s32 $0xBC00;
	[smem:$0x7F5] =	sst s24  }
0x41: {  	s28 =	simm.s32 $0xFC00;
	s30 =	simm.s32 $0xC000;
	[smem:$0x7F7] =	sst s25  }
0x42: {  	s7 =	sand.u32 $0x1, s7;
	s21 =	sshll.u32 s10, $0x7;
	[smem:$0x7F9] =	sst s26  }
0x43: {  	[smem:$0x7FB] =	sst s28;
	s8 =	ssub.s32 $0x2, s7;
	s7 =	sshll.u32 s7, $0x6  }
0x44: {  	s31 =	simm.s32 $0x10000;
	[smem:$0x7FC] =	sst s30;
	s7 =	sor.u32 s7, s21  }
0x45: {  	vm0 =	vmmov $0x1;
	vm1 =	vmmov $0x3;
	vm2 =	vmmov $0x7;
	s11 =	simm.s32 $0x1;
	[smem:$0x7FD] =	sst s31;
	s5 =	sadd.s32 s5, s7  }
0x46: {  	vm3 =	vmmov $0xf;
	vm4 =	vmmov $0x1f;
	vm5 =	vmmov $0x3f;
	s9 =	sshrl.u32 s8, $0x1;
	s4 =	sadd.s32 s4, s7;
	[smem:$0x7F4] =	sst s5  }
0x47: {  	vm6 =	vmmov $0x7f;
	vm7 =	vmmov $0xff;
	vm8 =	vmmov $0x1ff;
	s8 =	ssub.s32 s8, s9;
	s0 =	sadd.s32 s0, s7;
	[smem:$0x7F6] =	sst s4  }
0x48: {  	vm9 =	vmmov $0x3ff;
	vm10 =	vmmov $0x7ff;
	vm11 =	vmmov $0xfff;
	s12 =	simm.s32 $0x2;
	[smem:$0x7F8] =	sst s0;
	s29 =	smax.u32 s8, $0x1  }
0x49: {  	vm12 =	vmmov $0x1fff;
	vm13 =	vmmov $0x3fff;
	vm14 =	vmmov $0x7fff;
	s4 =	simm.s32 $0x3;
	s5 =	simm.s32 $0x0;
	[smem:$0x7FA] =	sst s29  }
.LBB2_1:
0x4a: {  	s0 =	sld [smem:$0x7F4];
	_ =	sdelay $0x1  }
0x4b: {  	[smem:$0x7D4] =	sst s5  }
0x4c: {  	[tilespmem:s1], [sflag:$0x3] =	stream.linear.gather [hbm4b:s0+s1], $0x200, $0x38;
	[tilespmem:$0x10600] =	vst v63  }
0x4d: {  	_ =	swait.ge [sflag:s4], $0x200  }
0x4e: {  	s29 =	sld [smem:$0x7F6]  }
0x4f: {  	[sflag:s4] =	ssyncset.done $0x0  }
0x50: {  	s30 =	simm.s32 $0x200;
	[sflag:s4] =	ssyncadd.s32 $0xFFFFFE00  }
0x51: {  	[tilespmem:s30], [sflag:$0x3] =	stream.linear.gather [hbm4b:s29+s1], $0x200, $0x38;
	[tilespmem:$0x10600] =	vst v63  }
0x52: {  	_ =	swait.ge [sflag:s4], $0x200  }
0x53: {  	[sflag:s4] =	ssyncset.done $0x0  }
0x54: {  	s31 =	simm.s32 $0x0;
	[sflag:s4] =	ssyncadd.s32 $0xFFFFFE00  }
.LBB2_2:
0x55: {  	s16 =	sshra.s32 s31, $0x2  }
0x56: {  	v1 =	vld [tilespmem:s16+$0x0];
	_ =	sdelay $0x2  }
0x57: {  	v0 =	vld [tilespmem:s16+$0x200];
	_ =	sdelay $0x1  }
0x58: {  	(v2sf) =	vpush v1, $0x0;
	_ =	sdelay $0x2  }
0x59: {  	(v2sf) =	vpush v0, $0x0;
	_ =	sdelay $0x3  }
0x5a: {  	(v2sf) =	vpush v1, $0x1;
	_ =	sdelay $0x1  }
0x5b: {  	(v2sf) =	vpush v0, $0x1;
	_ =	sdelay $0x5  }
0x5c: {  	s0 =	spop (v2sf);
	(v2sf) =	vpush v1, $0x2;
	_ =	sdelay $0x2  }
0x5d: {  	s5 =	spop (v2sf);
	(v2sf) =	vpush v0, $0x2;
	_ =	sdelay $0x3  }
0x5e: {  	[smem:$0x7AA] =	sst s0;
	s0 =	sshll.u32 s0, $0x4;
	s28 =	spop (v2sf);
	(v2sf) =	vpush v1, $0x3  }
0x5f: {  	s4 =	rddreg [dreg:$0x5];
	s0 =	sand.u32 $0xFFFFF80, s0  }
0x60: {  	s25 =	sshll.u32 s5, $0x4;
	s0 =	sadd.s32 s2, s0;
	s30 =	spop (v2sf)  }
0x61: {  	(v2sf) =	vpush v0, $0x3;
	[tilespmem:s4], [sflag:$0x1] =	stream.linear.gather [hbm4b:s0+s1], $0x400, $0x38;
	[tilespmem:$0x10600] =	vst v63  }
0x62: {  	s0 =	sand.u32 $0xFFFFF80, s25  }
0x63: {  	s26 =	rddreg [dreg:$0x6];
	s0 =	sadd.s32 s3, s0  }
0x64: {  	[tilespmem:s26], [sflag:$0x2] =	stream.linear.gather [hbm4b:s0+s1], $0x400, $0x38;
	[tilespmem:$0x10600] =	vst v63  }
0x65: {  	s0 =	sshll.u32 s28, $0x4  }
0x66: {  	s0 =	sand.u32 $0xFFFFF80, s0;
	s8 =	spop (v2sf);
	(v2sf) =	vpush v1, $0x4  }
0x67: {  	s29 =	rddreg [dreg:$0x7];
	s6 =	sshll.u32 s30, $0x4;
	s0 =	sadd.s32 s2, s0  }
0x68: {  	[tilespmem:s29], [sflag:$0x1] =	stream.linear.gather [hbm4b:s0+s1], $0x400, $0x38;
	[tilespmem:$0x10600] =	vst v63  }
0x69: {  	s0 =	sand.u32 $0xFFFFF80, s6;
	s10 =	spop (v2sf);
	(v2sf) =	vpush v0, $0x4  }
0x6a: {  	s7 =	rddreg [dreg:$0x8];
	s0 =	sadd.s32 s3, s0  }
0x6b: {  	[tilespmem:s7], [sflag:$0x2] =	stream.linear.gather [hbm4b:s0+s1], $0x400, $0x38;
	[tilespmem:$0x10600] =	vst v63  }
0x6c: {  	s0 =	sshll.u32 s8, $0x4  }
0x6d: {  	s0 =	sand.u32 $0xFFFFF80, s0;
	s15 =	spop (v2sf);
	(v2sf) =	vpush v1, $0x5  }
0x6e: {  	s9 =	rddreg [dreg:$0x9];
	s13 =	sshll.u32 s10, $0x4;
	s0 =	sadd.s32 s2, s0  }
0x6f: {  	[tilespmem:s9], [sflag:$0x1] =	stream.linear.gather [hbm4b:s0+s1], $0x400, $0x38;
	[tilespmem:$0x10600] =	vst v63  }
0x70: {  	s18 =	spop (v2sf);
	(v2sf) =	vpush v0, $0x5;
	s0 =	sand.u32 $0xFFFFF80, s13  }
0x71: {  	s14 =	rddreg [dreg:$0xa];
	s0 =	sadd.s32 s3, s0  }
0x72: {  	[tilespmem:s14], [sflag:$0x2] =	stream.linear.gather [hbm4b:s0+s1], $0x400, $0x38;
	[tilespmem:$0x10600] =	vst v63  }
0x73: {  	s0 =	sshll.u32 s15, $0x4  }
0x74: {  	s17 =	rddreg [dreg:$0xb];
	s0 =	sand.u32 $0xFFFFF80, s0  }
0x75: {  	s19 =	sshll.u32 s18, $0x4;
	s0 =	sadd.s32 s2, s0;
	s21 =	spop (v2sf);
	(v2sf) =	vpush v1, $0x6  }
0x76: {  	[tilespmem:s17], [sflag:$0x1] =	stream.linear.gather [hbm4b:s0+s1], $0x400, $0x38;
	[tilespmem:$0x10600] =	vst v63  }
0x77: {  	s20 =	rddreg [dreg:$0xc];
	s0 =	sand.u32 $0xFFFFF80, s19  }
0x78: {  	s22 =	rddreg [dreg:$0xd];
	s0 =	sadd.s32 s3, s0;
	s23 =	spop (v2sf);
	(v2sf) =	vpush v0, $0x6  }
0x79: {  	[tilespmem:s20], [sflag:$0x2] =	stream.linear.gather [hbm4b:s0+s1], $0x400, $0x38;
	[tilespmem:$0x10600] =	vst v63  }
0x7a: {  	[smem:$0x7AB] =	sst s5;
	s0 =	sshll.u32 s21, $0x4  }
0x7b: {  	[smem:$0x7AD] =	sst s30;
	s0 =	sand.u32 $0xFFFFF80, s0  }
0x7c: {  	s24 =	sshll.u32 s23, $0x4;
	s30 =	spop (v2sf);
	s0 =	sadd.s32 s2, s0  }
0x7d: {  	(v2sf) =	vpush v1, $0x7;
	[tilespmem:s22], [sflag:$0x1] =	stream.linear.gather [hbm4b:s0+s1], $0x400, $0x38;
	[tilespmem:$0x10600] =	vst v63  }
0x7e: {  	s25 =	rddreg [dreg:$0xe];
	s0 =	sand.u32 $0xFFFFF80, s24  }
0x7f: {  	s26 =	sshll.u32 s30, $0x4;
	s29 =	spop (v2sf);
	s0 =	sadd.s32 s3, s0  }
0x80: {  	(v2sf) =	vpush v0, $0x7;
	[tilespmem:s25], [sflag:$0x2] =	stream.linear.gather [hbm4b:s0+s1], $0x400, $0x38;
	[tilespmem:$0x10600] =	vst v63  }
0x81: {  	[smem:$0x7AC] =	sst s28;
	s0 =	sand.u32 $0xFFFFF80, s26  }
0x82: {  	s28 =	rddreg [dreg:$0xf];
	s5 =	sshll.u32 s29, $0x4;
	s0 =	sadd.s32 s2, s0  }
0x83: {  	[tilespmem:s28], [sflag:$0x1] =	stream.linear.gather [hbm4b:s0+s1], $0x400, $0x38;
	[tilespmem:$0x10600] =	vst v63  }
0x84: {  	s0 =	sand.u32 $0xFFFFF80, s5;
	s28 =	spop (v2sf);
	(v2sf) =	vpush v1, $0x8  }
0x85: {  	s6 =	rddreg [dreg:$0x10];
	s0 =	sadd.s32 s3, s0  }
0x86: {  	[tilespmem:s6], [sflag:$0x2] =	stream.linear.gather [hbm4b:s0+s1], $0x400, $0x38;
	[tilespmem:$0x10600] =	vst v63  }
0x87: {  	s26 =	spop (v2sf);
	(v2sf) =	vpush v0, $0x8  }
0x88: {  	s7 =	sshll.u32 s28, $0x4  }
0x89: {  	[smem:$0x7AE] =	sst s8;
	s0 =	sand.u32 $0xFFFFF80, s7  }
0x8a: {  	s8 =	rddreg [dreg:$0x11];
	s9 =	sshll.u32 s26, $0x4;
	s0 =	sadd.s32 s2, s0  }
0x8b: {  	[tilespmem:s8], [sflag:$0x1] =	stream.linear.gather [hbm4b:s0+s1], $0x400, $0x38;
	[tilespmem:$0x10600] =	vst v63  }
0x8c: {  	[smem:$0x7AF] =	sst s10;
	s25 =	spop (v2sf);
	s0 =	sand.u32 $0xFFFFF80, s9  }
0x8d: {  	s10 =	rddreg [dreg:$0x12];
	(v2sf) =	vpush v1, $0x9;
	s13 =	sshll.u32 s25, $0x4;
	s0 =	sadd.s32 s3, s0  }
0x8e: {  	[tilespmem:s10], [sflag:$0x2] =	stream.linear.gather [hbm4b:s0+s1], $0x400, $0x38;
	[tilespmem:$0x10600] =	vst v63  }
0x8f: {  	[smem:$0x7B0] =	sst s15;
	s24 =	spop (v2sf);
	(v2sf) =	vpush v0, $0x9;
	s0 =	sand.u32 $0xFFFFF80, s13  }
0x90: {  	s14 =	rddreg [dreg:$0x13];
	s15 =	sshll.u32 s24, $0x4;
	s0 =	sadd.s32 s2, s0  }
0x91: {  	[tilespmem:s14], [sflag:$0x1] =	stream.linear.gather [hbm4b:s0+s1], $0x400, $0x38;
	[tilespmem:$0x10600] =	vst v63  }
0x92: {  	s17 =	rddreg [dreg:$0x14];
	s0 =	sand.u32 $0xFFFFF80, s15  }
0x93: {  	[smem:$0x7B3] =	sst s23;
	s0 =	sadd.s32 s3, s0;
	s23 =	spop (v2sf);
	(v2sf) =	vpush v1, $0xA  }
0x94: {  	[tilespmem:s17], [sflag:$0x2] =	stream.linear.gather [hbm4b:s0+s1], $0x400, $0x38;
	[tilespmem:$0x10600] =	vst v63  }
0x95: {  	[smem:$0x7B1] =	sst s18;
	s18 =	sshll.u32 s23, $0x4  }
0x96: {  	s22 =	spop (v2sf);
	(v2sf) =	vpush v0, $0xA;
	s0 =	sand.u32 $0xFFFFF80, s18  }
0x97: {  	s19 =	rddreg [dreg:$0x15];
	s20 =	sshll.u32 s22, $0x4;
	s0 =	sadd.s32 s2, s0  }
0x98: {  	[tilespmem:s19], [sflag:$0x1] =	stream.linear.gather [hbm4b:s0+s1], $0x400, $0x38;
	[tilespmem:$0x10600] =	vst v63  }
0x99: {  	[smem:$0x7B2] =	sst s21;
	s0 =	sand.u32 $0xFFFFF80, s20  }
0x9a: {  	s21 =	rddreg [dreg:$0x16];
	s0 =	sadd.s32 s3, s0  }
0x9b: {  	[tilespmem:s21], [sflag:$0x2] =	stream.linear.gather [hbm4b:s0+s1], $0x400, $0x38;
	[tilespmem:$0x10600] =	vst v63  }
0x9c: {  	s21 =	spop (v2sf);
	(v2sf) =	vpush v1, $0xB  }
0x9d: {  	s5 =	sshll.u32 s21, $0x4  }
0x9e: {  	s20 =	spop (v2sf);
	s0 =	sand.u32 $0xFFFFF80, s5  }
0x9f: {  	s6 =	rddreg [dreg:$0x17];
	(v2sf) =	vpush v0, $0xB;
	s7 =	sshll.u32 s20, $0x4;
	s0 =	sadd.s32 s2, s0  }
0xa0: {  	[tilespmem:s6], [sflag:$0x1] =	stream.linear.gather [hbm4b:s0+s1], $0x400, $0x38;
	[tilespmem:$0x10600] =	vst v63  }
0xa1: {  	s0 =	sand.u32 $0xFFFFF80, s7  }
0xa2: {  	s8 =	rddreg [dreg:$0x18];
	s0 =	sadd.s32 s3, s0;
	s17 =	spop (v2sf);
	(v2sf) =	vpush v1, $0xC  }
0xa3: {  	[tilespmem:s8], [sflag:$0x2] =	stream.linear.gather [hbm4b:s0+s1], $0x400, $0x38;
	[tilespmem:$0x10600] =	vst v63  }
0xa4: {  	s9 =	sshll.u32 s17, $0x4  }
0xa5: {  	s19 =	spop (v2sf);
	s0 =	sand.u32 $0xFFFFF80, s9  }
0xa6: {  	s10 =	rddreg [dreg:$0x19];
	s13 =	sshll.u32 s19, $0x4;
	s0 =	sadd.s32 s2, s0  }
0xa7: {  	[tilespmem:s10], [sflag:$0x1] =	stream.linear.gather [hbm4b:s0+s1], $0x400, $0x38;
	[tilespmem:$0x10600] =	vst v63  }
0xa8: {  	s0 =	sand.u32 $0xFFFFF80, s13  }
0xa9: {  	s14 =	rddreg [dreg:$0x1a];
	(v2sf) =	vpush v0, $0xC;
	s0 =	sadd.s32 s3, s0  }
0xaa: {  	[tilespmem:s14], [sflag:$0x2] =	stream.linear.gather [hbm4b:s0+s1], $0x400, $0x38;
	[tilespmem:$0x10600] =	vst v63  }
0xab: {  	s14 =	spop (v2sf);
	(v2sf) =	vpush v1, $0xD;
	_ =	sdelay $0x1  }
0xac: {  	s15 =	sshll.u32 s14, $0x4  }
0xad: {  	s10 =	spop (v2sf);
	s0 =	sand.u32 $0xFFFFF80, s15  }
0xae: {  	s18 =	rddreg [dreg:$0x1b];
	s4 =	sshll.u32 s10, $0x4;
	s0 =	sadd.s32 s2, s0  }
0xaf: {  	[tilespmem:s18], [sflag:$0x1] =	stream.linear.gather [hbm4b:s0+s1], $0x400, $0x38;
	[tilespmem:$0x10600] =	vst v63  }
0xb0: {  	s0 =	sand.u32 $0xFFFFF80, s4;
	s8 =	spop (v2sf);
	(v2sf) =	vpush v0, $0xD  }
0xb1: {  	s5 =	rddreg [dreg:$0x1c];
	s0 =	sadd.s32 s3, s0  }
0xb2: {  	[tilespmem:s5], [sflag:$0x2] =	stream.linear.gather [hbm4b:s0+s1], $0x400, $0x38;
	[tilespmem:$0x10600] =	vst v63  }
0xb3: {  	s6 =	sshll.u32 s8, $0x4  }
0xb4: {  	s0 =	sand.u32 $0xFFFFF80, s6  }
0xb5: {  	s7 =	rddreg [dreg:$0x1d];
	(v2sf) =	vpush v1, $0xE;
	s0 =	sadd.s32 s2, s0  }
0xb6: {  	[tilespmem:s7], [sflag:$0x1] =	stream.linear.gather [hbm4b:s0+s1], $0x400, $0x38;
	[tilespmem:$0x10600] =	vst v63  }
0xb7: {  	s7 =	spop (v2sf)  }
0xb8: {  	s9 =	sshll.u32 s7, $0x4  }
0xb9: {  	s0 =	sand.u32 $0xFFFFF80, s9;
	s4 =	spop (v2sf)  }
0xba: {  	s13 =	rddreg [dreg:$0x1e];
	(v2sf) =	vpush v0, $0xE;
	s0 =	sadd.s32 s3, s0;
	s15 =	sshll.u32 s4, $0x4  }
0xbb: {  	[tilespmem:s13], [sflag:$0x2] =	stream.linear.gather [hbm4b:s0+s1], $0x400, $0x38;
	[tilespmem:$0x10600] =	vst v63  }
0xbc: {  	s5 =	sand.u32 $0xFFFFF80, s15  }
0xbd: {  	s6 =	rddreg [dreg:$0x1f];
	s5 =	sadd.s32 s2, s5  }
0xbe: {  	[tilespmem:s6], [sflag:$0x1] =	stream.linear.gather [hbm4b:s5+s1], $0x400, $0x38;
	[tilespmem:$0x10600] =	vst v63  }
0xbf: {  	(v2sf) =	vpush v1, $0xF;
	s5 =	spop (v2sf)  }
0xc0: {  	s9 =	sld [smem:$0x7D5];
	s18 =	sshll.u32 s5, $0x4  }
0xc1: {  	s6 =	sand.u32 $0xFFFFF80, s18  }
0xc2: {  	s6 =	sadd.s32 s3, s6  }
0xc3: {  	[tilespmem:s9], [sflag:$0x2] =	stream.linear.gather [hbm4b:s6+s1], $0x400, $0x38;
	[tilespmem:$0x10600] =	vst v63  }
0xc4: {  	(v2sf) =	vpush v0, $0xF;
	s6 =	spop (v2sf)  }
0xc5: {  	s13 =	sld [smem:$0x7D6];
	s0 =	sshll.u32 s6, $0x4  }
0xc6: {  	s9 =	sand.u32 $0xFFFFF80, s0  }
0xc7: {  	s9 =	sadd.s32 s2, s9  }
0xc8: {  	[tilespmem:s13], [sflag:$0x1] =	stream.linear.gather [hbm4b:s9+s1], $0x400, $0x38;
	[tilespmem:$0x10600] =	vst v63  }
0xc9: {  	s9 =	spop (v2sf)  }
0xca: {  	s18 =	sld [smem:$0x7D7];
	s15 =	sshll.u32 s9, $0x4  }
0xcb: {  	s13 =	sand.u32 $0xFFFFF80, s15  }
0xcc: {  	s13 =	sadd.s32 s3, s13  }
0xcd: {  	[tilespmem:s18], [sflag:$0x2] =	stream.linear.gather [hbm4b:s13+s1], $0x400, $0x38;
	[tilespmem:$0x10600] =	vst v63  }
0xce: {  	s13 =	spop (v2sf)  }
0xcf: {  	s15 =	sld [smem:$0x7D8];
	s0 =	sshll.u32 s13, $0x4  }
0xd0: {  	s18 =	sand.u32 $0xFFFFF80, s0  }
0xd1: {  	s18 =	sadd.s32 s2, s18  }
0xd2: {  	[tilespmem:s15], [sflag:$0x1] =	stream.linear.gather [hbm4b:s18+s1], $0x400, $0x38;
	[tilespmem:$0x10600] =	vst v63  }
0xd3: {  	s18 =	spop (v2sf)  }
0xd4: {  	s15 =	sld [smem:$0x7D9];
	s0 =	sshll.u32 s18, $0x4  }
0xd5: {  	s0 =	sand.u32 $0xFFFFF80, s0  }
0xd6: {  	s0 =	sadd.s32 s3, s0  }
0xd7: {  	[tilespmem:s15], [sflag:$0x2] =	stream.linear.gather [hbm4b:s0+s1], $0x400, $0x38;
	[tilespmem:$0x10600] =	vst v63  }
0xd8: {  	v57 =	vld [tilespmem:s16+$0x10];
	_ =	sdelay $0x4  }
0xd9: {  	(v2sf) =	vpush v57, $0x0  }
0xda: {  	v58 =	vld [tilespmem:s16+$0x210];
	_ =	sdelay $0x4  }
0xdb: {  	(v2sf) =	vpush v58, $0x0;
	_ =	sdelay $0x5  }
0xdc: {  	(v2sf) =	vpush v57, $0x1;
	_ =	sdelay $0x2  }
0xdd: {  	s15 =	spop (v2sf)  }
0xde: {  	[smem:$0x7B4] =	sst s15  }
0xdf: {  	s0 =	sshll.u32 s15, $0x4;
	s15 =	sld [smem:$0x7DA]  }
0xe0: {  	(v2sf) =	vpush v58, $0x1;
	s0 =	sand.u32 $0xFFFFF80, s0  }
0xe1: {  	s0 =	sadd.s32 s2, s0  }
0xe2: {  	[tilespmem:s15], [sflag:$0x1] =	stream.linear.gather [hbm4b:s0+s1], $0x400, $0x38;
	[tilespmem:$0x10600] =	vst v63  }
0xe3: {  	s15 =	spop (v2sf)  }
0xe4: {  	[smem:$0x7B5] =	sst s15  }
0xe5: {  	s0 =	sshll.u32 s15, $0x4;
	s15 =	sld [smem:$0x7DB]  }
0xe6: {  	(v2sf) =	vpush v57, $0x2;
	s0 =	sand.u32 $0xFFFFF80, s0  }
0xe7: {  	s0 =	sadd.s32 s3, s0  }
0xe8: {  	[tilespmem:s15], [sflag:$0x2] =	stream.linear.gather [hbm4b:s0+s1], $0x400, $0x38;
	[tilespmem:$0x10600] =	vst v63  }
0xe9: {  	s15 =	spop (v2sf)  }
0xea: {  	[smem:$0x7B6] =	sst s15  }
0xeb: {  	s0 =	sshll.u32 s15, $0x4;
	s15 =	sld [smem:$0x7DC]  }
0xec: {  	(v2sf) =	vpush v58, $0x2;
	s0 =	sand.u32 $0xFFFFF80, s0  }
0xed: {  	s0 =	sadd.s32 s2, s0  }
0xee: {  	[tilespmem:s15], [sflag:$0x1] =	stream.linear.gather [hbm4b:s0+s1], $0x400, $0x38;
	[tilespmem:$0x10600] =	vst v63  }
0xef: {  	s15 =	spop (v2sf)  }
0xf0: {  	[smem:$0x7B7] =	sst s15  }
0xf1: {  	s0 =	sshll.u32 s15, $0x4;
	s15 =	sld [smem:$0x7DD]  }
0xf2: {  	(v2sf) =	vpush v57, $0x3;
	s0 =	sand.u32 $0xFFFFF80, s0  }
0xf3: {  	s0 =	sadd.s32 s3, s0  }
0xf4: {  	(v2sf) =	vpush v58, $0x3;
	[tilespmem:s15], [sflag:$0x2] =	stream.linear.gather [hbm4b:s0+s1], $0x400, $0x38;
	[tilespmem:$0x10600] =	vst v63  }
0xf5: {  	s0 =	spop (v2sf)  }
0xf6: {  	[smem:$0x7B8] =	sst s0  }
0xf7: {  	s0 =	sshll.u32 s0, $0x4;
	s15 =	sld [smem:$0x7DE]  }
0xf8: {  	s0 =	sand.u32 $0xFFFFF80, s0  }
0xf9: {  	s0 =	sadd.s32 s2, s0  }
0xfa: {  	[tilespmem:s15], [sflag:$0x1] =	stream.linear.gather [hbm4b:s0+s1], $0x400, $0x38;
	[tilespmem:$0x10600] =	vst v63  }
0xfb: {  	s15 =	spop (v2sf)  }
0xfc: {  	[smem:$0x7B9] =	sst s15  }
0xfd: {  	s0 =	sshll.u32 s15, $0x4;
	s15 =	sld [smem:$0x7DF]  }
0xfe: {  	(v2sf) =	vpush v57, $0x4;
	s0 =	sand.u32 $0xFFFFF80, s0  }
0xff: {  	s0 =	sadd.s32 s3, s0  }
0x100: {  	[tilespmem:s15], [sflag:$0x2] =	stream.linear.gather [hbm4b:s0+s1], $0x400, $0x38;
	[tilespmem:$0x10600] =	vst v63  }
0x101: {  	s15 =	spop (v2sf)  }
0x102: {  	[smem:$0x7BA] =	sst s15  }
0x103: {  	s0 =	sshll.u32 s15, $0x4;
	s15 =	sld [smem:$0x7E0]  }
0x104: {  	(v2sf) =	vpush v58, $0x4;
	s0 =	sand.u32 $0xFFFFF80, s0  }
0x105: {  	s0 =	sadd.s32 s2, s0  }
0x106: {  	[tilespmem:s15], [sflag:$0x1] =	stream.linear.gather [hbm4b:s0+s1], $0x400, $0x38;
	[tilespmem:$0x10600] =	vst v63  }
0x107: {  	s15 =	spop (v2sf)  }
0x108: {  	[smem:$0x7BB] =	sst s15  }
0x109: {  	s0 =	sshll.u32 s15, $0x4;
	s15 =	sld [smem:$0x7E1]  }
0x10a: {  	(v2sf) =	vpush v57, $0x5;
	s0 =	sand.u32 $0xFFFFF80, s0  }
0x10b: {  	s0 =	sadd.s32 s3, s0  }
0x10c: {  	[tilespmem:s15], [sflag:$0x2] =	stream.linear.gather [hbm4b:s0+s1], $0x400, $0x38;
	[tilespmem:$0x10600] =	vst v63  }
0x10d: {  	s15 =	spop (v2sf)  }
0x10e: {  	[smem:$0x7BC] =	sst s15  }
0x10f: {  	s0 =	sshll.u32 s15, $0x4;
	s15 =	sld [smem:$0x7E2]  }
0x110: {  	(v2sf) =	vpush v58, $0x5;
	s0 =	sand.u32 $0xFFFFF80, s0  }
0x111: {  	s0 =	sadd.s32 s2, s0  }
0x112: {  	[tilespmem:s15], [sflag:$0x1] =	stream.linear.gather [hbm4b:s0+s1], $0x400, $0x38;
	[tilespmem:$0x10600] =	vst v63  }
0x113: {  	s15 =	spop (v2sf)  }
0x114: {  	[smem:$0x7BD] =	sst s15  }
0x115: {  	s0 =	sshll.u32 s15, $0x4;
	s15 =	sld [smem:$0x7E3]  }
0x116: {  	(v2sf) =	vpush v57, $0x6;
	s0 =	sand.u32 $0xFFFFF80, s0  }
0x117: {  	s0 =	sadd.s32 s3, s0  }
0x118: {  	[tilespmem:s15], [sflag:$0x2] =	stream.linear.gather [hbm4b:s0+s1], $0x400, $0x38;
	[tilespmem:$0x10600] =	vst v63  }
0x119: {  	s15 =	spop (v2sf)  }
0x11a: {  	[smem:$0x7BE] =	sst s15  }
0x11b: {  	s0 =	sshll.u32 s15, $0x4;
	s15 =	sld [smem:$0x7E4]  }
0x11c: {  	(v2sf) =	vpush v58, $0x6;
	s0 =	sand.u32 $0xFFFFF80, s0  }
0x11d: {  	s0 =	sadd.s32 s2, s0  }
0x11e: {  	[tilespmem:s15], [sflag:$0x1] =	stream.linear.gather [hbm4b:s0+s1], $0x400, $0x38;
	[tilespmem:$0x10600] =	vst v63  }
0x11f: {  	s15 =	spop (v2sf)  }
0x120: {  	[smem:$0x7BF] =	sst s15  }
0x121: {  	s0 =	sshll.u32 s15, $0x4;
	s15 =	sld [smem:$0x7E5]  }
0x122: {  	(v2sf) =	vpush v57, $0x7;
	s0 =	sand.u32 $0xFFFFF80, s0  }
0x123: {  	s0 =	sadd.s32 s3, s0  }
0x124: {  	[tilespmem:s15], [sflag:$0x2] =	stream.linear.gather [hbm4b:s0+s1], $0x400, $0x38;
	[tilespmem:$0x10600] =	vst v63  }
0x125: {  	s15 =	spop (v2sf)  }
0x126: {  	[smem:$0x7C0] =	sst s15  }
0x127: {  	s0 =	sshll.u32 s15, $0x4;
	s15 =	sld [smem:$0x7E6]  }
0x128: {  	(v2sf) =	vpush v58, $0x7;
	s0 =	sand.u32 $0xFFFFF80, s0  }
0x129: {  	s0 =	sadd.s32 s2, s0  }
0x12a: {  	[tilespmem:s15], [sflag:$0x1] =	stream.linear.gather [hbm4b:s0+s1], $0x400, $0x38;
	[tilespmem:$0x10600] =	vst v63  }
0x12b: {  	s15 =	spop (v2sf)  }
0x12c: {  	[smem:$0x7C1] =	sst s15  }
0x12d: {  	s0 =	sshll.u32 s15, $0x4;
	s15 =	sld [smem:$0x7E7]  }
0x12e: {  	(v2sf) =	vpush v57, $0x8;
	s0 =	sand.u32 $0xFFFFF80, s0  }
0x12f: {  	s0 =	sadd.s32 s3, s0  }
0x130: {  	[tilespmem:s15], [sflag:$0x2] =	stream.linear.gather [hbm4b:s0+s1], $0x400, $0x38;
	[tilespmem:$0x10600] =	vst v63  }
0x131: {  	s15 =	spop (v2sf)  }
0x132: {  	[smem:$0x7C2] =	sst s15  }
0x133: {  	s0 =	sshll.u32 s15, $0x4;
	s15 =	sld [smem:$0x7E8]  }
0x134: {  	(v2sf) =	vpush v58, $0x8;
	s0 =	sand.u32 $0xFFFFF80, s0  }
0x135: {  	s0 =	sadd.s32 s2, s0  }
0x136: {  	[tilespmem:s15], [sflag:$0x1] =	stream.linear.gather [hbm4b:s0+s1], $0x400, $0x38;
	[tilespmem:$0x10600] =	vst v63  }
0x137: {  	s15 =	spop (v2sf)  }
0x138: {  	[smem:$0x7C3] =	sst s15  }
0x139: {  	s0 =	sshll.u32 s15, $0x4;
	s15 =	sld [smem:$0x7E9]  }
0x13a: {  	(v2sf) =	vpush v57, $0x9;
	s0 =	sand.u32 $0xFFFFF80, s0  }
0x13b: {  	s0 =	sadd.s32 s3, s0  }
0x13c: {  	[tilespmem:s15], [sflag:$0x2] =	stream.linear.gather [hbm4b:s0+s1], $0x400, $0x38;
	[tilespmem:$0x10600] =	vst v63  }
0x13d: {  	s15 =	spop (v2sf)  }
0x13e: {  	[smem:$0x7C4] =	sst s15  }
0x13f: {  	s0 =	sshll.u32 s15, $0x4;
	s15 =	sld [smem:$0x7EA]  }
0x140: {  	(v2sf) =	vpush v58, $0x9;
	s0 =	sand.u32 $0xFFFFF80, s0  }
0x141: {  	s0 =	sadd.s32 s2, s0  }
0x142: {  	[tilespmem:s15], [sflag:$0x1] =	stream.linear.gather [hbm4b:s0+s1], $0x400, $0x38;
	[tilespmem:$0x10600] =	vst v63  }
0x143: {  	s15 =	spop (v2sf)  }
0x144: {  	[smem:$0x7C5] =	sst s15  }
0x145: {  	s0 =	sshll.u32 s15, $0x4;
	s15 =	sld [smem:$0x7EB]  }
0x146: {  	(v2sf) =	vpush v57, $0xA;
	s0 =	sand.u32 $0xFFFFF80, s0  }
0x147: {  	s0 =	sadd.s32 s3, s0  }
0x148: {  	[tilespmem:s15], [sflag:$0x2] =	stream.linear.gather [hbm4b:s0+s1], $0x400, $0x38;
	[tilespmem:$0x10600] =	vst v63  }
0x149: {  	s15 =	spop (v2sf)  }
0x14a: {  	[smem:$0x7C6] =	sst s15  }
0x14b: {  	s0 =	sshll.u32 s15, $0x4;
	s15 =	sld [smem:$0x7EC]  }
0x14c: {  	(v2sf) =	vpush v58, $0xA;
	s0 =	sand.u32 $0xFFFFF80, s0  }
0x14d: {  	s0 =	sadd.s32 s2, s0  }
0x14e: {  	[tilespmem:s15], [sflag:$0x1] =	stream.linear.gather [hbm4b:s0+s1], $0x400, $0x38;
	[tilespmem:$0x10600] =	vst v63  }
0x14f: {  	s15 =	spop (v2sf)  }
0x150: {  	[smem:$0x7C7] =	sst s15  }
0x151: {  	s0 =	sshll.u32 s15, $0x4;
	s15 =	sld [smem:$0x7ED]  }
0x152: {  	(v2sf) =	vpush v57, $0xB;
	s0 =	sand.u32 $0xFFFFF80, s0  }
0x153: {  	s0 =	sadd.s32 s3, s0  }
0x154: {  	[tilespmem:s15], [sflag:$0x2] =	stream.linear.gather [hbm4b:s0+s1], $0x400, $0x38;
	[tilespmem:$0x10600] =	vst v63  }
0x155: {  	s15 =	spop (v2sf)  }
0x156: {  	[smem:$0x7C8] =	sst s15  }
0x157: {  	s0 =	sshll.u32 s15, $0x4;
	s15 =	sld [smem:$0x7EE]  }
0x158: {  	(v2sf) =	vpush v58, $0xB;
	s0 =	sand.u32 $0xFFFFF80, s0  }
0x159: {  	s0 =	sadd.s32 s2, s0  }
0x15a: {  	[tilespmem:s15], [sflag:$0x1] =	stream.linear.gather [hbm4b:s0+s1], $0x400, $0x38;
	[tilespmem:$0x10600] =	vst v63  }
0x15b: {  	s15 =	spop (v2sf)  }
0x15c: {  	[smem:$0x7C9] =	sst s15  }
0x15d: {  	s0 =	sshll.u32 s15, $0x4;
	s15 =	sld [smem:$0x7EF]  }
0x15e: {  	(v2sf) =	vpush v57, $0xC;
	s0 =	sand.u32 $0xFFFFF80, s0  }
0x15f: {  	s0 =	sadd.s32 s3, s0  }
0x160: {  	[tilespmem:s15], [sflag:$0x2] =	stream.linear.gather [hbm4b:s0+s1], $0x400, $0x38;
	[tilespmem:$0x10600] =	vst v63  }
0x161: {  	s15 =	spop (v2sf)  }
0x162: {  	[smem:$0x7CA] =	sst s15  }
0x163: {  	s0 =	sshll.u32 s15, $0x4;
	s15 =	sld [smem:$0x7F0]  }
0x164: {  	(v2sf) =	vpush v58, $0xC;
	s0 =	sand.u32 $0xFFFFF80, s0  }
0x165: {  	s0 =	sadd.s32 s2, s0  }
0x166: {  	[tilespmem:s15], [sflag:$0x1] =	stream.linear.gather [hbm4b:s0+s1], $0x400, $0x38;
	[tilespmem:$0x10600] =	vst v63  }
0x167: {  	s15 =	spop (v2sf)  }
0x168: {  	[smem:$0x7CB] =	sst s15  }
0x169: {  	s0 =	sshll.u32 s15, $0x4;
	s15 =	sld [smem:$0x7F1]  }
0x16a: {  	(v2sf) =	vpush v57, $0xD;
	s0 =	sand.u32 $0xFFFFF80, s0  }
0x16b: {  	s0 =	sadd.s32 s3, s0  }
0x16c: {  	[tilespmem:s15], [sflag:$0x2] =	stream.linear.gather [hbm4b:s0+s1], $0x400, $0x38;
	[tilespmem:$0x10600] =	vst v63  }
0x16d: {  	s15 =	spop (v2sf)  }
0x16e: {  	[smem:$0x7CC] =	sst s15  }
0x16f: {  	s0 =	sshll.u32 s15, $0x4;
	s15 =	sld [smem:$0x7F2]  }
0x170: {  	(v2sf) =	vpush v58, $0xD;
	s0 =	sand.u32 $0xFFFFF80, s0  }
0x171: {  	s0 =	sadd.s32 s2, s0  }
0x172: {  	[tilespmem:s15], [sflag:$0x1] =	stream.linear.gather [hbm4b:s0+s1], $0x400, $0x38;
	[tilespmem:$0x10600] =	vst v63  }
0x173: {  	s15 =	spop (v2sf)  }
0x174: {  	[smem:$0x7CD] =	sst s15  }
0x175: {  	s0 =	sshll.u32 s15, $0x4;
	s15 =	sld [smem:$0x7F3]  }
0x176: {  	(v2sf) =	vpush v57, $0xE;
	s0 =	sand.u32 $0xFFFFF80, s0  }
0x177: {  	s0 =	sadd.s32 s3, s0  }
0x178: {  	[tilespmem:s15], [sflag:$0x2] =	stream.linear.gather [hbm4b:s0+s1], $0x400, $0x38;
	[tilespmem:$0x10600] =	vst v63  }
0x179: {  	s15 =	spop (v2sf)  }
0x17a: {  	[smem:$0x7CE] =	sst s15  }
0x17b: {  	s0 =	sshll.u32 s15, $0x4;
	s15 =	sld [smem:$0x7F5]  }
0x17c: {  	(v2sf) =	vpush v58, $0xE;
	s0 =	sand.u32 $0xFFFFF80, s0  }
0x17d: {  	s0 =	sadd.s32 s2, s0  }
0x17e: {  	[tilespmem:s15], [sflag:$0x1] =	stream.linear.gather [hbm4b:s0+s1], $0x400, $0x38;
	[tilespmem:$0x10600] =	vst v63  }
0x17f: {  	s15 =	spop (v2sf)  }
0x180: {  	[smem:$0x7CF] =	sst s15  }
0x181: {  	s0 =	sshll.u32 s15, $0x4;
	s15 =	sld [smem:$0x7F7]  }
0x182: {  	(v2sf) =	vpush v57, $0xF;
	s0 =	sand.u32 $0xFFFFF80, s0  }
0x183: {  	s0 =	sadd.s32 s3, s0  }
0x184: {  	[tilespmem:s15], [sflag:$0x2] =	stream.linear.gather [hbm4b:s0+s1], $0x400, $0x38;
	[tilespmem:$0x10600] =	vst v63  }
0x185: {  	s15 =	spop (v2sf)  }
0x186: {  	[smem:$0x7D0] =	sst s15  }
0x187: {  	s0 =	sshll.u32 s15, $0x4;
	s15 =	sld [smem:$0x7F9]  }
0x188: {  	(v2sf) =	vpush v58, $0xF;
	s0 =	sand.u32 $0xFFFFF80, s0  }
0x189: {  	s0 =	sadd.s32 s2, s0  }
0x18a: {  	[tilespmem:s15], [sflag:$0x1] =	stream.linear.gather [hbm4b:s0+s1], $0x400, $0x38;
	[tilespmem:$0x10600] =	vst v63  }
0x18b: {  	s15 =	spop (v2sf)  }
0x18c: {  	[smem:$0x7D1] =	sst s15  }
0x18d: {  	s0 =	sshll.u32 s15, $0x4;
	s15 =	sld [smem:$0x7FB]  }
0x18e: {  	s0 =	sand.u32 $0xFFFFF80, s0  }
0x18f: {  	s0 =	sadd.s32 s3, s0  }
0x190: {  	[tilespmem:s15], [sflag:$0x2] =	stream.linear.gather [hbm4b:s0+s1], $0x400, $0x38;
	[tilespmem:$0x10600] =	vst v63  }
0x191: {  	s15 =	spop (v2sf)  }
0x192: {  	[smem:$0x7D2] =	sst s15  }
0x193: {  	s0 =	sshll.u32 s15, $0x4;
	s15 =	sld [smem:$0x7FC]  }
0x194: {  	s0 =	sand.u32 $0xFFFFF80, s0  }
0x195: {  	s0 =	sadd.s32 s2, s0  }
0x196: {  	[tilespmem:s15], [sflag:$0x1] =	stream.linear.gather [hbm4b:s0+s1], $0x400, $0x38;
	[tilespmem:$0x10600] =	vst v63  }
0x197: {  	s15 =	spop (v2sf)  }
0x198: {  	[smem:$0x7D3] =	sst s15  }
0x199: {  	s0 =	sshll.u32 s15, $0x4;
	s15 =	sld [smem:$0x7FD]  }
0x19a: {  	s0 =	sand.u32 $0xFFFFF80, s0  }
0x19b: {  	s0 =	sadd.s32 s3, s0  }
0x19c: {  	[tilespmem:s15], [sflag:$0x2] =	stream.linear.gather [hbm4b:s0+s1], $0x400, $0x38;
	[tilespmem:$0x10600] =	vst v63  }
0x19d: {  	_ =	swait.ge [sflag:s11], $0x400  }
0x19e: {  	[sflag:s11] =	ssyncset.done $0x0  }
0x19f: {  	[sflag:s11] =	ssyncadd.s32 $0xFFFFFC00  }
0x1a0: {  	_ =	swait.ge [sflag:s12], $0x400  }
0x1a1: {  	[sflag:s12] =	ssyncset.done $0x0  }
0x1a2: {  	[sflag:s12] =	ssyncadd.s32 $0xFFFFFC00  }
0x1a3: {  	_ =	swait.ge [sflag:s11], $0x400  }
0x1a4: {  	[sflag:s11] =	ssyncset.done $0x0  }
0x1a5: {  	[sflag:s11] =	ssyncadd.s32 $0xFFFFFC00  }
0x1a6: {  	_ =	swait.ge [sflag:s12], $0x400  }
0x1a7: {  	[sflag:s12] =	ssyncset.done $0x0  }
0x1a8: {  	[sflag:s12] =	ssyncadd.s32 $0xFFFFFC00  }
0x1a9: {  	_ =	swait.ge [sflag:s11], $0x400  }
0x1aa: {  	[sflag:s11] =	ssyncset.done $0x0  }
0x1ab: {  	[sflag:s11] =	ssyncadd.s32 $0xFFFFFC00  }
0x1ac: {  	_ =	swait.ge [sflag:s12], $0x400  }
0x1ad: {  	[sflag:s12] =	ssyncset.done $0x0  }
0x1ae: {  	[sflag:s12] =	ssyncadd.s32 $0xFFFFFC00  }
0x1af: {  	_ =	swait.ge [sflag:s11], $0x400  }
0x1b0: {  	[sflag:s11] =	ssyncset.done $0x0  }
0x1b1: {  	[sflag:s11] =	ssyncadd.s32 $0xFFFFFC00  }
0x1b2: {  	_ =	swait.ge [sflag:s12], $0x400  }
0x1b3: {  	[sflag:s12] =	ssyncset.done $0x0  }
0x1b4: {  	[sflag:s12] =	ssyncadd.s32 $0xFFFFFC00  }
0x1b5: {  	_ =	swait.ge [sflag:s11], $0x400  }
0x1b6: {  	[sflag:s11] =	ssyncset.done $0x0  }
0x1b7: {  	[sflag:s11] =	ssyncadd.s32 $0xFFFFFC00  }
0x1b8: {  	_ =	swait.ge [sflag:s12], $0x400  }
0x1b9: {  	[sflag:s12] =	ssyncset.done $0x0  }
0x1ba: {  	[sflag:s12] =	ssyncadd.s32 $0xFFFFFC00  }
0x1bb: {  	_ =	swait.ge [sflag:s11], $0x400  }
0x1bc: {  	[sflag:s11] =	ssyncset.done $0x0  }
0x1bd: {  	[sflag:s11] =	ssyncadd.s32 $0xFFFFFC00  }
0x1be: {  	_ =	swait.ge [sflag:s12], $0x400  }
0x1bf: {  	[sflag:s12] =	ssyncset.done $0x0  }
0x1c0: {  	[sflag:s12] =	ssyncadd.s32 $0xFFFFFC00  }
0x1c1: {  	_ =	swait.ge [sflag:s11], $0x400  }
0x1c2: {  	[sflag:s11] =	ssyncset.done $0x0  }
0x1c3: {  	[sflag:s11] =	ssyncadd.s32 $0xFFFFFC00  }
0x1c4: {  	_ =	swait.ge [sflag:s12], $0x400  }
0x1c5: {  	[sflag:s12] =	ssyncset.done $0x0  }
0x1c6: {  	[sflag:s12] =	ssyncadd.s32 $0xFFFFFC00  }
0x1c7: {  	_ =	swait.ge [sflag:s11], $0x400  }
0x1c8: {  	[sflag:s11] =	ssyncset.done $0x0  }
0x1c9: {  	[sflag:s11] =	ssyncadd.s32 $0xFFFFFC00  }
0x1ca: {  	_ =	swait.ge [sflag:s12], $0x400  }
0x1cb: {  	[sflag:s12] =	ssyncset.done $0x0  }
0x1cc: {  	[sflag:s12] =	ssyncadd.s32 $0xFFFFFC00  }
0x1cd: {  	_ =	swait.ge [sflag:s11], $0x400  }
0x1ce: {  	[sflag:s11] =	ssyncset.done $0x0  }
0x1cf: {  	[sflag:s11] =	ssyncadd.s32 $0xFFFFFC00  }
0x1d0: {  	_ =	swait.ge [sflag:s12], $0x400  }
0x1d1: {  	[sflag:s12] =	ssyncset.done $0x0  }
0x1d2: {  	[sflag:s12] =	ssyncadd.s32 $0xFFFFFC00  }
0x1d3: {  	_ =	swait.ge [sflag:s11], $0x400  }
0x1d4: {  	[sflag:s11] =	ssyncset.done $0x0  }
0x1d5: {  	[sflag:s11] =	ssyncadd.s32 $0xFFFFFC00  }
0x1d6: {  	_ =	swait.ge [sflag:s12], $0x400  }
0x1d7: {  	[sflag:s12] =	ssyncset.done $0x0  }
0x1d8: {  	[sflag:s12] =	ssyncadd.s32 $0xFFFFFC00  }
0x1d9: {  	_ =	swait.ge [sflag:s11], $0x400  }
0x1da: {  	[sflag:s11] =	ssyncset.done $0x0  }
0x1db: {  	[sflag:s11] =	ssyncadd.s32 $0xFFFFFC00  }
0x1dc: {  	_ =	swait.ge [sflag:s12], $0x400  }
0x1dd: {  	[sflag:s12] =	ssyncset.done $0x0  }
0x1de: {  	[sflag:s12] =	ssyncadd.s32 $0xFFFFFC00  }
0x1df: {  	_ =	swait.ge [sflag:s11], $0x400  }
0x1e0: {  	[sflag:s11] =	ssyncset.done $0x0  }
0x1e1: {  	[sflag:s11] =	ssyncadd.s32 $0xFFFFFC00  }
0x1e2: {  	_ =	swait.ge [sflag:s12], $0x400  }
0x1e3: {  	[sflag:s12] =	ssyncset.done $0x0  }
0x1e4: {  	[sflag:s12] =	ssyncadd.s32 $0xFFFFFC00  }
0x1e5: {  	_ =	swait.ge [sflag:s11], $0x400  }
0x1e6: {  	[sflag:s11] =	ssyncset.done $0x0  }
0x1e7: {  	[sflag:s11] =	ssyncadd.s32 $0xFFFFFC00  }
0x1e8: {  	_ =	swait.ge [sflag:s12], $0x400  }
0x1e9: {  	[sflag:s12] =	ssyncset.done $0x0  }
0x1ea: {  	[sflag:s12] =	ssyncadd.s32 $0xFFFFFC00  }
0x1eb: {  	_ =	swait.ge [sflag:s11], $0x400  }
0x1ec: {  	[sflag:s11] =	ssyncset.done $0x0  }
0x1ed: {  	[sflag:s11] =	ssyncadd.s32 $0xFFFFFC00  }
0x1ee: {  	_ =	swait.ge [sflag:s12], $0x400  }
0x1ef: {  	[sflag:s12] =	ssyncset.done $0x0  }
0x1f0: {  	[sflag:s12] =	ssyncadd.s32 $0xFFFFFC00  }
0x1f1: {  	_ =	swait.ge [sflag:s11], $0x400  }
0x1f2: {  	[sflag:s11] =	ssyncset.done $0x0  }
0x1f3: {  	[sflag:s11] =	ssyncadd.s32 $0xFFFFFC00  }
0x1f4: {  	_ =	swait.ge [sflag:s12], $0x400  }
0x1f5: {  	[sflag:s12] =	ssyncset.done $0x0  }
0x1f6: {  	[sflag:s12] =	ssyncadd.s32 $0xFFFFFC00  }
0x1f7: {  	_ =	swait.ge [sflag:s11], $0x400  }
0x1f8: {  	[sflag:s11] =	ssyncset.done $0x0  }
0x1f9: {  	[sflag:s11] =	ssyncadd.s32 $0xFFFFFC00  }
0x1fa: {  	_ =	swait.ge [sflag:s12], $0x400  }
0x1fb: {  	s15 =	sld [smem:$0x7AA];
	_ =	sdelay $0x2  }
0x1fc: {  	s0 =	sshll.u32 s15, $0x7;
	s15 =	sld [smem:$0x7AB]  }
0x1fd: {  	[sflag:s12] =	ssyncset.done $0x0  }
0x1fe: {  	[sflag:s12] =	ssyncadd.s32 $0xFFFFFC00;
	s0 =	sand.u32 $0x380, s0  }
0x1ff: {  	v59 =	vld [tilespmem:s0+$0x400];
	s15 =	sshll.u32 s15, $0x7  }
0x200: {  	v60 =	vld [tilespmem:s0+$0x410];
	s0 =	sand.u32 $0x380, s15;
	s15 =	sld [smem:$0x7AC];
	_ =	sdelay $0x2  }
0x201: {  	v2 =	vld [tilespmem:s0+$0x4400];
	s15 =	sshll.u32 s15, $0x7  }
0x202: {  	v3 =	vld [tilespmem:s0+$0x4410];
	s0 =	sand.u32 $0x380, s15;
	s15 =	sld [smem:$0x7AD];
	_ =	sdelay $0x2  }
0x203: {  	v4 =	vld [tilespmem:s0+$0x800];
	s15 =	sshll.u32 s15, $0x7  }
0x204: {  	v5 =	vld [tilespmem:s0+$0x810];
	s0 =	sand.u32 $0x380, s15;
	s15 =	sld [smem:$0x7AE];
	_ =	sdelay $0x2  }
0x205: {  	v6 =	vld [tilespmem:s0+$0x4800];
	s15 =	sshll.u32 s15, $0x7  }
0x206: {  	v7 =	vld [tilespmem:s0+$0x4810];
	s0 =	sand.u32 $0x380, s15;
	s15 =	sld [smem:$0x7AF];
	_ =	sdelay $0x2  }
0x207: {  	v8 =	vld [tilespmem:s0+$0xC00];
	s15 =	sshll.u32 s15, $0x7  }
0x208: {  	v9 =	vld [tilespmem:s0+$0xC10];
	s0 =	sand.u32 $0x380, s15;
	s15 =	sld [smem:$0x7B0];
	_ =	sdelay $0x2  }
0x209: {  	v10 =	vld [tilespmem:s0+$0x4C00];
	s15 =	sshll.u32 s15, $0x7  }
0x20a: {  	v11 =	vld [tilespmem:s0+$0x4C10];
	s0 =	sand.u32 $0x380, s15;
	s15 =	sld [smem:$0x7B1];
	_ =	sdelay $0x2  }
0x20b: {  	v12 =	vld [tilespmem:s0+$0x1000];
	s15 =	sshll.u32 s15, $0x7  }
0x20c: {  	v13 =	vld [tilespmem:s0+$0x1010];
	s0 =	sand.u32 $0x380, s15;
	s15 =	sld [smem:$0x7B2];
	_ =	sdelay $0x2  }
0x20d: {  	v14 =	vld [tilespmem:s0+$0x5000];
	s15 =	sshll.u32 s15, $0x7  }
0x20e: {  	v15 =	vld [tilespmem:s0+$0x5010];
	s0 =	sand.u32 $0x380, s15;
	s15 =	sld [smem:$0x7B3];
	_ =	sdelay $0x2  }
0x20f: {  	v16 =	vld [tilespmem:s0+$0x1400];
	s15 =	sshll.u32 s15, $0x7  }
0x210: {  	v17 =	vld [tilespmem:s0+$0x1410];
	s15 =	sand.u32 $0x380, s15  }
0x211: {  	s30 =	sshll.u32 s30, $0x7;
	v18 =	vld [tilespmem:s15+$0x5400]  }
0x212: {  	v19 =	vld [tilespmem:s15+$0x5410];
	s15 =	sand.u32 $0x380, s30  }
0x213: {  	s30 =	sshll.u32 s29, $0x7;
	v20 =	vld [tilespmem:s15+$0x1800]  }
0x214: {  	v21 =	vld [tilespmem:s15+$0x1810];
	s29 =	sand.u32 $0x380, s30  }
0x215: {  	s30 =	sshll.u32 s28, $0x7;
	v22 =	vld [tilespmem:s29+$0x5800]  }
0x216: {  	v23 =	vld [tilespmem:s29+$0x5810];
	s15 =	sand.u32 $0x380, s30  }
0x217: {  	s28 =	sshll.u32 s26, $0x7;
	v24 =	vld [tilespmem:s15+$0x1C00]  }
0x218: {  	s29 =	sand.u32 $0x380, s28;
	v25 =	vld [tilespmem:s15+$0x1C10]  }
0x219: {  	s7 =	sshll.u32 s7, $0x7;
	v26 =	vld [tilespmem:s29+$0x5C00]  }
0x21a: {  	s28 =	sshll.u32 s23, $0x7;
	s23 =	sshll.u32 s21, $0x7;
	s21 =	sand.u32 $0x380, s7;
	v27 =	vld [tilespmem:s29+$0x5C10]  }
0x21b: {  	v0 =	vmul.f32 v2, v59;
	s30 =	sshll.u32 s25, $0x7;
	v2 =	vld [tilespmem:s21+$0x7400]  }
0x21c: {  	v1 =	vmul.f32 v3, v60;
	s15 =	sand.u32 $0x380, s30;
	v3 =	vld [tilespmem:s21+$0x7410]  }
0x21d: {  	s25 =	sshll.u32 s24, $0x7;
	v28 =	vld [tilespmem:s15+$0x2000]  }
0x21e: {  	s26 =	sand.u32 $0x380, s25;
	v29 =	vld [tilespmem:s15+$0x2010]  }
0x21f: {  	v30 =	vld [tilespmem:s26+$0x6000]  }
0x220: {  	s29 =	sand.u32 $0x380, s28;
	v31 =	vld [tilespmem:s26+$0x6010]  }
0x221: {  	v32 =	vld [tilespmem:s29+$0x2400]  }
0x222: {  	s24 =	sand.u32 $0x380, s23;
	v33 =	vld [tilespmem:s29+$0x2410]  }
0x223: {  	s14 =	sshll.u32 s14, $0x7;
	v36 =	vld [tilespmem:s24+$0x2800]  }
0x224: {  	s28 =	sshll.u32 s17, $0x7;
	s17 =	sand.u32 $0x380, s14;
	v37 =	vld [tilespmem:s24+$0x2810]  }
0x225: {  	s8 =	sshll.u32 s8, $0x7;
	v44 =	vld [tilespmem:s17+$0x3000]  }
0x226: {  	s25 =	sshll.u32 s20, $0x7;
	s20 =	sand.u32 $0x380, s8;
	v45 =	vld [tilespmem:s17+$0x3010]  }
0x227: {  	s30 =	sshll.u32 s22, $0x7;
	v48 =	vld [tilespmem:s20+$0x3400]  }
0x228: {  	s22 =	sand.u32 $0x380, s30;
	v49 =	vld [tilespmem:s20+$0x3410]  }
0x229: {  	v34 =	vld [tilespmem:s22+$0x6400]  }
0x22a: {  	s26 =	sand.u32 $0x380, s25;
	v35 =	vld [tilespmem:s22+$0x6410]  }
0x22b: {  	v38 =	vld [tilespmem:s26+$0x6800]  }
0x22c: {  	s29 =	sand.u32 $0x380, s28;
	v39 =	vld [tilespmem:s26+$0x6810]  }
0x22d: {  	s10 =	sshll.u32 s10, $0x7;
	v40 =	vld [tilespmem:s29+$0x2C00]  }
0x22e: {  	s30 =	sshll.u32 s19, $0x7;
	s19 =	sand.u32 $0x380, s10;
	v41 =	vld [tilespmem:s29+$0x2C10]  }
0x22f: {  	s23 =	sshll.u32 s5, $0x7;
	v46 =	vld [tilespmem:s19+$0x7000]  }
0x230: {  	s24 =	sand.u32 $0x380, s23;
	v47 =	vld [tilespmem:s19+$0x7010]  }
0x231: {  	v4 =	vmul.f32 v6, v4;
	v6 =	vld [tilespmem:s24+$0x7800]  }
0x232: {  	v5 =	vmul.f32 v7, v5;
	v62 =	vmul.f32 v11, v9;
	s15 =	sand.u32 $0x380, s30;
	v9 =	vld [tilespmem:s24+$0x7810]  }
0x233: {  	s4 =	sshll.u32 s4, $0x7;
	v0 =	vadd.f32 v1, v0;
	v61 =	vmul.f32 v10, v8;
	v42 =	vld [tilespmem:s15+$0x6C00]  }
0x234: {  	v4 =	vadd.f32 v5, v4;
	s22 =	sand.u32 $0x380, s4;
	v43 =	vld [tilespmem:s15+$0x6C10]  }
0x235: {  	(xrf2) =	vadd.scan.msk.f32 $0xffff, v0;
	v63 =	vadd.f32 v62, v61;
	v14 =	vmul.f32 v14, v12;
	v15 =	vmul.f32 v15, v13;
	s25 =	sshll.u32 s6, $0x7;
	v7 =	vld [tilespmem:s22+$0x3800]  }
0x236: {  	(xrf2) =	vadd.scan.msk.f32 $0xffff, v4;
	v16 =	vmul.f32 v18, v16;
	v18 =	vmul.f32 v19, v17;
	s26 =	sand.u32 $0x380, s25;
	v8 =	vld [tilespmem:s22+$0x3810]  }
0x237: {  	(xrf2) =	vadd.scan.msk.f32 $0xffff, v63;
	s6 =	sshll.u32 s18, $0x7;
	v19 =	vadd.f32 v15, v14;
	v11 =	vld [tilespmem:s26+$0x3C00];
	v22 =	vmul.f32 v22, v20;
	v23 =	vmul.f32 v23, v21  }
0x238: {  	s28 =	sshll.u32 s9, $0x7;
	s7 =	sand.u32 $0x380, s6;
	v12 =	vld [tilespmem:s26+$0x3C10];
	v4 =	vadd.f32 v18, v16;
	v24 =	vmul.f32 v26, v24;
	v25 =	vmul.f32 v27, v25  }
0x239: {  	s29 =	sand.u32 $0x380, s28;
	v62 =	vld [tilespmem:s7+$0x8000];
	(xrf2) =	vadd.scan.msk.f32 $0xffff, v19;
	v26 =	vadd.f32 v23, v22;
	v27 =	vmul.f32 v30, v28;
	v28 =	vmul.f32 v31, v29  }
0x23a: {  	v29 =	vld [tilespmem:s29+$0x7C00];
	(xrf2) =	vadd.scan.msk.f32 $0xffff, v4;
	v31 =	vadd.f32 v25, v24;
	v34 =	vmul.f32 v34, v32;
	v50 =	vmul.f32 v35, v33  }
0x23b: {  	s30 =	sshll.u32 s13, $0x7;
	v30 =	vld [tilespmem:s29+$0x7C10];
	v52 =	vmul.f32 v38, v36;
	v53 =	vmul.f32 v39, v37;
	(xrf2) =	vadd.scan.msk.f32 $0xffff, v26;
	v51 =	vadd.f32 v28, v27  }
0x23c: {  	s5 =	sand.u32 $0x380, s30;
	v63 =	vld [tilespmem:s7+$0x8010];
	v57 =	vmul.f32 v42, v40;
	v58 =	vmul.f32 v43, v41;
	(xrf2) =	vadd.scan.msk.f32 $0xffff, v31;
	v56 =	vadd.f32 v50, v34  }
0x23d: {  	v54 =	vld [tilespmem:s5+$0x4000];
	v60 =	vmul.f32 v46, v44;
	v61 =	vmul.f32 v47, v45;
	v59 =	vadd.f32 v53, v52;
	(xrf2) =	vadd.scan.msk.f32 $0xffff, v51  }
0x23e: {  	v55 =	vld [tilespmem:s5+$0x4010];
	v2 =	vmul.f32 v2, v48;
	v3 =	vmul.f32 v3, v49;
	v13 =	vadd.f32 v58, v57;
	(xrf2) =	vadd.scan.msk.f32 $0xffff, v56  }
0x23f: {  	v20, _, _ =	vpop (xrf2);
	v22 =	vmul.f32 v6, v7;
	v23 =	vmul.f32 v9, v8;
	v21 =	vadd.f32 v61, v60;
	(xrf2) =	vadd.scan.msk.f32 $0xffff, v59  }
0x240: {  	v2 =	vadd.f32 v3, v2;
	v24, _, _ =	vpop (xrf2);
	v25 =	vmul.f32 v29, v11;
	v26 =	vmul.f32 v30, v12;
	(xrf2) =	vadd.scan.msk.f32 $0xffff, v13  }
0x241: {  	v27 =	vbroadcast v20, $0xF;
	v28, _, _ =	vpop (xrf2);
	v29 =	vadd.f32 v23, v22;
	(xrf2) =	vadd.scan.msk.f32 $0xffff, v21  }
0x242: {  	v34 =	vmul.f32 v62, v54;
	v30 =	vbroadcast v24, $0xF;
	v32 =	vadd.f32 v26, v25;
	(xrf2) =	vadd.scan.msk.f32 $0xffff, v2  }
0x243: {  	v35 =	vmul.f32 v63, v55;
	v31 =	vbroadcast v28, $0xF;
	v33, _, _ =	vpop (xrf2);
	(xrf2) =	vadd.scan.msk.f32 $0xffff, v29  }
0x244: {  	v1 =	vsel vm0, v27, v30;
	v3 =	vbroadcast v33, $0xF;
	v36, _, _ =	vpop (xrf2);
	(xrf2) =	vadd.scan.msk.f32 $0xffff, v32  }
0x245: {  	v0 =	vadd.f32 v35, v34;
	v1 =	vsel vm1, v1, v31;
	v37 =	vbroadcast v36, $0xF;
	v38, _, _ =	vpop (xrf2)  }
0x246: {  	v1 =	vsel vm2, v1, v3;
	v39 =	vbroadcast v38, $0xF;
	v40, _, _ =	vpop (xrf2)  }
0x247: {  	v1 =	vsel vm3, v1, v37;
	v41 =	vbroadcast v40, $0xF;
	v42, _, _ =	vpop (xrf2);
	(xrf2) =	vadd.scan.msk.f32 $0xffff, v0  }
0x248: {  	v43 =	vsel vm4, v1, v39;
	v44 =	vbroadcast v42, $0xF;
	v45, _, _ =	vpop (xrf2)  }
0x249: {  	v0 =	vsel vm5, v43, v41;
	v46 =	vbroadcast v45, $0xF;
	v47, _, _ =	vpop (xrf2)  }
0x24a: {  	v0 =	vsel vm6, v0, v44;
	v48 =	vbroadcast v47, $0xF;
	v49, _, _ =	vpop (xrf2)  }
0x24b: {  	v0 =	vsel vm7, v0, v46;
	v50 =	vbroadcast v49, $0xF;
	v51, _, _ =	vpop (xrf2)  }
0x24c: {  	v0 =	vsel vm8, v0, v48;
	v52 =	vbroadcast v51, $0xF;
	v53, _, _ =	vpop (xrf2)  }
0x24d: {  	v0 =	vsel vm9, v0, v50;
	v54 =	vbroadcast v53, $0xF;
	v55, _, _ =	vpop (xrf2)  }
0x24e: {  	v0 =	vsel vm10, v0, v52;
	v56 =	vbroadcast v55, $0xF;
	v57, _, _ =	vpop (xrf2)  }
0x24f: {  	v0 =	vsel vm11, v0, v54;
	v58 =	vbroadcast v57, $0xF  }
0x250: {  	v0 =	vsel vm12, v0, v56  }
0x251: {  	v0 =	vsel vm13, v0, v58;
	v59, _, _ =	vpop (xrf2)  }
0x252: {  	v0 =	vsel vm14, v0, v59  }
0x253: {  	[tilespmem:s16+$0x10400] =	vst v0  }
0x254: {  	_ =	swait.ge [sflag:s11], $0x400  }
0x255: {  	[sflag:s11] =	ssyncset.done $0x0  }
0x256: {  	[sflag:s11] =	ssyncadd.s32 $0xFFFFFC00  }
0x257: {  	_ =	swait.ge [sflag:s12], $0x400  }
0x258: {  	[sflag:s12] =	ssyncset.done $0x0  }
0x259: {  	[sflag:s12] =	ssyncadd.s32 $0xFFFFFC00  }
0x25a: {  	_ =	swait.ge [sflag:s11], $0x400  }
0x25b: {  	[sflag:s11] =	ssyncset.done $0x0  }
0x25c: {  	[sflag:s11] =	ssyncadd.s32 $0xFFFFFC00  }
0x25d: {  	_ =	swait.ge [sflag:s12], $0x400  }
0x25e: {  	[sflag:s12] =	ssyncset.done $0x0  }
0x25f: {  	[sflag:s12] =	ssyncadd.s32 $0xFFFFFC00  }
0x260: {  	_ =	swait.ge [sflag:s11], $0x400  }
0x261: {  	[sflag:s11] =	ssyncset.done $0x0  }
0x262: {  	[sflag:s11] =	ssyncadd.s32 $0xFFFFFC00  }
0x263: {  	_ =	swait.ge [sflag:s12], $0x400  }
0x264: {  	[sflag:s12] =	ssyncset.done $0x0  }
0x265: {  	[sflag:s12] =	ssyncadd.s32 $0xFFFFFC00  }
0x266: {  	_ =	swait.ge [sflag:s11], $0x400  }
0x267: {  	[sflag:s11] =	ssyncset.done $0x0  }
0x268: {  	[sflag:s11] =	ssyncadd.s32 $0xFFFFFC00  }
0x269: {  	_ =	swait.ge [sflag:s12], $0x400  }
0x26a: {  	[sflag:s12] =	ssyncset.done $0x0  }
0x26b: {  	[sflag:s12] =	ssyncadd.s32 $0xFFFFFC00  }
0x26c: {  	_ =	swait.ge [sflag:s11], $0x400  }
0x26d: {  	[sflag:s11] =	ssyncset.done $0x0  }
0x26e: {  	[sflag:s11] =	ssyncadd.s32 $0xFFFFFC00  }
0x26f: {  	_ =	swait.ge [sflag:s12], $0x400  }
0x270: {  	[sflag:s12] =	ssyncset.done $0x0  }
0x271: {  	[sflag:s12] =	ssyncadd.s32 $0xFFFFFC00  }
0x272: {  	_ =	swait.ge [sflag:s11], $0x400  }
0x273: {  	[sflag:s11] =	ssyncset.done $0x0  }
0x274: {  	[sflag:s11] =	ssyncadd.s32 $0xFFFFFC00  }
0x275: {  	_ =	swait.ge [sflag:s12], $0x400  }
0x276: {  	[sflag:s12] =	ssyncset.done $0x0  }
0x277: {  	[sflag:s12] =	ssyncadd.s32 $0xFFFFFC00  }
0x278: {  	_ =	swait.ge [sflag:s11], $0x400  }
0x279: {  	[sflag:s11] =	ssyncset.done $0x0  }
0x27a: {  	[sflag:s11] =	ssyncadd.s32 $0xFFFFFC00  }
0x27b: {  	_ =	swait.ge [sflag:s12], $0x400  }
0x27c: {  	[sflag:s12] =	ssyncset.done $0x0  }
0x27d: {  	[sflag:s12] =	ssyncadd.s32 $0xFFFFFC00  }
0x27e: {  	_ =	swait.ge [sflag:s11], $0x400  }
0x27f: {  	[sflag:s11] =	ssyncset.done $0x0  }
0x280: {  	[sflag:s11] =	ssyncadd.s32 $0xFFFFFC00  }
0x281: {  	_ =	swait.ge [sflag:s12], $0x400  }
0x282: {  	[sflag:s12] =	ssyncset.done $0x0  }
0x283: {  	[sflag:s12] =	ssyncadd.s32 $0xFFFFFC00  }
0x284: {  	_ =	swait.ge [sflag:s11], $0x400  }
0x285: {  	[sflag:s11] =	ssyncset.done $0x0  }
0x286: {  	[sflag:s11] =	ssyncadd.s32 $0xFFFFFC00  }
0x287: {  	_ =	swait.ge [sflag:s12], $0x400  }
0x288: {  	[sflag:s12] =	ssyncset.done $0x0  }
0x289: {  	[sflag:s12] =	ssyncadd.s32 $0xFFFFFC00  }
0x28a: {  	_ =	swait.ge [sflag:s11], $0x400  }
0x28b: {  	[sflag:s11] =	ssyncset.done $0x0  }
0x28c: {  	[sflag:s11] =	ssyncadd.s32 $0xFFFFFC00  }
0x28d: {  	_ =	swait.ge [sflag:s12], $0x400  }
0x28e: {  	[sflag:s12] =	ssyncset.done $0x0  }
0x28f: {  	[sflag:s12] =	ssyncadd.s32 $0xFFFFFC00  }
0x290: {  	_ =	swait.ge [sflag:s11], $0x400  }
0x291: {  	[sflag:s11] =	ssyncset.done $0x0  }
0x292: {  	[sflag:s11] =	ssyncadd.s32 $0xFFFFFC00  }
0x293: {  	_ =	swait.ge [sflag:s12], $0x400  }
0x294: {  	[sflag:s12] =	ssyncset.done $0x0  }
0x295: {  	[sflag:s12] =	ssyncadd.s32 $0xFFFFFC00  }
0x296: {  	_ =	swait.ge [sflag:s11], $0x400  }
0x297: {  	[sflag:s11] =	ssyncset.done $0x0  }
0x298: {  	[sflag:s11] =	ssyncadd.s32 $0xFFFFFC00  }
0x299: {  	_ =	swait.ge [sflag:s12], $0x400  }
0x29a: {  	[sflag:s12] =	ssyncset.done $0x0  }
0x29b: {  	[sflag:s12] =	ssyncadd.s32 $0xFFFFFC00  }
0x29c: {  	_ =	swait.ge [sflag:s11], $0x400  }
0x29d: {  	[sflag:s11] =	ssyncset.done $0x0  }
0x29e: {  	[sflag:s11] =	ssyncadd.s32 $0xFFFFFC00  }
0x29f: {  	_ =	swait.ge [sflag:s12], $0x400  }
0x2a0: {  	[sflag:s12] =	ssyncset.done $0x0  }
0x2a1: {  	[sflag:s12] =	ssyncadd.s32 $0xFFFFFC00  }
0x2a2: {  	_ =	swait.ge [sflag:s11], $0x400  }
0x2a3: {  	[sflag:s11] =	ssyncset.done $0x0  }
0x2a4: {  	[sflag:s11] =	ssyncadd.s32 $0xFFFFFC00  }
0x2a5: {  	_ =	swait.ge [sflag:s12], $0x400  }
0x2a6: {  	[sflag:s12] =	ssyncset.done $0x0  }
0x2a7: {  	[sflag:s12] =	ssyncadd.s32 $0xFFFFFC00  }
0x2a8: {  	_ =	swait.ge [sflag:s11], $0x400  }
0x2a9: {  	[sflag:s11] =	ssyncset.done $0x0  }
0x2aa: {  	[sflag:s11] =	ssyncadd.s32 $0xFFFFFC00  }
0x2ab: {  	_ =	swait.ge [sflag:s12], $0x400  }
0x2ac: {  	[sflag:s12] =	ssyncset.done $0x0  }
0x2ad: {  	[sflag:s12] =	ssyncadd.s32 $0xFFFFFC00  }
0x2ae: {  	_ =	swait.ge [sflag:s11], $0x400  }
0x2af: {  	[sflag:s11] =	ssyncset.done $0x0  }
0x2b0: {  	[sflag:s11] =	ssyncadd.s32 $0xFFFFFC00  }
0x2b1: {  	_ =	swait.ge [sflag:s12], $0x400  }
0x2b2: {  	s8 =	sld [smem:$0x7B4];
	_ =	sdelay $0x1  }
0x2b3: {  	s9 =	sld [smem:$0x7B5]  }
0x2b4: {  	[sflag:s12] =	ssyncset.done $0x0;
	s0 =	sshll.u32 s8, $0x7  }
0x2b5: {  	s13 =	sld [smem:$0x7B6];
	[sflag:s12] =	ssyncadd.s32 $0xFFFFFC00;
	s0 =	sand.u32 $0x380, s0  }
0x2b6: {  	s4 =	sshll.u32 s9, $0x7;
	v0 =	vld [tilespmem:s0+$0x8400]  }
0x2b7: {  	s15 =	sld [smem:$0x7B7];
	s10 =	sand.u32 $0x380, s4;
	v1 =	vld [tilespmem:s0+$0x8410]  }
0x2b8: {  	s4 =	sshll.u32 s13, $0x7;
	v2 =	vld [tilespmem:s10+$0xC400]  }
0x2b9: {  	s18 =	sld [smem:$0x7B8];
	v3 =	vld [tilespmem:s10+$0xC410];
	s14 =	sand.u32 $0x380, s4  }
0x2ba: {  	s4 =	sshll.u32 s15, $0x7;
	v4 =	vld [tilespmem:s14+$0x8800]  }
0x2bb: {  	s20 =	sld [smem:$0x7B9];
	v5 =	vld [tilespmem:s14+$0x8810];
	s17 =	sand.u32 $0x380, s4  }
0x2bc: {  	s4 =	sshll.u32 s18, $0x7;
	v60 =	vld [tilespmem:s17+$0xC800]  }
0x2bd: {  	s22 =	sld [smem:$0x7BA];
	v61 =	vld [tilespmem:s17+$0xC810];
	s19 =	sand.u32 $0x380, s4  }
0x2be: {  	s4 =	sshll.u32 s20, $0x7;
	v8 =	vld [tilespmem:s19+$0x8C00]  }
0x2bf: {  	s24 =	sld [smem:$0x7BB];
	v9 =	vld [tilespmem:s19+$0x8C10];
	s21 =	sand.u32 $0x380, s4  }
0x2c0: {  	s4 =	sshll.u32 s22, $0x7;
	v62 =	vld [tilespmem:s21+$0xCC00]  }
0x2c1: {  	s26 =	sld [smem:$0x7BC];
	v63 =	vld [tilespmem:s21+$0xCC10];
	s23 =	sand.u32 $0x380, s4  }
0x2c2: {  	s4 =	sshll.u32 s24, $0x7;
	v12 =	vld [tilespmem:s23+$0x9000]  }
0x2c3: {  	s29 =	sld [smem:$0x7BD];
	v13 =	vld [tilespmem:s23+$0x9010];
	s25 =	sand.u32 $0x380, s4  }
0x2c4: {  	s4 =	sshll.u32 s26, $0x7;
	v14 =	vld [tilespmem:s25+$0xD000]  }
0x2c5: {  	s5 =	sld [smem:$0x7BE];
	v15 =	vld [tilespmem:s25+$0xD010];
	s28 =	sand.u32 $0x380, s4  }
0x2c6: {  	s4 =	sshll.u32 s29, $0x7;
	v16 =	vld [tilespmem:s28+$0x9400]  }
0x2c7: {  	s7 =	sld [smem:$0x7BF];
	v17 =	vld [tilespmem:s28+$0x9410];
	s30 =	sand.u32 $0x380, s4  }
0x2c8: {  	s4 =	sshll.u32 s5, $0x7;
	v18 =	vld [tilespmem:s30+$0xD400]  }
0x2c9: {  	s9 =	sld [smem:$0x7C0];
	v19 =	vld [tilespmem:s30+$0xD410];
	s6 =	sand.u32 $0x380, s4  }
0x2ca: {  	s4 =	sshll.u32 s7, $0x7;
	v20 =	vld [tilespmem:s6+$0x9800]  }
0x2cb: {  	s13 =	sld [smem:$0x7C1];
	v21 =	vld [tilespmem:s6+$0x9810];
	s8 =	sand.u32 $0x380, s4  }
0x2cc: {  	s4 =	sshll.u32 s9, $0x7;
	v22 =	vld [tilespmem:s8+$0xD800]  }
0x2cd: {  	s15 =	sld [smem:$0x7C2];
	v23 =	vld [tilespmem:s8+$0xD810];
	s10 =	sand.u32 $0x380, s4  }
0x2ce: {  	s4 =	sshll.u32 s13, $0x7;
	v24 =	vld [tilespmem:s10+$0x9C00]  }
0x2cf: {  	s18 =	sld [smem:$0x7C3];
	v25 =	vld [tilespmem:s10+$0x9C10];
	s14 =	sand.u32 $0x380, s4  }
0x2d0: {  	s4 =	sshll.u32 s15, $0x7;
	v26 =	vld [tilespmem:s14+$0xDC00]  }
0x2d1: {  	s20 =	sld [smem:$0x7C4];
	v27 =	vld [tilespmem:s14+$0xDC10];
	s17 =	sand.u32 $0x380, s4  }
0x2d2: {  	s4 =	sshll.u32 s18, $0x7;
	v28 =	vld [tilespmem:s17+$0xA000]  }
0x2d3: {  	s22 =	sld [smem:$0x7C5];
	v29 =	vld [tilespmem:s17+$0xA010];
	s19 =	sand.u32 $0x380, s4  }
0x2d4: {  	s4 =	sshll.u32 s20, $0x7;
	v30 =	vld [tilespmem:s19+$0xE000]  }
0x2d5: {  	s24 =	sld [smem:$0x7C6];
	v31 =	vld [tilespmem:s19+$0xE010];
	s21 =	sand.u32 $0x380, s4  }
0x2d6: {  	s4 =	sshll.u32 s22, $0x7;
	v32 =	vld [tilespmem:s21+$0xA400]  }
0x2d7: {  	s26 =	sld [smem:$0x7C7];
	v33 =	vld [tilespmem:s21+$0xA410];
	s23 =	sand.u32 $0x380, s4  }
0x2d8: {  	s4 =	sshll.u32 s24, $0x7;
	v54 =	vld [tilespmem:s23+$0xE400]  }
0x2d9: {  	s29 =	sld [smem:$0x7C8];
	v55 =	vld [tilespmem:s23+$0xE410];
	s25 =	sand.u32 $0x380, s4  }
0x2da: {  	s4 =	sshll.u32 s26, $0x7;
	v56 =	vld [tilespmem:s25+$0xA800]  }
0x2db: {  	s5 =	sld [smem:$0x7C9];
	v57 =	vld [tilespmem:s25+$0xA810];
	s28 =	sand.u32 $0x380, s4  }
0x2dc: {  	s4 =	sshll.u32 s29, $0x7;
	v58 =	vld [tilespmem:s28+$0xE800]  }
0x2dd: {  	s7 =	sld [smem:$0x7CA];
	v59 =	vld [tilespmem:s28+$0xE810];
	s30 =	sand.u32 $0x380, s4  }
0x2de: {  	s4 =	sshll.u32 s5, $0x7;
	v40 =	vld [tilespmem:s30+$0xAC00]  }
0x2df: {  	s9 =	sld [smem:$0x7CB];
	v41 =	vld [tilespmem:s30+$0xAC10];
	s6 =	sand.u32 $0x380, s4  }
0x2e0: {  	s4 =	sshll.u32 s7, $0x7;
	v42 =	vld [tilespmem:s6+$0xEC00]  }
0x2e1: {  	s13 =	sld [smem:$0x7CC];
	v43 =	vld [tilespmem:s6+$0xEC10];
	s8 =	sand.u32 $0x380, s4  }
0x2e2: {  	s4 =	sshll.u32 s9, $0x7;
	v44 =	vld [tilespmem:s8+$0xB000]  }
0x2e3: {  	s15 =	sld [smem:$0x7CD];
	v45 =	vld [tilespmem:s8+$0xB010];
	s10 =	sand.u32 $0x380, s4  }
0x2e4: {  	s4 =	sshll.u32 s13, $0x7;
	v46 =	vld [tilespmem:s10+$0xF000]  }
0x2e5: {  	s18 =	sld [smem:$0x7CE];
	v47 =	vld [tilespmem:s10+$0xF010];
	s14 =	sand.u32 $0x380, s4  }
0x2e6: {  	s4 =	sshll.u32 s15, $0x7;
	v48 =	vld [tilespmem:s14+$0xB400]  }
0x2e7: {  	s20 =	sld [smem:$0x7CF];
	v49 =	vld [tilespmem:s14+$0xB410];
	s17 =	sand.u32 $0x380, s4  }
0x2e8: {  	v0 =	vmul.f32 v2, v0;
	v1 =	vmul.f32 v3, v1;
	s4 =	sshll.u32 s18, $0x7;
	v50 =	vld [tilespmem:s17+$0xF400]  }
0x2e9: {  	v60 =	vmul.f32 v60, v4;
	v61 =	vmul.f32 v61, v5;
	s22 =	sld [smem:$0x7D0];
	v51 =	vld [tilespmem:s17+$0xF410];
	s19 =	sand.u32 $0x380, s4  }
0x2ea: {  	v0 =	vadd.f32 v1, v0;
	v62 =	vmul.f32 v62, v8;
	v63 =	vmul.f32 v63, v9;
	s4 =	sshll.u32 s20, $0x7;
	v4 =	vld [tilespmem:s19+$0xB800]  }
0x2eb: {  	v2 =	vadd.f32 v61, v60;
	s24 =	sld [smem:$0x7D1];
	v5 =	vld [tilespmem:s19+$0xB810];
	s21 =	sand.u32 $0x380, s4  }
0x2ec: {  	(xrf2) =	vadd.scan.msk.f32 $0xffff, v0;
	v12 =	vmul.f32 v14, v12;
	v14 =	vmul.f32 v15, v13;
	v15 =	vadd.f32 v63, v62;
	s4 =	sshll.u32 s22, $0x7;
	v8 =	vld [tilespmem:s21+$0xF800]  }
0x2ed: {  	(xrf2) =	vadd.scan.msk.f32 $0xffff, v2;
	v16 =	vmul.f32 v18, v16;
	v18 =	vmul.f32 v19, v17;
	s26 =	sld [smem:$0x7D2];
	v9 =	vld [tilespmem:s21+$0xF810];
	s23 =	sand.u32 $0x380, s4  }
0x2ee: {  	v19 =	vadd.f32 v14, v12;
	(xrf2) =	vadd.scan.msk.f32 $0xffff, v15;
	v20 =	vmul.f32 v22, v20;
	v22 =	vmul.f32 v23, v21;
	s4 =	sshll.u32 s24, $0x7;
	v10 =	vld [tilespmem:s23+$0xBC00]  }
0x2ef: {  	v23 =	vadd.f32 v18, v16;
	v24 =	vmul.f32 v26, v24;
	v26 =	vmul.f32 v27, v25;
	s29 =	sld [smem:$0x7D3];
	v11 =	vld [tilespmem:s23+$0xBC10];
	s25 =	sand.u32 $0x380, s4  }
0x2f0: {  	(xrf2) =	vadd.scan.msk.f32 $0xffff, v19;
	v27 =	vadd.f32 v22, v20;
	v28 =	vmul.f32 v30, v28;
	v30 =	vmul.f32 v31, v29;
	s4 =	sshll.u32 s26, $0x7;
	v12 =	vld [tilespmem:s25+$0xFC00]  }
0x2f1: {  	(xrf2) =	vadd.scan.msk.f32 $0xffff, v23;
	v31 =	vadd.f32 v26, v24;
	v52 =	vmul.f32 v54, v32;
	v53 =	vmul.f32 v55, v33;
	v13 =	vld [tilespmem:s25+$0xFC10];
	s28 =	sand.u32 $0x380, s4  }
0x2f2: {  	(xrf2) =	vadd.scan.msk.f32 $0xffff, v27;
	v54 =	vadd.f32 v30, v28;
	v55 =	vmul.f32 v58, v56;
	v56 =	vmul.f32 v59, v57;
	s4 =	sshll.u32 s29, $0x7;
	v57 =	vld [tilespmem:s28+$0xC000]  }
0x2f3: {  	(xrf2) =	vadd.scan.msk.f32 $0xffff, v31;
	v59 =	vadd.f32 v53, v52;
	v60 =	vmul.f32 v42, v40;
	v61 =	vmul.f32 v43, v41;
	v58 =	vld [tilespmem:s28+$0xC010];
	s30 =	sand.u32 $0x380, s4  }
0x2f4: {  	(xrf2) =	vadd.scan.msk.f32 $0xffff, v54;
	v62 =	vadd.f32 v56, v55;
	v63 =	vmul.f32 v46, v44;
	v20 =	vmul.f32 v47, v45;
	v21 =	vld [tilespmem:s30+$0x10000]  }
0x2f5: {  	(xrf2) =	vadd.scan.msk.f32 $0xffff, v59;
	v23 =	vadd.f32 v61, v60;
	v24 =	vmul.f32 v50, v48;
	v25 =	vmul.f32 v51, v49;
	v22 =	vld [tilespmem:s30+$0x10010]  }
0x2f6: {  	v29, _, _ =	vpop (xrf2);
	(xrf2) =	vadd.scan.msk.f32 $0xffff, v62;
	v26 =	vadd.f32 v20, v63;
	v27 =	vmul.f32 v8, v4;
	v28 =	vmul.f32 v9, v5  }
0x2f7: {  	v33, _, _ =	vpop (xrf2);
	(xrf2) =	vadd.scan.msk.f32 $0xffff, v23;
	v30 =	vadd.f32 v25, v24;
	v31 =	vmul.f32 v12, v10;
	v32 =	vmul.f32 v13, v11  }
0x2f8: {  	v34 =	vbroadcast v29, $0xF;
	v35, _, _ =	vpop (xrf2);
	(xrf2) =	vadd.scan.msk.f32 $0xffff, v26;
	v3 =	vadd.f32 v28, v27  }
0x2f9: {  	v37 =	vbroadcast v33, $0xF;
	v4 =	vbroadcast v35, $0xF;
	(xrf2) =	vadd.scan.msk.f32 $0xffff, v30;
	v36 =	vadd.f32 v32, v31  }
0x2fa: {  	v39, _, _ =	vpop (xrf2);
	v38 =	vmul.f32 v21, v57;
	(xrf2) =	vadd.scan.msk.f32 $0xffff, v3;
	v40 =	vmul.f32 v22, v58  }
0x2fb: {  	v1 =	vsel vm0, v34, v37;
	v41 =	vbroadcast v39, $0xF;
	v42, _, _ =	vpop (xrf2);
	(xrf2) =	vadd.scan.msk.f32 $0xffff, v36  }
0x2fc: {  	v44 =	vbroadcast v42, $0xF;
	v43, _, _ =	vpop (xrf2);
	v1 =	vsel vm1, v1, v4;
	v3 =	vadd.f32 v40, v38  }
0x2fd: {  	v0 =	vbroadcast v43, $0xF;
	v45, _, _ =	vpop (xrf2);
	v1 =	vsel vm2, v1, v41  }
0x2fe: {  	v46 =	vbroadcast v45, $0xF;
	v47, _, _ =	vpop (xrf2);
	v1 =	vsel vm3, v1, v44;
	(xrf2) =	vadd.scan.msk.f32 $0xffff, v3  }
0x2ff: {  	v49 =	vbroadcast v47, $0xF;
	v48, _, _ =	vpop (xrf2);
	v0 =	vsel vm4, v1, v0  }
0x300: {  	v51 =	vbroadcast v48, $0xF;
	v50, _, _ =	vpop (xrf2);
	v0 =	vsel vm5, v0, v46  }
0x301: {  	v0 =	vsel vm6, v0, v49;
	v53 =	vbroadcast v50, $0xF;
	v52, _, _ =	vpop (xrf2)  }
0x302: {  	v0 =	vsel vm7, v0, v51;
	v55 =	vbroadcast v52, $0xF;
	v54, _, _ =	vpop (xrf2)  }
0x303: {  	v0 =	vsel vm8, v0, v53;
	v57 =	vbroadcast v54, $0xF;
	v56, _, _ =	vpop (xrf2)  }
0x304: {  	v0 =	vsel vm9, v0, v55;
	v59 =	vbroadcast v56, $0xF;
	v58, _, _ =	vpop (xrf2)  }
0x305: {  	p0 =	sne.s32 s31, $0x780;
	v0 =	vsel vm10, v0, v57;
	v61 =	vbroadcast v58, $0xF;
	v60, _, _ =	vpop (xrf2)  }
.Ltmp0:
0x306: {  	v0 =	vsel vm11, v0, v59;
	v62 =	vbroadcast v60, $0xF;
	(pc) =	sbr.rel @p0 .LBB2_2-.Ltmp0, $4  }
0x307: {  	v0 =	vsel vm12, v0, v61  }
0x308: {  	v63, _, _ =	vpop (xrf2);
	v0 =	vsel vm13, v0, v62  }
0x309: {  	v0 =	vsel vm14, v0, v63  }
0x30a: {  	s31 =	sadd.s32 $0x80, s31;
	[tilespmem:s16+$0x10410] =	vst v0  }
0x30b: {  	s0 =	sld [smem:$0x7F8];
	_ =	sdelay $0x1  }
0x30c: {  	s4 =	simm.s32 $0x10400  }
0x30d: {  	[hbm4b:s0+s1] =	stream.linear.scatter [tilespmem:s4], [sflag:$0x3], $0x200, $0x38;
	[tilespmem:$0x10600] =	vst v63  }
0x30e: {  	s4 =	simm.s32 $0x3  }
0x30f: {  	_ =	swait.ge [sflag:s4], $0x200  }
0x310: {  	s5 =	sld [smem:$0x7D4]  }
0x311: {  	s31 =	sld [smem:$0x7FA];
	_ =	sdelay $0x1  }
0x312: {  	s5 =	sadd.s32 $0x1, s5  }
0x313: {  	p0 =	sne.s32 s5, s31  }
.Ltmp1:
0x314: {  	_ = 	snop;
	(pc) =	sbr.rel @p0 .LBB2_1-.Ltmp1, $3  }
0x315: {  	_ =	sdelay $0x1  }
0x316: {  	[sflag:s4] =	ssyncset.done $0x0  }
0x317: {  	[sflag:s4] =	ssyncadd.s32 $0xFFFFFE00  }
0x318: {  	_ =	sfence.sel $0x180000  }
0x319: {  	[bflag:$0x0] =	sbarrier.arrive $0xFFFF  }
0x31a: {  	_ =	strace $0x90000047  }
0x31b: {  	s0 =	stileid.u32;
	[bflag:$0x2] =	sbarrier.arrive $0xFFFF  }
0x31c: {  	p0 =	sne.s32 s0, $0x0;
	s0 =	rddreg [dreg:$0x4]  }
0x31d: {  	s0 =	sadd.s32 @!p0 $0x100000, s0  }
0x31e: {  	[sflag:s0] =	ssyncadd.tile.s32 @!p0 $0x1;
	_ =	shalt  }
.Lfunc_end2:
_tile_overlayer_lowered:
.L_overlay_start_2:
0x31f: {  	(tag) =	ssettag $0x2  }
0x320: {  	s0 =	rddreg [dreg:$0x0];
	s2 =	stileid.u32  }
0x321: {  	s1 =	rddreg [dreg:$0x1];
	p0 =	sne.s32 s2, $0x0  }
0x322: {  	s3 =	rddreg [dreg:$0x2];
	[bflag:$0x3] =	sbarrier.arrive $0xFFFF;
	s2 =	simm.s32 @!p0 $0x1C03  }
0x323: {  	[timem:s3], [sflag:s2] =	dma.local @!p0 [hbm:s0], s1  }
0x324: {  	s0 =	simm.s32 @!p0 $0x3  }
0x325: {  	_ =	swait.ge @!p0 [sflag:s0], s1  }
0x326: {  	s1 =	ssub.s32 @!p0 $0x0, s1;
	[sflag:s0] =	ssyncset.done @!p0 $0x0  }
0x327: {  	[sflag:s0] =	ssyncadd.s32 @!p0 s1  }
0x328: {  	[bflag:$0x3] =	sbarrier.arrive $0xFFFF  }
0x329: {  	_ =	shalt  }

</sc_bundles>
